<compile_context>
chip_gen: v7x
topology: tpu7x:2x2x1
jax: 0.10.2.dev20260603
libtpu: 0.0.44.dev20260713+nightly
codegen_flags: <defaults>
</compile_context>

<pallas_src>
import jax
import jax.numpy as jnp
from jax import lax
from jax.experimental import pallas as pl
from jax.experimental.pallas import tpu as pltpu
from jax.experimental.pallas import tpu_sc as plsc

E = 320000
D = 128
NC = 2
NS = 16
NW = NC * NS
EPW = E // NW
C = 80
NCHUNK = EPW // C
L = 16


def _body(src_tab_hbm, tgt_tab_hbm, src_hbm, dst_hbm, out_hbm,
          idx_s_v, idx_t_v, rs0, rt0, rs1, rt1, out_v, acc_buf,
          sem0, sem1):
    cid = lax.axis_index("c")
    sid = lax.axis_index("s")
    wid = sid * NC + cid

    pltpu.sync_copy(src_hbm.at[wid], idx_s_v)
    pltpu.sync_copy(dst_hbm.at[wid], idx_t_v)

    def issue(j, rs, rt, sem):
        pltpu.async_copy(src_tab_hbm.at[idx_s_v.at[j]], rs, sem)
        pltpu.async_copy(tgt_tab_hbm.at[idx_t_v.at[j]], rt, sem)

    def drain(j, rs, rt, sem):
        pltpu.make_async_copy(src_tab_hbm.at[idx_s_v.at[j]], rs, sem).wait()
        pltpu.make_async_copy(tgt_tab_hbm.at[idx_t_v.at[j]], rt, sem).wait()

    mask_last = lax.iota(jnp.int32, L) == (L - 1)

    def compute(j, rs, rt):
        def group_body(g, gcarry):
            base = g * L
            for e0 in range(L):
                e = base + e0
                acc = None
                for k in range(D // L):
                    vs = rs[e, pl.ds(k * L, L)]
                    vt = rt[e, pl.ds(k * L, L)]
                    part = vs * vt
                    acc = part if acc is None else acc + part
                plsc.store_compressed(acc_buf.at[pl.ds(e0, L)],
                                      plsc.cumsum(acc), mask=mask_last)
            tot = acc_buf[pl.ds(0, L)]
            tot = 1.0 / (1.0 + jnp.exp(-tot))
            out_v[pl.ds(j * C + base, L)] = tot
            return gcarry

        lax.fori_loop(0, C // L, group_body, 0)

    issue(0, rs0, rt0, sem0)

    def pair_body(t, carry):
        j0 = 2 * t
        issue(j0 + 1, rs1, rt1, sem1)
        drain(j0, rs0, rt0, sem0)
        compute(j0, rs0, rt0)
        issue(j0 + 2, rs0, rt0, sem0)
        drain(j0 + 1, rs1, rt1, sem1)
        compute(j0 + 1, rs1, rt1)
        return carry

    lax.fori_loop(0, (NCHUNK - 1) // 2, pair_body, 0)

    drain(NCHUNK - 1, rs0, rt0, sem0)
    compute(NCHUNK - 1, rs0, rt0)

    pltpu.sync_copy(out_v, out_hbm.at[pl.ds(wid * EPW, EPW)])


@jax.jit
def _decode(src_tab, tgt_tab, src, dst):
    mesh = plsc.VectorSubcoreMesh(core_axis_name="c", subcore_axis_name="s")
    return pl.kernel(
        _body,
        out_type=jax.ShapeDtypeStruct((E,), jnp.float32),
        mesh=mesh,
        compiler_params=pltpu.CompilerParams(needs_layout_passes=False),
        scratch_types=[
            pltpu.VMEM((NCHUNK, C), jnp.int32),
            pltpu.VMEM((NCHUNK, C), jnp.int32),
            pltpu.VMEM((C, D), jnp.float32),
            pltpu.VMEM((C, D), jnp.float32),
            pltpu.VMEM((C, D), jnp.float32),
            pltpu.VMEM((C, D), jnp.float32),
            pltpu.VMEM((EPW,), jnp.float32),
            pltpu.VMEM((2 * L,), jnp.float32),
            pltpu.SemaphoreType.DMA,
            pltpu.SemaphoreType.DMA,
        ],
    )(src_tab, tgt_tab, src, dst)


def kernel(x_source, x_target, edge_index):
    ei = edge_index.astype(jnp.int32)
    src = ei[0].reshape(NW, NCHUNK, C)
    dst = ei[1].reshape(NW, NCHUNK, C)
    return _decode(x_source, x_target, src, dst)

# --- scband reference (transcript-rebuilt; emitter-appended) ---
"""Pipeline reference for scband-inner-product-decoder-88244398063999 (READ-ONLY COPY).

The authoritative reference and input builder live on the scoring server;
editing this copy changes nothing except your own understanding.
"""

import jax, jax.numpy as jnp
import numpy as np


def setup_inputs(seed: int = 0) -> dict:
    key = jax.random.key(seed)
    k1, k2, k3 = jax.random.split(key, 3)
    x_source = jax.random.normal(k1, (10000, 128), dtype=jnp.float32)
    x_target = jax.random.normal(k2, (10000, 128), dtype=jnp.float32)
    edge_index = jax.random.randint(k3, (2, 320000), 0, 10000, dtype=jnp.int64)
    return {"x_source": x_source, "x_target": x_target, "edge_index": edge_index}


def reference(x_source, x_target, edge_index):
    nodes_src = jnp.take(x_source, edge_index[0], axis=0)
    nodes_trg = jnp.take(x_target, edge_index[1], axis=0)
    pred = jnp.sum(nodes_src * nodes_trg, axis=-1)
    pred = jax.nn.sigmoid(pred)
    return pred

if __name__ == "__main__":
    import jax
    _d = setup_inputs()
    print(jax.jit(kernel)(*tuple(_d.values())))

</pallas_src>

<mosaic_0001>
#map = affine_map<(d0, d1) -> (0, 0)>
#map1 = affine_map<(d0, d1) -> (0, 0, 0)>
#map2 = affine_map<(d0, d1) -> (0)>
module attributes {stable_mosaic.version = 14 : i64} {
  func.func @_body(%arg0: i32, %arg1: i32, %arg2: memref<10000x128xf32, #tpu.memory_space<hbm>>, %arg3: memref<10000x128xf32, #tpu.memory_space<hbm>>, %arg4: memref<32x125x80xi32, #tpu.memory_space<hbm>>, %arg5: memref<32x125x80xi32, #tpu.memory_space<hbm>>, %arg6: memref<320000xf32, #tpu.memory_space<hbm>>, %arg7: memref<125x80xi32, #tpu.memory_space<vmem>>, %arg8: memref<125x80xi32, #tpu.memory_space<vmem>>, %arg9: memref<80x128xf32, #tpu.memory_space<vmem>>, %arg10: memref<80x128xf32, #tpu.memory_space<vmem>>, %arg11: memref<80x128xf32, #tpu.memory_space<vmem>>, %arg12: memref<80x128xf32, #tpu.memory_space<vmem>>, %arg13: memref<10000xf32, #tpu.memory_space<vmem>>, %arg14: memref<32xf32, #tpu.memory_space<vmem>>, %arg15: memref<!tpu.dma_semaphore, #tpu.memory_space<semaphore_mem>>, %arg16: memref<!tpu.dma_semaphore, #tpu.memory_space<semaphore_mem>>) attributes {dimension_semantics = [#tpu.dimension_semantics<core_parallel>, #tpu.dimension_semantics<subcore_parallel>], iteration_bounds = array<i64: 2, 16>, scalar_prefetch = 0 : i64, scratch_operands = 10 : i64, tpu.core_type = #tpu.core_type<sc_vector_subcore>, window_params = [{transform_indices = #map}, {transform_indices = #map}, {transform_indices = #map1}, {transform_indices = #map1}, {transform_indices = #map2}]} {
    %mul3A = arith.constant 2 : i32
    %mul3A_0 = arith.muli %arg1, %mul3A : i32
    %add3A = arith.addi %mul3A_0, %arg0 : i32
    "tpu.region"() ({
      %run_scoped3A = tpu.sem_alloc : memref<!tpu.dma_semaphore, #tpu.memory_space<semaphore_mem>>
      %dma_start3A_42 = arith.constant 0 : i32
      %dma_start3A_43 = arith.constant 0 : i32
      %dma_start3A_44 = tpu.memref_slice %arg4[%add3A, %dma_start3A_42, %dma_start3A_43] : memref<32x125x80xi32, #tpu.memory_space<hbm>> -> memref<1x125x80xi32, #tpu.memory_space<hbm>>
      %dma_start3A_45 = tpu.memref_squeeze %dma_start3A_44 : memref<1x125x80xi32, #tpu.memory_space<hbm>> -> memref<125x80xi32, #tpu.memory_space<hbm>>
      %dma_start3A_46 = arith.constant 0 : i32
      %dma_start3A_47 = arith.constant 0 : i32
      %dma_start3A_48 = tpu.memref_slice %arg4[%add3A, %dma_start3A_46, %dma_start3A_47] : memref<32x125x80xi32, #tpu.memory_space<hbm>> -> memref<1x125x80xi32, #tpu.memory_space<hbm>>
      %dma_start3A_49 = tpu.memref_squeeze %dma_start3A_48 : memref<1x125x80xi32, #tpu.memory_space<hbm>> -> memref<125x80xi32, #tpu.memory_space<hbm>>
      tpu.enqueue_dma source(%dma_start3A_49 : memref<125x80xi32, #tpu.memory_space<hbm>>) target(%arg7 : memref<125x80xi32, #tpu.memory_space<vmem>>) target_semaphore(%run_scoped3A : memref<!tpu.dma_semaphore, #tpu.memory_space<semaphore_mem>>)
      %dma_wait3A_50 = arith.constant 0 : i32
      %dma_wait3A_51 = arith.constant 0 : i32
      %dma_wait3A_52 = tpu.memref_slice %arg4[%add3A, %dma_wait3A_50, %dma_wait3A_51] : memref<32x125x80xi32, #tpu.memory_space<hbm>> -> memref<1x125x80xi32, #tpu.memory_space<hbm>>
      %dma_wait3A_53 = tpu.memref_squeeze %dma_wait3A_52 : memref<1x125x80xi32, #tpu.memory_space<hbm>> -> memref<125x80xi32, #tpu.memory_space<hbm>>
      %dma_wait3A_54 = arith.constant 0 : i32
      %dma_wait3A_55 = arith.constant 0 : i32
      %dma_wait3A_56 = tpu.memref_slice %arg4[%add3A, %dma_wait3A_54, %dma_wait3A_55] : memref<32x125x80xi32, #tpu.memory_space<hbm>> -> memref<1x125x80xi32, #tpu.memory_space<hbm>>
      %dma_wait3A_57 = tpu.memref_squeeze %dma_wait3A_56 : memref<1x125x80xi32, #tpu.memory_space<hbm>> -> memref<125x80xi32, #tpu.memory_space<hbm>>
      tpu.wait_dma2 semaphore(%run_scoped3A : memref<!tpu.dma_semaphore, #tpu.memory_space<semaphore_mem>>) src(%dma_wait3A_57 : memref<125x80xi32, #tpu.memory_space<hbm>>) dst(%arg7 : memref<125x80xi32, #tpu.memory_space<vmem>>)
      tpu.yield
    }) : () -> ()
    "tpu.region"() ({
      %run_scoped3A = tpu.sem_alloc : memref<!tpu.dma_semaphore, #tpu.memory_space<semaphore_mem>>
      %dma_start3A_42 = arith.constant 0 : i32
      %dma_start3A_43 = arith.constant 0 : i32
      %dma_start3A_44 = tpu.memref_slice %arg5[%add3A, %dma_start3A_42, %dma_start3A_43] : memref<32x125x80xi32, #tpu.memory_space<hbm>> -> memref<1x125x80xi32, #tpu.memory_space<hbm>>
      %dma_start3A_45 = tpu.memref_squeeze %dma_start3A_44 : memref<1x125x80xi32, #tpu.memory_space<hbm>> -> memref<125x80xi32, #tpu.memory_space<hbm>>
      %dma_start3A_46 = arith.constant 0 : i32
      %dma_start3A_47 = arith.constant 0 : i32
      %dma_start3A_48 = tpu.memref_slice %arg5[%add3A, %dma_start3A_46, %dma_start3A_47] : memref<32x125x80xi32, #tpu.memory_space<hbm>> -> memref<1x125x80xi32, #tpu.memory_space<hbm>>
      %dma_start3A_49 = tpu.memref_squeeze %dma_start3A_48 : memref<1x125x80xi32, #tpu.memory_space<hbm>> -> memref<125x80xi32, #tpu.memory_space<hbm>>
      tpu.enqueue_dma source(%dma_start3A_49 : memref<125x80xi32, #tpu.memory_space<hbm>>) target(%arg8 : memref<125x80xi32, #tpu.memory_space<vmem>>) target_semaphore(%run_scoped3A : memref<!tpu.dma_semaphore, #tpu.memory_space<semaphore_mem>>)
      %dma_wait3A_50 = arith.constant 0 : i32
      %dma_wait3A_51 = arith.constant 0 : i32
      %dma_wait3A_52 = tpu.memref_slice %arg5[%add3A, %dma_wait3A_50, %dma_wait3A_51] : memref<32x125x80xi32, #tpu.memory_space<hbm>> -> memref<1x125x80xi32, #tpu.memory_space<hbm>>
      %dma_wait3A_53 = tpu.memref_squeeze %dma_wait3A_52 : memref<1x125x80xi32, #tpu.memory_space<hbm>> -> memref<125x80xi32, #tpu.memory_space<hbm>>
      %dma_wait3A_54 = arith.constant 0 : i32
      %dma_wait3A_55 = arith.constant 0 : i32
      %dma_wait3A_56 = tpu.memref_slice %arg5[%add3A, %dma_wait3A_54, %dma_wait3A_55] : memref<32x125x80xi32, #tpu.memory_space<hbm>> -> memref<1x125x80xi32, #tpu.memory_space<hbm>>
      %dma_wait3A_57 = tpu.memref_squeeze %dma_wait3A_56 : memref<1x125x80xi32, #tpu.memory_space<hbm>> -> memref<125x80xi32, #tpu.memory_space<hbm>>
      tpu.wait_dma2 semaphore(%run_scoped3A : memref<!tpu.dma_semaphore, #tpu.memory_space<semaphore_mem>>) src(%dma_wait3A_57 : memref<125x80xi32, #tpu.memory_space<hbm>>) dst(%arg8 : memref<125x80xi32, #tpu.memory_space<vmem>>)
      tpu.yield
    }) : () -> ()
    %iota3A = tpu.iota {dimensions = array<i32: 0>} : vector<16xi32>
    %eq3A = arith.constant 15 : i32
    %eq3A_1 = vector.broadcast %eq3A : i32 to vector<16xi32>
    %eq3A_2 = arith.cmpi eq, %iota3A, %eq3A_1 : vector<16xi32>
    %dma_start3A = arith.constant 0 : i32
    %dma_start3A_3 = arith.constant 0 : i32
    %dma_start3A_4 = tpu.memref_slice %arg7[%dma_start3A, %dma_start3A_3] : memref<125x80xi32, #tpu.memory_space<vmem>> -> memref<1x80xi32, #tpu.memory_space<vmem>>
    %dma_start3A_5 = tpu.memref_squeeze %dma_start3A_4 : memref<1x80xi32, #tpu.memory_space<vmem>> -> memref<80xi32, #tpu.memory_space<vmem>>
    %dma_start3A_6 = arith.constant 0 : i32
    %dma_start3A_7 = arith.constant 0 : i32
    %dma_start3A_8 = tpu.memref_slice %arg2[%dma_start3A_6, %dma_start3A_7] : memref<10000x128xf32, #tpu.memory_space<hbm>> -> memref<10000x128xf32, #tpu.memory_space<hbm>>
    tpu.enqueue_indirect_dma source(%dma_start3A_8 : memref<10000x128xf32, #tpu.memory_space<hbm>>) target(%arg9 : memref<80x128xf32, #tpu.memory_space<vmem>>) offsets(%dma_start3A_5 : memref<80xi32, #tpu.memory_space<vmem>>) semaphore(%arg15 : memref<!tpu.dma_semaphore, #tpu.memory_space<semaphore_mem>>)
    %dma_start3A_9 = arith.constant 0 : i32
    %dma_start3A_10 = arith.constant 0 : i32
    %dma_start3A_11 = tpu.memref_slice %arg8[%dma_start3A_9, %dma_start3A_10] : memref<125x80xi32, #tpu.memory_space<vmem>> -> memref<1x80xi32, #tpu.memory_space<vmem>>
    %dma_start3A_12 = tpu.memref_squeeze %dma_start3A_11 : memref<1x80xi32, #tpu.memory_space<vmem>> -> memref<80xi32, #tpu.memory_space<vmem>>
    %dma_start3A_13 = arith.constant 0 : i32
    %dma_start3A_14 = arith.constant 0 : i32
    %dma_start3A_15 = tpu.memref_slice %arg3[%dma_start3A_13, %dma_start3A_14] : memref<10000x128xf32, #tpu.memory_space<hbm>> -> memref<10000x128xf32, #tpu.memory_space<hbm>>
    tpu.enqueue_indirect_dma source(%dma_start3A_15 : memref<10000x128xf32, #tpu.memory_space<hbm>>) target(%arg10 : memref<80x128xf32, #tpu.memory_space<vmem>>) offsets(%dma_start3A_12 : memref<80xi32, #tpu.memory_space<vmem>>) semaphore(%arg15 : memref<!tpu.dma_semaphore, #tpu.memory_space<semaphore_mem>>)
    %scan3A = arith.constant 0 : i32
    %scan3A_16 = arith.constant 0 : i32
    %scan3A_17 = arith.constant 62 : i32
    %scan3A_18 = arith.addi %scan3A_16, %scan3A_17 : i32
    %scan3A_19 = arith.constant 1 : i32
    scf.for %scan3A_42 = %scan3A_16 to %scan3A_18 step %scan3A_19  : i32 {
      %mul3A_43 = arith.constant 2 : i32
      %mul3A_44 = arith.muli %mul3A_43, %scan3A_42 : i32
      %add3A_45 = arith.constant 1 : i32
      %add3A_46 = arith.addi %mul3A_44, %add3A_45 : i32
      %dma_start3A_47 = arith.constant 0 : i32
      %dma_start3A_48 = tpu.memref_slice %arg7[%add3A_46, %dma_start3A_47] : memref<125x80xi32, #tpu.memory_space<vmem>> -> memref<1x80xi32, #tpu.memory_space<vmem>>
      %dma_start3A_49 = tpu.memref_squeeze %dma_start3A_48 : memref<1x80xi32, #tpu.memory_space<vmem>> -> memref<80xi32, #tpu.memory_space<vmem>>
      %dma_start3A_50 = arith.constant 0 : i32
      %dma_start3A_51 = arith.constant 0 : i32
      %dma_start3A_52 = tpu.memref_slice %arg2[%dma_start3A_50, %dma_start3A_51] : memref<10000x128xf32, #tpu.memory_space<hbm>> -> memref<10000x128xf32, #tpu.memory_space<hbm>>
      tpu.enqueue_indirect_dma source(%dma_start3A_52 : memref<10000x128xf32, #tpu.memory_space<hbm>>) target(%arg11 : memref<80x128xf32, #tpu.memory_space<vmem>>) offsets(%dma_start3A_49 : memref<80xi32, #tpu.memory_space<vmem>>) semaphore(%arg16 : memref<!tpu.dma_semaphore, #tpu.memory_space<semaphore_mem>>)
      %dma_start3A_53 = arith.constant 0 : i32
      %dma_start3A_54 = tpu.memref_slice %arg8[%add3A_46, %dma_start3A_53] : memref<125x80xi32, #tpu.memory_space<vmem>> -> memref<1x80xi32, #tpu.memory_space<vmem>>
      %dma_start3A_55 = tpu.memref_squeeze %dma_start3A_54 : memref<1x80xi32, #tpu.memory_space<vmem>> -> memref<80xi32, #tpu.memory_space<vmem>>
      %dma_start3A_56 = arith.constant 0 : i32
      %dma_start3A_57 = arith.constant 0 : i32
      %dma_start3A_58 = tpu.memref_slice %arg3[%dma_start3A_56, %dma_start3A_57] : memref<10000x128xf32, #tpu.memory_space<hbm>> -> memref<10000x128xf32, #tpu.memory_space<hbm>>
      tpu.enqueue_indirect_dma source(%dma_start3A_58 : memref<10000x128xf32, #tpu.memory_space<hbm>>) target(%arg12 : memref<80x128xf32, #tpu.memory_space<vmem>>) offsets(%dma_start3A_55 : memref<80xi32, #tpu.memory_space<vmem>>) semaphore(%arg16 : memref<!tpu.dma_semaphore, #tpu.memory_space<semaphore_mem>>)
      %dma_wait3A_59 = arith.constant 0 : i32
      %dma_wait3A_60 = tpu.memref_slice %arg7[%mul3A_44, %dma_wait3A_59] : memref<125x80xi32, #tpu.memory_space<vmem>> -> memref<1x80xi32, #tpu.memory_space<vmem>>
      %dma_wait3A_61 = tpu.memref_squeeze %dma_wait3A_60 : memref<1x80xi32, #tpu.memory_space<vmem>> -> memref<80xi32, #tpu.memory_space<vmem>>
      %dma_wait3A_62 = arith.constant 0 : i32
      %dma_wait3A_63 = arith.constant 0 : i32
      %dma_wait3A_64 = tpu.memref_slice %arg2[%dma_wait3A_62, %dma_wait3A_63] : memref<10000x128xf32, #tpu.memory_space<hbm>> -> memref<10000x128xf32, #tpu.memory_space<hbm>>
      tpu.wait_indirect_dma semaphore(%arg15 : memref<!tpu.dma_semaphore, #tpu.memory_space<semaphore_mem>>) src(%dma_wait3A_64 : memref<10000x128xf32, #tpu.memory_space<hbm>>) dst(%arg9 : memref<80x128xf32, #tpu.memory_space<vmem>>)
      %dma_wait3A_65 = arith.constant 0 : i32
      %dma_wait3A_66 = tpu.memref_slice %arg8[%mul3A_44, %dma_wait3A_65] : memref<125x80xi32, #tpu.memory_space<vmem>> -> memref<1x80xi32, #tpu.memory_space<vmem>>
      %dma_wait3A_67 = tpu.memref_squeeze %dma_wait3A_66 : memref<1x80xi32, #tpu.memory_space<vmem>> -> memref<80xi32, #tpu.memory_space<vmem>>
      %dma_wait3A_68 = arith.constant 0 : i32
      %dma_wait3A_69 = arith.constant 0 : i32
      %dma_wait3A_70 = tpu.memref_slice %arg3[%dma_wait3A_68, %dma_wait3A_69] : memref<10000x128xf32, #tpu.memory_space<hbm>> -> memref<10000x128xf32, #tpu.memory_space<hbm>>
      tpu.wait_indirect_dma semaphore(%arg15 : memref<!tpu.dma_semaphore, #tpu.memory_space<semaphore_mem>>) src(%dma_wait3A_70 : memref<10000x128xf32, #tpu.memory_space<hbm>>) dst(%arg10 : memref<80x128xf32, #tpu.memory_space<vmem>>)
      %scan3A_71 = arith.constant 0 : i32
      %scan3A_72 = arith.constant 0 : i32
      %scan3A_73 = arith.constant 5 : i32
      %scan3A_74 = arith.addi %scan3A_72, %scan3A_73 : i32
      %scan3A_75 = arith.constant 1 : i32
      scf.for %scan3A_113 = %scan3A_72 to %scan3A_74 step %scan3A_75  : i32 {
        %mul3A_114 = arith.constant 16 : i32
        %mul3A_115 = arith.muli %scan3A_113, %mul3A_114 : i32
        %add3A_116 = arith.constant 0 : i32
        %add3A_117 = arith.addi %mul3A_115, %add3A_116 : i32
        %get3A = arith.index_cast %add3A_117 : i32 to index
        %get3A_118 = arith.constant 0 : index
        %get3A_119 = tpu.vector_load %arg9[%get3A, %get3A_118] {strides = array<i32>} : memref<80x128xf32, #tpu.memory_space<vmem>>, vector<16xf32>,
        %get3A_120 = arith.index_cast %add3A_117 : i32 to index
        %get3A_121 = arith.constant 0 : index
        %get3A_122 = tpu.vector_load %arg10[%get3A_120, %get3A_121] {strides = array<i32>} : memref<80x128xf32, #tpu.memory_space<vmem>>, vector<16xf32>,
        %mul3A_123 = arith.mulf %get3A_119, %get3A_122 : vector<16xf32>
        %get3A_124 = arith.index_cast %add3A_117 : i32 to index
        %get3A_125 = arith.constant 16 : index
        %get3A_126 = tpu.vector_load %arg9[%get3A_124, %get3A_125] {strides = array<i32>} : memref<80x128xf32, #tpu.memory_space<vmem>>, vector<16xf32>,
        %get3A_127 = arith.index_cast %add3A_117 : i32 to index
        %get3A_128 = arith.constant 16 : index
        %get3A_129 = tpu.vector_load %arg10[%get3A_127, %get3A_128] {strides = array<i32>} : memref<80x128xf32, #tpu.memory_space<vmem>>, vector<16xf32>,
        %mul3A_130 = arith.mulf %get3A_126, %get3A_129 : vector<16xf32>
        %add3A_131 = arith.addf %mul3A_123, %mul3A_130 : vector<16xf32>
        %get3A_132 = arith.index_cast %add3A_117 : i32 to index
        %get3A_133 = arith.constant 32 : index
        %get3A_134 = tpu.vector_load %arg9[%get3A_132, %get3A_133] {strides = array<i32>} : memref<80x128xf32, #tpu.memory_space<vmem>>, vector<16xf32>,
        %get3A_135 = arith.index_cast %add3A_117 : i32 to index
        %get3A_136 = arith.constant 32 : index
        %get3A_137 = tpu.vector_load %arg10[%get3A_135, %get3A_136] {strides = array<i32>} : memref<80x128xf32, #tpu.memory_space<vmem>>, vector<16xf32>,
        %mul3A_138 = arith.mulf %get3A_134, %get3A_137 : vector<16xf32>
        %add3A_139 = arith.addf %add3A_131, %mul3A_138 : vector<16xf32>
        %get3A_140 = arith.index_cast %add3A_117 : i32 to index
        %get3A_141 = arith.constant 48 : index
        %get3A_142 = tpu.vector_load %arg9[%get3A_140, %get3A_141] {strides = array<i32>} : memref<80x128xf32, #tpu.memory_space<vmem>>, vector<16xf32>,
        %get3A_143 = arith.index_cast %add3A_117 : i32 to index
        %get3A_144 = arith.constant 48 : index
        %get3A_145 = tpu.vector_load %arg10[%get3A_143, %get3A_144] {strides = array<i32>} : memref<80x128xf32, #tpu.memory_space<vmem>>, vector<16xf32>,
        %mul3A_146 = arith.mulf %get3A_142, %get3A_145 : vector<16xf32>
        %add3A_147 = arith.addf %add3A_139, %mul3A_146 : vector<16xf32>
        %get3A_148 = arith.index_cast %add3A_117 : i32 to index
        %get3A_149 = arith.constant 64 : index
        %get3A_150 = tpu.vector_load %arg9[%get3A_148, %get3A_149] {strides = array<i32>} : memref<80x128xf32, #tpu.memory_space<vmem>>, vector<16xf32>,
        %get3A_151 = arith.index_cast %add3A_117 : i32 to index
        %get3A_152 = arith.constant 64 : index
        %get3A_153 = tpu.vector_load %arg10[%get3A_151, %get3A_152] {strides = array<i32>} : memref<80x128xf32, #tpu.memory_space<vmem>>, vector<16xf32>,
        %mul3A_154 = arith.mulf %get3A_150, %get3A_153 : vector<16xf32>
        %add3A_155 = arith.addf %add3A_147, %mul3A_154 : vector<16xf32>
        %get3A_156 = arith.index_cast %add3A_117 : i32 to index
        %get3A_157 = arith.constant 80 : index
        %get3A_158 = tpu.vector_load %arg9[%get3A_156, %get3A_157] {strides = array<i32>} : memref<80x128xf32, #tpu.memory_space<vmem>>, vector<16xf32>,
        %get3A_159 = arith.index_cast %add3A_117 : i32 to index
        %get3A_160 = arith.constant 80 : index
        %get3A_161 = tpu.vector_load %arg10[%get3A_159, %get3A_160] {strides = array<i32>} : memref<80x128xf32, #tpu.memory_space<vmem>>, vector<16xf32>,
        %mul3A_162 = arith.mulf %get3A_158, %get3A_161 : vector<16xf32>
        %add3A_163 = arith.addf %add3A_155, %mul3A_162 : vector<16xf32>
        %get3A_164 = arith.index_cast %add3A_117 : i32 to index
        %get3A_165 = arith.constant 96 : index
        %get3A_166 = tpu.vector_load %arg9[%get3A_164, %get3A_165] {strides = array<i32>} : memref<80x128xf32, #tpu.memory_space<vmem>>, vector<16xf32>,
        %get3A_167 = arith.index_cast %add3A_117 : i32 to index
        %get3A_168 = arith.constant 96 : index
        %get3A_169 = tpu.vector_load %arg10[%get3A_167, %get3A_168] {strides = array<i32>} : memref<80x128xf32, #tpu.memory_space<vmem>>, vector<16xf32>,
        %mul3A_170 = arith.mulf %get3A_166, %get3A_169 : vector<16xf32>
        %add3A_171 = arith.addf %add3A_163, %mul3A_170 : vector<16xf32>
        %get3A_172 = arith.index_cast %add3A_117 : i32 to index
        %get3A_173 = arith.constant 112 : index
        %get3A_174 = tpu.vector_load %arg9[%get3A_172, %get3A_173] {strides = array<i32>} : memref<80x128xf32, #tpu.memory_space<vmem>>, vector<16xf32>,
        %get3A_175 = arith.index_cast %add3A_117 : i32 to index
        %get3A_176 = arith.constant 112 : index
        %get3A_177 = tpu.vector_load %arg10[%get3A_175, %get3A_176] {strides = array<i32>} : memref<80x128xf32, #tpu.memory_space<vmem>>, vector<16xf32>,
        %mul3A_178 = arith.mulf %get3A_174, %get3A_177 : vector<16xf32>
        %add3A_179 = arith.addf %add3A_171, %mul3A_178 : vector<16xf32>
        %broadcast_in_dim3A = arith.constant true
        %broadcast_in_dim3A_180 = vector.broadcast %broadcast_in_dim3A : i1 to vector<16xi1>
        %masked_cumsum3A = tpu.scan <sum>, %add3A_179 masked %broadcast_in_dim3A_180 : vector<16xf32>, vector<16xi1> -> vector<16xf32>
        %swap3A = arith.constant 0 : index
        %swap3A_181 = tpu.vector_load %arg14[%swap3A] masked %eq3A_2 {strides = array<i32>} : memref<32xf32, #tpu.memory_space<vmem>>, vector<16xf32>, vector<16xi1>
        tpu.vector_store %arg14[%swap3A], %masked_cumsum3A masked %eq3A_2 {strides = array<i32>} : memref<32xf32, #tpu.memory_space<vmem>>, vector<16xf32>, vector<16xi1>
        %add3A_182 = arith.constant 1 : i32
        %add3A_183 = arith.addi %mul3A_115, %add3A_182 : i32
        %get3A_184 = arith.index_cast %add3A_183 : i32 to index
        %get3A_185 = arith.constant 0 : index
        %get3A_186 = tpu.vector_load %arg9[%get3A_184, %get3A_185] {strides = array<i32>} : memref<80x128xf32, #tpu.memory_space<vmem>>, vector<16xf32>,
        %get3A_187 = arith.index_cast %add3A_183 : i32 to index
        %get3A_188 = arith.constant 0 : index
        %get3A_189 = tpu.vector_load %arg10[%get3A_187, %get3A_188] {strides = array<i32>} : memref<80x128xf32, #tpu.memory_space<vmem>>, vector<16xf32>,
        %mul3A_190 = arith.mulf %get3A_186, %get3A_189 : vector<16xf32>
        %get3A_191 = arith.index_cast %add3A_183 : i32 to index
        %get3A_192 = arith.constant 16 : index
        %get3A_193 = tpu.vector_load %arg9[%get3A_191, %get3A_192] {strides = array<i32>} : memref<80x128xf32, #tpu.memory_space<vmem>>, vector<16xf32>,
        %get3A_194 = arith.index_cast %add3A_183 : i32 to index
        %get3A_195 = arith.constant 16 : index
        %get3A_196 = tpu.vector_load %arg10[%get3A_194, %get3A_195] {strides = array<i32>} : memref<80x128xf32, #tpu.memory_space<vmem>>, vector<16xf32>,
        %mul3A_197 = arith.mulf %get3A_193, %get3A_196 : vector<16xf32>
        %add3A_198 = arith.addf %mul3A_190, %mul3A_197 : vector<16xf32>
        %get3A_199 = arith.index_cast %add3A_183 : i32 to index
        %get3A_200 = arith.constant 32 : index
        %get3A_201 = tpu.vector_load %arg9[%get3A_199, %get3A_200] {strides = array<i32>} : memref<80x128xf32, #tpu.memory_space<vmem>>, vector<16xf32>,
        %get3A_202 = arith.index_cast %add3A_183 : i32 to index
        %get3A_203 = arith.constant 32 : index
        %get3A_204 = tpu.vector_load %arg10[%get3A_202, %get3A_203] {strides = array<i32>} : memref<80x128xf32, #tpu.memory_space<vmem>>, vector<16xf32>,
        %mul3A_205 = arith.mulf %get3A_201, %get3A_204 : vector<16xf32>
        %add3A_206 = arith.addf %add3A_198, %mul3A_205 : vector<16xf32>
        %get3A_207 = arith.index_cast %add3A_183 : i32 to index
        %get3A_208 = arith.constant 48 : index
        %get3A_209 = tpu.vector_load %arg9[%get3A_207, %get3A_208] {strides = array<i32>} : memref<80x128xf32, #tpu.memory_space<vmem>>, vector<16xf32>,
        %get3A_210 = arith.index_cast %add3A_183 : i32 to index
        %get3A_211 = arith.constant 48 : index
        %get3A_212 = tpu.vector_load %arg10[%get3A_210, %get3A_211] {strides = array<i32>} : memref<80x128xf32, #tpu.memory_space<vmem>>, vector<16xf32>,
        %mul3A_213 = arith.mulf %get3A_209, %get3A_212 : vector<16xf32>
        %add3A_214 = arith.addf %add3A_206, %mul3A_213 : vector<16xf32>
        %get3A_215 = arith.index_cast %add3A_183 : i32 to index
        %get3A_216 = arith.constant 64 : index
        %get3A_217 = tpu.vector_load %arg9[%get3A_215, %get3A_216] {strides = array<i32>} : memref<80x128xf32, #tpu.memory_space<vmem>>, vector<16xf32>,
        %get3A_218 = arith.index_cast %add3A_183 : i32 to index
        %get3A_219 = arith.constant 64 : index
        %get3A_220 = tpu.vector_load %arg10[%get3A_218, %get3A_219] {strides = array<i32>} : memref<80x128xf32, #tpu.memory_space<vmem>>, vector<16xf32>,
        %mul3A_221 = arith.mulf %get3A_217, %get3A_220 : vector<16xf32>
        %add3A_222 = arith.addf %add3A_214, %mul3A_221 : vector<16xf32>
        %get3A_223 = arith.index_cast %add3A_183 : i32 to index
        %get3A_224 = arith.constant 80 : index
        %get3A_225 = tpu.vector_load %arg9[%get3A_223, %get3A_224] {strides = array<i32>} : memref<80x128xf32, #tpu.memory_space<vmem>>, vector<16xf32>,
        %get3A_226 = arith.index_cast %add3A_183 : i32 to index
        %get3A_227 = arith.constant 80 : index
        %get3A_228 = tpu.vector_load %arg10[%get3A_226, %get3A_227] {strides = array<i32>} : memref<80x128xf32, #tpu.memory_space<vmem>>, vector<16xf32>,
        %mul3A_229 = arith.mulf %get3A_225, %get3A_228 : vector<16xf32>
        %add3A_230 = arith.addf %add3A_222, %mul3A_229 : vector<16xf32>
        %get3A_231 = arith.index_cast %add3A_183 : i32 to index
        %get3A_232 = arith.constant 96 : index
        %get3A_233 = tpu.vector_load %arg9[%get3A_231, %get3A_232] {strides = array<i32>} : memref<80x128xf32, #tpu.memory_space<vmem>>, vector<16xf32>,
        %get3A_234 = arith.index_cast %add3A_183 : i32 to index
        %get3A_235 = arith.constant 96 : index
        %get3A_236 = tpu.vector_load %arg10[%get3A_234, %get3A_235] {strides = array<i32>} : memref<80x128xf32, #tpu.memory_space<vmem>>, vector<16xf32>,
        %mul3A_237 = arith.mulf %get3A_233, %get3A_236 : vector<16xf32>
        %add3A_238 = arith.addf %add3A_230, %mul3A_237 : vector<16xf32>
        %get3A_239 = arith.index_cast %add3A_183 : i32 to index
        %get3A_240 = arith.constant 112 : index
        %get3A_241 = tpu.vector_load %arg9[%get3A_239, %get3A_240] {strides = array<i32>} : memref<80x128xf32, #tpu.memory_space<vmem>>, vector<16xf32>,
        %get3A_242 = arith.index_cast %add3A_183 : i32 to index
        %get3A_243 = arith.constant 112 : index
        %get3A_244 = tpu.vector_load %arg10[%get3A_242, %get3A_243] {strides = array<i32>} : memref<80x128xf32, #tpu.memory_space<vmem>>, vector<16xf32>,
        %mul3A_245 = arith.mulf %get3A_241, %get3A_244 : vector<16xf32>
        %add3A_246 = arith.addf %add3A_238, %mul3A_245 : vector<16xf32>
        %broadcast_in_dim3A_247 = arith.constant true
        %broadcast_in_dim3A_248 = vector.broadcast %broadcast_in_dim3A_247 : i1 to vector<16xi1>
        %masked_cumsum3A_249 = tpu.scan <sum>, %add3A_246 masked %broadcast_in_dim3A_248 : vector<16xf32>, vector<16xi1> -> vector<16xf32>
        %swap3A_250 = arith.constant 1 : index
        %swap3A_251 = tpu.vector_load %arg14[%swap3A_250] masked %eq3A_2 {strides = array<i32>} : memref<32xf32, #tpu.memory_space<vmem>>, vector<16xf32>, vector<16xi1>
        tpu.vector_store %arg14[%swap3A_250], %masked_cumsum3A_249 masked %eq3A_2 {strides = array<i32>} : memref<32xf32, #tpu.memory_space<vmem>>, vector<16xf32>, vector<16xi1>
        %add3A_252 = arith.constant 2 : i32
        %add3A_253 = arith.addi %mul3A_115, %add3A_252 : i32
        %get3A_254 = arith.index_cast %add3A_253 : i32 to index
        %get3A_255 = arith.constant 0 : index
        %get3A_256 = tpu.vector_load %arg9[%get3A_254, %get3A_255] {strides = array<i32>} : memref<80x128xf32, #tpu.memory_space<vmem>>, vector<16xf32>,
        %get3A_257 = arith.index_cast %add3A_253 : i32 to index
        %get3A_258 = arith.constant 0 : index
        %get3A_259 = tpu.vector_load %arg10[%get3A_257, %get3A_258] {strides = array<i32>} : memref<80x128xf32, #tpu.memory_space<vmem>>, vector<16xf32>,
        %mul3A_260 = arith.mulf %get3A_256, %get3A_259 : vector<16xf32>
        %get3A_261 = arith.index_cast %add3A_253 : i32 to index
        %get3A_262 = arith.constant 16 : index
        %get3A_263 = tpu.vector_load %arg9[%get3A_261, %get3A_262] {strides = array<i32>} : memref<80x128xf32, #tpu.memory_space<vmem>>, vector<16xf32>,
        %get3A_264 = arith.index_cast %add3A_253 : i32 to index
        %get3A_265 = arith.constant 16 : index
        %get3A_266 = tpu.vector_load %arg10[%get3A_264, %get3A_265] {strides = array<i32>} : memref<80x128xf32, #tpu.memory_space<vmem>>, vector<16xf32>,
        %mul3A_267 = arith.mulf %get3A_263, %get3A_266 : vector<16xf32>
        %add3A_268 = arith.addf %mul3A_260, %mul3A_267 : vector<16xf32>
        %get3A_269 = arith.index_cast %add3A_253 : i32 to index
        %get3A_270 = arith.constant 32 : index
        %get3A_271 = tpu.vector_load %arg9[%get3A_269, %get3A_270] {strides = array<i32>} : memref<80x128xf32, #tpu.memory_space<vmem>>, vector<16xf32>,
        %get3A_272 = arith.index_cast %add3A_253 : i32 to index
        %get3A_273 = arith.constant 32 : index
        %get3A_274 = tpu.vector_load %arg10[%get3A_272, %get3A_273] {strides = array<i32>} : memref<80x128xf32, #tpu.memory_space<vmem>>, vector<16xf32>,
        %mul3A_275 = arith.mulf %get3A_271, %get3A_274 : vector<16xf32>
        %add3A_276 = arith.addf %add3A_268, %mul3A_275 : vector<16xf32>
        %get3A_277 = arith.index_cast %add3A_253 : i32 to index
        %get3A_278 = arith.constant 48 : index
        %get3A_279 = tpu.vector_load %arg9[%get3A_277, %get3A_278] {strides = array<i32>} : memref<80x128xf32, #tpu.memory_space<vmem>>, vector<16xf32>,
        %get3A_280 = arith.index_cast %add3A_253 : i32 to index
        %get3A_281 = arith.constant 48 : index
        %get3A_282 = tpu.vector_load %arg10[%get3A_280, %get3A_281] {strides = array<i32>} : memref<80x128xf32, #tpu.memory_space<vmem>>, vector<16xf32>,
        %mul3A_283 = arith.mulf %get3A_279, %get3A_282 : vector<16xf32>
        %add3A_284 = arith.addf %add3A_276, %mul3A_283 : vector<16xf32>
        %get3A_285 = arith.index_cast %add3A_253 : i32 to index
        %get3A_286 = arith.constant 64 : index
        %get3A_287 = tpu.vector_load %arg9[%get3A_285, %get3A_286] {strides = array<i32>} : memref<80x128xf32, #tpu.memory_space<vmem>>, vector<16xf32>,
        %get3A_288 = arith.index_cast %add3A_253 : i32 to index
        %get3A_289 = arith.constant 64 : index
        %get3A_290 = tpu.vector_load %arg10[%get3A_288, %get3A_289] {strides = array<i32>} : memref<80x128xf32, #tpu.memory_space<vmem>>, vector<16xf32>,
        %mul3A_291 = arith.mulf %get3A_287, %get3A_290 : vector<16xf32>
        %add3A_292 = arith.addf %add3A_284, %mul3A_291 : vector<16xf32>
        %get3A_293 = arith.index_cast %add3A_253 : i32 to index
        %get3A_294 = arith.constant 80 : index
        %get3A_295 = tpu.vector_load %arg9[%get3A_293, %get3A_294] {strides = array<i32>} : memref<80x128xf32, #tpu.memory_space<vmem>>, vector<16xf32>,
        %get3A_296 = arith.index_cast %add3A_253 : i32 to index
        %get3A_297 = arith.constant 80 : index
        %get3A_298 = tpu.vector_load %arg10[%get3A_296, %get3A_297] {strides = array<i32>} : memref<80x128xf32, #tpu.memory_space<vmem>>, vector<16xf32>,
        %mul3A_299 = arith.mulf %get3A_295, %get3A_298 : vector<16xf32>
        %add3A_300 = arith.addf %add3A_292, %mul3A_299 : vector<16xf32>
        %get3A_301 = arith.index_cast %add3A_253 : i32 to index
        %get3A_302 = arith.constant 96 : index
        %get3A_303 = tpu.vector_load %arg9[%get3A_301, %get3A_302] {strides = array<i32>} : memref<80x128xf32, #tpu.memory_space<vmem>>, vector<16xf32>,
        %get3A_304 = arith.index_cast %add3A_253 : i32 to index
        %get3A_305 = arith.constant 96 : index
        %get3A_306 = tpu.vector_load %arg10[%get3A_304, %get3A_305] {strides = array<i32>} : memref<80x128xf32, #tpu.memory_space<vmem>>, vector<16xf32>,
        %mul3A_307 = arith.mulf %get3A_303, %get3A_306 : vector<16xf32>
        %add3A_308 = arith.addf %add3A_300, %mul3A_307 : vector<16xf32>
        %get3A_309 = arith.index_cast %add3A_253 : i32 to index
        %get3A_310 = arith.constant 112 : index
        %get3A_311 = tpu.vector_load %arg9[%get3A_309, %get3A_310] {strides = array<i32>} : memref<80x128xf32, #tpu.memory_space<vmem>>, vector<16xf32>,
        %get3A_312 = arith.index_cast %add3A_253 : i32 to index
        %get3A_313 = arith.constant 112 : index
        %get3A_314 = tpu.vector_load %arg10[%get3A_312, %get3A_313] {strides = array<i32>} : memref<80x128xf32, #tpu.memory_space<vmem>>, vector<16xf32>,
        %mul3A_315 = arith.mulf %get3A_311, %get3A_314 : vector<16xf32>
        %add3A_316 = arith.addf %add3A_308, %mul3A_315 : vector<16xf32>
        %broadcast_in_dim3A_317 = arith.constant true
        %broadcast_in_dim3A_318 = vector.broadcast %broadcast_in_dim3A_317 : i1 to vector<16xi1>
        %masked_cumsum3A_319 = tpu.scan <sum>, %add3A_316 masked %broadcast_in_dim3A_318 : vector<16xf32>, vector<16xi1> -> vector<16xf32>
        %swap3A_320 = arith.constant 2 : index
        %swap3A_321 = tpu.vector_load %arg14[%swap3A_320] masked %eq3A_2 {strides = array<i32>} : memref<32xf32, #tpu.memory_space<vmem>>, vector<16xf32>, vector<16xi1>
        tpu.vector_store %arg14[%swap3A_320], %masked_cumsum3A_319 masked %eq3A_2 {strides = array<i32>} : memref<32xf32, #tpu.memory_space<vmem>>, vector<16xf32>, vector<16xi1>
        %add3A_322 = arith.constant 3 : i32
        %add3A_323 = arith.addi %mul3A_115, %add3A_322 : i32
        %get3A_324 = arith.index_cast %add3A_323 : i32 to index
        %get3A_325 = arith.constant 0 : index
        %get3A_326 = tpu.vector_load %arg9[%get3A_324, %get3A_325] {strides = array<i32>} : memref<80x128xf32, #tpu.memory_space<vmem>>, vector<16xf32>,
        %get3A_327 = arith.index_cast %add3A_323 : i32 to index
        %get3A_328 = arith.constant 0 : index
        %get3A_329 = tpu.vector_load %arg10[%get3A_327, %get3A_328] {strides = array<i32>} : memref<80x128xf32, #tpu.memory_space<vmem>>, vector<16xf32>,
        %mul3A_330 = arith.mulf %get3A_326, %get3A_329 : vector<16xf32>
        %get3A_331 = arith.index_cast %add3A_323 : i32 to index
        %get3A_332 = arith.constant 16 : index
        %get3A_333 = tpu.vector_load %arg9[%get3A_331, %get3A_332] {strides = array<i32>} : memref<80x128xf32, #tpu.memory_space<vmem>>, vector<16xf32>,
        %get3A_334 = arith.index_cast %add3A_323 : i32 to index
        %get3A_335 = arith.constant 16 : index
        %get3A_336 = tpu.vector_load %arg10[%get3A_334, %get3A_335] {strides = array<i32>} : memref<80x128xf32, #tpu.memory_space<vmem>>, vector<16xf32>,
        %mul3A_337 = arith.mulf %get3A_333, %get3A_336 : vector<16xf32>
        %add3A_338 = arith.addf %mul3A_330, %mul3A_337 : vector<16xf32>
        %get3A_339 = arith.index_cast %add3A_323 : i32 to index
        %get3A_340 = arith.constant 32 : index
        %get3A_341 = tpu.vector_load %arg9[%get3A_339, %get3A_340] {strides = array<i32>} : memref<80x128xf32, #tpu.memory_space<vmem>>, vector<16xf32>,
        %get3A_342 = arith.index_cast %add3A_323 : i32 to index
        %get3A_343 = arith.constant 32 : index
        %get3A_344 = tpu.vector_load %arg10[%get3A_342, %get3A_343] {strides = array<i32>} : memref<80x128xf32, #tpu.memory_space<vmem>>, vector<16xf32>,
        %mul3A_345 = arith.mulf %get3A_341, %get3A_344 : vector<16xf32>
        %add3A_346 = arith.addf %add3A_338, %mul3A_345 : vector<16xf32>
        %get3A_347 = arith.index_cast %add3A_323 : i32 to index
        %get3A_348 = arith.constant 48 : index
        %get3A_349 = tpu.vector_load %arg9[%get3A_347, %get3A_348] {strides = array<i32>} : memref<80x128xf32, #tpu.memory_space<vmem>>, vector<16xf32>,
        %get3A_350 = arith.index_cast %add3A_323 : i32 to index
        %get3A_351 = arith.constant 48 : index
        %get3A_352 = tpu.vector_load %arg10[%get3A_350, %get3A_351] {strides = array<i32>} : memref<80x128xf32, #tpu.memory_space<vmem>>, vector<16xf32>,
        %mul3A_353 = arith.mulf %get3A_349, %get3A_352 : vector<16xf32>
        %add3A_354 = arith.addf %add3A_346, %mul3A_353 : vector<16xf32>
        %get3A_355 = arith.index_cast %add3A_323 : i32 to index
        %get3A_356 = arith.constant 64 : index
        %get3A_357 = tpu.vector_load %arg9[%get3A_355, %get3A_356] {strides = array<i32>} : memref<80x128xf32, #tpu.memory_space<vmem>>, vector<16xf32>,
        %get3A_358 = arith.index_cast %add3A_323 : i32 to index
        %get3A_359 = arith.constant 64 : index
        %get3A_360 = tpu.vector_load %arg10[%get3A_358, %get3A_359] {strides = array<i32>} : memref<80x128xf32, #tpu.memory_space<vmem>>, vector<16xf32>,
        %mul3A_361 = arith.mulf %get3A_357, %get3A_360 : vector<16xf32>
        %add3A_362 = arith.addf %add3A_354, %mul3A_361 : vector<16xf32>
        %get3A_363 = arith.index_cast %add3A_323 : i32 to index
        %get3A_364 = arith.constant 80 : index
        %get3A_365 = tpu.vector_load %arg9[%get3A_363, %get3A_364] {strides = array<i32>} : memref<80x128xf32, #tpu.memory_space<vmem>>, vector<16xf32>,
        %get3A_366 = arith.index_cast %add3A_323 : i32 to index
        %get3A_367 = arith.constant 80 : index
        %get3A_368 = tpu.vector_load %arg10[%get3A_366, %get3A_367] {strides = array<i32>} : memref<80x128xf32, #tpu.memory_space<vmem>>, vector<16xf32>,
        %mul3A_369 = arith.mulf %get3A_365, %get3A_368 : vector<16xf32>
        %add3A_370 = arith.addf %add3A_362, %mul3A_369 : vector<16xf32>
        %get3A_371 = arith.index_cast %add3A_323 : i32 to index
        %get3A_372 = arith.constant 96 : index
        %get3A_373 = tpu.vector_load %arg9[%get3A_371, %get3A_372] {strides = array<i32>} : memref<80x128xf32, #tpu.memory_space<vmem>>, vector<16xf32>,
        %get3A_374 = arith.index_cast %add3A_323 : i32 to index
        %get3A_375 = arith.constant 96 : index
        %get3A_376 = tpu.vector_load %arg10[%get3A_374, %get3A_375] {strides = array<i32>} : memref<80x128xf32, #tpu.memory_space<vmem>>, vector<16xf32>,
        %mul3A_377 = arith.mulf %get3A_373, %get3A_376 : vector<16xf32>
        %add3A_378 = arith.addf %add3A_370, %mul3A_377 : vector<16xf32>
        %get3A_379 = arith.index_cast %add3A_323 : i32 to index
        %get3A_380 = arith.constant 112 : index
        %get3A_381 = tpu.vector_load %arg9[%get3A_379, %get3A_380] {strides = array<i32>} : memref<80x128xf32, #tpu.memory_space<vmem>>, vector<16xf32>,
        %get3A_382 = arith.index_cast %add3A_323 : i32 to index
        %get3A_383 = arith.constant 112 : index
        %get3A_384 = tpu.vector_load %arg10[%get3A_382, %get3A_383] {strides = array<i32>} : memref<80x128xf32, #tpu.memory_space<vmem>>, vector<16xf32>,
        %mul3A_385 = arith.mulf %get3A_381, %get3A_384 : vector<16xf32>
        %add3A_386 = arith.addf %add3A_378, %mul3A_385 : vector<16xf32>
        %broadcast_in_dim3A_387 = arith.constant true
        %broadcast_in_dim3A_388 = vector.broadcast %broadcast_in_dim3A_387 : i1 to vector<16xi1>
        %masked_cumsum3A_389 = tpu.scan <sum>, %add3A_386 masked %broadcast_in_dim3A_388 : vector<16xf32>, vector<16xi1> -> vector<16xf32>
        %swap3A_390 = arith.constant 3 : index
        %swap3A_391 = tpu.vector_load %arg14[%swap3A_390] masked %eq3A_2 {strides = array<i32>} : memref<32xf32, #tpu.memory_space<vmem>>, vector<16xf32>, vector<16xi1>
        tpu.vector_store %arg14[%swap3A_390], %masked_cumsum3A_389 masked %eq3A_2 {strides = array<i32>} : memref<32xf32, #tpu.memory_space<vmem>>, vector<16xf32>, vector<16xi1>
        %add3A_392 = arith.constant 4 : i32
        %add3A_393 = arith.addi %mul3A_115, %add3A_392 : i32
        %get3A_394 = arith.index_cast %add3A_393 : i32 to index
        %get3A_395 = arith.constant 0 : index
        %get3A_396 = tpu.vector_load %arg9[%get3A_394, %get3A_395] {strides = array<i32>} : memref<80x128xf32, #tpu.memory_space<vmem>>, vector<16xf32>,
        %get3A_397 = arith.index_cast %add3A_393 : i32 to index
        %get3A_398 = arith.constant 0 : index
        %get3A_399 = tpu.vector_load %arg10[%get3A_397, %get3A_398] {strides = array<i32>} : memref<80x128xf32, #tpu.memory_space<vmem>>, vector<16xf32>,
        %mul3A_400 = arith.mulf %get3A_396, %get3A_399 : vector<16xf32>
        %get3A_401 = arith.index_cast %add3A_393 : i32 to index
        %get3A_402 = arith.constant 16 : index
        %get3A_403 = tpu.vector_load %arg9[%get3A_401, %get3A_402] {strides = array<i32>} : memref<80x128xf32, #tpu.memory_space<vmem>>, vector<16xf32>,
        %get3A_404 = arith.index_cast %add3A_393 : i32 to index
        %get3A_405 = arith.constant 16 : index
        %get3A_406 = tpu.vector_load %arg10[%get3A_404, %get3A_405] {strides = array<i32>} : memref<80x128xf32, #tpu.memory_space<vmem>>, vector<16xf32>,
        %mul3A_407 = arith.mulf %get3A_403, %get3A_406 : vector<16xf32>
        %add3A_408 = arith.addf %mul3A_400, %mul3A_407 : vector<16xf32>
        %get3A_409 = arith.index_cast %add3A_393 : i32 to index
        %get3A_410 = arith.constant 32 : index
        %get3A_411 = tpu.vector_load %arg9[%get3A_409, %get3A_410] {strides = array<i32>} : memref<80x128xf32, #tpu.memory_space<vmem>>, vector<16xf32>,
        %get3A_412 = arith.index_cast %add3A_393 : i32 to index
        %get3A_413 = arith.constant 32 : index
        %get3A_414 = tpu.vector_load %arg10[%get3A_412, %get3A_413] {strides = array<i32>} : memref<80x128xf32, #tpu.memory_space<vmem>>, vector<16xf32>,
        %mul3A_415 = arith.mulf %get3A_411, %get3A_414 : vector<16xf32>
        %add3A_416 = arith.addf %add3A_408, %mul3A_415 : vector<16xf32>
        %get3A_417 = arith.index_cast %add3A_393 : i32 to index
        %get3A_418 = arith.constant 48 : index
        %get3A_419 = tpu.vector_load %arg9[%get3A_417, %get3A_418] {strides = array<i32>} : memref<80x128xf32, #tpu.memory_space<vmem>>, vector<16xf32>,
        %get3A_420 = arith.index_cast %add3A_393 : i32 to index
        %get3A_421 = arith.constant 48 : index
        %get3A_422 = tpu.vector_load %arg10[%get3A_420, %get3A_421] {strides = array<i32>} : memref<80x128xf32, #tpu.memory_space<vmem>>, vector<16xf32>,
        %mul3A_423 = arith.mulf %get3A_419, %get3A_422 : vector<16xf32>
        %add3A_424 = arith.addf %add3A_416, %mul3A_423 : vector<16xf32>
        %get3A_425 = arith.index_cast %add3A_393 : i32 to index
        %get3A_426 = arith.constant 64 : index
        %get3A_427 = tpu.vector_load %arg9[%get3A_425, %get3A_426] {strides = array<i32>} : memref<80x128xf32, #tpu.memory_space<vmem>>, vector<16xf32>,
        %get3A_428 = arith.index_cast %add3A_393 : i32 to index
        %get3A_429 = arith.constant 64 : index
        %get3A_430 = tpu.vector_load %arg10[%get3A_428, %get3A_429] {strides = array<i32>} : memref<80x128xf32, #tpu.memory_space<vmem>>, vector<16xf32>,
        %mul3A_431 = arith.mulf %get3A_427, %get3A_430 : vector<16xf32>
        %add3A_432 = arith.addf %add3A_424, %mul3A_431 : vector<16xf32>
        %get3A_433 = arith.index_cast %add3A_393 : i32 to index
        %get3A_434 = arith.constant 80 : index
        %get3A_435 = tpu.vector_load %arg9[%get3A_433, %get3A_434] {strides = array<i32>} : memref<80x128xf32, #tpu.memory_space<vmem>>, vector<16xf32>,
        %get3A_436 = arith.index_cast %add3A_393 : i32 to index
        %get3A_437 = arith.constant 80 : index
        %get3A_438 = tpu.vector_load %arg10[%get3A_436, %get3A_437] {strides = array<i32>} : memref<80x128xf32, #tpu.memory_space<vmem>>, vector<16xf32>,
        %mul3A_439 = arith.mulf %get3A_435, %get3A_438 : vector<16xf32>
        %add3A_440 = arith.addf %add3A_432, %mul3A_439 : vector<16xf32>
        %get3A_441 = arith.index_cast %add3A_393 : i32 to index
        %get3A_442 = arith.constant 96 : index
        %get3A_443 = tpu.vector_load %arg9[%get3A_441, %get3A_442] {strides = array<i32>} : memref<80x128xf32, #tpu.memory_space<vmem>>, vector<16xf32>,
        %get3A_444 = arith.index_cast %add3A_393 : i32 to index
        %get3A_445 = arith.constant 96 : index
        %get3A_446 = tpu.vector_load %arg10[%get3A_444, %get3A_445] {strides = array<i32>} : memref<80x128xf32, #tpu.memory_space<vmem>>, vector<16xf32>,
        %mul3A_447 = arith.mulf %get3A_443, %get3A_446 : vector<16xf32>
        %add3A_448 = arith.addf %add3A_440, %mul3A_447 : vector<16xf32>
        %get3A_449 = arith.index_cast %add3A_393 : i32 to index
        %get3A_450 = arith.constant 112 : index
        %get3A_451 = tpu.vector_load %arg9[%get3A_449, %get3A_450] {strides = array<i32>} : memref<80x128xf32, #tpu.memory_space<vmem>>, vector<16xf32>,
        %get3A_452 = arith.index_cast %add3A_393 : i32 to index
        %get3A_453 = arith.constant 112 : index
        %get3A_454 = tpu.vector_load %arg10[%get3A_452, %get3A_453] {strides = array<i32>} : memref<80x128xf32, #tpu.memory_space<vmem>>, vector<16xf32>,
        %mul3A_455 = arith.mulf %get3A_451, %get3A_454 : vector<16xf32>
        %add3A_456 = arith.addf %add3A_448, %mul3A_455 : vector<16xf32>
        %broadcast_in_dim3A_457 = arith.constant true
        %broadcast_in_dim3A_458 = vector.broadcast %broadcast_in_dim3A_457 : i1 to vector<16xi1>
        %masked_cumsum3A_459 = tpu.scan <sum>, %add3A_456 masked %broadcast_in_dim3A_458 : vector<16xf32>, vector<16xi1> -> vector<16xf32>
        %swap3A_460 = arith.constant 4 : index
        %swap3A_461 = tpu.vector_load %arg14[%swap3A_460] masked %eq3A_2 {strides = array<i32>} : memref<32xf32, #tpu.memory_space<vmem>>, vector<16xf32>, vector<16xi1>
        tpu.vector_store %arg14[%swap3A_460], %masked_cumsum3A_459 masked %eq3A_2 {strides = array<i32>} : memref<32xf32, #tpu.memory_space<vmem>>, vector<16xf32>, vector<16xi1>
        %add3A_462 = arith.constant 5 : i32
        %add3A_463 = arith.addi %mul3A_115, %add3A_462 : i32
        %get3A_464 = arith.index_cast %add3A_463 : i32 to index
        %get3A_465 = arith.constant 0 : index
        %get3A_466 = tpu.vector_load %arg9[%get3A_464, %get3A_465] {strides = array<i32>} : memref<80x128xf32, #tpu.memory_space<vmem>>, vector<16xf32>,
        %get3A_467 = arith.index_cast %add3A_463 : i32 to index
        %get3A_468 = arith.constant 0 : index
        %get3A_469 = tpu.vector_load %arg10[%get3A_467, %get3A_468] {strides = array<i32>} : memref<80x128xf32, #tpu.memory_space<vmem>>, vector<16xf32>,
        %mul3A_470 = arith.mulf %get3A_466, %get3A_469 : vector<16xf32>
        %get3A_471 = arith.index_cast %add3A_463 : i32 to index
        %get3A_472 = arith.constant 16 : index
        %get3A_473 = tpu.vector_load %arg9[%get3A_471, %get3A_472] {strides = array<i32>} : memref<80x128xf32, #tpu.memory_space<vmem>>, vector<16xf32>,
        %get3A_474 = arith.index_cast %add3A_463 : i32 to index
        %get3A_475 = arith.constant 16 : index
        %get3A_476 = tpu.vector_load %arg10[%get3A_474, %get3A_475] {strides = array<i32>} : memref<80x128xf32, #tpu.memory_space<vmem>>, vector<16xf32>,
        %mul3A_477 = arith.mulf %get3A_473, %get3A_476 : vector<16xf32>
        %add3A_478 = arith.addf %mul3A_470, %mul3A_477 : vector<16xf32>
        %get3A_479 = arith.index_cast %add3A_463 : i32 to index
        %get3A_480 = arith.constant 32 : index
        %get3A_481 = tpu.vector_load %arg9[%get3A_479, %get3A_480] {strides = array<i32>} : memref<80x128xf32, #tpu.memory_space<vmem>>, vector<16xf32>,
        %get3A_482 = arith.index_cast %add3A_463 : i32 to index
        %get3A_483 = arith.constant 32 : index
        %get3A_484 = tpu.vector_load %arg10[%get3A_482, %get3A_483] {strides = array<i32>} : memref<80x128xf32, #tpu.memory_space<vmem>>, vector<16xf32>,
        %mul3A_485 = arith.mulf %get3A_481, %get3A_484 : vector<16xf32>
        %add3A_486 = arith.addf %add3A_478, %mul3A_485 : vector<16xf32>
        %get3A_487 = arith.index_cast %add3A_463 : i32 to index
        %get3A_488 = arith.constant 48 : index
        %get3A_489 = tpu.vector_load %arg9[%get3A_487, %get3A_488] {strides = array<i32>} : memref<80x128xf32, #tpu.memory_space<vmem>>, vector<16xf32>,
        %get3A_490 = arith.index_cast %add3A_463 : i32 to index
        %get3A_491 = arith.constant 48 : index
        %get3A_492 = tpu.vector_load %arg10[%get3A_490, %get3A_491] {strides = array<i32>} : memref<80x128xf32, #tpu.memory_space<vmem>>, vector<16xf32>,
        %mul3A_493 = arith.mulf %get3A_489, %get3A_492 : vector<16xf32>
        %add3A_494 = arith.addf %add3A_486, %mul3A_493 : vector<16xf32>
        %get3A_495 = arith.index_cast %add3A_463 : i32 to index
        %get3A_496 = arith.constant 64 : index
        %get3A_497 = tpu.vector_load %arg9[%get3A_495, %get3A_496] {strides = array<i32>} : memref<80x128xf32, #tpu.memory_space<vmem>>, vector<16xf32>,
        %get3A_498 = arith.index_cast %add3A_463 : i32 to index
        %get3A_499 = arith.constant 64 : index
        %get3A_500 = tpu.vector_load %arg10[%get3A_498, %get3A_499] {strides = array<i32>} : memref<80x128xf32, #tpu.memory_space<vmem>>, vector<16xf32>,
        %mul3A_501 = arith.mulf %get3A_497, %get3A_500 : vector<16xf32>
        %add3A_502 = arith.addf %add3A_494, %mul3A_501 : vector<16xf32>
        %get3A_503 = arith.index_cast %add3A_463 : i32 to index
        %get3A_504 = arith.constant 80 : index
        %get3A_505 = tpu.vector_load %arg9[%get3A_503, %get3A_504] {strides = array<i32>} : memref<80x128xf32, #tpu.memory_space<vmem>>, vector<16xf32>,
        %get3A_506 = arith.index_cast %add3A_463 : i32 to index
        %get3A_507 = arith.constant 80 : index
        %get3A_508 = tpu.vector_load %arg10[%get3A_506, %get3A_507] {strides = array<i32>} : memref<80x128xf32, #tpu.memory_space<vmem>>, vector<16xf32>,
        %mul3A_509 = arith.mulf %get3A_505, %get3A_508 : vector<16xf32>
        %add3A_510 = arith.addf %add3A_502, %mul3A_509 : vector<16xf32>
        %get3A_511 = arith.index_cast %add3A_463 : i32 to index
        %get3A_512 = arith.constant 96 : index
        %get3A_513 = tpu.vector_load %arg9[%get3A_511, %get3A_512] {strides = array<i32>} : memref<80x128xf32, #tpu.memory_space<vmem>>, vector<16xf32>,
        %get3A_514 = arith.index_cast %add3A_463 : i32 to index
        %get3A_515 = arith.constant 96 : index
        %get3A_516 = tpu.vector_load %arg10[%get3A_514, %get3A_515] {strides = array<i32>} : memref<80x128xf32, #tpu.memory_space<vmem>>, vector<16xf32>,
        %mul3A_517 = arith.mulf %get3A_513, %get3A_516 : vector<16xf32>
        %add3A_518 = arith.addf %add3A_510, %mul3A_517 : vector<16xf32>
        %get3A_519 = arith.index_cast %add3A_463 : i32 to index
        %get3A_520 = arith.constant 112 : index
        %get3A_521 = tpu.vector_load %arg9[%get3A_519, %get3A_520] {strides = array<i32>} : memref<80x128xf32, #tpu.memory_space<vmem>>, vector<16xf32>,
        %get3A_522 = arith.index_cast %add3A_463 : i32 to index
        %get3A_523 = arith.constant 112 : index
        %get3A_524 = tpu.vector_load %arg10[%get3A_522, %get3A_523] {strides = array<i32>} : memref<80x128xf32, #tpu.memory_space<vmem>>, vector<16xf32>,
        %mul3A_525 = arith.mulf %get3A_521, %get3A_524 : vector<16xf32>
        %add3A_526 = arith.addf %add3A_518, %mul3A_525 : vector<16xf32>
        %broadcast_in_dim3A_527 = arith.constant true
        %broadcast_in_dim3A_528 = vector.broadcast %broadcast_in_dim3A_527 : i1 to vector<16xi1>
        %masked_cumsum3A_529 = tpu.scan <sum>, %add3A_526 masked %broadcast_in_dim3A_528 : vector<16xf32>, vector<16xi1> -> vector<16xf32>
        %swap3A_530 = arith.constant 5 : index
        %swap3A_531 = tpu.vector_load %arg14[%swap3A_530] masked %eq3A_2 {strides = array<i32>} : memref<32xf32, #tpu.memory_space<vmem>>, vector<16xf32>, vector<16xi1>
        tpu.vector_store %arg14[%swap3A_530], %masked_cumsum3A_529 masked %eq3A_2 {strides = array<i32>} : memref<32xf32, #tpu.memory_space<vmem>>, vector<16xf32>, vector<16xi1>
        %add3A_532 = arith.constant 6 : i32
        %add3A_533 = arith.addi %mul3A_115, %add3A_532 : i32
        %get3A_534 = arith.index_cast %add3A_533 : i32 to index
        %get3A_535 = arith.constant 0 : index
        %get3A_536 = tpu.vector_load %arg9[%get3A_534, %get3A_535] {strides = array<i32>} : memref<80x128xf32, #tpu.memory_space<vmem>>, vector<16xf32>,
        %get3A_537 = arith.index_cast %add3A_533 : i32 to index
        %get3A_538 = arith.constant 0 : index
        %get3A_539 = tpu.vector_load %arg10[%get3A_537, %get3A_538] {strides = array<i32>} : memref<80x128xf32, #tpu.memory_space<vmem>>, vector<16xf32>,
        %mul3A_540 = arith.mulf %get3A_536, %get3A_539 : vector<16xf32>
        %get3A_541 = arith.index_cast %add3A_533 : i32 to index
        %get3A_542 = arith.constant 16 : index
        %get3A_543 = tpu.vector_load %arg9[%get3A_541, %get3A_542] {strides = array<i32>} : memref<80x128xf32, #tpu.memory_space<vmem>>, vector<16xf32>,
        %get3A_544 = arith.index_cast %add3A_533 : i32 to index
        %get3A_545 = arith.constant 16 : index
        %get3A_546 = tpu.vector_load %arg10[%get3A_544, %get3A_545] {strides = array<i32>} : memref<80x128xf32, #tpu.memory_space<vmem>>, vector<16xf32>,
        %mul3A_547 = arith.mulf %get3A_543, %get3A_546 : vector<16xf32>
        %add3A_548 = arith.addf %mul3A_540, %mul3A_547 : vector<16xf32>
        %get3A_549 = arith.index_cast %add3A_533 : i32 to index
        %get3A_550 = arith.constant 32 : index
        %get3A_551 = tpu.vector_load %arg9[%get3A_549, %get3A_550] {strides = array<i32>} : memref<80x128xf32, #tpu.memory_space<vmem>>, vector<16xf32>,
        %get3A_552 = arith.index_cast %add3A_533 : i32 to index
        %get3A_553 = arith.constant 32 : index
        %get3A_554 = tpu.vector_load %arg10[%get3A_552, %get3A_553] {strides = array<i32>} : memref<80x128xf32, #tpu.memory_space<vmem>>, vector<16xf32>,
        %mul3A_555 = arith.mulf %get3A_551, %get3A_554 : vector<16xf32>
        %add3A_556 = arith.addf %add3A_548, %mul3A_555 : vector<16xf32>
        %get3A_557 = arith.index_cast %add3A_533 : i32 to index
        %get3A_558 = arith.constant 48 : index
        %get3A_559 = tpu.vector_load %arg9[%get3A_557, %get3A_558] {strides = array<i32>} : memref<80x128xf32, #tpu.memory_space<vmem>>, vector<16xf32>,
        %get3A_560 = arith.index_cast %add3A_533 : i32 to index
        %get3A_561 = arith.constant 48 : index
        %get3A_562 = tpu.vector_load %arg10[%get3A_560, %get3A_561] {strides = array<i32>} : memref<80x128xf32, #tpu.memory_space<vmem>>, vector<16xf32>,
        %mul3A_563 = arith.mulf %get3A_559, %get3A_562 : vector<16xf32>
        %add3A_564 = arith.addf %add3A_556, %mul3A_563 : vector<16xf32>
        %get3A_565 = arith.index_cast %add3A_533 : i32 to index
        %get3A_566 = arith.constant 64 : index
        %get3A_567 = tpu.vector_load %arg9[%get3A_565, %get3A_566] {strides = array<i32>} : memref<80x128xf32, #tpu.memory_space<vmem>>, vector<16xf32>,
        %get3A_568 = arith.index_cast %add3A_533 : i32 to index
        %get3A_569 = arith.constant 64 : index
        %get3A_570 = tpu.vector_load %arg10[%get3A_568, %get3A_569] {strides = array<i32>} : memref<80x128xf32, #tpu.memory_space<vmem>>, vector<16xf32>,
        %mul3A_571 = arith.mulf %get3A_567, %get3A_570 : vector<16xf32>
        %add3A_572 = arith.addf %add3A_564, %mul3A_571 : vector<16xf32>
        %get3A_573 = arith.index_cast %add3A_533 : i32 to index
        %get3A_574 = arith.constant 80 : index
        %get3A_575 = tpu.vector_load %arg9[%get3A_573, %get3A_574] {strides = array<i32>} : memref<80x128xf32, #tpu.memory_space<vmem>>, vector<16xf32>,
        %get3A_576 = arith.index_cast %add3A_533 : i32 to index
        %get3A_577 = arith.constant 80 : index
        %get3A_578 = tpu.vector_load %arg10[%get3A_576, %get3A_577] {strides = array<i32>} : memref<80x128xf32, #tpu.memory_space<vmem>>, vector<16xf32>,
        %mul3A_579 = arith.mulf %get3A_575, %get3A_578 : vector<16xf32>
        %add3A_580 = arith.addf %add3A_572, %mul3A_579 : vector<16xf32>
        %get3A_581 = arith.index_cast %add3A_533 : i32 to index
        %get3A_582 = arith.constant 96 : index
        %get3A_583 = tpu.vector_load %arg9[%get3A_581, %get3A_582] {strides = array<i32>} : memref<80x128xf32, #tpu.memory_space<vmem>>, vector<16xf32>,
        %get3A_584 = arith.index_cast %add3A_533 : i32 to index
        %get3A_585 = arith.constant 96 : index
        %get3A_586 = tpu.vector_load %arg10[%get3A_584, %get3A_585] {strides = array<i32>} : memref<80x128xf32, #tpu.memory_space<vmem>>, vector<16xf32>,
        %mul3A_587 = arith.mulf %get3A_583, %get3A_586 : vector<16xf32>
        %add3A_588 = arith.addf %add3A_580, %mul3A_587 : vector<16xf32>
        %get3A_589 = arith.index_cast %add3A_533 : i32 to index
        %get3A_590 = arith.constant 112 : index
        %get3A_591 = tpu.vector_load %arg9[%get3A_589, %get3A_590] {strides = array<i32>} : memref<80x128xf32, #tpu.memory_space<vmem>>, vector<16xf32>,
        %get3A_592 = arith.index_cast %add3A_533 : i32 to index
        %get3A_593 = arith.constant 112 : index
        %get3A_594 = tpu.vector_load %arg10[%get3A_592, %get3A_593] {strides = array<i32>} : memref<80x128xf32, #tpu.memory_space<vmem>>, vector<16xf32>,
        %mul3A_595 = arith.mulf %get3A_591, %get3A_594 : vector<16xf32>
        %add3A_596 = arith.addf %add3A_588, %mul3A_595 : vector<16xf32>
        %broadcast_in_dim3A_597 = arith.constant true
        %broadcast_in_dim3A_598 = vector.broadcast %broadcast_in_dim3A_597 : i1 to vector<16xi1>
        %masked_cumsum3A_599 = tpu.scan <sum>, %add3A_596 masked %broadcast_in_dim3A_598 : vector<16xf32>, vector<16xi1> -> vector<16xf32>
        %swap3A_600 = arith.constant 6 : index
        %swap3A_601 = tpu.vector_load %arg14[%swap3A_600] masked %eq3A_2 {strides = array<i32>} : memref<32xf32, #tpu.memory_space<vmem>>, vector<16xf32>, vector<16xi1>
        tpu.vector_store %arg14[%swap3A_600], %masked_cumsum3A_599 masked %eq3A_2 {strides = array<i32>} : memref<32xf32, #tpu.memory_space<vmem>>, vector<16xf32>, vector<16xi1>
        %add3A_602 = arith.constant 7 : i32
        %add3A_603 = arith.addi %mul3A_115, %add3A_602 : i32
        %get3A_604 = arith.index_cast %add3A_603 : i32 to index
        %get3A_605 = arith.constant 0 : index
        %get3A_606 = tpu.vector_load %arg9[%get3A_604, %get3A_605] {strides = array<i32>} : memref<80x128xf32, #tpu.memory_space<vmem>>, vector<16xf32>,
        %get3A_607 = arith.index_cast %add3A_603 : i32 to index
        %get3A_608 = arith.constant 0 : index
        %get3A_609 = tpu.vector_load %arg10[%get3A_607, %get3A_608] {strides = array<i32>} : memref<80x128xf32, #tpu.memory_space<vmem>>, vector<16xf32>,
        %mul3A_610 = arith.mulf %get3A_606, %get3A_609 : vector<16xf32>
        %get3A_611 = arith.index_cast %add3A_603 : i32 to index
        %get3A_612 = arith.constant 16 : index
        %get3A_613 = tpu.vector_load %arg9[%get3A_611, %get3A_612] {strides = array<i32>} : memref<80x128xf32, #tpu.memory_space<vmem>>, vector<16xf32>,
        %get3A_614 = arith.index_cast %add3A_603 : i32 to index
        %get3A_615 = arith.constant 16 : index
        %get3A_616 = tpu.vector_load %arg10[%get3A_614, %get3A_615] {strides = array<i32>} : memref<80x128xf32, #tpu.memory_space<vmem>>, vector<16xf32>,
        %mul3A_617 = arith.mulf %get3A_613, %get3A_616 : vector<16xf32>
        %add3A_618 = arith.addf %mul3A_610, %mul3A_617 : vector<16xf32>
        %get3A_619 = arith.index_cast %add3A_603 : i32 to index
        %get3A_620 = arith.constant 32 : index
        %get3A_621 = tpu.vector_load %arg9[%get3A_619, %get3A_620] {strides = array<i32>} : memref<80x128xf32, #tpu.memory_space<vmem>>, vector<16xf32>,
        %get3A_622 = arith.index_cast %add3A_603 : i32 to index
        %get3A_623 = arith.constant 32 : index
        %get3A_624 = tpu.vector_load %arg10[%get3A_622, %get3A_623] {strides = array<i32>} : memref<80x128xf32, #tpu.memory_space<vmem>>, vector<16xf32>,
        %mul3A_625 = arith.mulf %get3A_621, %get3A_624 : vector<16xf32>
        %add3A_626 = arith.addf %add3A_618, %mul3A_625 : vector<16xf32>
        %get3A_627 = arith.index_cast %add3A_603 : i32 to index
        %get3A_628 = arith.constant 48 : index
        %get3A_629 = tpu.vector_load %arg9[%get3A_627, %get3A_628] {strides = array<i32>} : memref<80x128xf32, #tpu.memory_space<vmem>>, vector<16xf32>,
        %get3A_630 = arith.index_cast %add3A_603 : i32 to index
        %get3A_631 = arith.constant 48 : index
        %get3A_632 = tpu.vector_load %arg10[%get3A_630, %get3A_631] {strides = array<i32>} : memref<80x128xf32, #tpu.memory_space<vmem>>, vector<16xf32>,
        %mul3A_633 = arith.mulf %get3A_629, %get3A_632 : vector<16xf32>
        %add3A_634 = arith.addf %add3A_626, %mul3A_633 : vector<16xf32>
        %get3A_635 = arith.index_cast %add3A_603 : i32 to index
        %get3A_636 = arith.constant 64 : index
        %get3A_637 = tpu.vector_load %arg9[%get3A_635, %get3A_636] {strides = array<i32>} : memref<80x128xf32, #tpu.memory_space<vmem>>, vector<16xf32>,
        %get3A_638 = arith.index_cast %add3A_603 : i32 to index
        %get3A_639 = arith.constant 64 : index
        %get3A_640 = tpu.vector_load %arg10[%get3A_638, %get3A_639] {strides = array<i32>} : memref<80x128xf32, #tpu.memory_space<vmem>>, vector<16xf32>,
        %mul3A_641 = arith.mulf %get3A_637, %get3A_640 : vector<16xf32>
        %add3A_642 = arith.addf %add3A_634, %mul3A_641 : vector<16xf32>
        %get3A_643 = arith.index_cast %add3A_603 : i32 to index
        %get3A_644 = arith.constant 80 : index
        %get3A_645 = tpu.vector_load %arg9[%get3A_643, %get3A_644] {strides = array<i32>} : memref<80x128xf32, #tpu.memory_space<vmem>>, vector<16xf32>,
        %get3A_646 = arith.index_cast %add3A_603 : i32 to index
        %get3A_647 = arith.constant 80 : index
        %get3A_648 = tpu.vector_load %arg10[%get3A_646, %get3A_647] {strides = array<i32>} : memref<80x128xf32, #tpu.memory_space<vmem>>, vector<16xf32>,
        %mul3A_649 = arith.mulf %get3A_645, %get3A_648 : vector<16xf32>
        %add3A_650 = arith.addf %add3A_642, %mul3A_649 : vector<16xf32>
        %get3A_651 = arith.index_cast %add3A_603 : i32 to index
        %get3A_652 = arith.constant 96 : index
        %get3A_653 = tpu.vector_load %arg9[%get3A_651, %get3A_652] {strides = array<i32>} : memref<80x128xf32, #tpu.memory_space<vmem>>, vector<16xf32>,
        %get3A_654 = arith.index_cast %add3A_603 : i32 to index
        %get3A_655 = arith.constant 96 : index
        %get3A_656 = tpu.vector_load %arg10[%get3A_654, %get3A_655] {strides = array<i32>} : memref<80x128xf32, #tpu.memory_space<vmem>>, vector<16xf32>,
        %mul3A_657 = arith.mulf %get3A_653, %get3A_656 : vector<16xf32>
        %add3A_658 = arith.addf %add3A_650, %mul3A_657 : vector<16xf32>
        %get3A_659 = arith.index_cast %add3A_603 : i32 to index
        %get3A_660 = arith.constant 112 : index
        %get3A_661 = tpu.vector_load %arg9[%get3A_659, %get3A_660] {strides = array<i32>} : memref<80x128xf32, #tpu.memory_space<vmem>>, vector<16xf32>,
        %get3A_662 = arith.index_cast %add3A_603 : i32 to index
        %get3A_663 = arith.constant 112 : index
        %get3A_664 = tpu.vector_load %arg10[%get3A_662, %get3A_663] {strides = array<i32>} : memref<80x128xf32, #tpu.memory_space<vmem>>, vector<16xf32>,
        %mul3A_665 = arith.mulf %get3A_661, %get3A_664 : vector<16xf32>
        %add3A_666 = arith.addf %add3A_658, %mul3A_665 : vector<16xf32>
        %broadcast_in_dim3A_667 = arith.constant true
        %broadcast_in_dim3A_668 = vector.broadcast %broadcast_in_dim3A_667 : i1 to vector<16xi1>
        %masked_cumsum3A_669 = tpu.scan <sum>, %add3A_666 masked %broadcast_in_dim3A_668 : vector<16xf32>, vector<16xi1> -> vector<16xf32>
        %swap3A_670 = arith.constant 7 : index
        %swap3A_671 = tpu.vector_load %arg14[%swap3A_670] masked %eq3A_2 {strides = array<i32>} : memref<32xf32, #tpu.memory_space<vmem>>, vector<16xf32>, vector<16xi1>
        tpu.vector_store %arg14[%swap3A_670], %masked_cumsum3A_669 masked %eq3A_2 {strides = array<i32>} : memref<32xf32, #tpu.memory_space<vmem>>, vector<16xf32>, vector<16xi1>
        %add3A_672 = arith.constant 8 : i32
        %add3A_673 = arith.addi %mul3A_115, %add3A_672 : i32
        %get3A_674 = arith.index_cast %add3A_673 : i32 to index
        %get3A_675 = arith.constant 0 : index
        %get3A_676 = tpu.vector_load %arg9[%get3A_674, %get3A_675] {strides = array<i32>} : memref<80x128xf32, #tpu.memory_space<vmem>>, vector<16xf32>,
        %get3A_677 = arith.index_cast %add3A_673 : i32 to index
        %get3A_678 = arith.constant 0 : index
        %get3A_679 = tpu.vector_load %arg10[%get3A_677, %get3A_678] {strides = array<i32>} : memref<80x128xf32, #tpu.memory_space<vmem>>, vector<16xf32>,
        %mul3A_680 = arith.mulf %get3A_676, %get3A_679 : vector<16xf32>
        %get3A_681 = arith.index_cast %add3A_673 : i32 to index
        %get3A_682 = arith.constant 16 : index
        %get3A_683 = tpu.vector_load %arg9[%get3A_681, %get3A_682] {strides = array<i32>} : memref<80x128xf32, #tpu.memory_space<vmem>>, vector<16xf32>,
        %get3A_684 = arith.index_cast %add3A_673 : i32 to index
        %get3A_685 = arith.constant 16 : index
        %get3A_686 = tpu.vector_load %arg10[%get3A_684, %get3A_685] {strides = array<i32>} : memref<80x128xf32, #tpu.memory_space<vmem>>, vector<16xf32>,
        %mul3A_687 = arith.mulf %get3A_683, %get3A_686 : vector<16xf32>
        %add3A_688 = arith.addf %mul3A_680, %mul3A_687 : vector<16xf32>
        %get3A_689 = arith.index_cast %add3A_673 : i32 to index
        %get3A_690 = arith.constant 32 : index
        %get3A_691 = tpu.vector_load %arg9[%get3A_689, %get3A_690] {strides = array<i32>} : memref<80x128xf32, #tpu.memory_space<vmem>>, vector<16xf32>,
        %get3A_692 = arith.index_cast %add3A_673 : i32 to index
        %get3A_693 = arith.constant 32 : index
        %get3A_694 = tpu.vector_load %arg10[%get3A_692, %get3A_693] {strides = array<i32>} : memref<80x128xf32, #tpu.memory_space<vmem>>, vector<16xf32>,
        %mul3A_695 = arith.mulf %get3A_691, %get3A_694 : vector<16xf32>
        %add3A_696 = arith.addf %add3A_688, %mul3A_695 : vector<16xf32>
        %get3A_697 = arith.index_cast %add3A_673 : i32 to index
        %get3A_698 = arith.constant 48 : index
        %get3A_699 = tpu.vector_load %arg9[%get3A_697, %get3A_698] {strides = array<i32>} : memref<80x128xf32, #tpu.memory_space<vmem>>, vector<16xf32>,
        %get3A_700 = arith.index_cast %add3A_673 : i32 to index
        %get3A_701 = arith.constant 48 : index
        %get3A_702 = tpu.vector_load %arg10[%get3A_700, %get3A_701] {strides = array<i32>} : memref<80x128xf32, #tpu.memory_space<vmem>>, vector<16xf32>,
        %mul3A_703 = arith.mulf %get3A_699, %get3A_702 : vector<16xf32>
        %add3A_704 = arith.addf %add3A_696, %mul3A_703 : vector<16xf32>
        %get3A_705 = arith.index_cast %add3A_673 : i32 to index
        %get3A_706 = arith.constant 64 : index
        %get3A_707 = tpu.vector_load %arg9[%get3A_705, %get3A_706] {strides = array<i32>} : memref<80x128xf32, #tpu.memory_space<vmem>>, vector<16xf32>,
        %get3A_708 = arith.index_cast %add3A_673 : i32 to index
        %get3A_709 = arith.constant 64 : index
        %get3A_710 = tpu.vector_load %arg10[%get3A_708, %get3A_709] {strides = array<i32>} : memref<80x128xf32, #tpu.memory_space<vmem>>, vector<16xf32>,
        %mul3A_711 = arith.mulf %get3A_707, %get3A_710 : vector<16xf32>
        %add3A_712 = arith.addf %add3A_704, %mul3A_711 : vector<16xf32>
        %get3A_713 = arith.index_cast %add3A_673 : i32 to index
        %get3A_714 = arith.constant 80 : index
        %get3A_715 = tpu.vector_load %arg9[%get3A_713, %get3A_714] {strides = array<i32>} : memref<80x128xf32, #tpu.memory_space<vmem>>, vector<16xf32>,
        %get3A_716 = arith.index_cast %add3A_673 : i32 to index
        %get3A_717 = arith.constant 80 : index
        %get3A_718 = tpu.vector_load %arg10[%get3A_716, %get3A_717] {strides = array<i32>} : memref<80x128xf32, #tpu.memory_space<vmem>>, vector<16xf32>,
        %mul3A_719 = arith.mulf %get3A_715, %get3A_718 : vector<16xf32>
        %add3A_720 = arith.addf %add3A_712, %mul3A_719 : vector<16xf32>
        %get3A_721 = arith.index_cast %add3A_673 : i32 to index
        %get3A_722 = arith.constant 96 : index
        %get3A_723 = tpu.vector_load %arg9[%get3A_721, %get3A_722] {strides = array<i32>} : memref<80x128xf32, #tpu.memory_space<vmem>>, vector<16xf32>,
        %get3A_724 = arith.index_cast %add3A_673 : i32 to index
        %get3A_725 = arith.constant 96 : index
        %get3A_726 = tpu.vector_load %arg10[%get3A_724, %get3A_725] {strides = array<i32>} : memref<80x128xf32, #tpu.memory_space<vmem>>, vector<16xf32>,
        %mul3A_727 = arith.mulf %get3A_723, %get3A_726 : vector<16xf32>
        %add3A_728 = arith.addf %add3A_720, %mul3A_727 : vector<16xf32>
        %get3A_729 = arith.index_cast %add3A_673 : i32 to index
        %get3A_730 = arith.constant 112 : index
        %get3A_731 = tpu.vector_load %arg9[%get3A_729, %get3A_730] {strides = array<i32>} : memref<80x128xf32, #tpu.memory_space<vmem>>, vector<16xf32>,
        %get3A_732 = arith.index_cast %add3A_673 : i32 to index
        %get3A_733 = arith.constant 112 : index
        %get3A_734 = tpu.vector_load %arg10[%get3A_732, %get3A_733] {strides = array<i32>} : memref<80x128xf32, #tpu.memory_space<vmem>>, vector<16xf32>,
        %mul3A_735 = arith.mulf %get3A_731, %get3A_734 : vector<16xf32>
        %add3A_736 = arith.addf %add3A_728, %mul3A_735 : vector<16xf32>
        %broadcast_in_dim3A_737 = arith.constant true
        %broadcast_in_dim3A_738 = vector.broadcast %broadcast_in_dim3A_737 : i1 to vector<16xi1>
        %masked_cumsum3A_739 = tpu.scan <sum>, %add3A_736 masked %broadcast_in_dim3A_738 : vector<16xf32>, vector<16xi1> -> vector<16xf32>
        %swap3A_740 = arith.constant 8 : index
        %swap3A_741 = tpu.vector_load %arg14[%swap3A_740] masked %eq3A_2 {strides = array<i32>} : memref<32xf32, #tpu.memory_space<vmem>>, vector<16xf32>, vector<16xi1>
        tpu.vector_store %arg14[%swap3A_740], %masked_cumsum3A_739 masked %eq3A_2 {strides = array<i32>} : memref<32xf32, #tpu.memory_space<vmem>>, vector<16xf32>, vector<16xi1>
        %add3A_742 = arith.constant 9 : i32
        %add3A_743 = arith.addi %mul3A_115, %add3A_742 : i32
        %get3A_744 = arith.index_cast %add3A_743 : i32 to index
        %get3A_745 = arith.constant 0 : index
        %get3A_746 = tpu.vector_load %arg9[%get3A_744, %get3A_745] {strides = array<i32>} : memref<80x128xf32, #tpu.memory_space<vmem>>, vector<16xf32>,
        %get3A_747 = arith.index_cast %add3A_743 : i32 to index
        %get3A_748 = arith.constant 0 : index
        %get3A_749 = tpu.vector_load %arg10[%get3A_747, %get3A_748] {strides = array<i32>} : memref<80x128xf32, #tpu.memory_space<vmem>>, vector<16xf32>,
        %mul3A_750 = arith.mulf %get3A_746, %get3A_749 : vector<16xf32>
        %get3A_751 = arith.index_cast %add3A_743 : i32 to index
        %get3A_752 = arith.constant 16 : index
        %get3A_753 = tpu.vector_load %arg9[%get3A_751, %get3A_752] {strides = array<i32>} : memref<80x128xf32, #tpu.memory_space<vmem>>, vector<16xf32>,
        %get3A_754 = arith.index_cast %add3A_743 : i32 to index
        %get3A_755 = arith.constant 16 : index
        %get3A_756 = tpu.vector_load %arg10[%get3A_754, %get3A_755] {strides = array<i32>} : memref<80x128xf32, #tpu.memory_space<vmem>>, vector<16xf32>,
        %mul3A_757 = arith.mulf %get3A_753, %get3A_756 : vector<16xf32>
        %add3A_758 = arith.addf %mul3A_750, %mul3A_757 : vector<16xf32>
        %get3A_759 = arith.index_cast %add3A_743 : i32 to index
        %get3A_760 = arith.constant 32 : index
        %get3A_761 = tpu.vector_load %arg9[%get3A_759, %get3A_760] {strides = array<i32>} : memref<80x128xf32, #tpu.memory_space<vmem>>, vector<16xf32>,
        %get3A_762 = arith.index_cast %add3A_743 : i32 to index
        %get3A_763 = arith.constant 32 : index
        %get3A_764 = tpu.vector_load %arg10[%get3A_762, %get3A_763] {strides = array<i32>} : memref<80x128xf32, #tpu.memory_space<vmem>>, vector<16xf32>,
        %mul3A_765 = arith.mulf %get3A_761, %get3A_764 : vector<16xf32>
        %add3A_766 = arith.addf %add3A_758, %mul3A_765 : vector<16xf32>
        %get3A_767 = arith.index_cast %add3A_743 : i32 to index
        %get3A_768 = arith.constant 48 : index
        %get3A_769 = tpu.vector_load %arg9[%get3A_767, %get3A_768] {strides = array<i32>} : memref<80x128xf32, #tpu.memory_space<vmem>>, vector<16xf32>,
        %get3A_770 = arith.index_cast %add3A_743 : i32 to index
        %get3A_771 = arith.constant 48 : index
        %get3A_772 = tpu.vector_load %arg10[%get3A_770, %get3A_771] {strides = array<i32>} : memref<80x128xf32, #tpu.memory_space<vmem>>, vector<16xf32>,
        %mul3A_773 = arith.mulf %get3A_769, %get3A_772 : vector<16xf32>
        %add3A_774 = arith.addf %add3A_766, %mul3A_773 : vector<16xf32>
        %get3A_775 = arith.index_cast %add3A_743 : i32 to index
        %get3A_776 = arith.constant 64 : index
        %get3A_777 = tpu.vector_load %arg9[%get3A_775, %get3A_776] {strides = array<i32>} : memref<80x128xf32, #tpu.memory_space<vmem>>, vector<16xf32>,
        %get3A_778 = arith.index_cast %add3A_743 : i32 to index
        %get3A_779 = arith.constant 64 : index
        %get3A_780 = tpu.vector_load %arg10[%get3A_778, %get3A_779] {strides = array<i32>} : memref<80x128xf32, #tpu.memory_space<vmem>>, vector<16xf32>,
        %mul3A_781 = arith.mulf %get3A_777, %get3A_780 : vector<16xf32>
        %add3A_782 = arith.addf %add3A_774, %mul3A_781 : vector<16xf32>
        %get3A_783 = arith.index_cast %add3A_743 : i32 to index
        %get3A_784 = arith.constant 80 : index
        %get3A_785 = tpu.vector_load %arg9[%get3A_783, %get3A_784] {strides = array<i32>} : memref<80x128xf32, #tpu.memory_space<vmem>>, vector<16xf32>,
        %get3A_786 = arith.index_cast %add3A_743 : i32 to index
        %get3A_787 = arith.constant 80 : index
        %get3A_788 = tpu.vector_load %arg10[%get3A_786, %get3A_787] {strides = array<i32>} : memref<80x128xf32, #tpu.memory_space<vmem>>, vector<16xf32>,
        %mul3A_789 = arith.mulf %get3A_785, %get3A_788 : vector<16xf32>
        %add3A_790 = arith.addf %add3A_782, %mul3A_789 : vector<16xf32>
        %get3A_791 = arith.index_cast %add3A_743 : i32 to index
        %get3A_792 = arith.constant 96 : index
        %get3A_793 = tpu.vector_load %arg9[%get3A_791, %get3A_792] {strides = array<i32>} : memref<80x128xf32, #tpu.memory_space<vmem>>, vector<16xf32>,
        %get3A_794 = arith.index_cast %add3A_743 : i32 to index
        %get3A_795 = arith.constant 96 : index
        %get3A_796 = tpu.vector_load %arg10[%get3A_794, %get3A_795] {strides = array<i32>} : memref<80x128xf32, #tpu.memory_space<vmem>>, vector<16xf32>,
        %mul3A_797 = arith.mulf %get3A_793, %get3A_796 : vector<16xf32>
        %add3A_798 = arith.addf %add3A_790, %mul3A_797 : vector<16xf32>
        %get3A_799 = arith.index_cast %add3A_743 : i32 to index
        %get3A_800 = arith.constant 112 : index
        %get3A_801 = tpu.vector_load %arg9[%get3A_799, %get3A_800] {strides = array<i32>} : memref<80x128xf32, #tpu.memory_space<vmem>>, vector<16xf32>,
        %get3A_802 = arith.index_cast %add3A_743 : i32 to index
        %get3A_803 = arith.constant 112 : index
        %get3A_804 = tpu.vector_load %arg10[%get3A_802, %get3A_803] {strides = array<i32>} : memref<80x128xf32, #tpu.memory_space<vmem>>, vector<16xf32>,
        %mul3A_805 = arith.mulf %get3A_801, %get3A_804 : vector<16xf32>
        %add3A_806 = arith.addf %add3A_798, %mul3A_805 : vector<16xf32>
        %broadcast_in_dim3A_807 = arith.constant true
        %broadcast_in_dim3A_808 = vector.broadcast %broadcast_in_dim3A_807 : i1 to vector<16xi1>
        %masked_cumsum3A_809 = tpu.scan <sum>, %add3A_806 masked %broadcast_in_dim3A_808 : vector<16xf32>, vector<16xi1> -> vector<16xf32>
        %swap3A_810 = arith.constant 9 : index
        %swap3A_811 = tpu.vector_load %arg14[%swap3A_810] masked %eq3A_2 {strides = array<i32>} : memref<32xf32, #tpu.memory_space<vmem>>, vector<16xf32>, vector<16xi1>
        tpu.vector_store %arg14[%swap3A_810], %masked_cumsum3A_809 masked %eq3A_2 {strides = array<i32>} : memref<32xf32, #tpu.memory_space<vmem>>, vector<16xf32>, vector<16xi1>
        %add3A_812 = arith.constant 10 : i32
        %add3A_813 = arith.addi %mul3A_115, %add3A_812 : i32
        %get3A_814 = arith.index_cast %add3A_813 : i32 to index
        %get3A_815 = arith.constant 0 : index
        %get3A_816 = tpu.vector_load %arg9[%get3A_814, %get3A_815] {strides = array<i32>} : memref<80x128xf32, #tpu.memory_space<vmem>>, vector<16xf32>,
        %get3A_817 = arith.index_cast %add3A_813 : i32 to index
        %get3A_818 = arith.constant 0 : index
        %get3A_819 = tpu.vector_load %arg10[%get3A_817, %get3A_818] {strides = array<i32>} : memref<80x128xf32, #tpu.memory_space<vmem>>, vector<16xf32>,
        %mul3A_820 = arith.mulf %get3A_816, %get3A_819 : vector<16xf32>
        %get3A_821 = arith.index_cast %add3A_813 : i32 to index
        %get3A_822 = arith.constant 16 : index
        %get3A_823 = tpu.vector_load %arg9[%get3A_821, %get3A_822] {strides = array<i32>} : memref<80x128xf32, #tpu.memory_space<vmem>>, vector<16xf32>,
        %get3A_824 = arith.index_cast %add3A_813 : i32 to index
        %get3A_825 = arith.constant 16 : index
        %get3A_826 = tpu.vector_load %arg10[%get3A_824, %get3A_825] {strides = array<i32>} : memref<80x128xf32, #tpu.memory_space<vmem>>, vector<16xf32>,
        %mul3A_827 = arith.mulf %get3A_823, %get3A_826 : vector<16xf32>
        %add3A_828 = arith.addf %mul3A_820, %mul3A_827 : vector<16xf32>
        %get3A_829 = arith.index_cast %add3A_813 : i32 to index
        %get3A_830 = arith.constant 32 : index
        %get3A_831 = tpu.vector_load %arg9[%get3A_829, %get3A_830] {strides = array<i32>} : memref<80x128xf32, #tpu.memory_space<vmem>>, vector<16xf32>,
        %get3A_832 = arith.index_cast %add3A_813 : i32 to index
        %get3A_833 = arith.constant 32 : index
        %get3A_834 = tpu.vector_load %arg10[%get3A_832, %get3A_833] {strides = array<i32>} : memref<80x128xf32, #tpu.memory_space<vmem>>, vector<16xf32>,
        %mul3A_835 = arith.mulf %get3A_831, %get3A_834 : vector<16xf32>
        %add3A_836 = arith.addf %add3A_828, %mul3A_835 : vector<16xf32>
        %get3A_837 = arith.index_cast %add3A_813 : i32 to index
        %get3A_838 = arith.constant 48 : index
        %get3A_839 = tpu.vector_load %arg9[%get3A_837, %get3A_838] {strides = array<i32>} : memref<80x128xf32, #tpu.memory_space<vmem>>, vector<16xf32>,
        %get3A_840 = arith.index_cast %add3A_813 : i32 to index
        %get3A_841 = arith.constant 48 : index
        %get3A_842 = tpu.vector_load %arg10[%get3A_840, %get3A_841] {strides = array<i32>} : memref<80x128xf32, #tpu.memory_space<vmem>>, vector<16xf32>,
        %mul3A_843 = arith.mulf %get3A_839, %get3A_842 : vector<16xf32>
        %add3A_844 = arith.addf %add3A_836, %mul3A_843 : vector<16xf32>
        %get3A_845 = arith.index_cast %add3A_813 : i32 to index
        %get3A_846 = arith.constant 64 : index
        %get3A_847 = tpu.vector_load %arg9[%get3A_845, %get3A_846] {strides = array<i32>} : memref<80x128xf32, #tpu.memory_space<vmem>>, vector<16xf32>,
        %get3A_848 = arith.index_cast %add3A_813 : i32 to index
        %get3A_849 = arith.constant 64 : index
        %get3A_850 = tpu.vector_load %arg10[%get3A_848, %get3A_849] {strides = array<i32>} : memref<80x128xf32, #tpu.memory_space<vmem>>, vector<16xf32>,
        %mul3A_851 = arith.mulf %get3A_847, %get3A_850 : vector<16xf32>
        %add3A_852 = arith.addf %add3A_844, %mul3A_851 : vector<16xf32>
        %get3A_853 = arith.index_cast %add3A_813 : i32 to index
        %get3A_854 = arith.constant 80 : index
        %get3A_855 = tpu.vector_load %arg9[%get3A_853, %get3A_854] {strides = array<i32>} : memref<80x128xf32, #tpu.memory_space<vmem>>, vector<16xf32>,
        %get3A_856 = arith.index_cast %add3A_813 : i32 to index
        %get3A_857 = arith.constant 80 : index
        %get3A_858 = tpu.vector_load %arg10[%get3A_856, %get3A_857] {strides = array<i32>} : memref<80x128xf32, #tpu.memory_space<vmem>>, vector<16xf32>,
        %mul3A_859 = arith.mulf %get3A_855, %get3A_858 : vector<16xf32>
        %add3A_860 = arith.addf %add3A_852, %mul3A_859 : vector<16xf32>
        %get3A_861 = arith.index_cast %add3A_813 : i32 to index
        %get3A_862 = arith.constant 96 : index
        %get3A_863 = tpu.vector_load %arg9[%get3A_861, %get3A_862] {strides = array<i32>} : memref<80x128xf32, #tpu.memory_space<vmem>>, vector<16xf32>,
        %get3A_864 = arith.index_cast %add3A_813 : i32 to index
        %get3A_865 = arith.constant 96 : index
        %get3A_866 = tpu.vector_load %arg10[%get3A_864, %get3A_865] {strides = array<i32>} : memref<80x128xf32, #tpu.memory_space<vmem>>, vector<16xf32>,
        %mul3A_867 = arith.mulf %get3A_863, %get3A_866 : vector<16xf32>
        %add3A_868 = arith.addf %add3A_860, %mul3A_867 : vector<16xf32>
        %get3A_869 = arith.index_cast %add3A_813 : i32 to index
        %get3A_870 = arith.constant 112 : index
        %get3A_871 = tpu.vector_load %arg9[%get3A_869, %get3A_870] {strides = array<i32>} : memref<80x128xf32, #tpu.memory_space<vmem>>, vector<16xf32>,
        %get3A_872 = arith.index_cast %add3A_813 : i32 to index
        %get3A_873 = arith.constant 112 : index
        %get3A_874 = tpu.vector_load %arg10[%get3A_872, %get3A_873] {strides = array<i32>} : memref<80x128xf32, #tpu.memory_space<vmem>>, vector<16xf32>,
        %mul3A_875 = arith.mulf %get3A_871, %get3A_874 : vector<16xf32>
        %add3A_876 = arith.addf %add3A_868, %mul3A_875 : vector<16xf32>
        %broadcast_in_dim3A_877 = arith.constant true
        %broadcast_in_dim3A_878 = vector.broadcast %broadcast_in_dim3A_877 : i1 to vector<16xi1>
        %masked_cumsum3A_879 = tpu.scan <sum>, %add3A_876 masked %broadcast_in_dim3A_878 : vector<16xf32>, vector<16xi1> -> vector<16xf32>
        %swap3A_880 = arith.constant 10 : index
        %swap3A_881 = tpu.vector_load %arg14[%swap3A_880] masked %eq3A_2 {strides = array<i32>} : memref<32xf32, #tpu.memory_space<vmem>>, vector<16xf32>, vector<16xi1>
        tpu.vector_store %arg14[%swap3A_880], %masked_cumsum3A_879 masked %eq3A_2 {strides = array<i32>} : memref<32xf32, #tpu.memory_space<vmem>>, vector<16xf32>, vector<16xi1>
        %add3A_882 = arith.constant 11 : i32
        %add3A_883 = arith.addi %mul3A_115, %add3A_882 : i32
        %get3A_884 = arith.index_cast %add3A_883 : i32 to index
        %get3A_885 = arith.constant 0 : index
        %get3A_886 = tpu.vector_load %arg9[%get3A_884, %get3A_885] {strides = array<i32>} : memref<80x128xf32, #tpu.memory_space<vmem>>, vector<16xf32>,
        %get3A_887 = arith.index_cast %add3A_883 : i32 to index
        %get3A_888 = arith.constant 0 : index
        %get3A_889 = tpu.vector_load %arg10[%get3A_887, %get3A_888] {strides = array<i32>} : memref<80x128xf32, #tpu.memory_space<vmem>>, vector<16xf32>,
        %mul3A_890 = arith.mulf %get3A_886, %get3A_889 : vector<16xf32>
        %get3A_891 = arith.index_cast %add3A_883 : i32 to index
        %get3A_892 = arith.constant 16 : index
        %get3A_893 = tpu.vector_load %arg9[%get3A_891, %get3A_892] {strides = array<i32>} : memref<80x128xf32, #tpu.memory_space<vmem>>, vector<16xf32>,
        %get3A_894 = arith.index_cast %add3A_883 : i32 to index
        %get3A_895 = arith.constant 16 : index
        %get3A_896 = tpu.vector_load %arg10[%get3A_894, %get3A_895] {strides = array<i32>} : memref<80x128xf32, #tpu.memory_space<vmem>>, vector<16xf32>,
        %mul3A_897 = arith.mulf %get3A_893, %get3A_896 : vector<16xf32>
        %add3A_898 = arith.addf %mul3A_890, %mul3A_897 : vector<16xf32>
        %get3A_899 = arith.index_cast %add3A_883 : i32 to index
        %get3A_900 = arith.constant 32 : index
        %get3A_901 = tpu.vector_load %arg9[%get3A_899, %get3A_900] {strides = array<i32>} : memref<80x128xf32, #tpu.memory_space<vmem>>, vector<16xf32>,
        %get3A_902 = arith.index_cast %add3A_883 : i32 to index
        %get3A_903 = arith.constant 32 : index
        %get3A_904 = tpu.vector_load %arg10[%get3A_902, %get3A_903] {strides = array<i32>} : memref<80x128xf32, #tpu.memory_space<vmem>>, vector<16xf32>,
        %mul3A_905 = arith.mulf %get3A_901, %get3A_904 : vector<16xf32>
        %add3A_906 = arith.addf %add3A_898, %mul3A_905 : vector<16xf32>
        %get3A_907 = arith.index_cast %add3A_883 : i32 to index
        %get3A_908 = arith.constant 48 : index
        %get3A_909 = tpu.vector_load %arg9[%get3A_907, %get3A_908] {strides = array<i32>} : memref<80x128xf32, #tpu.memory_space<vmem>>, vector<16xf32>,
        %get3A_910 = arith.index_cast %add3A_883 : i32 to index
        %get3A_911 = arith.constant 48 : index
        %get3A_912 = tpu.vector_load %arg10[%get3A_910, %get3A_911] {strides = array<i32>} : memref<80x128xf32, #tpu.memory_space<vmem>>, vector<16xf32>,
        %mul3A_913 = arith.mulf %get3A_909, %get3A_912 : vector<16xf32>
        %add3A_914 = arith.addf %add3A_906, %mul3A_913 : vector<16xf32>
        %get3A_915 = arith.index_cast %add3A_883 : i32 to index
        %get3A_916 = arith.constant 64 : index
        %get3A_917 = tpu.vector_load %arg9[%get3A_915, %get3A_916] {strides = array<i32>} : memref<80x128xf32, #tpu.memory_space<vmem>>, vector<16xf32>,
        %get3A_918 = arith.index_cast %add3A_883 : i32 to index
        %get3A_919 = arith.constant 64 : index
        %get3A_920 = tpu.vector_load %arg10[%get3A_918, %get3A_919] {strides = array<i32>} : memref<80x128xf32, #tpu.memory_space<vmem>>, vector<16xf32>,
        %mul3A_921 = arith.mulf %get3A_917, %get3A_920 : vector<16xf32>
        %add3A_922 = arith.addf %add3A_914, %mul3A_921 : vector<16xf32>
        %get3A_923 = arith.index_cast %add3A_883 : i32 to index
        %get3A_924 = arith.constant 80 : index
        %get3A_925 = tpu.vector_load %arg9[%get3A_923, %get3A_924] {strides = array<i32>} : memref<80x128xf32, #tpu.memory_space<vmem>>, vector<16xf32>,
        %get3A_926 = arith.index_cast %add3A_883 : i32 to index
        %get3A_927 = arith.constant 80 : index
        %get3A_928 = tpu.vector_load %arg10[%get3A_926, %get3A_927] {strides = array<i32>} : memref<80x128xf32, #tpu.memory_space<vmem>>, vector<16xf32>,
        %mul3A_929 = arith.mulf %get3A_925, %get3A_928 : vector<16xf32>
        %add3A_930 = arith.addf %add3A_922, %mul3A_929 : vector<16xf32>
        %get3A_931 = arith.index_cast %add3A_883 : i32 to index
        %get3A_932 = arith.constant 96 : index
        %get3A_933 = tpu.vector_load %arg9[%get3A_931, %get3A_932] {strides = array<i32>} : memref<80x128xf32, #tpu.memory_space<vmem>>, vector<16xf32>,
        %get3A_934 = arith.index_cast %add3A_883 : i32 to index
        %get3A_935 = arith.constant 96 : index
        %get3A_936 = tpu.vector_load %arg10[%get3A_934, %get3A_935] {strides = array<i32>} : memref<80x128xf32, #tpu.memory_space<vmem>>, vector<16xf32>,
        %mul3A_937 = arith.mulf %get3A_933, %get3A_936 : vector<16xf32>
        %add3A_938 = arith.addf %add3A_930, %mul3A_937 : vector<16xf32>
        %get3A_939 = arith.index_cast %add3A_883 : i32 to index
        %get3A_940 = arith.constant 112 : index
        %get3A_941 = tpu.vector_load %arg9[%get3A_939, %get3A_940] {strides = array<i32>} : memref<80x128xf32, #tpu.memory_space<vmem>>, vector<16xf32>,
        %get3A_942 = arith.index_cast %add3A_883 : i32 to index
        %get3A_943 = arith.constant 112 : index
        %get3A_944 = tpu.vector_load %arg10[%get3A_942, %get3A_943] {strides = array<i32>} : memref<80x128xf32, #tpu.memory_space<vmem>>, vector<16xf32>,
        %mul3A_945 = arith.mulf %get3A_941, %get3A_944 : vector<16xf32>
        %add3A_946 = arith.addf %add3A_938, %mul3A_945 : vector<16xf32>
        %broadcast_in_dim3A_947 = arith.constant true
        %broadcast_in_dim3A_948 = vector.broadcast %broadcast_in_dim3A_947 : i1 to vector<16xi1>
        %masked_cumsum3A_949 = tpu.scan <sum>, %add3A_946 masked %broadcast_in_dim3A_948 : vector<16xf32>, vector<16xi1> -> vector<16xf32>
        %swap3A_950 = arith.constant 11 : index
        %swap3A_951 = tpu.vector_load %arg14[%swap3A_950] masked %eq3A_2 {strides = array<i32>} : memref<32xf32, #tpu.memory_space<vmem>>, vector<16xf32>, vector<16xi1>
        tpu.vector_store %arg14[%swap3A_950], %masked_cumsum3A_949 masked %eq3A_2 {strides = array<i32>} : memref<32xf32, #tpu.memory_space<vmem>>, vector<16xf32>, vector<16xi1>
        %add3A_952 = arith.constant 12 : i32
        %add3A_953 = arith.addi %mul3A_115, %add3A_952 : i32
        %get3A_954 = arith.index_cast %add3A_953 : i32 to index
        %get3A_955 = arith.constant 0 : index
        %get3A_956 = tpu.vector_load %arg9[%get3A_954, %get3A_955] {strides = array<i32>} : memref<80x128xf32, #tpu.memory_space<vmem>>, vector<16xf32>,
        %get3A_957 = arith.index_cast %add3A_953 : i32 to index
        %get3A_958 = arith.constant 0 : index
        %get3A_959 = tpu.vector_load %arg10[%get3A_957, %get3A_958] {strides = array<i32>} : memref<80x128xf32, #tpu.memory_space<vmem>>, vector<16xf32>,
        %mul3A_960 = arith.mulf %get3A_956, %get3A_959 : vector<16xf32>
        %get3A_961 = arith.index_cast %add3A_953 : i32 to index
        %get3A_962 = arith.constant 16 : index
        %get3A_963 = tpu.vector_load %arg9[%get3A_961, %get3A_962] {strides = array<i32>} : memref<80x128xf32, #tpu.memory_space<vmem>>, vector<16xf32>,
        %get3A_964 = arith.index_cast %add3A_953 : i32 to index
        %get3A_965 = arith.constant 16 : index
        %get3A_966 = tpu.vector_load %arg10[%get3A_964, %get3A_965] {strides = array<i32>} : memref<80x128xf32, #tpu.memory_space<vmem>>, vector<16xf32>,
        %mul3A_967 = arith.mulf %get3A_963, %get3A_966 : vector<16xf32>
        %add3A_968 = arith.addf %mul3A_960, %mul3A_967 : vector<16xf32>
        %get3A_969 = arith.index_cast %add3A_953 : i32 to index
        %get3A_970 = arith.constant 32 : index
        %get3A_971 = tpu.vector_load %arg9[%get3A_969, %get3A_970] {strides = array<i32>} : memref<80x128xf32, #tpu.memory_space<vmem>>, vector<16xf32>,
        %get3A_972 = arith.index_cast %add3A_953 : i32 to index
        %get3A_973 = arith.constant 32 : index
        %get3A_974 = tpu.vector_load %arg10[%get3A_972, %get3A_973] {strides = array<i32>} : memref<80x128xf32, #tpu.memory_space<vmem>>, vector<16xf32>,
        %mul3A_975 = arith.mulf %get3A_971, %get3A_974 : vector<16xf32>
        %add3A_976 = arith.addf %add3A_968, %mul3A_975 : vector<16xf32>
        %get3A_977 = arith.index_cast %add3A_953 : i32 to index
        %get3A_978 = arith.constant 48 : index
        %get3A_979 = tpu.vector_load %arg9[%get3A_977, %get3A_978] {strides = array<i32>} : memref<80x128xf32, #tpu.memory_space<vmem>>, vector<16xf32>,
        %get3A_980 = arith.index_cast %add3A_953 : i32 to index
        %get3A_981 = arith.constant 48 : index
        %get3A_982 = tpu.vector_load %arg10[%get3A_980, %get3A_981] {strides = array<i32>} : memref<80x128xf32, #tpu.memory_space<vmem>>, vector<16xf32>,
        %mul3A_983 = arith.mulf %get3A_979, %get3A_982 : vector<16xf32>
        %add3A_984 = arith.addf %add3A_976, %mul3A_983 : vector<16xf32>
        %get3A_985 = arith.index_cast %add3A_953 : i32 to index
        %get3A_986 = arith.constant 64 : index
        %get3A_987 = tpu.vector_load %arg9[%get3A_985, %get3A_986] {strides = array<i32>} : memref<80x128xf32, #tpu.memory_space<vmem>>, vector<16xf32>,
        %get3A_988 = arith.index_cast %add3A_953 : i32 to index
        %get3A_989 = arith.constant 64 : index
        %get3A_990 = tpu.vector_load %arg10[%get3A_988, %get3A_989] {strides = array<i32>} : memref<80x128xf32, #tpu.memory_space<vmem>>, vector<16xf32>,
        %mul3A_991 = arith.mulf %get3A_987, %get3A_990 : vector<16xf32>
        %add3A_992 = arith.addf %add3A_984, %mul3A_991 : vector<16xf32>
        %get3A_993 = arith.index_cast %add3A_953 : i32 to index
        %get3A_994 = arith.constant 80 : index
        %get3A_995 = tpu.vector_load %arg9[%get3A_993, %get3A_994] {strides = array<i32>} : memref<80x128xf32, #tpu.memory_space<vmem>>, vector<16xf32>,
        %get3A_996 = arith.index_cast %add3A_953 : i32 to index
        %get3A_997 = arith.constant 80 : index
        %get3A_998 = tpu.vector_load %arg10[%get3A_996, %get3A_997] {strides = array<i32>} : memref<80x128xf32, #tpu.memory_space<vmem>>, vector<16xf32>,
        %mul3A_999 = arith.mulf %get3A_995, %get3A_998 : vector<16xf32>
        %add3A_1000 = arith.addf %add3A_992, %mul3A_999 : vector<16xf32>
        %get3A_1001 = arith.index_cast %add3A_953 : i32 to index
        %get3A_1002 = arith.constant 96 : index
        %get3A_1003 = tpu.vector_load %arg9[%get3A_1001, %get3A_1002] {strides = array<i32>} : memref<80x128xf32, #tpu.memory_space<vmem>>, vector<16xf32>,
        %get3A_1004 = arith.index_cast %add3A_953 : i32 to index
        %get3A_1005 = arith.constant 96 : index
        %get3A_1006 = tpu.vector_load %arg10[%get3A_1004, %get3A_1005] {strides = array<i32>} : memref<80x128xf32, #tpu.memory_space<vmem>>, vector<16xf32>,
        %mul3A_1007 = arith.mulf %get3A_1003, %get3A_1006 : vector<16xf32>
        %add3A_1008 = arith.addf %add3A_1000, %mul3A_1007 : vector<16xf32>
        %get3A_1009 = arith.index_cast %add3A_953 : i32 to index
        %get3A_1010 = arith.constant 112 : index
        %get3A_1011 = tpu.vector_load %arg9[%get3A_1009, %get3A_1010] {strides = array<i32>} : memref<80x128xf32, #tpu.memory_space<vmem>>, vector<16xf32>,
        %get3A_1012 = arith.index_cast %add3A_953 : i32 to index
        %get3A_1013 = arith.constant 112 : index
        %get3A_1014 = tpu.vector_load %arg10[%get3A_1012, %get3A_1013] {strides = array<i32>} : memref<80x128xf32, #tpu.memory_space<vmem>>, vector<16xf32>,
        %mul3A_1015 = arith.mulf %get3A_1011, %get3A_1014 : vector<16xf32>
        %add3A_1016 = arith.addf %add3A_1008, %mul3A_1015 : vector<16xf32>
        %broadcast_in_dim3A_1017 = arith.constant true
        %broadcast_in_dim3A_1018 = vector.broadcast %broadcast_in_dim3A_1017 : i1 to vector<16xi1>
        %masked_cumsum3A_1019 = tpu.scan <sum>, %add3A_1016 masked %broadcast_in_dim3A_1018 : vector<16xf32>, vector<16xi1> -> vector<16xf32>
        %swap3A_1020 = arith.constant 12 : index
        %swap3A_1021 = tpu.vector_load %arg14[%swap3A_1020] masked %eq3A_2 {strides = array<i32>} : memref<32xf32, #tpu.memory_space<vmem>>, vector<16xf32>, vector<16xi1>
        tpu.vector_store %arg14[%swap3A_1020], %masked_cumsum3A_1019 masked %eq3A_2 {strides = array<i32>} : memref<32xf32, #tpu.memory_space<vmem>>, vector<16xf32>, vector<16xi1>
        %add3A_1022 = arith.constant 13 : i32
        %add3A_1023 = arith.addi %mul3A_115, %add3A_1022 : i32
        %get3A_1024 = arith.index_cast %add3A_1023 : i32 to index
        %get3A_1025 = arith.constant 0 : index
        %get3A_1026 = tpu.vector_load %arg9[%get3A_1024, %get3A_1025] {strides = array<i32>} : memref<80x128xf32, #tpu.memory_space<vmem>>, vector<16xf32>,
        %get3A_1027 = arith.index_cast %add3A_1023 : i32 to index
        %get3A_1028 = arith.constant 0 : index
        %get3A_1029 = tpu.vector_load %arg10[%get3A_1027, %get3A_1028] {strides = array<i32>} : memref<80x128xf32, #tpu.memory_space<vmem>>, vector<16xf32>,
        %mul3A_1030 = arith.mulf %get3A_1026, %get3A_1029 : vector<16xf32>
        %get3A_1031 = arith.index_cast %add3A_1023 : i32 to index
        %get3A_1032 = arith.constant 16 : index
        %get3A_1033 = tpu.vector_load %arg9[%get3A_1031, %get3A_1032] {strides = array<i32>} : memref<80x128xf32, #tpu.memory_space<vmem>>, vector<16xf32>,
        %get3A_1034 = arith.index_cast %add3A_1023 : i32 to index
        %get3A_1035 = arith.constant 16 : index
        %get3A_1036 = tpu.vector_load %arg10[%get3A_1034, %get3A_1035] {strides = array<i32>} : memref<80x128xf32, #tpu.memory_space<vmem>>, vector<16xf32>,
        %mul3A_1037 = arith.mulf %get3A_1033, %get3A_1036 : vector<16xf32>
        %add3A_1038 = arith.addf %mul3A_1030, %mul3A_1037 : vector<16xf32>
        %get3A_1039 = arith.index_cast %add3A_1023 : i32 to index
        %get3A_1040 = arith.constant 32 : index
        %get3A_1041 = tpu.vector_load %arg9[%get3A_1039, %get3A_1040] {strides = array<i32>} : memref<80x128xf32, #tpu.memory_space<vmem>>, vector<16xf32>,
        %get3A_1042 = arith.index_cast %add3A_1023 : i32 to index
        %get3A_1043 = arith.constant 32 : index
        %get3A_1044 = tpu.vector_load %arg10[%get3A_1042, %get3A_1043] {strides = array<i32>} : memref<80x128xf32, #tpu.memory_space<vmem>>, vector<16xf32>,
        %mul3A_1045 = arith.mulf %get3A_1041, %get3A_1044 : vector<16xf32>
        %add3A_1046 = arith.addf %add3A_1038, %mul3A_1045 : vector<16xf32>
        %get3A_1047 = arith.index_cast %add3A_1023 : i32 to index
        %get3A_1048 = arith.constant 48 : index
        %get3A_1049 = tpu.vector_load %arg9[%get3A_1047, %get3A_1048] {strides = array<i32>} : memref<80x128xf32, #tpu.memory_space<vmem>>, vector<16xf32>,
        %get3A_1050 = arith.index_cast %add3A_1023 : i32 to index
        %get3A_1051 = arith.constant 48 : index
        %get3A_1052 = tpu.vector_load %arg10[%get3A_1050, %get3A_1051] {strides = array<i32>} : memref<80x128xf32, #tpu.memory_space<vmem>>, vector<16xf32>,
        %mul3A_1053 = arith.mulf %get3A_1049, %get3A_1052 : vector<16xf32>
        %add3A_1054 = arith.addf %add3A_1046, %mul3A_1053 : vector<16xf32>
        %get3A_1055 = arith.index_cast %add3A_1023 : i32 to index
        %get3A_1056 = arith.constant 64 : index
        %get3A_1057 = tpu.vector_load %arg9[%get3A_1055, %get3A_1056] {strides = array<i32>} : memref<80x128xf32, #tpu.memory_space<vmem>>, vector<16xf32>,
        %get3A_1058 = arith.index_cast %add3A_1023 : i32 to index
        %get3A_1059 = arith.constant 64 : index
        %get3A_1060 = tpu.vector_load %arg10[%get3A_1058, %get3A_1059] {strides = array<i32>} : memref<80x128xf32, #tpu.memory_space<vmem>>, vector<16xf32>,
        %mul3A_1061 = arith.mulf %get3A_1057, %get3A_1060 : vector<16xf32>
        %add3A_1062 = arith.addf %add3A_1054, %mul3A_1061 : vector<16xf32>
        %get3A_1063 = arith.index_cast %add3A_1023 : i32 to index
        %get3A_1064 = arith.constant 80 : index
        %get3A_1065 = tpu.vector_load %arg9[%get3A_1063, %get3A_1064] {strides = array<i32>} : memref<80x128xf32, #tpu.memory_space<vmem>>, vector<16xf32>,
        %get3A_1066 = arith.index_cast %add3A_1023 : i32 to index
        %get3A_1067 = arith.constant 80 : index
        %get3A_1068 = tpu.vector_load %arg10[%get3A_1066, %get3A_1067] {strides = array<i32>} : memref<80x128xf32, #tpu.memory_space<vmem>>, vector<16xf32>,
        %mul3A_1069 = arith.mulf %get3A_1065, %get3A_1068 : vector<16xf32>
        %add3A_1070 = arith.addf %add3A_1062, %mul3A_1069 : vector<16xf32>
        %get3A_1071 = arith.index_cast %add3A_1023 : i32 to index
        %get3A_1072 = arith.constant 96 : index
        %get3A_1073 = tpu.vector_load %arg9[%get3A_1071, %get3A_1072] {strides = array<i32>} : memref<80x128xf32, #tpu.memory_space<vmem>>, vector<16xf32>,
        %get3A_1074 = arith.index_cast %add3A_1023 : i32 to index
        %get3A_1075 = arith.constant 96 : index
        %get3A_1076 = tpu.vector_load %arg10[%get3A_1074, %get3A_1075] {strides = array<i32>} : memref<80x128xf32, #tpu.memory_space<vmem>>, vector<16xf32>,
        %mul3A_1077 = arith.mulf %get3A_1073, %get3A_1076 : vector<16xf32>
        %add3A_1078 = arith.addf %add3A_1070, %mul3A_1077 : vector<16xf32>
        %get3A_1079 = arith.index_cast %add3A_1023 : i32 to index
        %get3A_1080 = arith.constant 112 : index
        %get3A_1081 = tpu.vector_load %arg9[%get3A_1079, %get3A_1080] {strides = array<i32>} : memref<80x128xf32, #tpu.memory_space<vmem>>, vector<16xf32>,
        %get3A_1082 = arith.index_cast %add3A_1023 : i32 to index
        %get3A_1083 = arith.constant 112 : index
        %get3A_1084 = tpu.vector_load %arg10[%get3A_1082, %get3A_1083] {strides = array<i32>} : memref<80x128xf32, #tpu.memory_space<vmem>>, vector<16xf32>,
        %mul3A_1085 = arith.mulf %get3A_1081, %get3A_1084 : vector<16xf32>
        %add3A_1086 = arith.addf %add3A_1078, %mul3A_1085 : vector<16xf32>
        %broadcast_in_dim3A_1087 = arith.constant true
        %broadcast_in_dim3A_1088 = vector.broadcast %broadcast_in_dim3A_1087 : i1 to vector<16xi1>
        %masked_cumsum3A_1089 = tpu.scan <sum>, %add3A_1086 masked %broadcast_in_dim3A_1088 : vector<16xf32>, vector<16xi1> -> vector<16xf32>
        %swap3A_1090 = arith.constant 13 : index
        %swap3A_1091 = tpu.vector_load %arg14[%swap3A_1090] masked %eq3A_2 {strides = array<i32>} : memref<32xf32, #tpu.memory_space<vmem>>, vector<16xf32>, vector<16xi1>
        tpu.vector_store %arg14[%swap3A_1090], %masked_cumsum3A_1089 masked %eq3A_2 {strides = array<i32>} : memref<32xf32, #tpu.memory_space<vmem>>, vector<16xf32>, vector<16xi1>
        %add3A_1092 = arith.constant 14 : i32
        %add3A_1093 = arith.addi %mul3A_115, %add3A_1092 : i32
        %get3A_1094 = arith.index_cast %add3A_1093 : i32 to index
        %get3A_1095 = arith.constant 0 : index
        %get3A_1096 = tpu.vector_load %arg9[%get3A_1094, %get3A_1095] {strides = array<i32>} : memref<80x128xf32, #tpu.memory_space<vmem>>, vector<16xf32>,
        %get3A_1097 = arith.index_cast %add3A_1093 : i32 to index
        %get3A_1098 = arith.constant 0 : index
        %get3A_1099 = tpu.vector_load %arg10[%get3A_1097, %get3A_1098] {strides = array<i32>} : memref<80x128xf32, #tpu.memory_space<vmem>>, vector<16xf32>,
        %mul3A_1100 = arith.mulf %get3A_1096, %get3A_1099 : vector<16xf32>
        %get3A_1101 = arith.index_cast %add3A_1093 : i32 to index
        %get3A_1102 = arith.constant 16 : index
        %get3A_1103 = tpu.vector_load %arg9[%get3A_1101, %get3A_1102] {strides = array<i32>} : memref<80x128xf32, #tpu.memory_space<vmem>>, vector<16xf32>,
        %get3A_1104 = arith.index_cast %add3A_1093 : i32 to index
        %get3A_1105 = arith.constant 16 : index
        %get3A_1106 = tpu.vector_load %arg10[%get3A_1104, %get3A_1105] {strides = array<i32>} : memref<80x128xf32, #tpu.memory_space<vmem>>, vector<16xf32>,
        %mul3A_1107 = arith.mulf %get3A_1103, %get3A_1106 : vector<16xf32>
        %add3A_1108 = arith.addf %mul3A_1100, %mul3A_1107 : vector<16xf32>
        %get3A_1109 = arith.index_cast %add3A_1093 : i32 to index
        %get3A_1110 = arith.constant 32 : index
        %get3A_1111 = tpu.vector_load %arg9[%get3A_1109, %get3A_1110] {strides = array<i32>} : memref<80x128xf32, #tpu.memory_space<vmem>>, vector<16xf32>,
        %get3A_1112 = arith.index_cast %add3A_1093 : i32 to index
        %get3A_1113 = arith.constant 32 : index
        %get3A_1114 = tpu.vector_load %arg10[%get3A_1112, %get3A_1113] {strides = array<i32>} : memref<80x128xf32, #tpu.memory_space<vmem>>, vector<16xf32>,
        %mul3A_1115 = arith.mulf %get3A_1111, %get3A_1114 : vector<16xf32>
        %add3A_1116 = arith.addf %add3A_1108, %mul3A_1115 : vector<16xf32>
        %get3A_1117 = arith.index_cast %add3A_1093 : i32 to index
        %get3A_1118 = arith.constant 48 : index
        %get3A_1119 = tpu.vector_load %arg9[%get3A_1117, %get3A_1118] {strides = array<i32>} : memref<80x128xf32, #tpu.memory_space<vmem>>, vector<16xf32>,
        %get3A_1120 = arith.index_cast %add3A_1093 : i32 to index
        %get3A_1121 = arith.constant 48 : index
        %get3A_1122 = tpu.vector_load %arg10[%get3A_1120, %get3A_1121] {strides = array<i32>} : memref<80x128xf32, #tpu.memory_space<vmem>>, vector<16xf32>,
        %mul3A_1123 = arith.mulf %get3A_1119, %get3A_1122 : vector<16xf32>
        %add3A_1124 = arith.addf %add3A_1116, %mul3A_1123 : vector<16xf32>
        %get3A_1125 = arith.index_cast %add3A_1093 : i32 to index
        %get3A_1126 = arith.constant 64 : index
        %get3A_1127 = tpu.vector_load %arg9[%get3A_1125, %get3A_1126] {strides = array<i32>} : memref<80x128xf32, #tpu.memory_space<vmem>>, vector<16xf32>,
        %get3A_1128 = arith.index_cast %add3A_1093 : i32 to index
        %get3A_1129 = arith.constant 64 : index
        %get3A_1130 = tpu.vector_load %arg10[%get3A_1128, %get3A_1129] {strides = array<i32>} : memref<80x128xf32, #tpu.memory_space<vmem>>, vector<16xf32>,
        %mul3A_1131 = arith.mulf %get3A_1127, %get3A_1130 : vector<16xf32>
        %add3A_1132 = arith.addf %add3A_1124, %mul3A_1131 : vector<16xf32>
        %get3A_1133 = arith.index_cast %add3A_1093 : i32 to index
        %get3A_1134 = arith.constant 80 : index
        %get3A_1135 = tpu.vector_load %arg9[%get3A_1133, %get3A_1134] {strides = array<i32>} : memref<80x128xf32, #tpu.memory_space<vmem>>, vector<16xf32>,
        %get3A_1136 = arith.index_cast %add3A_1093 : i32 to index
        %get3A_1137 = arith.constant 80 : index
        %get3A_1138 = tpu.vector_load %arg10[%get3A_1136, %get3A_1137] {strides = array<i32>} : memref<80x128xf32, #tpu.memory_space<vmem>>, vector<16xf32>,
        %mul3A_1139 = arith.mulf %get3A_1135, %get3A_1138 : vector<16xf32>
        %add3A_1140 = arith.addf %add3A_1132, %mul3A_1139 : vector<16xf32>
        %get3A_1141 = arith.index_cast %add3A_1093 : i32 to index
        %get3A_1142 = arith.constant 96 : index
        %get3A_1143 = tpu.vector_load %arg9[%get3A_1141, %get3A_1142] {strides = array<i32>} : memref<80x128xf32, #tpu.memory_space<vmem>>, vector<16xf32>,
        %get3A_1144 = arith.index_cast %add3A_1093 : i32 to index
        %get3A_1145 = arith.constant 96 : index
        %get3A_1146 = tpu.vector_load %arg10[%get3A_1144, %get3A_1145] {strides = array<i32>} : memref<80x128xf32, #tpu.memory_space<vmem>>, vector<16xf32>,
        %mul3A_1147 = arith.mulf %get3A_1143, %get3A_1146 : vector<16xf32>
        %add3A_1148 = arith.addf %add3A_1140, %mul3A_1147 : vector<16xf32>
        %get3A_1149 = arith.index_cast %add3A_1093 : i32 to index
        %get3A_1150 = arith.constant 112 : index
        %get3A_1151 = tpu.vector_load %arg9[%get3A_1149, %get3A_1150] {strides = array<i32>} : memref<80x128xf32, #tpu.memory_space<vmem>>, vector<16xf32>,
        %get3A_1152 = arith.index_cast %add3A_1093 : i32 to index
        %get3A_1153 = arith.constant 112 : index
        %get3A_1154 = tpu.vector_load %arg10[%get3A_1152, %get3A_1153] {strides = array<i32>} : memref<80x128xf32, #tpu.memory_space<vmem>>, vector<16xf32>,
        %mul3A_1155 = arith.mulf %get3A_1151, %get3A_1154 : vector<16xf32>
        %add3A_1156 = arith.addf %add3A_1148, %mul3A_1155 : vector<16xf32>
        %broadcast_in_dim3A_1157 = arith.constant true
        %broadcast_in_dim3A_1158 = vector.broadcast %broadcast_in_dim3A_1157 : i1 to vector<16xi1>
        %masked_cumsum3A_1159 = tpu.scan <sum>, %add3A_1156 masked %broadcast_in_dim3A_1158 : vector<16xf32>, vector<16xi1> -> vector<16xf32>
        %swap3A_1160 = arith.constant 14 : index
        %swap3A_1161 = tpu.vector_load %arg14[%swap3A_1160] masked %eq3A_2 {strides = array<i32>} : memref<32xf32, #tpu.memory_space<vmem>>, vector<16xf32>, vector<16xi1>
        tpu.vector_store %arg14[%swap3A_1160], %masked_cumsum3A_1159 masked %eq3A_2 {strides = array<i32>} : memref<32xf32, #tpu.memory_space<vmem>>, vector<16xf32>, vector<16xi1>
        %add3A_1162 = arith.constant 15 : i32
        %add3A_1163 = arith.addi %mul3A_115, %add3A_1162 : i32
        %get3A_1164 = arith.index_cast %add3A_1163 : i32 to index
        %get3A_1165 = arith.constant 0 : index
        %get3A_1166 = tpu.vector_load %arg9[%get3A_1164, %get3A_1165] {strides = array<i32>} : memref<80x128xf32, #tpu.memory_space<vmem>>, vector<16xf32>,
        %get3A_1167 = arith.index_cast %add3A_1163 : i32 to index
        %get3A_1168 = arith.constant 0 : index
        %get3A_1169 = tpu.vector_load %arg10[%get3A_1167, %get3A_1168] {strides = array<i32>} : memref<80x128xf32, #tpu.memory_space<vmem>>, vector<16xf32>,
        %mul3A_1170 = arith.mulf %get3A_1166, %get3A_1169 : vector<16xf32>
        %get3A_1171 = arith.index_cast %add3A_1163 : i32 to index
        %get3A_1172 = arith.constant 16 : index
        %get3A_1173 = tpu.vector_load %arg9[%get3A_1171, %get3A_1172] {strides = array<i32>} : memref<80x128xf32, #tpu.memory_space<vmem>>, vector<16xf32>,
        %get3A_1174 = arith.index_cast %add3A_1163 : i32 to index
        %get3A_1175 = arith.constant 16 : index
        %get3A_1176 = tpu.vector_load %arg10[%get3A_1174, %get3A_1175] {strides = array<i32>} : memref<80x128xf32, #tpu.memory_space<vmem>>, vector<16xf32>,
        %mul3A_1177 = arith.mulf %get3A_1173, %get3A_1176 : vector<16xf32>
        %add3A_1178 = arith.addf %mul3A_1170, %mul3A_1177 : vector<16xf32>
        %get3A_1179 = arith.index_cast %add3A_1163 : i32 to index
        %get3A_1180 = arith.constant 32 : index
        %get3A_1181 = tpu.vector_load %arg9[%get3A_1179, %get3A_1180] {strides = array<i32>} : memref<80x128xf32, #tpu.memory_space<vmem>>, vector<16xf32>,
        %get3A_1182 = arith.index_cast %add3A_1163 : i32 to index
        %get3A_1183 = arith.constant 32 : index
        %get3A_1184 = tpu.vector_load %arg10[%get3A_1182, %get3A_1183] {strides = array<i32>} : memref<80x128xf32, #tpu.memory_space<vmem>>, vector<16xf32>,
        %mul3A_1185 = arith.mulf %get3A_1181, %get3A_1184 : vector<16xf32>
        %add3A_1186 = arith.addf %add3A_1178, %mul3A_1185 : vector<16xf32>
        %get3A_1187 = arith.index_cast %add3A_1163 : i32 to index
        %get3A_1188 = arith.constant 48 : index
        %get3A_1189 = tpu.vector_load %arg9[%get3A_1187, %get3A_1188] {strides = array<i32>} : memref<80x128xf32, #tpu.memory_space<vmem>>, vector<16xf32>,
        %get3A_1190 = arith.index_cast %add3A_1163 : i32 to index
        %get3A_1191 = arith.constant 48 : index
        %get3A_1192 = tpu.vector_load %arg10[%get3A_1190, %get3A_1191] {strides = array<i32>} : memref<80x128xf32, #tpu.memory_space<vmem>>, vector<16xf32>,
        %mul3A_1193 = arith.mulf %get3A_1189, %get3A_1192 : vector<16xf32>
        %add3A_1194 = arith.addf %add3A_1186, %mul3A_1193 : vector<16xf32>
        %get3A_1195 = arith.index_cast %add3A_1163 : i32 to index
        %get3A_1196 = arith.constant 64 : index
        %get3A_1197 = tpu.vector_load %arg9[%get3A_1195, %get3A_1196] {strides = array<i32>} : memref<80x128xf32, #tpu.memory_space<vmem>>, vector<16xf32>,
        %get3A_1198 = arith.index_cast %add3A_1163 : i32 to index
        %get3A_1199 = arith.constant 64 : index
        %get3A_1200 = tpu.vector_load %arg10[%get3A_1198, %get3A_1199] {strides = array<i32>} : memref<80x128xf32, #tpu.memory_space<vmem>>, vector<16xf32>,
        %mul3A_1201 = arith.mulf %get3A_1197, %get3A_1200 : vector<16xf32>
        %add3A_1202 = arith.addf %add3A_1194, %mul3A_1201 : vector<16xf32>
        %get3A_1203 = arith.index_cast %add3A_1163 : i32 to index
        %get3A_1204 = arith.constant 80 : index
        %get3A_1205 = tpu.vector_load %arg9[%get3A_1203, %get3A_1204] {strides = array<i32>} : memref<80x128xf32, #tpu.memory_space<vmem>>, vector<16xf32>,
        %get3A_1206 = arith.index_cast %add3A_1163 : i32 to index
        %get3A_1207 = arith.constant 80 : index
        %get3A_1208 = tpu.vector_load %arg10[%get3A_1206, %get3A_1207] {strides = array<i32>} : memref<80x128xf32, #tpu.memory_space<vmem>>, vector<16xf32>,
        %mul3A_1209 = arith.mulf %get3A_1205, %get3A_1208 : vector<16xf32>
        %add3A_1210 = arith.addf %add3A_1202, %mul3A_1209 : vector<16xf32>
        %get3A_1211 = arith.index_cast %add3A_1163 : i32 to index
        %get3A_1212 = arith.constant 96 : index
        %get3A_1213 = tpu.vector_load %arg9[%get3A_1211, %get3A_1212] {strides = array<i32>} : memref<80x128xf32, #tpu.memory_space<vmem>>, vector<16xf32>,
        %get3A_1214 = arith.index_cast %add3A_1163 : i32 to index
        %get3A_1215 = arith.constant 96 : index
        %get3A_1216 = tpu.vector_load %arg10[%get3A_1214, %get3A_1215] {strides = array<i32>} : memref<80x128xf32, #tpu.memory_space<vmem>>, vector<16xf32>,
        %mul3A_1217 = arith.mulf %get3A_1213, %get3A_1216 : vector<16xf32>
        %add3A_1218 = arith.addf %add3A_1210, %mul3A_1217 : vector<16xf32>
        %get3A_1219 = arith.index_cast %add3A_1163 : i32 to index
        %get3A_1220 = arith.constant 112 : index
        %get3A_1221 = tpu.vector_load %arg9[%get3A_1219, %get3A_1220] {strides = array<i32>} : memref<80x128xf32, #tpu.memory_space<vmem>>, vector<16xf32>,
        %get3A_1222 = arith.index_cast %add3A_1163 : i32 to index
        %get3A_1223 = arith.constant 112 : index
        %get3A_1224 = tpu.vector_load %arg10[%get3A_1222, %get3A_1223] {strides = array<i32>} : memref<80x128xf32, #tpu.memory_space<vmem>>, vector<16xf32>,
        %mul3A_1225 = arith.mulf %get3A_1221, %get3A_1224 : vector<16xf32>
        %add3A_1226 = arith.addf %add3A_1218, %mul3A_1225 : vector<16xf32>
        %broadcast_in_dim3A_1227 = arith.constant true
        %broadcast_in_dim3A_1228 = vector.broadcast %broadcast_in_dim3A_1227 : i1 to vector<16xi1>
        %masked_cumsum3A_1229 = tpu.scan <sum>, %add3A_1226 masked %broadcast_in_dim3A_1228 : vector<16xf32>, vector<16xi1> -> vector<16xf32>
        %swap3A_1230 = arith.constant 15 : index
        %swap3A_1231 = tpu.vector_load %arg14[%swap3A_1230] masked %eq3A_2 {strides = array<i32>} : memref<32xf32, #tpu.memory_space<vmem>>, vector<16xf32>, vector<16xi1>
        tpu.vector_store %arg14[%swap3A_1230], %masked_cumsum3A_1229 masked %eq3A_2 {strides = array<i32>} : memref<32xf32, #tpu.memory_space<vmem>>, vector<16xf32>, vector<16xi1>
        %get3A_1232 = arith.constant 0 : index
        %get3A_1233 = tpu.vector_load %arg14[%get3A_1232] {strides = array<i32>} : memref<32xf32, #tpu.memory_space<vmem>>, vector<16xf32>,
        %neg3A = arith.constant 0.000000e+00 : f32
        %neg3A_1234 = vector.broadcast %neg3A : f32 to vector<16xf32>
        %neg3A_1235 = arith.subf %neg3A_1234, %get3A_1233 : vector<16xf32>
        %exp3A = math.exp %neg3A_1235 : vector<16xf32>
        %add3A_1236 = arith.constant 1.000000e+00 : f32
        %add3A_1237 = vector.broadcast %add3A_1236 : f32 to vector<16xf32>
        %add3A_1238 = arith.addf %add3A_1237, %exp3A : vector<16xf32>
        %div3A = arith.constant 1.000000e+00 : f32
        %div3A_1239 = vector.broadcast %div3A : f32 to vector<16xf32>
        %div3A_1240 = arith.divf %div3A_1239, %add3A_1238 : vector<16xf32>
        %mul3A_1241 = arith.constant 80 : i32
        %mul3A_1242 = arith.muli %mul3A_44, %mul3A_1241 : i32
        %add3A_1243 = arith.addi %mul3A_1242, %mul3A_115 : i32
        %swap3A_1244 = arith.index_cast %add3A_1243 : i32 to index
        %swap3A_1245 = tpu.vector_load %arg13[%swap3A_1244] {strides = array<i32>} : memref<10000xf32, #tpu.memory_space<vmem>>, vector<16xf32>,
        tpu.vector_store %arg13[%swap3A_1244], %div3A_1240 {strides = array<i32>} : memref<10000xf32, #tpu.memory_space<vmem>>, vector<16xf32>,
      }
      %scan3A_76 = arith.constant 5 : i32
      %add3A_77 = arith.constant 2 : i32
      %add3A_78 = arith.addi %mul3A_44, %add3A_77 : i32
      %dma_start3A_79 = arith.constant 0 : i32
      %dma_start3A_80 = tpu.memref_slice %arg7[%add3A_78, %dma_start3A_79] : memref<125x80xi32, #tpu.memory_space<vmem>> -> memref<1x80xi32, #tpu.memory_space<vmem>>
      %dma_start3A_81 = tpu.memref_squeeze %dma_start3A_80 : memref<1x80xi32, #tpu.memory_space<vmem>> -> memref<80xi32, #tpu.memory_space<vmem>>
      %dma_start3A_82 = arith.constant 0 : i32
      %dma_start3A_83 = arith.constant 0 : i32
      %dma_start3A_84 = tpu.memref_slice %arg2[%dma_start3A_82, %dma_start3A_83] : memref<10000x128xf32, #tpu.memory_space<hbm>> -> memref<10000x128xf32, #tpu.memory_space<hbm>>
      tpu.enqueue_indirect_dma source(%dma_start3A_84 : memref<10000x128xf32, #tpu.memory_space<hbm>>) target(%arg9 : memref<80x128xf32, #tpu.memory_space<vmem>>) offsets(%dma_start3A_81 : memref<80xi32, #tpu.memory_space<vmem>>) semaphore(%arg15 : memref<!tpu.dma_semaphore, #tpu.memory_space<semaphore_mem>>)
      %dma_start3A_85 = arith.constant 0 : i32
      %dma_start3A_86 = tpu.memref_slice %arg8[%add3A_78, %dma_start3A_85] : memref<125x80xi32, #tpu.memory_space<vmem>> -> memref<1x80xi32, #tpu.memory_space<vmem>>
      %dma_start3A_87 = tpu.memref_squeeze %dma_start3A_86 : memref<1x80xi32, #tpu.memory_space<vmem>> -> memref<80xi32, #tpu.memory_space<vmem>>
      %dma_start3A_88 = arith.constant 0 : i32
      %dma_start3A_89 = arith.constant 0 : i32
      %dma_start3A_90 = tpu.memref_slice %arg3[%dma_start3A_88, %dma_start3A_89] : memref<10000x128xf32, #tpu.memory_space<hbm>> -> memref<10000x128xf32, #tpu.memory_space<hbm>>
      tpu.enqueue_indirect_dma source(%dma_start3A_90 : memref<10000x128xf32, #tpu.memory_space<hbm>>) target(%arg10 : memref<80x128xf32, #tpu.memory_space<vmem>>) offsets(%dma_start3A_87 : memref<80xi32, #tpu.memory_space<vmem>>) semaphore(%arg15 : memref<!tpu.dma_semaphore, #tpu.memory_space<semaphore_mem>>)
      %add3A_91 = arith.constant 1 : i32
      %add3A_92 = arith.addi %mul3A_44, %add3A_91 : i32
      %dma_wait3A_93 = arith.constant 0 : i32
      %dma_wait3A_94 = tpu.memref_slice %arg7[%add3A_92, %dma_wait3A_93] : memref<125x80xi32, #tpu.memory_space<vmem>> -> memref<1x80xi32, #tpu.memory_space<vmem>>
      %dma_wait3A_95 = tpu.memref_squeeze %dma_wait3A_94 : memref<1x80xi32, #tpu.memory_space<vmem>> -> memref<80xi32, #tpu.memory_space<vmem>>
      %dma_wait3A_96 = arith.constant 0 : i32
      %dma_wait3A_97 = arith.constant 0 : i32
      %dma_wait3A_98 = tpu.memref_slice %arg2[%dma_wait3A_96, %dma_wait3A_97] : memref<10000x128xf32, #tpu.memory_space<hbm>> -> memref<10000x128xf32, #tpu.memory_space<hbm>>
      tpu.wait_indirect_dma semaphore(%arg16 : memref<!tpu.dma_semaphore, #tpu.memory_space<semaphore_mem>>) src(%dma_wait3A_98 : memref<10000x128xf32, #tpu.memory_space<hbm>>) dst(%arg11 : memref<80x128xf32, #tpu.memory_space<vmem>>)
      %dma_wait3A_99 = arith.constant 0 : i32
      %dma_wait3A_100 = tpu.memref_slice %arg8[%add3A_92, %dma_wait3A_99] : memref<125x80xi32, #tpu.memory_space<vmem>> -> memref<1x80xi32, #tpu.memory_space<vmem>>
      %dma_wait3A_101 = tpu.memref_squeeze %dma_wait3A_100 : memref<1x80xi32, #tpu.memory_space<vmem>> -> memref<80xi32, #tpu.memory_space<vmem>>
      %dma_wait3A_102 = arith.constant 0 : i32
      %dma_wait3A_103 = arith.constant 0 : i32
      %dma_wait3A_104 = tpu.memref_slice %arg3[%dma_wait3A_102, %dma_wait3A_103] : memref<10000x128xf32, #tpu.memory_space<hbm>> -> memref<10000x128xf32, #tpu.memory_space<hbm>>
      tpu.wait_indirect_dma semaphore(%arg16 : memref<!tpu.dma_semaphore, #tpu.memory_space<semaphore_mem>>) src(%dma_wait3A_104 : memref<10000x128xf32, #tpu.memory_space<hbm>>) dst(%arg12 : memref<80x128xf32, #tpu.memory_space<vmem>>)
      %add3A_105 = arith.constant 1 : i32
      %add3A_106 = arith.addi %mul3A_44, %add3A_105 : i32
      %scan3A_107 = arith.constant 0 : i32
      %scan3A_108 = arith.constant 0 : i32
      %scan3A_109 = arith.constant 5 : i32
      %scan3A_110 = arith.addi %scan3A_108, %scan3A_109 : i32
      %scan3A_111 = arith.constant 1 : i32
      scf.for %scan3A_113 = %scan3A_108 to %scan3A_110 step %scan3A_111  : i32 {
        %mul3A_114 = arith.constant 16 : i32
        %mul3A_115 = arith.muli %scan3A_113, %mul3A_114 : i32
        %add3A_116 = arith.constant 0 : i32
        %add3A_117 = arith.addi %mul3A_115, %add3A_116 : i32
        %get3A = arith.index_cast %add3A_117 : i32 to index
        %get3A_118 = arith.constant 0 : index
        %get3A_119 = tpu.vector_load %arg11[%get3A, %get3A_118] {strides = array<i32>} : memref<80x128xf32, #tpu.memory_space<vmem>>, vector<16xf32>,
        %get3A_120 = arith.index_cast %add3A_117 : i32 to index
        %get3A_121 = arith.constant 0 : index
        %get3A_122 = tpu.vector_load %arg12[%get3A_120, %get3A_121] {strides = array<i32>} : memref<80x128xf32, #tpu.memory_space<vmem>>, vector<16xf32>,
        %mul3A_123 = arith.mulf %get3A_119, %get3A_122 : vector<16xf32>
        %get3A_124 = arith.index_cast %add3A_117 : i32 to index
        %get3A_125 = arith.constant 16 : index
        %get3A_126 = tpu.vector_load %arg11[%get3A_124, %get3A_125] {strides = array<i32>} : memref<80x128xf32, #tpu.memory_space<vmem>>, vector<16xf32>,
        %get3A_127 = arith.index_cast %add3A_117 : i32 to index
        %get3A_128 = arith.constant 16 : index
        %get3A_129 = tpu.vector_load %arg12[%get3A_127, %get3A_128] {strides = array<i32>} : memref<80x128xf32, #tpu.memory_space<vmem>>, vector<16xf32>,
        %mul3A_130 = arith.mulf %get3A_126, %get3A_129 : vector<16xf32>
        %add3A_131 = arith.addf %mul3A_123, %mul3A_130 : vector<16xf32>
        %get3A_132 = arith.index_cast %add3A_117 : i32 to index
        %get3A_133 = arith.constant 32 : index
        %get3A_134 = tpu.vector_load %arg11[%get3A_132, %get3A_133] {strides = array<i32>} : memref<80x128xf32, #tpu.memory_space<vmem>>, vector<16xf32>,
        %get3A_135 = arith.index_cast %add3A_117 : i32 to index
        %get3A_136 = arith.constant 32 : index
        %get3A_137 = tpu.vector_load %arg12[%get3A_135, %get3A_136] {strides = array<i32>} : memref<80x128xf32, #tpu.memory_space<vmem>>, vector<16xf32>,
        %mul3A_138 = arith.mulf %get3A_134, %get3A_137 : vector<16xf32>
        %add3A_139 = arith.addf %add3A_131, %mul3A_138 : vector<16xf32>
        %get3A_140 = arith.index_cast %add3A_117 : i32 to index
        %get3A_141 = arith.constant 48 : index
        %get3A_142 = tpu.vector_load %arg11[%get3A_140, %get3A_141] {strides = array<i32>} : memref<80x128xf32, #tpu.memory_space<vmem>>, vector<16xf32>,
        %get3A_143 = arith.index_cast %add3A_117 : i32 to index
        %get3A_144 = arith.constant 48 : index
        %get3A_145 = tpu.vector_load %arg12[%get3A_143, %get3A_144] {strides = array<i32>} : memref<80x128xf32, #tpu.memory_space<vmem>>, vector<16xf32>,
        %mul3A_146 = arith.mulf %get3A_142, %get3A_145 : vector<16xf32>
        %add3A_147 = arith.addf %add3A_139, %mul3A_146 : vector<16xf32>
        %get3A_148 = arith.index_cast %add3A_117 : i32 to index
        %get3A_149 = arith.constant 64 : index
        %get3A_150 = tpu.vector_load %arg11[%get3A_148, %get3A_149] {strides = array<i32>} : memref<80x128xf32, #tpu.memory_space<vmem>>, vector<16xf32>,
        %get3A_151 = arith.index_cast %add3A_117 : i32 to index
        %get3A_152 = arith.constant 64 : index
        %get3A_153 = tpu.vector_load %arg12[%get3A_151, %get3A_152] {strides = array<i32>} : memref<80x128xf32, #tpu.memory_space<vmem>>, vector<16xf32>,
        %mul3A_154 = arith.mulf %get3A_150, %get3A_153 : vector<16xf32>
        %add3A_155 = arith.addf %add3A_147, %mul3A_154 : vector<16xf32>
        %get3A_156 = arith.index_cast %add3A_117 : i32 to index
        %get3A_157 = arith.constant 80 : index
        %get3A_158 = tpu.vector_load %arg11[%get3A_156, %get3A_157] {strides = array<i32>} : memref<80x128xf32, #tpu.memory_space<vmem>>, vector<16xf32>,
        %get3A_159 = arith.index_cast %add3A_117 : i32 to index
        %get3A_160 = arith.constant 80 : index
        %get3A_161 = tpu.vector_load %arg12[%get3A_159, %get3A_160] {strides = array<i32>} : memref<80x128xf32, #tpu.memory_space<vmem>>, vector<16xf32>,
        %mul3A_162 = arith.mulf %get3A_158, %get3A_161 : vector<16xf32>
        %add3A_163 = arith.addf %add3A_155, %mul3A_162 : vector<16xf32>
        %get3A_164 = arith.index_cast %add3A_117 : i32 to index
        %get3A_165 = arith.constant 96 : index
        %get3A_166 = tpu.vector_load %arg11[%get3A_164, %get3A_165] {strides = array<i32>} : memref<80x128xf32, #tpu.memory_space<vmem>>, vector<16xf32>,
        %get3A_167 = arith.index_cast %add3A_117 : i32 to index
        %get3A_168 = arith.constant 96 : index
        %get3A_169 = tpu.vector_load %arg12[%get3A_167, %get3A_168] {strides = array<i32>} : memref<80x128xf32, #tpu.memory_space<vmem>>, vector<16xf32>,
        %mul3A_170 = arith.mulf %get3A_166, %get3A_169 : vector<16xf32>
        %add3A_171 = arith.addf %add3A_163, %mul3A_170 : vector<16xf32>
        %get3A_172 = arith.index_cast %add3A_117 : i32 to index
        %get3A_173 = arith.constant 112 : index
        %get3A_174 = tpu.vector_load %arg11[%get3A_172, %get3A_173] {strides = array<i32>} : memref<80x128xf32, #tpu.memory_space<vmem>>, vector<16xf32>,
        %get3A_175 = arith.index_cast %add3A_117 : i32 to index
        %get3A_176 = arith.constant 112 : index
        %get3A_177 = tpu.vector_load %arg12[%get3A_175, %get3A_176] {strides = array<i32>} : memref<80x128xf32, #tpu.memory_space<vmem>>, vector<16xf32>,
        %mul3A_178 = arith.mulf %get3A_174, %get3A_177 : vector<16xf32>
        %add3A_179 = arith.addf %add3A_171, %mul3A_178 : vector<16xf32>
        %broadcast_in_dim3A = arith.constant true
        %broadcast_in_dim3A_180 = vector.broadcast %broadcast_in_dim3A : i1 to vector<16xi1>
        %masked_cumsum3A = tpu.scan <sum>, %add3A_179 masked %broadcast_in_dim3A_180 : vector<16xf32>, vector<16xi1> -> vector<16xf32>
        %swap3A = arith.constant 0 : index
        %swap3A_181 = tpu.vector_load %arg14[%swap3A] masked %eq3A_2 {strides = array<i32>} : memref<32xf32, #tpu.memory_space<vmem>>, vector<16xf32>, vector<16xi1>
        tpu.vector_store %arg14[%swap3A], %masked_cumsum3A masked %eq3A_2 {strides = array<i32>} : memref<32xf32, #tpu.memory_space<vmem>>, vector<16xf32>, vector<16xi1>
        %add3A_182 = arith.constant 1 : i32
        %add3A_183 = arith.addi %mul3A_115, %add3A_182 : i32
        %get3A_184 = arith.index_cast %add3A_183 : i32 to index
        %get3A_185 = arith.constant 0 : index
        %get3A_186 = tpu.vector_load %arg11[%get3A_184, %get3A_185] {strides = array<i32>} : memref<80x128xf32, #tpu.memory_space<vmem>>, vector<16xf32>,
        %get3A_187 = arith.index_cast %add3A_183 : i32 to index
        %get3A_188 = arith.constant 0 : index
        %get3A_189 = tpu.vector_load %arg12[%get3A_187, %get3A_188] {strides = array<i32>} : memref<80x128xf32, #tpu.memory_space<vmem>>, vector<16xf32>,
        %mul3A_190 = arith.mulf %get3A_186, %get3A_189 : vector<16xf32>
        %get3A_191 = arith.index_cast %add3A_183 : i32 to index
        %get3A_192 = arith.constant 16 : index
        %get3A_193 = tpu.vector_load %arg11[%get3A_191, %get3A_192] {strides = array<i32>} : memref<80x128xf32, #tpu.memory_space<vmem>>, vector<16xf32>,
        %get3A_194 = arith.index_cast %add3A_183 : i32 to index
        %get3A_195 = arith.constant 16 : index
        %get3A_196 = tpu.vector_load %arg12[%get3A_194, %get3A_195] {strides = array<i32>} : memref<80x128xf32, #tpu.memory_space<vmem>>, vector<16xf32>,
        %mul3A_197 = arith.mulf %get3A_193, %get3A_196 : vector<16xf32>
        %add3A_198 = arith.addf %mul3A_190, %mul3A_197 : vector<16xf32>
        %get3A_199 = arith.index_cast %add3A_183 : i32 to index
        %get3A_200 = arith.constant 32 : index
        %get3A_201 = tpu.vector_load %arg11[%get3A_199, %get3A_200] {strides = array<i32>} : memref<80x128xf32, #tpu.memory_space<vmem>>, vector<16xf32>,
        %get3A_202 = arith.index_cast %add3A_183 : i32 to index
        %get3A_203 = arith.constant 32 : index
        %get3A_204 = tpu.vector_load %arg12[%get3A_202, %get3A_203] {strides = array<i32>} : memref<80x128xf32, #tpu.memory_space<vmem>>, vector<16xf32>,
        %mul3A_205 = arith.mulf %get3A_201, %get3A_204 : vector<16xf32>
        %add3A_206 = arith.addf %add3A_198, %mul3A_205 : vector<16xf32>
        %get3A_207 = arith.index_cast %add3A_183 : i32 to index
        %get3A_208 = arith.constant 48 : index
        %get3A_209 = tpu.vector_load %arg11[%get3A_207, %get3A_208] {strides = array<i32>} : memref<80x128xf32, #tpu.memory_space<vmem>>, vector<16xf32>,
        %get3A_210 = arith.index_cast %add3A_183 : i32 to index
        %get3A_211 = arith.constant 48 : index
        %get3A_212 = tpu.vector_load %arg12[%get3A_210, %get3A_211] {strides = array<i32>} : memref<80x128xf32, #tpu.memory_space<vmem>>, vector<16xf32>,
        %mul3A_213 = arith.mulf %get3A_209, %get3A_212 : vector<16xf32>
        %add3A_214 = arith.addf %add3A_206, %mul3A_213 : vector<16xf32>
        %get3A_215 = arith.index_cast %add3A_183 : i32 to index
        %get3A_216 = arith.constant 64 : index
        %get3A_217 = tpu.vector_load %arg11[%get3A_215, %get3A_216] {strides = array<i32>} : memref<80x128xf32, #tpu.memory_space<vmem>>, vector<16xf32>,
        %get3A_218 = arith.index_cast %add3A_183 : i32 to index
        %get3A_219 = arith.constant 64 : index
        %get3A_220 = tpu.vector_load %arg12[%get3A_218, %get3A_219] {strides = array<i32>} : memref<80x128xf32, #tpu.memory_space<vmem>>, vector<16xf32>,
        %mul3A_221 = arith.mulf %get3A_217, %get3A_220 : vector<16xf32>
        %add3A_222 = arith.addf %add3A_214, %mul3A_221 : vector<16xf32>
        %get3A_223 = arith.index_cast %add3A_183 : i32 to index
        %get3A_224 = arith.constant 80 : index
        %get3A_225 = tpu.vector_load %arg11[%get3A_223, %get3A_224] {strides = array<i32>} : memref<80x128xf32, #tpu.memory_space<vmem>>, vector<16xf32>,
        %get3A_226 = arith.index_cast %add3A_183 : i32 to index
        %get3A_227 = arith.constant 80 : index
        %get3A_228 = tpu.vector_load %arg12[%get3A_226, %get3A_227] {strides = array<i32>} : memref<80x128xf32, #tpu.memory_space<vmem>>, vector<16xf32>,
        %mul3A_229 = arith.mulf %get3A_225, %get3A_228 : vector<16xf32>
        %add3A_230 = arith.addf %add3A_222, %mul3A_229 : vector<16xf32>
        %get3A_231 = arith.index_cast %add3A_183 : i32 to index
        %get3A_232 = arith.constant 96 : index
        %get3A_233 = tpu.vector_load %arg11[%get3A_231, %get3A_232] {strides = array<i32>} : memref<80x128xf32, #tpu.memory_space<vmem>>, vector<16xf32>,
        %get3A_234 = arith.index_cast %add3A_183 : i32 to index
        %get3A_235 = arith.constant 96 : index
        %get3A_236 = tpu.vector_load %arg12[%get3A_234, %get3A_235] {strides = array<i32>} : memref<80x128xf32, #tpu.memory_space<vmem>>, vector<16xf32>,
        %mul3A_237 = arith.mulf %get3A_233, %get3A_236 : vector<16xf32>
        %add3A_238 = arith.addf %add3A_230, %mul3A_237 : vector<16xf32>
        %get3A_239 = arith.index_cast %add3A_183 : i32 to index
        %get3A_240 = arith.constant 112 : index
        %get3A_241 = tpu.vector_load %arg11[%get3A_239, %get3A_240] {strides = array<i32>} : memref<80x128xf32, #tpu.memory_space<vmem>>, vector<16xf32>,
        %get3A_242 = arith.index_cast %add3A_183 : i32 to index
        %get3A_243 = arith.constant 112 : index
        %get3A_244 = tpu.vector_load %arg12[%get3A_242, %get3A_243] {strides = array<i32>} : memref<80x128xf32, #tpu.memory_space<vmem>>, vector<16xf32>,
        %mul3A_245 = arith.mulf %get3A_241, %get3A_244 : vector<16xf32>
        %add3A_246 = arith.addf %add3A_238, %mul3A_245 : vector<16xf32>
        %broadcast_in_dim3A_247 = arith.constant true
        %broadcast_in_dim3A_248 = vector.broadcast %broadcast_in_dim3A_247 : i1 to vector<16xi1>
        %masked_cumsum3A_249 = tpu.scan <sum>, %add3A_246 masked %broadcast_in_dim3A_248 : vector<16xf32>, vector<16xi1> -> vector<16xf32>
        %swap3A_250 = arith.constant 1 : index
        %swap3A_251 = tpu.vector_load %arg14[%swap3A_250] masked %eq3A_2 {strides = array<i32>} : memref<32xf32, #tpu.memory_space<vmem>>, vector<16xf32>, vector<16xi1>
        tpu.vector_store %arg14[%swap3A_250], %masked_cumsum3A_249 masked %eq3A_2 {strides = array<i32>} : memref<32xf32, #tpu.memory_space<vmem>>, vector<16xf32>, vector<16xi1>
        %add3A_252 = arith.constant 2 : i32
        %add3A_253 = arith.addi %mul3A_115, %add3A_252 : i32
        %get3A_254 = arith.index_cast %add3A_253 : i32 to index
        %get3A_255 = arith.constant 0 : index
        %get3A_256 = tpu.vector_load %arg11[%get3A_254, %get3A_255] {strides = array<i32>} : memref<80x128xf32, #tpu.memory_space<vmem>>, vector<16xf32>,
        %get3A_257 = arith.index_cast %add3A_253 : i32 to index
        %get3A_258 = arith.constant 0 : index
        %get3A_259 = tpu.vector_load %arg12[%get3A_257, %get3A_258] {strides = array<i32>} : memref<80x128xf32, #tpu.memory_space<vmem>>, vector<16xf32>,
        %mul3A_260 = arith.mulf %get3A_256, %get3A_259 : vector<16xf32>
        %get3A_261 = arith.index_cast %add3A_253 : i32 to index
        %get3A_262 = arith.constant 16 : index
        %get3A_263 = tpu.vector_load %arg11[%get3A_261, %get3A_262] {strides = array<i32>} : memref<80x128xf32, #tpu.memory_space<vmem>>, vector<16xf32>,
        %get3A_264 = arith.index_cast %add3A_253 : i32 to index
        %get3A_265 = arith.constant 16 : index
        %get3A_266 = tpu.vector_load %arg12[%get3A_264, %get3A_265] {strides = array<i32>} : memref<80x128xf32, #tpu.memory_space<vmem>>, vector<16xf32>,
        %mul3A_267 = arith.mulf %get3A_263, %get3A_266 : vector<16xf32>
        %add3A_268 = arith.addf %mul3A_260, %mul3A_267 : vector<16xf32>
        %get3A_269 = arith.index_cast %add3A_253 : i32 to index
        %get3A_270 = arith.constant 32 : index
        %get3A_271 = tpu.vector_load %arg11[%get3A_269, %get3A_270] {strides = array<i32>} : memref<80x128xf32, #tpu.memory_space<vmem>>, vector<16xf32>,
        %get3A_272 = arith.index_cast %add3A_253 : i32 to index
        %get3A_273 = arith.constant 32 : index
        %get3A_274 = tpu.vector_load %arg12[%get3A_272, %get3A_273] {strides = array<i32>} : memref<80x128xf32, #tpu.memory_space<vmem>>, vector<16xf32>,
        %mul3A_275 = arith.mulf %get3A_271, %get3A_274 : vector<16xf32>
        %add3A_276 = arith.addf %add3A_268, %mul3A_275 : vector<16xf32>
        %get3A_277 = arith.index_cast %add3A_253 : i32 to index
        %get3A_278 = arith.constant 48 : index
        %get3A_279 = tpu.vector_load %arg11[%get3A_277, %get3A_278] {strides = array<i32>} : memref<80x128xf32, #tpu.memory_space<vmem>>, vector<16xf32>,
        %get3A_280 = arith.index_cast %add3A_253 : i32 to index
        %get3A_281 = arith.constant 48 : index
        %get3A_282 = tpu.vector_load %arg12[%get3A_280, %get3A_281] {strides = array<i32>} : memref<80x128xf32, #tpu.memory_space<vmem>>, vector<16xf32>,
        %mul3A_283 = arith.mulf %get3A_279, %get3A_282 : vector<16xf32>
        %add3A_284 = arith.addf %add3A_276, %mul3A_283 : vector<16xf32>
        %get3A_285 = arith.index_cast %add3A_253 : i32 to index
        %get3A_286 = arith.constant 64 : index
        %get3A_287 = tpu.vector_load %arg11[%get3A_285, %get3A_286] {strides = array<i32>} : memref<80x128xf32, #tpu.memory_space<vmem>>, vector<16xf32>,
        %get3A_288 = arith.index_cast %add3A_253 : i32 to index
        %get3A_289 = arith.constant 64 : index
        %get3A_290 = tpu.vector_load %arg12[%get3A_288, %get3A_289] {strides = array<i32>} : memref<80x128xf32, #tpu.memory_space<vmem>>, vector<16xf32>,
        %mul3A_291 = arith.mulf %get3A_287, %get3A_290 : vector<16xf32>
        %add3A_292 = arith.addf %add3A_284, %mul3A_291 : vector<16xf32>
        %get3A_293 = arith.index_cast %add3A_253 : i32 to index
        %get3A_294 = arith.constant 80 : index
        %get3A_295 = tpu.vector_load %arg11[%get3A_293, %get3A_294] {strides = array<i32>} : memref<80x128xf32, #tpu.memory_space<vmem>>, vector<16xf32>,
        %get3A_296 = arith.index_cast %add3A_253 : i32 to index
        %get3A_297 = arith.constant 80 : index
        %get3A_298 = tpu.vector_load %arg12[%get3A_296, %get3A_297] {strides = array<i32>} : memref<80x128xf32, #tpu.memory_space<vmem>>, vector<16xf32>,
        %mul3A_299 = arith.mulf %get3A_295, %get3A_298 : vector<16xf32>
        %add3A_300 = arith.addf %add3A_292, %mul3A_299 : vector<16xf32>
        %get3A_301 = arith.index_cast %add3A_253 : i32 to index
        %get3A_302 = arith.constant 96 : index
        %get3A_303 = tpu.vector_load %arg11[%get3A_301, %get3A_302] {strides = array<i32>} : memref<80x128xf32, #tpu.memory_space<vmem>>, vector<16xf32>,
        %get3A_304 = arith.index_cast %add3A_253 : i32 to index
        %get3A_305 = arith.constant 96 : index
        %get3A_306 = tpu.vector_load %arg12[%get3A_304, %get3A_305] {strides = array<i32>} : memref<80x128xf32, #tpu.memory_space<vmem>>, vector<16xf32>,
        %mul3A_307 = arith.mulf %get3A_303, %get3A_306 : vector<16xf32>
        %add3A_308 = arith.addf %add3A_300, %mul3A_307 : vector<16xf32>
        %get3A_309 = arith.index_cast %add3A_253 : i32 to index
        %get3A_310 = arith.constant 112 : index
        %get3A_311 = tpu.vector_load %arg11[%get3A_309, %get3A_310] {strides = array<i32>} : memref<80x128xf32, #tpu.memory_space<vmem>>, vector<16xf32>,
        %get3A_312 = arith.index_cast %add3A_253 : i32 to index
        %get3A_313 = arith.constant 112 : index
        %get3A_314 = tpu.vector_load %arg12[%get3A_312, %get3A_313] {strides = array<i32>} : memref<80x128xf32, #tpu.memory_space<vmem>>, vector<16xf32>,
        %mul3A_315 = arith.mulf %get3A_311, %get3A_314 : vector<16xf32>
        %add3A_316 = arith.addf %add3A_308, %mul3A_315 : vector<16xf32>
        %broadcast_in_dim3A_317 = arith.constant true
        %broadcast_in_dim3A_318 = vector.broadcast %broadcast_in_dim3A_317 : i1 to vector<16xi1>
        %masked_cumsum3A_319 = tpu.scan <sum>, %add3A_316 masked %broadcast_in_dim3A_318 : vector<16xf32>, vector<16xi1> -> vector<16xf32>
        %swap3A_320 = arith.constant 2 : index
        %swap3A_321 = tpu.vector_load %arg14[%swap3A_320] masked %eq3A_2 {strides = array<i32>} : memref<32xf32, #tpu.memory_space<vmem>>, vector<16xf32>, vector<16xi1>
        tpu.vector_store %arg14[%swap3A_320], %masked_cumsum3A_319 masked %eq3A_2 {strides = array<i32>} : memref<32xf32, #tpu.memory_space<vmem>>, vector<16xf32>, vector<16xi1>
        %add3A_322 = arith.constant 3 : i32
        %add3A_323 = arith.addi %mul3A_115, %add3A_322 : i32
        %get3A_324 = arith.index_cast %add3A_323 : i32 to index
        %get3A_325 = arith.constant 0 : index
        %get3A_326 = tpu.vector_load %arg11[%get3A_324, %get3A_325] {strides = array<i32>} : memref<80x128xf32, #tpu.memory_space<vmem>>, vector<16xf32>,
        %get3A_327 = arith.index_cast %add3A_323 : i32 to index
        %get3A_328 = arith.constant 0 : index
        %get3A_329 = tpu.vector_load %arg12[%get3A_327, %get3A_328] {strides = array<i32>} : memref<80x128xf32, #tpu.memory_space<vmem>>, vector<16xf32>,
        %mul3A_330 = arith.mulf %get3A_326, %get3A_329 : vector<16xf32>
        %get3A_331 = arith.index_cast %add3A_323 : i32 to index
        %get3A_332 = arith.constant 16 : index
        %get3A_333 = tpu.vector_load %arg11[%get3A_331, %get3A_332] {strides = array<i32>} : memref<80x128xf32, #tpu.memory_space<vmem>>, vector<16xf32>,
        %get3A_334 = arith.index_cast %add3A_323 : i32 to index
        %get3A_335 = arith.constant 16 : index
        %get3A_336 = tpu.vector_load %arg12[%get3A_334, %get3A_335] {strides = array<i32>} : memref<80x128xf32, #tpu.memory_space<vmem>>, vector<16xf32>,
        %mul3A_337 = arith.mulf %get3A_333, %get3A_336 : vector<16xf32>
        %add3A_338 = arith.addf %mul3A_330, %mul3A_337 : vector<16xf32>
        %get3A_339 = arith.index_cast %add3A_323 : i32 to index
        %get3A_340 = arith.constant 32 : index
        %get3A_341 = tpu.vector_load %arg11[%get3A_339, %get3A_340] {strides = array<i32>} : memref<80x128xf32, #tpu.memory_space<vmem>>, vector<16xf32>,
        %get3A_342 = arith.index_cast %add3A_323 : i32 to index
        %get3A_343 = arith.constant 32 : index
        %get3A_344 = tpu.vector_load %arg12[%get3A_342, %get3A_343] {strides = array<i32>} : memref<80x128xf32, #tpu.memory_space<vmem>>, vector<16xf32>,
        %mul3A_345 = arith.mulf %get3A_341, %get3A_344 : vector<16xf32>
        %add3A_346 = arith.addf %add3A_338, %mul3A_345 : vector<16xf32>
        %get3A_347 = arith.index_cast %add3A_323 : i32 to index
        %get3A_348 = arith.constant 48 : index
        %get3A_349 = tpu.vector_load %arg11[%get3A_347, %get3A_348] {strides = array<i32>} : memref<80x128xf32, #tpu.memory_space<vmem>>, vector<16xf32>,
        %get3A_350 = arith.index_cast %add3A_323 : i32 to index
        %get3A_351 = arith.constant 48 : index
        %get3A_352 = tpu.vector_load %arg12[%get3A_350, %get3A_351] {strides = array<i32>} : memref<80x128xf32, #tpu.memory_space<vmem>>, vector<16xf32>,
        %mul3A_353 = arith.mulf %get3A_349, %get3A_352 : vector<16xf32>
        %add3A_354 = arith.addf %add3A_346, %mul3A_353 : vector<16xf32>
        %get3A_355 = arith.index_cast %add3A_323 : i32 to index
        %get3A_356 = arith.constant 64 : index
        %get3A_357 = tpu.vector_load %arg11[%get3A_355, %get3A_356] {strides = array<i32>} : memref<80x128xf32, #tpu.memory_space<vmem>>, vector<16xf32>,
        %get3A_358 = arith.index_cast %add3A_323 : i32 to index
        %get3A_359 = arith.constant 64 : index
        %get3A_360 = tpu.vector_load %arg12[%get3A_358, %get3A_359] {strides = array<i32>} : memref<80x128xf32, #tpu.memory_space<vmem>>, vector<16xf32>,
        %mul3A_361 = arith.mulf %get3A_357, %get3A_360 : vector<16xf32>
        %add3A_362 = arith.addf %add3A_354, %mul3A_361 : vector<16xf32>
        %get3A_363 = arith.index_cast %add3A_323 : i32 to index
        %get3A_364 = arith.constant 80 : index
        %get3A_365 = tpu.vector_load %arg11[%get3A_363, %get3A_364] {strides = array<i32>} : memref<80x128xf32, #tpu.memory_space<vmem>>, vector<16xf32>,
        %get3A_366 = arith.index_cast %add3A_323 : i32 to index
        %get3A_367 = arith.constant 80 : index
        %get3A_368 = tpu.vector_load %arg12[%get3A_366, %get3A_367] {strides = array<i32>} : memref<80x128xf32, #tpu.memory_space<vmem>>, vector<16xf32>,
        %mul3A_369 = arith.mulf %get3A_365, %get3A_368 : vector<16xf32>
        %add3A_370 = arith.addf %add3A_362, %mul3A_369 : vector<16xf32>
        %get3A_371 = arith.index_cast %add3A_323 : i32 to index
        %get3A_372 = arith.constant 96 : index
        %get3A_373 = tpu.vector_load %arg11[%get3A_371, %get3A_372] {strides = array<i32>} : memref<80x128xf32, #tpu.memory_space<vmem>>, vector<16xf32>,
        %get3A_374 = arith.index_cast %add3A_323 : i32 to index
        %get3A_375 = arith.constant 96 : index
        %get3A_376 = tpu.vector_load %arg12[%get3A_374, %get3A_375] {strides = array<i32>} : memref<80x128xf32, #tpu.memory_space<vmem>>, vector<16xf32>,
        %mul3A_377 = arith.mulf %get3A_373, %get3A_376 : vector<16xf32>
        %add3A_378 = arith.addf %add3A_370, %mul3A_377 : vector<16xf32>
        %get3A_379 = arith.index_cast %add3A_323 : i32 to index
        %get3A_380 = arith.constant 112 : index
        %get3A_381 = tpu.vector_load %arg11[%get3A_379, %get3A_380] {strides = array<i32>} : memref<80x128xf32, #tpu.memory_space<vmem>>, vector<16xf32>,
        %get3A_382 = arith.index_cast %add3A_323 : i32 to index
        %get3A_383 = arith.constant 112 : index
        %get3A_384 = tpu.vector_load %arg12[%get3A_382, %get3A_383] {strides = array<i32>} : memref<80x128xf32, #tpu.memory_space<vmem>>, vector<16xf32>,
        %mul3A_385 = arith.mulf %get3A_381, %get3A_384 : vector<16xf32>
        %add3A_386 = arith.addf %add3A_378, %mul3A_385 : vector<16xf32>
        %broadcast_in_dim3A_387 = arith.constant true
        %broadcast_in_dim3A_388 = vector.broadcast %broadcast_in_dim3A_387 : i1 to vector<16xi1>
        %masked_cumsum3A_389 = tpu.scan <sum>, %add3A_386 masked %broadcast_in_dim3A_388 : vector<16xf32>, vector<16xi1> -> vector<16xf32>
        %swap3A_390 = arith.constant 3 : index
        %swap3A_391 = tpu.vector_load %arg14[%swap3A_390] masked %eq3A_2 {strides = array<i32>} : memref<32xf32, #tpu.memory_space<vmem>>, vector<16xf32>, vector<16xi1>
        tpu.vector_store %arg14[%swap3A_390], %masked_cumsum3A_389 masked %eq3A_2 {strides = array<i32>} : memref<32xf32, #tpu.memory_space<vmem>>, vector<16xf32>, vector<16xi1>
        %add3A_392 = arith.constant 4 : i32
        %add3A_393 = arith.addi %mul3A_115, %add3A_392 : i32
        %get3A_394 = arith.index_cast %add3A_393 : i32 to index
        %get3A_395 = arith.constant 0 : index
        %get3A_396 = tpu.vector_load %arg11[%get3A_394, %get3A_395] {strides = array<i32>} : memref<80x128xf32, #tpu.memory_space<vmem>>, vector<16xf32>,
        %get3A_397 = arith.index_cast %add3A_393 : i32 to index
        %get3A_398 = arith.constant 0 : index
        %get3A_399 = tpu.vector_load %arg12[%get3A_397, %get3A_398] {strides = array<i32>} : memref<80x128xf32, #tpu.memory_space<vmem>>, vector<16xf32>,
        %mul3A_400 = arith.mulf %get3A_396, %get3A_399 : vector<16xf32>
        %get3A_401 = arith.index_cast %add3A_393 : i32 to index
        %get3A_402 = arith.constant 16 : index
        %get3A_403 = tpu.vector_load %arg11[%get3A_401, %get3A_402] {strides = array<i32>} : memref<80x128xf32, #tpu.memory_space<vmem>>, vector<16xf32>,
        %get3A_404 = arith.index_cast %add3A_393 : i32 to index
        %get3A_405 = arith.constant 16 : index
        %get3A_406 = tpu.vector_load %arg12[%get3A_404, %get3A_405] {strides = array<i32>} : memref<80x128xf32, #tpu.memory_space<vmem>>, vector<16xf32>,
        %mul3A_407 = arith.mulf %get3A_403, %get3A_406 : vector<16xf32>
        %add3A_408 = arith.addf %mul3A_400, %mul3A_407 : vector<16xf32>
        %get3A_409 = arith.index_cast %add3A_393 : i32 to index
        %get3A_410 = arith.constant 32 : index
        %get3A_411 = tpu.vector_load %arg11[%get3A_409, %get3A_410] {strides = array<i32>} : memref<80x128xf32, #tpu.memory_space<vmem>>, vector<16xf32>,
        %get3A_412 = arith.index_cast %add3A_393 : i32 to index
        %get3A_413 = arith.constant 32 : index
        %get3A_414 = tpu.vector_load %arg12[%get3A_412, %get3A_413] {strides = array<i32>} : memref<80x128xf32, #tpu.memory_space<vmem>>, vector<16xf32>,
        %mul3A_415 = arith.mulf %get3A_411, %get3A_414 : vector<16xf32>
        %add3A_416 = arith.addf %add3A_408, %mul3A_415 : vector<16xf32>
        %get3A_417 = arith.index_cast %add3A_393 : i32 to index
        %get3A_418 = arith.constant 48 : index
        %get3A_419 = tpu.vector_load %arg11[%get3A_417, %get3A_418] {strides = array<i32>} : memref<80x128xf32, #tpu.memory_space<vmem>>, vector<16xf32>,
        %get3A_420 = arith.index_cast %add3A_393 : i32 to index
        %get3A_421 = arith.constant 48 : index
        %get3A_422 = tpu.vector_load %arg12[%get3A_420, %get3A_421] {strides = array<i32>} : memref<80x128xf32, #tpu.memory_space<vmem>>, vector<16xf32>,
        %mul3A_423 = arith.mulf %get3A_419, %get3A_422 : vector<16xf32>
        %add3A_424 = arith.addf %add3A_416, %mul3A_423 : vector<16xf32>
        %get3A_425 = arith.index_cast %add3A_393 : i32 to index
        %get3A_426 = arith.constant 64 : index
        %get3A_427 = tpu.vector_load %arg11[%get3A_425, %get3A_426] {strides = array<i32>} : memref<80x128xf32, #tpu.memory_space<vmem>>, vector<16xf32>,
        %get3A_428 = arith.index_cast %add3A_393 : i32 to index
        %get3A_429 = arith.constant 64 : index
        %get3A_430 = tpu.vector_load %arg12[%get3A_428, %get3A_429] {strides = array<i32>} : memref<80x128xf32, #tpu.memory_space<vmem>>, vector<16xf32>,
        %mul3A_431 = arith.mulf %get3A_427, %get3A_430 : vector<16xf32>
        %add3A_432 = arith.addf %add3A_424, %mul3A_431 : vector<16xf32>
        %get3A_433 = arith.index_cast %add3A_393 : i32 to index
        %get3A_434 = arith.constant 80 : index
        %get3A_435 = tpu.vector_load %arg11[%get3A_433, %get3A_434] {strides = array<i32>} : memref<80x128xf32, #tpu.memory_space<vmem>>, vector<16xf32>,
        %get3A_436 = arith.index_cast %add3A_393 : i32 to index
        %get3A_437 = arith.constant 80 : index
        %get3A_438 = tpu.vector_load %arg12[%get3A_436, %get3A_437] {strides = array<i32>} : memref<80x128xf32, #tpu.memory_space<vmem>>, vector<16xf32>,
        %mul3A_439 = arith.mulf %get3A_435, %get3A_438 : vector<16xf32>
        %add3A_440 = arith.addf %add3A_432, %mul3A_439 : vector<16xf32>
        %get3A_441 = arith.index_cast %add3A_393 : i32 to index
        %get3A_442 = arith.constant 96 : index
        %get3A_443 = tpu.vector_load %arg11[%get3A_441, %get3A_442] {strides = array<i32>} : memref<80x128xf32, #tpu.memory_space<vmem>>, vector<16xf32>,
        %get3A_444 = arith.index_cast %add3A_393 : i32 to index
        %get3A_445 = arith.constant 96 : index
        %get3A_446 = tpu.vector_load %arg12[%get3A_444, %get3A_445] {strides = array<i32>} : memref<80x128xf32, #tpu.memory_space<vmem>>, vector<16xf32>,
        %mul3A_447 = arith.mulf %get3A_443, %get3A_446 : vector<16xf32>
        %add3A_448 = arith.addf %add3A_440, %mul3A_447 : vector<16xf32>
        %get3A_449 = arith.index_cast %add3A_393 : i32 to index
        %get3A_450 = arith.constant 112 : index
        %get3A_451 = tpu.vector_load %arg11[%get3A_449, %get3A_450] {strides = array<i32>} : memref<80x128xf32, #tpu.memory_space<vmem>>, vector<16xf32>,
        %get3A_452 = arith.index_cast %add3A_393 : i32 to index
        %get3A_453 = arith.constant 112 : index
        %get3A_454 = tpu.vector_load %arg12[%get3A_452, %get3A_453] {strides = array<i32>} : memref<80x128xf32, #tpu.memory_space<vmem>>, vector<16xf32>,
        %mul3A_455 = arith.mulf %get3A_451, %get3A_454 : vector<16xf32>
        %add3A_456 = arith.addf %add3A_448, %mul3A_455 : vector<16xf32>
        %broadcast_in_dim3A_457 = arith.constant true
        %broadcast_in_dim3A_458 = vector.broadcast %broadcast_in_dim3A_457 : i1 to vector<16xi1>
        %masked_cumsum3A_459 = tpu.scan <sum>, %add3A_456 masked %broadcast_in_dim3A_458 : vector<16xf32>, vector<16xi1> -> vector<16xf32>
        %swap3A_460 = arith.constant 4 : index
        %swap3A_461 = tpu.vector_load %arg14[%swap3A_460] masked %eq3A_2 {strides = array<i32>} : memref<32xf32, #tpu.memory_space<vmem>>, vector<16xf32>, vector<16xi1>
        tpu.vector_store %arg14[%swap3A_460], %masked_cumsum3A_459 masked %eq3A_2 {strides = array<i32>} : memref<32xf32, #tpu.memory_space<vmem>>, vector<16xf32>, vector<16xi1>
        %add3A_462 = arith.constant 5 : i32
        %add3A_463 = arith.addi %mul3A_115, %add3A_462 : i32
        %get3A_464 = arith.index_cast %add3A_463 : i32 to index
        %get3A_465 = arith.constant 0 : index
        %get3A_466 = tpu.vector_load %arg11[%get3A_464, %get3A_465] {strides = array<i32>} : memref<80x128xf32, #tpu.memory_space<vmem>>, vector<16xf32>,
        %get3A_467 = arith.index_cast %add3A_463 : i32 to index
        %get3A_468 = arith.constant 0 : index
        %get3A_469 = tpu.vector_load %arg12[%get3A_467, %get3A_468] {strides = array<i32>} : memref<80x128xf32, #tpu.memory_space<vmem>>, vector<16xf32>,
        %mul3A_470 = arith.mulf %get3A_466, %get3A_469 : vector<16xf32>
        %get3A_471 = arith.index_cast %add3A_463 : i32 to index
        %get3A_472 = arith.constant 16 : index
        %get3A_473 = tpu.vector_load %arg11[%get3A_471, %get3A_472] {strides = array<i32>} : memref<80x128xf32, #tpu.memory_space<vmem>>, vector<16xf32>,
        %get3A_474 = arith.index_cast %add3A_463 : i32 to index
        %get3A_475 = arith.constant 16 : index
        %get3A_476 = tpu.vector_load %arg12[%get3A_474, %get3A_475] {strides = array<i32>} : memref<80x128xf32, #tpu.memory_space<vmem>>, vector<16xf32>,
        %mul3A_477 = arith.mulf %get3A_473, %get3A_476 : vector<16xf32>
        %add3A_478 = arith.addf %mul3A_470, %mul3A_477 : vector<16xf32>
        %get3A_479 = arith.index_cast %add3A_463 : i32 to index
        %get3A_480 = arith.constant 32 : index
        %get3A_481 = tpu.vector_load %arg11[%get3A_479, %get3A_480] {strides = array<i32>} : memref<80x128xf32, #tpu.memory_space<vmem>>, vector<16xf32>,
        %get3A_482 = arith.index_cast %add3A_463 : i32 to index
        %get3A_483 = arith.constant 32 : index
        %get3A_484 = tpu.vector_load %arg12[%get3A_482, %get3A_483] {strides = array<i32>} : memref<80x128xf32, #tpu.memory_space<vmem>>, vector<16xf32>,
        %mul3A_485 = arith.mulf %get3A_481, %get3A_484 : vector<16xf32>
        %add3A_486 = arith.addf %add3A_478, %mul3A_485 : vector<16xf32>
        %get3A_487 = arith.index_cast %add3A_463 : i32 to index
        %get3A_488 = arith.constant 48 : index
        %get3A_489 = tpu.vector_load %arg11[%get3A_487, %get3A_488] {strides = array<i32>} : memref<80x128xf32, #tpu.memory_space<vmem>>, vector<16xf32>,
        %get3A_490 = arith.index_cast %add3A_463 : i32 to index
        %get3A_491 = arith.constant 48 : index
        %get3A_492 = tpu.vector_load %arg12[%get3A_490, %get3A_491] {strides = array<i32>} : memref<80x128xf32, #tpu.memory_space<vmem>>, vector<16xf32>,
        %mul3A_493 = arith.mulf %get3A_489, %get3A_492 : vector<16xf32>
        %add3A_494 = arith.addf %add3A_486, %mul3A_493 : vector<16xf32>
        %get3A_495 = arith.index_cast %add3A_463 : i32 to index
        %get3A_496 = arith.constant 64 : index
        %get3A_497 = tpu.vector_load %arg11[%get3A_495, %get3A_496] {strides = array<i32>} : memref<80x128xf32, #tpu.memory_space<vmem>>, vector<16xf32>,
        %get3A_498 = arith.index_cast %add3A_463 : i32 to index
        %get3A_499 = arith.constant 64 : index
        %get3A_500 = tpu.vector_load %arg12[%get3A_498, %get3A_499] {strides = array<i32>} : memref<80x128xf32, #tpu.memory_space<vmem>>, vector<16xf32>,
        %mul3A_501 = arith.mulf %get3A_497, %get3A_500 : vector<16xf32>
        %add3A_502 = arith.addf %add3A_494, %mul3A_501 : vector<16xf32>
        %get3A_503 = arith.index_cast %add3A_463 : i32 to index
        %get3A_504 = arith.constant 80 : index
        %get3A_505 = tpu.vector_load %arg11[%get3A_503, %get3A_504] {strides = array<i32>} : memref<80x128xf32, #tpu.memory_space<vmem>>, vector<16xf32>,
        %get3A_506 = arith.index_cast %add3A_463 : i32 to index
        %get3A_507 = arith.constant 80 : index
        %get3A_508 = tpu.vector_load %arg12[%get3A_506, %get3A_507] {strides = array<i32>} : memref<80x128xf32, #tpu.memory_space<vmem>>, vector<16xf32>,
        %mul3A_509 = arith.mulf %get3A_505, %get3A_508 : vector<16xf32>
        %add3A_510 = arith.addf %add3A_502, %mul3A_509 : vector<16xf32>
        %get3A_511 = arith.index_cast %add3A_463 : i32 to index
        %get3A_512 = arith.constant 96 : index
        %get3A_513 = tpu.vector_load %arg11[%get3A_511, %get3A_512] {strides = array<i32>} : memref<80x128xf32, #tpu.memory_space<vmem>>, vector<16xf32>,
        %get3A_514 = arith.index_cast %add3A_463 : i32 to index
        %get3A_515 = arith.constant 96 : index
        %get3A_516 = tpu.vector_load %arg12[%get3A_514, %get3A_515] {strides = array<i32>} : memref<80x128xf32, #tpu.memory_space<vmem>>, vector<16xf32>,
        %mul3A_517 = arith.mulf %get3A_513, %get3A_516 : vector<16xf32>
        %add3A_518 = arith.addf %add3A_510, %mul3A_517 : vector<16xf32>
        %get3A_519 = arith.index_cast %add3A_463 : i32 to index
        %get3A_520 = arith.constant 112 : index
        %get3A_521 = tpu.vector_load %arg11[%get3A_519, %get3A_520] {strides = array<i32>} : memref<80x128xf32, #tpu.memory_space<vmem>>, vector<16xf32>,
        %get3A_522 = arith.index_cast %add3A_463 : i32 to index
        %get3A_523 = arith.constant 112 : index
        %get3A_524 = tpu.vector_load %arg12[%get3A_522, %get3A_523] {strides = array<i32>} : memref<80x128xf32, #tpu.memory_space<vmem>>, vector<16xf32>,
        %mul3A_525 = arith.mulf %get3A_521, %get3A_524 : vector<16xf32>
        %add3A_526 = arith.addf %add3A_518, %mul3A_525 : vector<16xf32>
        %broadcast_in_dim3A_527 = arith.constant true
        %broadcast_in_dim3A_528 = vector.broadcast %broadcast_in_dim3A_527 : i1 to vector<16xi1>
        %masked_cumsum3A_529 = tpu.scan <sum>, %add3A_526 masked %broadcast_in_dim3A_528 : vector<16xf32>, vector<16xi1> -> vector<16xf32>
        %swap3A_530 = arith.constant 5 : index
        %swap3A_531 = tpu.vector_load %arg14[%swap3A_530] masked %eq3A_2 {strides = array<i32>} : memref<32xf32, #tpu.memory_space<vmem>>, vector<16xf32>, vector<16xi1>
        tpu.vector_store %arg14[%swap3A_530], %masked_cumsum3A_529 masked %eq3A_2 {strides = array<i32>} : memref<32xf32, #tpu.memory_space<vmem>>, vector<16xf32>, vector<16xi1>
        %add3A_532 = arith.constant 6 : i32
        %add3A_533 = arith.addi %mul3A_115, %add3A_532 : i32
        %get3A_534 = arith.index_cast %add3A_533 : i32 to index
        %get3A_535 = arith.constant 0 : index
        %get3A_536 = tpu.vector_load %arg11[%get3A_534, %get3A_535] {strides = array<i32>} : memref<80x128xf32, #tpu.memory_space<vmem>>, vector<16xf32>,
        %get3A_537 = arith.index_cast %add3A_533 : i32 to index
        %get3A_538 = arith.constant 0 : index
        %get3A_539 = tpu.vector_load %arg12[%get3A_537, %get3A_538] {strides = array<i32>} : memref<80x128xf32, #tpu.memory_space<vmem>>, vector<16xf32>,
        %mul3A_540 = arith.mulf %get3A_536, %get3A_539 : vector<16xf32>
        %get3A_541 = arith.index_cast %add3A_533 : i32 to index
        %get3A_542 = arith.constant 16 : index
        %get3A_543 = tpu.vector_load %arg11[%get3A_541, %get3A_542] {strides = array<i32>} : memref<80x128xf32, #tpu.memory_space<vmem>>, vector<16xf32>,
        %get3A_544 = arith.index_cast %add3A_533 : i32 to index
        %get3A_545 = arith.constant 16 : index
        %get3A_546 = tpu.vector_load %arg12[%get3A_544, %get3A_545] {strides = array<i32>} : memref<80x128xf32, #tpu.memory_space<vmem>>, vector<16xf32>,
        %mul3A_547 = arith.mulf %get3A_543, %get3A_546 : vector<16xf32>
        %add3A_548 = arith.addf %mul3A_540, %mul3A_547 : vector<16xf32>
        %get3A_549 = arith.index_cast %add3A_533 : i32 to index
        %get3A_550 = arith.constant 32 : index
        %get3A_551 = tpu.vector_load %arg11[%get3A_549, %get3A_550] {strides = array<i32>} : memref<80x128xf32, #tpu.memory_space<vmem>>, vector<16xf32>,
        %get3A_552 = arith.index_cast %add3A_533 : i32 to index
        %get3A_553 = arith.constant 32 : index
        %get3A_554 = tpu.vector_load %arg12[%get3A_552, %get3A_553] {strides = array<i32>} : memref<80x128xf32, #tpu.memory_space<vmem>>, vector<16xf32>,
        %mul3A_555 = arith.mulf %get3A_551, %get3A_554 : vector<16xf32>
        %add3A_556 = arith.addf %add3A_548, %mul3A_555 : vector<16xf32>
        %get3A_557 = arith.index_cast %add3A_533 : i32 to index
        %get3A_558 = arith.constant 48 : index
        %get3A_559 = tpu.vector_load %arg11[%get3A_557, %get3A_558] {strides = array<i32>} : memref<80x128xf32, #tpu.memory_space<vmem>>, vector<16xf32>,
        %get3A_560 = arith.index_cast %add3A_533 : i32 to index
        %get3A_561 = arith.constant 48 : index
        %get3A_562 = tpu.vector_load %arg12[%get3A_560, %get3A_561] {strides = array<i32>} : memref<80x128xf32, #tpu.memory_space<vmem>>, vector<16xf32>,
        %mul3A_563 = arith.mulf %get3A_559, %get3A_562 : vector<16xf32>
        %add3A_564 = arith.addf %add3A_556, %mul3A_563 : vector<16xf32>
        %get3A_565 = arith.index_cast %add3A_533 : i32 to index
        %get3A_566 = arith.constant 64 : index
        %get3A_567 = tpu.vector_load %arg11[%get3A_565, %get3A_566] {strides = array<i32>} : memref<80x128xf32, #tpu.memory_space<vmem>>, vector<16xf32>,
        %get3A_568 = arith.index_cast %add3A_533 : i32 to index
        %get3A_569 = arith.constant 64 : index
        %get3A_570 = tpu.vector_load %arg12[%get3A_568, %get3A_569] {strides = array<i32>} : memref<80x128xf32, #tpu.memory_space<vmem>>, vector<16xf32>,
        %mul3A_571 = arith.mulf %get3A_567, %get3A_570 : vector<16xf32>
        %add3A_572 = arith.addf %add3A_564, %mul3A_571 : vector<16xf32>
        %get3A_573 = arith.index_cast %add3A_533 : i32 to index
        %get3A_574 = arith.constant 80 : index
        %get3A_575 = tpu.vector_load %arg11[%get3A_573, %get3A_574] {strides = array<i32>} : memref<80x128xf32, #tpu.memory_space<vmem>>, vector<16xf32>,
        %get3A_576 = arith.index_cast %add3A_533 : i32 to index
        %get3A_577 = arith.constant 80 : index
        %get3A_578 = tpu.vector_load %arg12[%get3A_576, %get3A_577] {strides = array<i32>} : memref<80x128xf32, #tpu.memory_space<vmem>>, vector<16xf32>,
        %mul3A_579 = arith.mulf %get3A_575, %get3A_578 : vector<16xf32>
        %add3A_580 = arith.addf %add3A_572, %mul3A_579 : vector<16xf32>
        %get3A_581 = arith.index_cast %add3A_533 : i32 to index
        %get3A_582 = arith.constant 96 : index
        %get3A_583 = tpu.vector_load %arg11[%get3A_581, %get3A_582] {strides = array<i32>} : memref<80x128xf32, #tpu.memory_space<vmem>>, vector<16xf32>,
        %get3A_584 = arith.index_cast %add3A_533 : i32 to index
        %get3A_585 = arith.constant 96 : index
        %get3A_586 = tpu.vector_load %arg12[%get3A_584, %get3A_585] {strides = array<i32>} : memref<80x128xf32, #tpu.memory_space<vmem>>, vector<16xf32>,
        %mul3A_587 = arith.mulf %get3A_583, %get3A_586 : vector<16xf32>
        %add3A_588 = arith.addf %add3A_580, %mul3A_587 : vector<16xf32>
        %get3A_589 = arith.index_cast %add3A_533 : i32 to index
        %get3A_590 = arith.constant 112 : index
        %get3A_591 = tpu.vector_load %arg11[%get3A_589, %get3A_590] {strides = array<i32>} : memref<80x128xf32, #tpu.memory_space<vmem>>, vector<16xf32>,
        %get3A_592 = arith.index_cast %add3A_533 : i32 to index
        %get3A_593 = arith.constant 112 : index
        %get3A_594 = tpu.vector_load %arg12[%get3A_592, %get3A_593] {strides = array<i32>} : memref<80x128xf32, #tpu.memory_space<vmem>>, vector<16xf32>,
        %mul3A_595 = arith.mulf %get3A_591, %get3A_594 : vector<16xf32>
        %add3A_596 = arith.addf %add3A_588, %mul3A_595 : vector<16xf32>
        %broadcast_in_dim3A_597 = arith.constant true
        %broadcast_in_dim3A_598 = vector.broadcast %broadcast_in_dim3A_597 : i1 to vector<16xi1>
        %masked_cumsum3A_599 = tpu.scan <sum>, %add3A_596 masked %broadcast_in_dim3A_598 : vector<16xf32>, vector<16xi1> -> vector<16xf32>
        %swap3A_600 = arith.constant 6 : index
        %swap3A_601 = tpu.vector_load %arg14[%swap3A_600] masked %eq3A_2 {strides = array<i32>} : memref<32xf32, #tpu.memory_space<vmem>>, vector<16xf32>, vector<16xi1>
        tpu.vector_store %arg14[%swap3A_600], %masked_cumsum3A_599 masked %eq3A_2 {strides = array<i32>} : memref<32xf32, #tpu.memory_space<vmem>>, vector<16xf32>, vector<16xi1>
        %add3A_602 = arith.constant 7 : i32
        %add3A_603 = arith.addi %mul3A_115, %add3A_602 : i32
        %get3A_604 = arith.index_cast %add3A_603 : i32 to index
        %get3A_605 = arith.constant 0 : index
        %get3A_606 = tpu.vector_load %arg11[%get3A_604, %get3A_605] {strides = array<i32>} : memref<80x128xf32, #tpu.memory_space<vmem>>, vector<16xf32>,
        %get3A_607 = arith.index_cast %add3A_603 : i32 to index
        %get3A_608 = arith.constant 0 : index
        %get3A_609 = tpu.vector_load %arg12[%get3A_607, %get3A_608] {strides = array<i32>} : memref<80x128xf32, #tpu.memory_space<vmem>>, vector<16xf32>,
        %mul3A_610 = arith.mulf %get3A_606, %get3A_609 : vector<16xf32>
        %get3A_611 = arith.index_cast %add3A_603 : i32 to index
        %get3A_612 = arith.constant 16 : index
        %get3A_613 = tpu.vector_load %arg11[%get3A_611, %get3A_612] {strides = array<i32>} : memref<80x128xf32, #tpu.memory_space<vmem>>, vector<16xf32>,
        %get3A_614 = arith.index_cast %add3A_603 : i32 to index
        %get3A_615 = arith.constant 16 : index
        %get3A_616 = tpu.vector_load %arg12[%get3A_614, %get3A_615] {strides = array<i32>} : memref<80x128xf32, #tpu.memory_space<vmem>>, vector<16xf32>,
        %mul3A_617 = arith.mulf %get3A_613, %get3A_616 : vector<16xf32>
        %add3A_618 = arith.addf %mul3A_610, %mul3A_617 : vector<16xf32>
        %get3A_619 = arith.index_cast %add3A_603 : i32 to index
        %get3A_620 = arith.constant 32 : index
        %get3A_621 = tpu.vector_load %arg11[%get3A_619, %get3A_620] {strides = array<i32>} : memref<80x128xf32, #tpu.memory_space<vmem>>, vector<16xf32>,
        %get3A_622 = arith.index_cast %add3A_603 : i32 to index
        %get3A_623 = arith.constant 32 : index
        %get3A_624 = tpu.vector_load %arg12[%get3A_622, %get3A_623] {strides = array<i32>} : memref<80x128xf32, #tpu.memory_space<vmem>>, vector<16xf32>,
        %mul3A_625 = arith.mulf %get3A_621, %get3A_624 : vector<16xf32>
        %add3A_626 = arith.addf %add3A_618, %mul3A_625 : vector<16xf32>
        %get3A_627 = arith.index_cast %add3A_603 : i32 to index
        %get3A_628 = arith.constant 48 : index
        %get3A_629 = tpu.vector_load %arg11[%get3A_627, %get3A_628] {strides = array<i32>} : memref<80x128xf32, #tpu.memory_space<vmem>>, vector<16xf32>,
        %get3A_630 = arith.index_cast %add3A_603 : i32 to index
        %get3A_631 = arith.constant 48 : index
        %get3A_632 = tpu.vector_load %arg12[%get3A_630, %get3A_631] {strides = array<i32>} : memref<80x128xf32, #tpu.memory_space<vmem>>, vector<16xf32>,
        %mul3A_633 = arith.mulf %get3A_629, %get3A_632 : vector<16xf32>
        %add3A_634 = arith.addf %add3A_626, %mul3A_633 : vector<16xf32>
        %get3A_635 = arith.index_cast %add3A_603 : i32 to index
        %get3A_636 = arith.constant 64 : index
        %get3A_637 = tpu.vector_load %arg11[%get3A_635, %get3A_636] {strides = array<i32>} : memref<80x128xf32, #tpu.memory_space<vmem>>, vector<16xf32>,
        %get3A_638 = arith.index_cast %add3A_603 : i32 to index
        %get3A_639 = arith.constant 64 : index
        %get3A_640 = tpu.vector_load %arg12[%get3A_638, %get3A_639] {strides = array<i32>} : memref<80x128xf32, #tpu.memory_space<vmem>>, vector<16xf32>,
        %mul3A_641 = arith.mulf %get3A_637, %get3A_640 : vector<16xf32>
        %add3A_642 = arith.addf %add3A_634, %mul3A_641 : vector<16xf32>
        %get3A_643 = arith.index_cast %add3A_603 : i32 to index
        %get3A_644 = arith.constant 80 : index
        %get3A_645 = tpu.vector_load %arg11[%get3A_643, %get3A_644] {strides = array<i32>} : memref<80x128xf32, #tpu.memory_space<vmem>>, vector<16xf32>,
        %get3A_646 = arith.index_cast %add3A_603 : i32 to index
        %get3A_647 = arith.constant 80 : index
        %get3A_648 = tpu.vector_load %arg12[%get3A_646, %get3A_647] {strides = array<i32>} : memref<80x128xf32, #tpu.memory_space<vmem>>, vector<16xf32>,
        %mul3A_649 = arith.mulf %get3A_645, %get3A_648 : vector<16xf32>
        %add3A_650 = arith.addf %add3A_642, %mul3A_649 : vector<16xf32>
        %get3A_651 = arith.index_cast %add3A_603 : i32 to index
        %get3A_652 = arith.constant 96 : index
        %get3A_653 = tpu.vector_load %arg11[%get3A_651, %get3A_652] {strides = array<i32>} : memref<80x128xf32, #tpu.memory_space<vmem>>, vector<16xf32>,
        %get3A_654 = arith.index_cast %add3A_603 : i32 to index
        %get3A_655 = arith.constant 96 : index
        %get3A_656 = tpu.vector_load %arg12[%get3A_654, %get3A_655] {strides = array<i32>} : memref<80x128xf32, #tpu.memory_space<vmem>>, vector<16xf32>,
        %mul3A_657 = arith.mulf %get3A_653, %get3A_656 : vector<16xf32>
        %add3A_658 = arith.addf %add3A_650, %mul3A_657 : vector<16xf32>
        %get3A_659 = arith.index_cast %add3A_603 : i32 to index
        %get3A_660 = arith.constant 112 : index
        %get3A_661 = tpu.vector_load %arg11[%get3A_659, %get3A_660] {strides = array<i32>} : memref<80x128xf32, #tpu.memory_space<vmem>>, vector<16xf32>,
        %get3A_662 = arith.index_cast %add3A_603 : i32 to index
        %get3A_663 = arith.constant 112 : index
        %get3A_664 = tpu.vector_load %arg12[%get3A_662, %get3A_663] {strides = array<i32>} : memref<80x128xf32, #tpu.memory_space<vmem>>, vector<16xf32>,
        %mul3A_665 = arith.mulf %get3A_661, %get3A_664 : vector<16xf32>
        %add3A_666 = arith.addf %add3A_658, %mul3A_665 : vector<16xf32>
        %broadcast_in_dim3A_667 = arith.constant true
        %broadcast_in_dim3A_668 = vector.broadcast %broadcast_in_dim3A_667 : i1 to vector<16xi1>
        %masked_cumsum3A_669 = tpu.scan <sum>, %add3A_666 masked %broadcast_in_dim3A_668 : vector<16xf32>, vector<16xi1> -> vector<16xf32>
        %swap3A_670 = arith.constant 7 : index
        %swap3A_671 = tpu.vector_load %arg14[%swap3A_670] masked %eq3A_2 {strides = array<i32>} : memref<32xf32, #tpu.memory_space<vmem>>, vector<16xf32>, vector<16xi1>
        tpu.vector_store %arg14[%swap3A_670], %masked_cumsum3A_669 masked %eq3A_2 {strides = array<i32>} : memref<32xf32, #tpu.memory_space<vmem>>, vector<16xf32>, vector<16xi1>
        %add3A_672 = arith.constant 8 : i32
        %add3A_673 = arith.addi %mul3A_115, %add3A_672 : i32
        %get3A_674 = arith.index_cast %add3A_673 : i32 to index
        %get3A_675 = arith.constant 0 : index
        %get3A_676 = tpu.vector_load %arg11[%get3A_674, %get3A_675] {strides = array<i32>} : memref<80x128xf32, #tpu.memory_space<vmem>>, vector<16xf32>,
        %get3A_677 = arith.index_cast %add3A_673 : i32 to index
        %get3A_678 = arith.constant 0 : index
        %get3A_679 = tpu.vector_load %arg12[%get3A_677, %get3A_678] {strides = array<i32>} : memref<80x128xf32, #tpu.memory_space<vmem>>, vector<16xf32>,
        %mul3A_680 = arith.mulf %get3A_676, %get3A_679 : vector<16xf32>
        %get3A_681 = arith.index_cast %add3A_673 : i32 to index
        %get3A_682 = arith.constant 16 : index
        %get3A_683 = tpu.vector_load %arg11[%get3A_681, %get3A_682] {strides = array<i32>} : memref<80x128xf32, #tpu.memory_space<vmem>>, vector<16xf32>,
        %get3A_684 = arith.index_cast %add3A_673 : i32 to index
        %get3A_685 = arith.constant 16 : index
        %get3A_686 = tpu.vector_load %arg12[%get3A_684, %get3A_685] {strides = array<i32>} : memref<80x128xf32, #tpu.memory_space<vmem>>, vector<16xf32>,
        %mul3A_687 = arith.mulf %get3A_683, %get3A_686 : vector<16xf32>
        %add3A_688 = arith.addf %mul3A_680, %mul3A_687 : vector<16xf32>
        %get3A_689 = arith.index_cast %add3A_673 : i32 to index
        %get3A_690 = arith.constant 32 : index
        %get3A_691 = tpu.vector_load %arg11[%get3A_689, %get3A_690] {strides = array<i32>} : memref<80x128xf32, #tpu.memory_space<vmem>>, vector<16xf32>,
        %get3A_692 = arith.index_cast %add3A_673 : i32 to index
        %get3A_693 = arith.constant 32 : index
        %get3A_694 = tpu.vector_load %arg12[%get3A_692, %get3A_693] {strides = array<i32>} : memref<80x128xf32, #tpu.memory_space<vmem>>, vector<16xf32>,
        %mul3A_695 = arith.mulf %get3A_691, %get3A_694 : vector<16xf32>
        %add3A_696 = arith.addf %add3A_688, %mul3A_695 : vector<16xf32>
        %get3A_697 = arith.index_cast %add3A_673 : i32 to index
        %get3A_698 = arith.constant 48 : index
        %get3A_699 = tpu.vector_load %arg11[%get3A_697, %get3A_698] {strides = array<i32>} : memref<80x128xf32, #tpu.memory_space<vmem>>, vector<16xf32>,
        %get3A_700 = arith.index_cast %add3A_673 : i32 to index
        %get3A_701 = arith.constant 48 : index
        %get3A_702 = tpu.vector_load %arg12[%get3A_700, %get3A_701] {strides = array<i32>} : memref<80x128xf32, #tpu.memory_space<vmem>>, vector<16xf32>,
        %mul3A_703 = arith.mulf %get3A_699, %get3A_702 : vector<16xf32>
        %add3A_704 = arith.addf %add3A_696, %mul3A_703 : vector<16xf32>
        %get3A_705 = arith.index_cast %add3A_673 : i32 to index
        %get3A_706 = arith.constant 64 : index
        %get3A_707 = tpu.vector_load %arg11[%get3A_705, %get3A_706] {strides = array<i32>} : memref<80x128xf32, #tpu.memory_space<vmem>>, vector<16xf32>,
        %get3A_708 = arith.index_cast %add3A_673 : i32 to index
        %get3A_709 = arith.constant 64 : index
        %get3A_710 = tpu.vector_load %arg12[%get3A_708, %get3A_709] {strides = array<i32>} : memref<80x128xf32, #tpu.memory_space<vmem>>, vector<16xf32>,
        %mul3A_711 = arith.mulf %get3A_707, %get3A_710 : vector<16xf32>
        %add3A_712 = arith.addf %add3A_704, %mul3A_711 : vector<16xf32>
        %get3A_713 = arith.index_cast %add3A_673 : i32 to index
        %get3A_714 = arith.constant 80 : index
        %get3A_715 = tpu.vector_load %arg11[%get3A_713, %get3A_714] {strides = array<i32>} : memref<80x128xf32, #tpu.memory_space<vmem>>, vector<16xf32>,
        %get3A_716 = arith.index_cast %add3A_673 : i32 to index
        %get3A_717 = arith.constant 80 : index
        %get3A_718 = tpu.vector_load %arg12[%get3A_716, %get3A_717] {strides = array<i32>} : memref<80x128xf32, #tpu.memory_space<vmem>>, vector<16xf32>,
        %mul3A_719 = arith.mulf %get3A_715, %get3A_718 : vector<16xf32>
        %add3A_720 = arith.addf %add3A_712, %mul3A_719 : vector<16xf32>
        %get3A_721 = arith.index_cast %add3A_673 : i32 to index
        %get3A_722 = arith.constant 96 : index
        %get3A_723 = tpu.vector_load %arg11[%get3A_721, %get3A_722] {strides = array<i32>} : memref<80x128xf32, #tpu.memory_space<vmem>>, vector<16xf32>,
        %get3A_724 = arith.index_cast %add3A_673 : i32 to index
        %get3A_725 = arith.constant 96 : index
        %get3A_726 = tpu.vector_load %arg12[%get3A_724, %get3A_725] {strides = array<i32>} : memref<80x128xf32, #tpu.memory_space<vmem>>, vector<16xf32>,
        %mul3A_727 = arith.mulf %get3A_723, %get3A_726 : vector<16xf32>
        %add3A_728 = arith.addf %add3A_720, %mul3A_727 : vector<16xf32>
        %get3A_729 = arith.index_cast %add3A_673 : i32 to index
        %get3A_730 = arith.constant 112 : index
        %get3A_731 = tpu.vector_load %arg11[%get3A_729, %get3A_730] {strides = array<i32>} : memref<80x128xf32, #tpu.memory_space<vmem>>, vector<16xf32>,
        %get3A_732 = arith.index_cast %add3A_673 : i32 to index
        %get3A_733 = arith.constant 112 : index
        %get3A_734 = tpu.vector_load %arg12[%get3A_732, %get3A_733] {strides = array<i32>} : memref<80x128xf32, #tpu.memory_space<vmem>>, vector<16xf32>,
        %mul3A_735 = arith.mulf %get3A_731, %get3A_734 : vector<16xf32>
        %add3A_736 = arith.addf %add3A_728, %mul3A_735 : vector<16xf32>
        %broadcast_in_dim3A_737 = arith.constant true
        %broadcast_in_dim3A_738 = vector.broadcast %broadcast_in_dim3A_737 : i1 to vector<16xi1>
        %masked_cumsum3A_739 = tpu.scan <sum>, %add3A_736 masked %broadcast_in_dim3A_738 : vector<16xf32>, vector<16xi1> -> vector<16xf32>
        %swap3A_740 = arith.constant 8 : index
        %swap3A_741 = tpu.vector_load %arg14[%swap3A_740] masked %eq3A_2 {strides = array<i32>} : memref<32xf32, #tpu.memory_space<vmem>>, vector<16xf32>, vector<16xi1>
        tpu.vector_store %arg14[%swap3A_740], %masked_cumsum3A_739 masked %eq3A_2 {strides = array<i32>} : memref<32xf32, #tpu.memory_space<vmem>>, vector<16xf32>, vector<16xi1>
        %add3A_742 = arith.constant 9 : i32
        %add3A_743 = arith.addi %mul3A_115, %add3A_742 : i32
        %get3A_744 = arith.index_cast %add3A_743 : i32 to index
        %get3A_745 = arith.constant 0 : index
        %get3A_746 = tpu.vector_load %arg11[%get3A_744, %get3A_745] {strides = array<i32>} : memref<80x128xf32, #tpu.memory_space<vmem>>, vector<16xf32>,
        %get3A_747 = arith.index_cast %add3A_743 : i32 to index
        %get3A_748 = arith.constant 0 : index
        %get3A_749 = tpu.vector_load %arg12[%get3A_747, %get3A_748] {strides = array<i32>} : memref<80x128xf32, #tpu.memory_space<vmem>>, vector<16xf32>,
        %mul3A_750 = arith.mulf %get3A_746, %get3A_749 : vector<16xf32>
        %get3A_751 = arith.index_cast %add3A_743 : i32 to index
        %get3A_752 = arith.constant 16 : index
        %get3A_753 = tpu.vector_load %arg11[%get3A_751, %get3A_752] {strides = array<i32>} : memref<80x128xf32, #tpu.memory_space<vmem>>, vector<16xf32>,
        %get3A_754 = arith.index_cast %add3A_743 : i32 to index
        %get3A_755 = arith.constant 16 : index
        %get3A_756 = tpu.vector_load %arg12[%get3A_754, %get3A_755] {strides = array<i32>} : memref<80x128xf32, #tpu.memory_space<vmem>>, vector<16xf32>,
        %mul3A_757 = arith.mulf %get3A_753, %get3A_756 : vector<16xf32>
        %add3A_758 = arith.addf %mul3A_750, %mul3A_757 : vector<16xf32>
        %get3A_759 = arith.index_cast %add3A_743 : i32 to index
        %get3A_760 = arith.constant 32 : index
        %get3A_761 = tpu.vector_load %arg11[%get3A_759, %get3A_760] {strides = array<i32>} : memref<80x128xf32, #tpu.memory_space<vmem>>, vector<16xf32>,
        %get3A_762 = arith.index_cast %add3A_743 : i32 to index
        %get3A_763 = arith.constant 32 : index
        %get3A_764 = tpu.vector_load %arg12[%get3A_762, %get3A_763] {strides = array<i32>} : memref<80x128xf32, #tpu.memory_space<vmem>>, vector<16xf32>,
        %mul3A_765 = arith.mulf %get3A_761, %get3A_764 : vector<16xf32>
        %add3A_766 = arith.addf %add3A_758, %mul3A_765 : vector<16xf32>
        %get3A_767 = arith.index_cast %add3A_743 : i32 to index
        %get3A_768 = arith.constant 48 : index
        %get3A_769 = tpu.vector_load %arg11[%get3A_767, %get3A_768] {strides = array<i32>} : memref<80x128xf32, #tpu.memory_space<vmem>>, vector<16xf32>,
        %get3A_770 = arith.index_cast %add3A_743 : i32 to index
        %get3A_771 = arith.constant 48 : index
        %get3A_772 = tpu.vector_load %arg12[%get3A_770, %get3A_771] {strides = array<i32>} : memref<80x128xf32, #tpu.memory_space<vmem>>, vector<16xf32>,
        %mul3A_773 = arith.mulf %get3A_769, %get3A_772 : vector<16xf32>
        %add3A_774 = arith.addf %add3A_766, %mul3A_773 : vector<16xf32>
        %get3A_775 = arith.index_cast %add3A_743 : i32 to index
        %get3A_776 = arith.constant 64 : index
        %get3A_777 = tpu.vector_load %arg11[%get3A_775, %get3A_776] {strides = array<i32>} : memref<80x128xf32, #tpu.memory_space<vmem>>, vector<16xf32>,
        %get3A_778 = arith.index_cast %add3A_743 : i32 to index
        %get3A_779 = arith.constant 64 : index
        %get3A_780 = tpu.vector_load %arg12[%get3A_778, %get3A_779] {strides = array<i32>} : memref<80x128xf32, #tpu.memory_space<vmem>>, vector<16xf32>,
        %mul3A_781 = arith.mulf %get3A_777, %get3A_780 : vector<16xf32>
        %add3A_782 = arith.addf %add3A_774, %mul3A_781 : vector<16xf32>
        %get3A_783 = arith.index_cast %add3A_743 : i32 to index
        %get3A_784 = arith.constant 80 : index
        %get3A_785 = tpu.vector_load %arg11[%get3A_783, %get3A_784] {strides = array<i32>} : memref<80x128xf32, #tpu.memory_space<vmem>>, vector<16xf32>,
        %get3A_786 = arith.index_cast %add3A_743 : i32 to index
        %get3A_787 = arith.constant 80 : index
        %get3A_788 = tpu.vector_load %arg12[%get3A_786, %get3A_787] {strides = array<i32>} : memref<80x128xf32, #tpu.memory_space<vmem>>, vector<16xf32>,
        %mul3A_789 = arith.mulf %get3A_785, %get3A_788 : vector<16xf32>
        %add3A_790 = arith.addf %add3A_782, %mul3A_789 : vector<16xf32>
        %get3A_791 = arith.index_cast %add3A_743 : i32 to index
        %get3A_792 = arith.constant 96 : index
        %get3A_793 = tpu.vector_load %arg11[%get3A_791, %get3A_792] {strides = array<i32>} : memref<80x128xf32, #tpu.memory_space<vmem>>, vector<16xf32>,
        %get3A_794 = arith.index_cast %add3A_743 : i32 to index
        %get3A_795 = arith.constant 96 : index
        %get3A_796 = tpu.vector_load %arg12[%get3A_794, %get3A_795] {strides = array<i32>} : memref<80x128xf32, #tpu.memory_space<vmem>>, vector<16xf32>,
        %mul3A_797 = arith.mulf %get3A_793, %get3A_796 : vector<16xf32>
        %add3A_798 = arith.addf %add3A_790, %mul3A_797 : vector<16xf32>
        %get3A_799 = arith.index_cast %add3A_743 : i32 to index
        %get3A_800 = arith.constant 112 : index
        %get3A_801 = tpu.vector_load %arg11[%get3A_799, %get3A_800] {strides = array<i32>} : memref<80x128xf32, #tpu.memory_space<vmem>>, vector<16xf32>,
        %get3A_802 = arith.index_cast %add3A_743 : i32 to index
        %get3A_803 = arith.constant 112 : index
        %get3A_804 = tpu.vector_load %arg12[%get3A_802, %get3A_803] {strides = array<i32>} : memref<80x128xf32, #tpu.memory_space<vmem>>, vector<16xf32>,
        %mul3A_805 = arith.mulf %get3A_801, %get3A_804 : vector<16xf32>
        %add3A_806 = arith.addf %add3A_798, %mul3A_805 : vector<16xf32>
        %broadcast_in_dim3A_807 = arith.constant true
        %broadcast_in_dim3A_808 = vector.broadcast %broadcast_in_dim3A_807 : i1 to vector<16xi1>
        %masked_cumsum3A_809 = tpu.scan <sum>, %add3A_806 masked %broadcast_in_dim3A_808 : vector<16xf32>, vector<16xi1> -> vector<16xf32>
        %swap3A_810 = arith.constant 9 : index
        %swap3A_811 = tpu.vector_load %arg14[%swap3A_810] masked %eq3A_2 {strides = array<i32>} : memref<32xf32, #tpu.memory_space<vmem>>, vector<16xf32>, vector<16xi1>
        tpu.vector_store %arg14[%swap3A_810], %masked_cumsum3A_809 masked %eq3A_2 {strides = array<i32>} : memref<32xf32, #tpu.memory_space<vmem>>, vector<16xf32>, vector<16xi1>
        %add3A_812 = arith.constant 10 : i32
        %add3A_813 = arith.addi %mul3A_115, %add3A_812 : i32
        %get3A_814 = arith.index_cast %add3A_813 : i32 to index
        %get3A_815 = arith.constant 0 : index
        %get3A_816 = tpu.vector_load %arg11[%get3A_814, %get3A_815] {strides = array<i32>} : memref<80x128xf32, #tpu.memory_space<vmem>>, vector<16xf32>,
        %get3A_817 = arith.index_cast %add3A_813 : i32 to index
        %get3A_818 = arith.constant 0 : index
        %get3A_819 = tpu.vector_load %arg12[%get3A_817, %get3A_818] {strides = array<i32>} : memref<80x128xf32, #tpu.memory_space<vmem>>, vector<16xf32>,
        %mul3A_820 = arith.mulf %get3A_816, %get3A_819 : vector<16xf32>
        %get3A_821 = arith.index_cast %add3A_813 : i32 to index
        %get3A_822 = arith.constant 16 : index
        %get3A_823 = tpu.vector_load %arg11[%get3A_821, %get3A_822] {strides = array<i32>} : memref<80x128xf32, #tpu.memory_space<vmem>>, vector<16xf32>,
        %get3A_824 = arith.index_cast %add3A_813 : i32 to index
        %get3A_825 = arith.constant 16 : index
        %get3A_826 = tpu.vector_load %arg12[%get3A_824, %get3A_825] {strides = array<i32>} : memref<80x128xf32, #tpu.memory_space<vmem>>, vector<16xf32>,
        %mul3A_827 = arith.mulf %get3A_823, %get3A_826 : vector<16xf32>
        %add3A_828 = arith.addf %mul3A_820, %mul3A_827 : vector<16xf32>
        %get3A_829 = arith.index_cast %add3A_813 : i32 to index
        %get3A_830 = arith.constant 32 : index
        %get3A_831 = tpu.vector_load %arg11[%get3A_829, %get3A_830] {strides = array<i32>} : memref<80x128xf32, #tpu.memory_space<vmem>>, vector<16xf32>,
        %get3A_832 = arith.index_cast %add3A_813 : i32 to index
        %get3A_833 = arith.constant 32 : index
        %get3A_834 = tpu.vector_load %arg12[%get3A_832, %get3A_833] {strides = array<i32>} : memref<80x128xf32, #tpu.memory_space<vmem>>, vector<16xf32>,
        %mul3A_835 = arith.mulf %get3A_831, %get3A_834 : vector<16xf32>
        %add3A_836 = arith.addf %add3A_828, %mul3A_835 : vector<16xf32>
        %get3A_837 = arith.index_cast %add3A_813 : i32 to index
        %get3A_838 = arith.constant 48 : index
        %get3A_839 = tpu.vector_load %arg11[%get3A_837, %get3A_838] {strides = array<i32>} : memref<80x128xf32, #tpu.memory_space<vmem>>, vector<16xf32>,
        %get3A_840 = arith.index_cast %add3A_813 : i32 to index
        %get3A_841 = arith.constant 48 : index
        %get3A_842 = tpu.vector_load %arg12[%get3A_840, %get3A_841] {strides = array<i32>} : memref<80x128xf32, #tpu.memory_space<vmem>>, vector<16xf32>,
        %mul3A_843 = arith.mulf %get3A_839, %get3A_842 : vector<16xf32>
        %add3A_844 = arith.addf %add3A_836, %mul3A_843 : vector<16xf32>
        %get3A_845 = arith.index_cast %add3A_813 : i32 to index
        %get3A_846 = arith.constant 64 : index
        %get3A_847 = tpu.vector_load %arg11[%get3A_845, %get3A_846] {strides = array<i32>} : memref<80x128xf32, #tpu.memory_space<vmem>>, vector<16xf32>,
        %get3A_848 = arith.index_cast %add3A_813 : i32 to index
        %get3A_849 = arith.constant 64 : index
        %get3A_850 = tpu.vector_load %arg12[%get3A_848, %get3A_849] {strides = array<i32>} : memref<80x128xf32, #tpu.memory_space<vmem>>, vector<16xf32>,
        %mul3A_851 = arith.mulf %get3A_847, %get3A_850 : vector<16xf32>
        %add3A_852 = arith.addf %add3A_844, %mul3A_851 : vector<16xf32>
        %get3A_853 = arith.index_cast %add3A_813 : i32 to index
        %get3A_854 = arith.constant 80 : index
        %get3A_855 = tpu.vector_load %arg11[%get3A_853, %get3A_854] {strides = array<i32>} : memref<80x128xf32, #tpu.memory_space<vmem>>, vector<16xf32>,
        %get3A_856 = arith.index_cast %add3A_813 : i32 to index
        %get3A_857 = arith.constant 80 : index
        %get3A_858 = tpu.vector_load %arg12[%get3A_856, %get3A_857] {strides = array<i32>} : memref<80x128xf32, #tpu.memory_space<vmem>>, vector<16xf32>,
        %mul3A_859 = arith.mulf %get3A_855, %get3A_858 : vector<16xf32>
        %add3A_860 = arith.addf %add3A_852, %mul3A_859 : vector<16xf32>
        %get3A_861 = arith.index_cast %add3A_813 : i32 to index
        %get3A_862 = arith.constant 96 : index
        %get3A_863 = tpu.vector_load %arg11[%get3A_861, %get3A_862] {strides = array<i32>} : memref<80x128xf32, #tpu.memory_space<vmem>>, vector<16xf32>,
        %get3A_864 = arith.index_cast %add3A_813 : i32 to index
        %get3A_865 = arith.constant 96 : index
        %get3A_866 = tpu.vector_load %arg12[%get3A_864, %get3A_865] {strides = array<i32>} : memref<80x128xf32, #tpu.memory_space<vmem>>, vector<16xf32>,
        %mul3A_867 = arith.mulf %get3A_863, %get3A_866 : vector<16xf32>
        %add3A_868 = arith.addf %add3A_860, %mul3A_867 : vector<16xf32>
        %get3A_869 = arith.index_cast %add3A_813 : i32 to index
        %get3A_870 = arith.constant 112 : index
        %get3A_871 = tpu.vector_load %arg11[%get3A_869, %get3A_870] {strides = array<i32>} : memref<80x128xf32, #tpu.memory_space<vmem>>, vector<16xf32>,
        %get3A_872 = arith.index_cast %add3A_813 : i32 to index
        %get3A_873 = arith.constant 112 : index
        %get3A_874 = tpu.vector_load %arg12[%get3A_872, %get3A_873] {strides = array<i32>} : memref<80x128xf32, #tpu.memory_space<vmem>>, vector<16xf32>,
        %mul3A_875 = arith.mulf %get3A_871, %get3A_874 : vector<16xf32>
        %add3A_876 = arith.addf %add3A_868, %mul3A_875 : vector<16xf32>
        %broadcast_in_dim3A_877 = arith.constant true
        %broadcast_in_dim3A_878 = vector.broadcast %broadcast_in_dim3A_877 : i1 to vector<16xi1>
        %masked_cumsum3A_879 = tpu.scan <sum>, %add3A_876 masked %broadcast_in_dim3A_878 : vector<16xf32>, vector<16xi1> -> vector<16xf32>
        %swap3A_880 = arith.constant 10 : index
        %swap3A_881 = tpu.vector_load %arg14[%swap3A_880] masked %eq3A_2 {strides = array<i32>} : memref<32xf32, #tpu.memory_space<vmem>>, vector<16xf32>, vector<16xi1>
        tpu.vector_store %arg14[%swap3A_880], %masked_cumsum3A_879 masked %eq3A_2 {strides = array<i32>} : memref<32xf32, #tpu.memory_space<vmem>>, vector<16xf32>, vector<16xi1>
        %add3A_882 = arith.constant 11 : i32
        %add3A_883 = arith.addi %mul3A_115, %add3A_882 : i32
        %get3A_884 = arith.index_cast %add3A_883 : i32 to index
        %get3A_885 = arith.constant 0 : index
        %get3A_886 = tpu.vector_load %arg11[%get3A_884, %get3A_885] {strides = array<i32>} : memref<80x128xf32, #tpu.memory_space<vmem>>, vector<16xf32>,
        %get3A_887 = arith.index_cast %add3A_883 : i32 to index
        %get3A_888 = arith.constant 0 : index
        %get3A_889 = tpu.vector_load %arg12[%get3A_887, %get3A_888] {strides = array<i32>} : memref<80x128xf32, #tpu.memory_space<vmem>>, vector<16xf32>,
        %mul3A_890 = arith.mulf %get3A_886, %get3A_889 : vector<16xf32>
        %get3A_891 = arith.index_cast %add3A_883 : i32 to index
        %get3A_892 = arith.constant 16 : index
        %get3A_893 = tpu.vector_load %arg11[%get3A_891, %get3A_892] {strides = array<i32>} : memref<80x128xf32, #tpu.memory_space<vmem>>, vector<16xf32>,
        %get3A_894 = arith.index_cast %add3A_883 : i32 to index
        %get3A_895 = arith.constant 16 : index
        %get3A_896 = tpu.vector_load %arg12[%get3A_894, %get3A_895] {strides = array<i32>} : memref<80x128xf32, #tpu.memory_space<vmem>>, vector<16xf32>,
        %mul3A_897 = arith.mulf %get3A_893, %get3A_896 : vector<16xf32>
        %add3A_898 = arith.addf %mul3A_890, %mul3A_897 : vector<16xf32>
        %get3A_899 = arith.index_cast %add3A_883 : i32 to index
        %get3A_900 = arith.constant 32 : index
        %get3A_901 = tpu.vector_load %arg11[%get3A_899, %get3A_900] {strides = array<i32>} : memref<80x128xf32, #tpu.memory_space<vmem>>, vector<16xf32>,
        %get3A_902 = arith.index_cast %add3A_883 : i32 to index
        %get3A_903 = arith.constant 32 : index
        %get3A_904 = tpu.vector_load %arg12[%get3A_902, %get3A_903] {strides = array<i32>} : memref<80x128xf32, #tpu.memory_space<vmem>>, vector<16xf32>,
        %mul3A_905 = arith.mulf %get3A_901, %get3A_904 : vector<16xf32>
        %add3A_906 = arith.addf %add3A_898, %mul3A_905 : vector<16xf32>
        %get3A_907 = arith.index_cast %add3A_883 : i32 to index
        %get3A_908 = arith.constant 48 : index
        %get3A_909 = tpu.vector_load %arg11[%get3A_907, %get3A_908] {strides = array<i32>} : memref<80x128xf32, #tpu.memory_space<vmem>>, vector<16xf32>,
        %get3A_910 = arith.index_cast %add3A_883 : i32 to index
        %get3A_911 = arith.constant 48 : index
        %get3A_912 = tpu.vector_load %arg12[%get3A_910, %get3A_911] {strides = array<i32>} : memref<80x128xf32, #tpu.memory_space<vmem>>, vector<16xf32>,
        %mul3A_913 = arith.mulf %get3A_909, %get3A_912 : vector<16xf32>
        %add3A_914 = arith.addf %add3A_906, %mul3A_913 : vector<16xf32>
        %get3A_915 = arith.index_cast %add3A_883 : i32 to index
        %get3A_916 = arith.constant 64 : index
        %get3A_917 = tpu.vector_load %arg11[%get3A_915, %get3A_916] {strides = array<i32>} : memref<80x128xf32, #tpu.memory_space<vmem>>, vector<16xf32>,
        %get3A_918 = arith.index_cast %add3A_883 : i32 to index
        %get3A_919 = arith.constant 64 : index
        %get3A_920 = tpu.vector_load %arg12[%get3A_918, %get3A_919] {strides = array<i32>} : memref<80x128xf32, #tpu.memory_space<vmem>>, vector<16xf32>,
        %mul3A_921 = arith.mulf %get3A_917, %get3A_920 : vector<16xf32>
        %add3A_922 = arith.addf %add3A_914, %mul3A_921 : vector<16xf32>
        %get3A_923 = arith.index_cast %add3A_883 : i32 to index
        %get3A_924 = arith.constant 80 : index
        %get3A_925 = tpu.vector_load %arg11[%get3A_923, %get3A_924] {strides = array<i32>} : memref<80x128xf32, #tpu.memory_space<vmem>>, vector<16xf32>,
        %get3A_926 = arith.index_cast %add3A_883 : i32 to index
        %get3A_927 = arith.constant 80 : index
        %get3A_928 = tpu.vector_load %arg12[%get3A_926, %get3A_927] {strides = array<i32>} : memref<80x128xf32, #tpu.memory_space<vmem>>, vector<16xf32>,
        %mul3A_929 = arith.mulf %get3A_925, %get3A_928 : vector<16xf32>
        %add3A_930 = arith.addf %add3A_922, %mul3A_929 : vector<16xf32>
        %get3A_931 = arith.index_cast %add3A_883 : i32 to index
        %get3A_932 = arith.constant 96 : index
        %get3A_933 = tpu.vector_load %arg11[%get3A_931, %get3A_932] {strides = array<i32>} : memref<80x128xf32, #tpu.memory_space<vmem>>, vector<16xf32>,
        %get3A_934 = arith.index_cast %add3A_883 : i32 to index
        %get3A_935 = arith.constant 96 : index
        %get3A_936 = tpu.vector_load %arg12[%get3A_934, %get3A_935] {strides = array<i32>} : memref<80x128xf32, #tpu.memory_space<vmem>>, vector<16xf32>,
        %mul3A_937 = arith.mulf %get3A_933, %get3A_936 : vector<16xf32>
        %add3A_938 = arith.addf %add3A_930, %mul3A_937 : vector<16xf32>
        %get3A_939 = arith.index_cast %add3A_883 : i32 to index
        %get3A_940 = arith.constant 112 : index
        %get3A_941 = tpu.vector_load %arg11[%get3A_939, %get3A_940] {strides = array<i32>} : memref<80x128xf32, #tpu.memory_space<vmem>>, vector<16xf32>,
        %get3A_942 = arith.index_cast %add3A_883 : i32 to index
        %get3A_943 = arith.constant 112 : index
        %get3A_944 = tpu.vector_load %arg12[%get3A_942, %get3A_943] {strides = array<i32>} : memref<80x128xf32, #tpu.memory_space<vmem>>, vector<16xf32>,
        %mul3A_945 = arith.mulf %get3A_941, %get3A_944 : vector<16xf32>
        %add3A_946 = arith.addf %add3A_938, %mul3A_945 : vector<16xf32>
        %broadcast_in_dim3A_947 = arith.constant true
        %broadcast_in_dim3A_948 = vector.broadcast %broadcast_in_dim3A_947 : i1 to vector<16xi1>
        %masked_cumsum3A_949 = tpu.scan <sum>, %add3A_946 masked %broadcast_in_dim3A_948 : vector<16xf32>, vector<16xi1> -> vector<16xf32>
        %swap3A_950 = arith.constant 11 : index
        %swap3A_951 = tpu.vector_load %arg14[%swap3A_950] masked %eq3A_2 {strides = array<i32>} : memref<32xf32, #tpu.memory_space<vmem>>, vector<16xf32>, vector<16xi1>
        tpu.vector_store %arg14[%swap3A_950], %masked_cumsum3A_949 masked %eq3A_2 {strides = array<i32>} : memref<32xf32, #tpu.memory_space<vmem>>, vector<16xf32>, vector<16xi1>
        %add3A_952 = arith.constant 12 : i32
        %add3A_953 = arith.addi %mul3A_115, %add3A_952 : i32
        %get3A_954 = arith.index_cast %add3A_953 : i32 to index
        %get3A_955 = arith.constant 0 : index
        %get3A_956 = tpu.vector_load %arg11[%get3A_954, %get3A_955] {strides = array<i32>} : memref<80x128xf32, #tpu.memory_space<vmem>>, vector<16xf32>,
        %get3A_957 = arith.index_cast %add3A_953 : i32 to index
        %get3A_958 = arith.constant 0 : index
        %get3A_959 = tpu.vector_load %arg12[%get3A_957, %get3A_958] {strides = array<i32>} : memref<80x128xf32, #tpu.memory_space<vmem>>, vector<16xf32>,
        %mul3A_960 = arith.mulf %get3A_956, %get3A_959 : vector<16xf32>
        %get3A_961 = arith.index_cast %add3A_953 : i32 to index
        %get3A_962 = arith.constant 16 : index
        %get3A_963 = tpu.vector_load %arg11[%get3A_961, %get3A_962] {strides = array<i32>} : memref<80x128xf32, #tpu.memory_space<vmem>>, vector<16xf32>,
        %get3A_964 = arith.index_cast %add3A_953 : i32 to index
        %get3A_965 = arith.constant 16 : index
        %get3A_966 = tpu.vector_load %arg12[%get3A_964, %get3A_965] {strides = array<i32>} : memref<80x128xf32, #tpu.memory_space<vmem>>, vector<16xf32>,
        %mul3A_967 = arith.mulf %get3A_963, %get3A_966 : vector<16xf32>
        %add3A_968 = arith.addf %mul3A_960, %mul3A_967 : vector<16xf32>
        %get3A_969 = arith.index_cast %add3A_953 : i32 to index
        %get3A_970 = arith.constant 32 : index
        %get3A_971 = tpu.vector_load %arg11[%get3A_969, %get3A_970] {strides = array<i32>} : memref<80x128xf32, #tpu.memory_space<vmem>>, vector<16xf32>,
        %get3A_972 = arith.index_cast %add3A_953 : i32 to index
        %get3A_973 = arith.constant 32 : index
        %get3A_974 = tpu.vector_load %arg12[%get3A_972, %get3A_973] {strides = array<i32>} : memref<80x128xf32, #tpu.memory_space<vmem>>, vector<16xf32>,
        %mul3A_975 = arith.mulf %get3A_971, %get3A_974 : vector<16xf32>
        %add3A_976 = arith.addf %add3A_968, %mul3A_975 : vector<16xf32>
        %get3A_977 = arith.index_cast %add3A_953 : i32 to index
        %get3A_978 = arith.constant 48 : index
        %get3A_979 = tpu.vector_load %arg11[%get3A_977, %get3A_978] {strides = array<i32>} : memref<80x128xf32, #tpu.memory_space<vmem>>, vector<16xf32>,
        %get3A_980 = arith.index_cast %add3A_953 : i32 to index
        %get3A_981 = arith.constant 48 : index
        %get3A_982 = tpu.vector_load %arg12[%get3A_980, %get3A_981] {strides = array<i32>} : memref<80x128xf32, #tpu.memory_space<vmem>>, vector<16xf32>,
        %mul3A_983 = arith.mulf %get3A_979, %get3A_982 : vector<16xf32>
        %add3A_984 = arith.addf %add3A_976, %mul3A_983 : vector<16xf32>
        %get3A_985 = arith.index_cast %add3A_953 : i32 to index
        %get3A_986 = arith.constant 64 : index
        %get3A_987 = tpu.vector_load %arg11[%get3A_985, %get3A_986] {strides = array<i32>} : memref<80x128xf32, #tpu.memory_space<vmem>>, vector<16xf32>,
        %get3A_988 = arith.index_cast %add3A_953 : i32 to index
        %get3A_989 = arith.constant 64 : index
        %get3A_990 = tpu.vector_load %arg12[%get3A_988, %get3A_989] {strides = array<i32>} : memref<80x128xf32, #tpu.memory_space<vmem>>, vector<16xf32>,
        %mul3A_991 = arith.mulf %get3A_987, %get3A_990 : vector<16xf32>
        %add3A_992 = arith.addf %add3A_984, %mul3A_991 : vector<16xf32>
        %get3A_993 = arith.index_cast %add3A_953 : i32 to index
        %get3A_994 = arith.constant 80 : index
        %get3A_995 = tpu.vector_load %arg11[%get3A_993, %get3A_994] {strides = array<i32>} : memref<80x128xf32, #tpu.memory_space<vmem>>, vector<16xf32>,
        %get3A_996 = arith.index_cast %add3A_953 : i32 to index
        %get3A_997 = arith.constant 80 : index
        %get3A_998 = tpu.vector_load %arg12[%get3A_996, %get3A_997] {strides = array<i32>} : memref<80x128xf32, #tpu.memory_space<vmem>>, vector<16xf32>,
        %mul3A_999 = arith.mulf %get3A_995, %get3A_998 : vector<16xf32>
        %add3A_1000 = arith.addf %add3A_992, %mul3A_999 : vector<16xf32>
        %get3A_1001 = arith.index_cast %add3A_953 : i32 to index
        %get3A_1002 = arith.constant 96 : index
        %get3A_1003 = tpu.vector_load %arg11[%get3A_1001, %get3A_1002] {strides = array<i32>} : memref<80x128xf32, #tpu.memory_space<vmem>>, vector<16xf32>,
        %get3A_1004 = arith.index_cast %add3A_953 : i32 to index
        %get3A_1005 = arith.constant 96 : index
        %get3A_1006 = tpu.vector_load %arg12[%get3A_1004, %get3A_1005] {strides = array<i32>} : memref<80x128xf32, #tpu.memory_space<vmem>>, vector<16xf32>,
        %mul3A_1007 = arith.mulf %get3A_1003, %get3A_1006 : vector<16xf32>
        %add3A_1008 = arith.addf %add3A_1000, %mul3A_1007 : vector<16xf32>
        %get3A_1009 = arith.index_cast %add3A_953 : i32 to index
        %get3A_1010 = arith.constant 112 : index
        %get3A_1011 = tpu.vector_load %arg11[%get3A_1009, %get3A_1010] {strides = array<i32>} : memref<80x128xf32, #tpu.memory_space<vmem>>, vector<16xf32>,
        %get3A_1012 = arith.index_cast %add3A_953 : i32 to index
        %get3A_1013 = arith.constant 112 : index
        %get3A_1014 = tpu.vector_load %arg12[%get3A_1012, %get3A_1013] {strides = array<i32>} : memref<80x128xf32, #tpu.memory_space<vmem>>, vector<16xf32>,
        %mul3A_1015 = arith.mulf %get3A_1011, %get3A_1014 : vector<16xf32>
        %add3A_1016 = arith.addf %add3A_1008, %mul3A_1015 : vector<16xf32>
        %broadcast_in_dim3A_1017 = arith.constant true
        %broadcast_in_dim3A_1018 = vector.broadcast %broadcast_in_dim3A_1017 : i1 to vector<16xi1>
        %masked_cumsum3A_1019 = tpu.scan <sum>, %add3A_1016 masked %broadcast_in_dim3A_1018 : vector<16xf32>, vector<16xi1> -> vector<16xf32>
        %swap3A_1020 = arith.constant 12 : index
        %swap3A_1021 = tpu.vector_load %arg14[%swap3A_1020] masked %eq3A_2 {strides = array<i32>} : memref<32xf32, #tpu.memory_space<vmem>>, vector<16xf32>, vector<16xi1>
        tpu.vector_store %arg14[%swap3A_1020], %masked_cumsum3A_1019 masked %eq3A_2 {strides = array<i32>} : memref<32xf32, #tpu.memory_space<vmem>>, vector<16xf32>, vector<16xi1>
        %add3A_1022 = arith.constant 13 : i32
        %add3A_1023 = arith.addi %mul3A_115, %add3A_1022 : i32
        %get3A_1024 = arith.index_cast %add3A_1023 : i32 to index
        %get3A_1025 = arith.constant 0 : index
        %get3A_1026 = tpu.vector_load %arg11[%get3A_1024, %get3A_1025] {strides = array<i32>} : memref<80x128xf32, #tpu.memory_space<vmem>>, vector<16xf32>,
        %get3A_1027 = arith.index_cast %add3A_1023 : i32 to index
        %get3A_1028 = arith.constant 0 : index
        %get3A_1029 = tpu.vector_load %arg12[%get3A_1027, %get3A_1028] {strides = array<i32>} : memref<80x128xf32, #tpu.memory_space<vmem>>, vector<16xf32>,
        %mul3A_1030 = arith.mulf %get3A_1026, %get3A_1029 : vector<16xf32>
        %get3A_1031 = arith.index_cast %add3A_1023 : i32 to index
        %get3A_1032 = arith.constant 16 : index
        %get3A_1033 = tpu.vector_load %arg11[%get3A_1031, %get3A_1032] {strides = array<i32>} : memref<80x128xf32, #tpu.memory_space<vmem>>, vector<16xf32>,
        %get3A_1034 = arith.index_cast %add3A_1023 : i32 to index
        %get3A_1035 = arith.constant 16 : index
        %get3A_1036 = tpu.vector_load %arg12[%get3A_1034, %get3A_1035] {strides = array<i32>} : memref<80x128xf32, #tpu.memory_space<vmem>>, vector<16xf32>,
        %mul3A_1037 = arith.mulf %get3A_1033, %get3A_1036 : vector<16xf32>
        %add3A_1038 = arith.addf %mul3A_1030, %mul3A_1037 : vector<16xf32>
        %get3A_1039 = arith.index_cast %add3A_1023 : i32 to index
        %get3A_1040 = arith.constant 32 : index
        %get3A_1041 = tpu.vector_load %arg11[%get3A_1039, %get3A_1040] {strides = array<i32>} : memref<80x128xf32, #tpu.memory_space<vmem>>, vector<16xf32>,
        %get3A_1042 = arith.index_cast %add3A_1023 : i32 to index
        %get3A_1043 = arith.constant 32 : index
        %get3A_1044 = tpu.vector_load %arg12[%get3A_1042, %get3A_1043] {strides = array<i32>} : memref<80x128xf32, #tpu.memory_space<vmem>>, vector<16xf32>,
        %mul3A_1045 = arith.mulf %get3A_1041, %get3A_1044 : vector<16xf32>
        %add3A_1046 = arith.addf %add3A_1038, %mul3A_1045 : vector<16xf32>
        %get3A_1047 = arith.index_cast %add3A_1023 : i32 to index
        %get3A_1048 = arith.constant 48 : index
        %get3A_1049 = tpu.vector_load %arg11[%get3A_1047, %get3A_1048] {strides = array<i32>} : memref<80x128xf32, #tpu.memory_space<vmem>>, vector<16xf32>,
        %get3A_1050 = arith.index_cast %add3A_1023 : i32 to index
        %get3A_1051 = arith.constant 48 : index
        %get3A_1052 = tpu.vector_load %arg12[%get3A_1050, %get3A_1051] {strides = array<i32>} : memref<80x128xf32, #tpu.memory_space<vmem>>, vector<16xf32>,
        %mul3A_1053 = arith.mulf %get3A_1049, %get3A_1052 : vector<16xf32>
        %add3A_1054 = arith.addf %add3A_1046, %mul3A_1053 : vector<16xf32>
        %get3A_1055 = arith.index_cast %add3A_1023 : i32 to index
        %get3A_1056 = arith.constant 64 : index
        %get3A_1057 = tpu.vector_load %arg11[%get3A_1055, %get3A_1056] {strides = array<i32>} : memref<80x128xf32, #tpu.memory_space<vmem>>, vector<16xf32>,
        %get3A_1058 = arith.index_cast %add3A_1023 : i32 to index
        %get3A_1059 = arith.constant 64 : index
        %get3A_1060 = tpu.vector_load %arg12[%get3A_1058, %get3A_1059] {strides = array<i32>} : memref<80x128xf32, #tpu.memory_space<vmem>>, vector<16xf32>,
        %mul3A_1061 = arith.mulf %get3A_1057, %get3A_1060 : vector<16xf32>
        %add3A_1062 = arith.addf %add3A_1054, %mul3A_1061 : vector<16xf32>
        %get3A_1063 = arith.index_cast %add3A_1023 : i32 to index
        %get3A_1064 = arith.constant 80 : index
        %get3A_1065 = tpu.vector_load %arg11[%get3A_1063, %get3A_1064] {strides = array<i32>} : memref<80x128xf32, #tpu.memory_space<vmem>>, vector<16xf32>,
        %get3A_1066 = arith.index_cast %add3A_1023 : i32 to index
        %get3A_1067 = arith.constant 80 : index
        %get3A_1068 = tpu.vector_load %arg12[%get3A_1066, %get3A_1067] {strides = array<i32>} : memref<80x128xf32, #tpu.memory_space<vmem>>, vector<16xf32>,
        %mul3A_1069 = arith.mulf %get3A_1065, %get3A_1068 : vector<16xf32>
        %add3A_1070 = arith.addf %add3A_1062, %mul3A_1069 : vector<16xf32>
        %get3A_1071 = arith.index_cast %add3A_1023 : i32 to index
        %get3A_1072 = arith.constant 96 : index
        %get3A_1073 = tpu.vector_load %arg11[%get3A_1071, %get3A_1072] {strides = array<i32>} : memref<80x128xf32, #tpu.memory_space<vmem>>, vector<16xf32>,
        %get3A_1074 = arith.index_cast %add3A_1023 : i32 to index
        %get3A_1075 = arith.constant 96 : index
        %get3A_1076 = tpu.vector_load %arg12[%get3A_1074, %get3A_1075] {strides = array<i32>} : memref<80x128xf32, #tpu.memory_space<vmem>>, vector<16xf32>,
        %mul3A_1077 = arith.mulf %get3A_1073, %get3A_1076 : vector<16xf32>
        %add3A_1078 = arith.addf %add3A_1070, %mul3A_1077 : vector<16xf32>
        %get3A_1079 = arith.index_cast %add3A_1023 : i32 to index
        %get3A_1080 = arith.constant 112 : index
        %get3A_1081 = tpu.vector_load %arg11[%get3A_1079, %get3A_1080] {strides = array<i32>} : memref<80x128xf32, #tpu.memory_space<vmem>>, vector<16xf32>,
        %get3A_1082 = arith.index_cast %add3A_1023 : i32 to index
        %get3A_1083 = arith.constant 112 : index
        %get3A_1084 = tpu.vector_load %arg12[%get3A_1082, %get3A_1083] {strides = array<i32>} : memref<80x128xf32, #tpu.memory_space<vmem>>, vector<16xf32>,
        %mul3A_1085 = arith.mulf %get3A_1081, %get3A_1084 : vector<16xf32>
        %add3A_1086 = arith.addf %add3A_1078, %mul3A_1085 : vector<16xf32>
        %broadcast_in_dim3A_1087 = arith.constant true
        %broadcast_in_dim3A_1088 = vector.broadcast %broadcast_in_dim3A_1087 : i1 to vector<16xi1>
        %masked_cumsum3A_1089 = tpu.scan <sum>, %add3A_1086 masked %broadcast_in_dim3A_1088 : vector<16xf32>, vector<16xi1> -> vector<16xf32>
        %swap3A_1090 = arith.constant 13 : index
        %swap3A_1091 = tpu.vector_load %arg14[%swap3A_1090] masked %eq3A_2 {strides = array<i32>} : memref<32xf32, #tpu.memory_space<vmem>>, vector<16xf32>, vector<16xi1>
        tpu.vector_store %arg14[%swap3A_1090], %masked_cumsum3A_1089 masked %eq3A_2 {strides = array<i32>} : memref<32xf32, #tpu.memory_space<vmem>>, vector<16xf32>, vector<16xi1>
        %add3A_1092 = arith.constant 14 : i32
        %add3A_1093 = arith.addi %mul3A_115, %add3A_1092 : i32
        %get3A_1094 = arith.index_cast %add3A_1093 : i32 to index
        %get3A_1095 = arith.constant 0 : index
        %get3A_1096 = tpu.vector_load %arg11[%get3A_1094, %get3A_1095] {strides = array<i32>} : memref<80x128xf32, #tpu.memory_space<vmem>>, vector<16xf32>,
        %get3A_1097 = arith.index_cast %add3A_1093 : i32 to index
        %get3A_1098 = arith.constant 0 : index
        %get3A_1099 = tpu.vector_load %arg12[%get3A_1097, %get3A_1098] {strides = array<i32>} : memref<80x128xf32, #tpu.memory_space<vmem>>, vector<16xf32>,
        %mul3A_1100 = arith.mulf %get3A_1096, %get3A_1099 : vector<16xf32>
        %get3A_1101 = arith.index_cast %add3A_1093 : i32 to index
        %get3A_1102 = arith.constant 16 : index
        %get3A_1103 = tpu.vector_load %arg11[%get3A_1101, %get3A_1102] {strides = array<i32>} : memref<80x128xf32, #tpu.memory_space<vmem>>, vector<16xf32>,
        %get3A_1104 = arith.index_cast %add3A_1093 : i32 to index
        %get3A_1105 = arith.constant 16 : index
        %get3A_1106 = tpu.vector_load %arg12[%get3A_1104, %get3A_1105] {strides = array<i32>} : memref<80x128xf32, #tpu.memory_space<vmem>>, vector<16xf32>,
        %mul3A_1107 = arith.mulf %get3A_1103, %get3A_1106 : vector<16xf32>
        %add3A_1108 = arith.addf %mul3A_1100, %mul3A_1107 : vector<16xf32>
        %get3A_1109 = arith.index_cast %add3A_1093 : i32 to index
        %get3A_1110 = arith.constant 32 : index
        %get3A_1111 = tpu.vector_load %arg11[%get3A_1109, %get3A_1110] {strides = array<i32>} : memref<80x128xf32, #tpu.memory_space<vmem>>, vector<16xf32>,
        %get3A_1112 = arith.index_cast %add3A_1093 : i32 to index
        %get3A_1113 = arith.constant 32 : index
        %get3A_1114 = tpu.vector_load %arg12[%get3A_1112, %get3A_1113] {strides = array<i32>} : memref<80x128xf32, #tpu.memory_space<vmem>>, vector<16xf32>,
        %mul3A_1115 = arith.mulf %get3A_1111, %get3A_1114 : vector<16xf32>
        %add3A_1116 = arith.addf %add3A_1108, %mul3A_1115 : vector<16xf32>
        %get3A_1117 = arith.index_cast %add3A_1093 : i32 to index
        %get3A_1118 = arith.constant 48 : index
        %get3A_1119 = tpu.vector_load %arg11[%get3A_1117, %get3A_1118] {strides = array<i32>} : memref<80x128xf32, #tpu.memory_space<vmem>>, vector<16xf32>,
        %get3A_1120 = arith.index_cast %add3A_1093 : i32 to index
        %get3A_1121 = arith.constant 48 : index
        %get3A_1122 = tpu.vector_load %arg12[%get3A_1120, %get3A_1121] {strides = array<i32>} : memref<80x128xf32, #tpu.memory_space<vmem>>, vector<16xf32>,
        %mul3A_1123 = arith.mulf %get3A_1119, %get3A_1122 : vector<16xf32>
        %add3A_1124 = arith.addf %add3A_1116, %mul3A_1123 : vector<16xf32>
        %get3A_1125 = arith.index_cast %add3A_1093 : i32 to index
        %get3A_1126 = arith.constant 64 : index
        %get3A_1127 = tpu.vector_load %arg11[%get3A_1125, %get3A_1126] {strides = array<i32>} : memref<80x128xf32, #tpu.memory_space<vmem>>, vector<16xf32>,
        %get3A_1128 = arith.index_cast %add3A_1093 : i32 to index
        %get3A_1129 = arith.constant 64 : index
        %get3A_1130 = tpu.vector_load %arg12[%get3A_1128, %get3A_1129] {strides = array<i32>} : memref<80x128xf32, #tpu.memory_space<vmem>>, vector<16xf32>,
        %mul3A_1131 = arith.mulf %get3A_1127, %get3A_1130 : vector<16xf32>
        %add3A_1132 = arith.addf %add3A_1124, %mul3A_1131 : vector<16xf32>
        %get3A_1133 = arith.index_cast %add3A_1093 : i32 to index
        %get3A_1134 = arith.constant 80 : index
        %get3A_1135 = tpu.vector_load %arg11[%get3A_1133, %get3A_1134] {strides = array<i32>} : memref<80x128xf32, #tpu.memory_space<vmem>>, vector<16xf32>,
        %get3A_1136 = arith.index_cast %add3A_1093 : i32 to index
        %get3A_1137 = arith.constant 80 : index
        %get3A_1138 = tpu.vector_load %arg12[%get3A_1136, %get3A_1137] {strides = array<i32>} : memref<80x128xf32, #tpu.memory_space<vmem>>, vector<16xf32>,
        %mul3A_1139 = arith.mulf %get3A_1135, %get3A_1138 : vector<16xf32>
        %add3A_1140 = arith.addf %add3A_1132, %mul3A_1139 : vector<16xf32>
        %get3A_1141 = arith.index_cast %add3A_1093 : i32 to index
        %get3A_1142 = arith.constant 96 : index
        %get3A_1143 = tpu.vector_load %arg11[%get3A_1141, %get3A_1142] {strides = array<i32>} : memref<80x128xf32, #tpu.memory_space<vmem>>, vector<16xf32>,
        %get3A_1144 = arith.index_cast %add3A_1093 : i32 to index
        %get3A_1145 = arith.constant 96 : index
        %get3A_1146 = tpu.vector_load %arg12[%get3A_1144, %get3A_1145] {strides = array<i32>} : memref<80x128xf32, #tpu.memory_space<vmem>>, vector<16xf32>,
        %mul3A_1147 = arith.mulf %get3A_1143, %get3A_1146 : vector<16xf32>
        %add3A_1148 = arith.addf %add3A_1140, %mul3A_1147 : vector<16xf32>
        %get3A_1149 = arith.index_cast %add3A_1093 : i32 to index
        %get3A_1150 = arith.constant 112 : index
        %get3A_1151 = tpu.vector_load %arg11[%get3A_1149, %get3A_1150] {strides = array<i32>} : memref<80x128xf32, #tpu.memory_space<vmem>>, vector<16xf32>,
        %get3A_1152 = arith.index_cast %add3A_1093 : i32 to index
        %get3A_1153 = arith.constant 112 : index
        %get3A_1154 = tpu.vector_load %arg12[%get3A_1152, %get3A_1153] {strides = array<i32>} : memref<80x128xf32, #tpu.memory_space<vmem>>, vector<16xf32>,
        %mul3A_1155 = arith.mulf %get3A_1151, %get3A_1154 : vector<16xf32>
        %add3A_1156 = arith.addf %add3A_1148, %mul3A_1155 : vector<16xf32>
        %broadcast_in_dim3A_1157 = arith.constant true
        %broadcast_in_dim3A_1158 = vector.broadcast %broadcast_in_dim3A_1157 : i1 to vector<16xi1>
        %masked_cumsum3A_1159 = tpu.scan <sum>, %add3A_1156 masked %broadcast_in_dim3A_1158 : vector<16xf32>, vector<16xi1> -> vector<16xf32>
        %swap3A_1160 = arith.constant 14 : index
        %swap3A_1161 = tpu.vector_load %arg14[%swap3A_1160] masked %eq3A_2 {strides = array<i32>} : memref<32xf32, #tpu.memory_space<vmem>>, vector<16xf32>, vector<16xi1>
        tpu.vector_store %arg14[%swap3A_1160], %masked_cumsum3A_1159 masked %eq3A_2 {strides = array<i32>} : memref<32xf32, #tpu.memory_space<vmem>>, vector<16xf32>, vector<16xi1>
        %add3A_1162 = arith.constant 15 : i32
        %add3A_1163 = arith.addi %mul3A_115, %add3A_1162 : i32
        %get3A_1164 = arith.index_cast %add3A_1163 : i32 to index
        %get3A_1165 = arith.constant 0 : index
        %get3A_1166 = tpu.vector_load %arg11[%get3A_1164, %get3A_1165] {strides = array<i32>} : memref<80x128xf32, #tpu.memory_space<vmem>>, vector<16xf32>,
        %get3A_1167 = arith.index_cast %add3A_1163 : i32 to index
        %get3A_1168 = arith.constant 0 : index
        %get3A_1169 = tpu.vector_load %arg12[%get3A_1167, %get3A_1168] {strides = array<i32>} : memref<80x128xf32, #tpu.memory_space<vmem>>, vector<16xf32>,
        %mul3A_1170 = arith.mulf %get3A_1166, %get3A_1169 : vector<16xf32>
        %get3A_1171 = arith.index_cast %add3A_1163 : i32 to index
        %get3A_1172 = arith.constant 16 : index
        %get3A_1173 = tpu.vector_load %arg11[%get3A_1171, %get3A_1172] {strides = array<i32>} : memref<80x128xf32, #tpu.memory_space<vmem>>, vector<16xf32>,
        %get3A_1174 = arith.index_cast %add3A_1163 : i32 to index
        %get3A_1175 = arith.constant 16 : index
        %get3A_1176 = tpu.vector_load %arg12[%get3A_1174, %get3A_1175] {strides = array<i32>} : memref<80x128xf32, #tpu.memory_space<vmem>>, vector<16xf32>,
        %mul3A_1177 = arith.mulf %get3A_1173, %get3A_1176 : vector<16xf32>
        %add3A_1178 = arith.addf %mul3A_1170, %mul3A_1177 : vector<16xf32>
        %get3A_1179 = arith.index_cast %add3A_1163 : i32 to index
        %get3A_1180 = arith.constant 32 : index
        %get3A_1181 = tpu.vector_load %arg11[%get3A_1179, %get3A_1180] {strides = array<i32>} : memref<80x128xf32, #tpu.memory_space<vmem>>, vector<16xf32>,
        %get3A_1182 = arith.index_cast %add3A_1163 : i32 to index
        %get3A_1183 = arith.constant 32 : index
        %get3A_1184 = tpu.vector_load %arg12[%get3A_1182, %get3A_1183] {strides = array<i32>} : memref<80x128xf32, #tpu.memory_space<vmem>>, vector<16xf32>,
        %mul3A_1185 = arith.mulf %get3A_1181, %get3A_1184 : vector<16xf32>
        %add3A_1186 = arith.addf %add3A_1178, %mul3A_1185 : vector<16xf32>
        %get3A_1187 = arith.index_cast %add3A_1163 : i32 to index
        %get3A_1188 = arith.constant 48 : index
        %get3A_1189 = tpu.vector_load %arg11[%get3A_1187, %get3A_1188] {strides = array<i32>} : memref<80x128xf32, #tpu.memory_space<vmem>>, vector<16xf32>,
        %get3A_1190 = arith.index_cast %add3A_1163 : i32 to index
        %get3A_1191 = arith.constant 48 : index
        %get3A_1192 = tpu.vector_load %arg12[%get3A_1190, %get3A_1191] {strides = array<i32>} : memref<80x128xf32, #tpu.memory_space<vmem>>, vector<16xf32>,
        %mul3A_1193 = arith.mulf %get3A_1189, %get3A_1192 : vector<16xf32>
        %add3A_1194 = arith.addf %add3A_1186, %mul3A_1193 : vector<16xf32>
        %get3A_1195 = arith.index_cast %add3A_1163 : i32 to index
        %get3A_1196 = arith.constant 64 : index
        %get3A_1197 = tpu.vector_load %arg11[%get3A_1195, %get3A_1196] {strides = array<i32>} : memref<80x128xf32, #tpu.memory_space<vmem>>, vector<16xf32>,
        %get3A_1198 = arith.index_cast %add3A_1163 : i32 to index
        %get3A_1199 = arith.constant 64 : index
        %get3A_1200 = tpu.vector_load %arg12[%get3A_1198, %get3A_1199] {strides = array<i32>} : memref<80x128xf32, #tpu.memory_space<vmem>>, vector<16xf32>,
        %mul3A_1201 = arith.mulf %get3A_1197, %get3A_1200 : vector<16xf32>
        %add3A_1202 = arith.addf %add3A_1194, %mul3A_1201 : vector<16xf32>
        %get3A_1203 = arith.index_cast %add3A_1163 : i32 to index
        %get3A_1204 = arith.constant 80 : index
        %get3A_1205 = tpu.vector_load %arg11[%get3A_1203, %get3A_1204] {strides = array<i32>} : memref<80x128xf32, #tpu.memory_space<vmem>>, vector<16xf32>,
        %get3A_1206 = arith.index_cast %add3A_1163 : i32 to index
        %get3A_1207 = arith.constant 80 : index
        %get3A_1208 = tpu.vector_load %arg12[%get3A_1206, %get3A_1207] {strides = array<i32>} : memref<80x128xf32, #tpu.memory_space<vmem>>, vector<16xf32>,
        %mul3A_1209 = arith.mulf %get3A_1205, %get3A_1208 : vector<16xf32>
        %add3A_1210 = arith.addf %add3A_1202, %mul3A_1209 : vector<16xf32>
        %get3A_1211 = arith.index_cast %add3A_1163 : i32 to index
        %get3A_1212 = arith.constant 96 : index
        %get3A_1213 = tpu.vector_load %arg11[%get3A_1211, %get3A_1212] {strides = array<i32>} : memref<80x128xf32, #tpu.memory_space<vmem>>, vector<16xf32>,
        %get3A_1214 = arith.index_cast %add3A_1163 : i32 to index
        %get3A_1215 = arith.constant 96 : index
        %get3A_1216 = tpu.vector_load %arg12[%get3A_1214, %get3A_1215] {strides = array<i32>} : memref<80x128xf32, #tpu.memory_space<vmem>>, vector<16xf32>,
        %mul3A_1217 = arith.mulf %get3A_1213, %get3A_1216 : vector<16xf32>
        %add3A_1218 = arith.addf %add3A_1210, %mul3A_1217 : vector<16xf32>
        %get3A_1219 = arith.index_cast %add3A_1163 : i32 to index
        %get3A_1220 = arith.constant 112 : index
        %get3A_1221 = tpu.vector_load %arg11[%get3A_1219, %get3A_1220] {strides = array<i32>} : memref<80x128xf32, #tpu.memory_space<vmem>>, vector<16xf32>,
        %get3A_1222 = arith.index_cast %add3A_1163 : i32 to index
        %get3A_1223 = arith.constant 112 : index
        %get3A_1224 = tpu.vector_load %arg12[%get3A_1222, %get3A_1223] {strides = array<i32>} : memref<80x128xf32, #tpu.memory_space<vmem>>, vector<16xf32>,
        %mul3A_1225 = arith.mulf %get3A_1221, %get3A_1224 : vector<16xf32>
        %add3A_1226 = arith.addf %add3A_1218, %mul3A_1225 : vector<16xf32>
        %broadcast_in_dim3A_1227 = arith.constant true
        %broadcast_in_dim3A_1228 = vector.broadcast %broadcast_in_dim3A_1227 : i1 to vector<16xi1>
        %masked_cumsum3A_1229 = tpu.scan <sum>, %add3A_1226 masked %broadcast_in_dim3A_1228 : vector<16xf32>, vector<16xi1> -> vector<16xf32>
        %swap3A_1230 = arith.constant 15 : index
        %swap3A_1231 = tpu.vector_load %arg14[%swap3A_1230] masked %eq3A_2 {strides = array<i32>} : memref<32xf32, #tpu.memory_space<vmem>>, vector<16xf32>, vector<16xi1>
        tpu.vector_store %arg14[%swap3A_1230], %masked_cumsum3A_1229 masked %eq3A_2 {strides = array<i32>} : memref<32xf32, #tpu.memory_space<vmem>>, vector<16xf32>, vector<16xi1>
        %get3A_1232 = arith.constant 0 : index
        %get3A_1233 = tpu.vector_load %arg14[%get3A_1232] {strides = array<i32>} : memref<32xf32, #tpu.memory_space<vmem>>, vector<16xf32>,
        %neg3A = arith.constant 0.000000e+00 : f32
        %neg3A_1234 = vector.broadcast %neg3A : f32 to vector<16xf32>
        %neg3A_1235 = arith.subf %neg3A_1234, %get3A_1233 : vector<16xf32>
        %exp3A = math.exp %neg3A_1235 : vector<16xf32>
        %add3A_1236 = arith.constant 1.000000e+00 : f32
        %add3A_1237 = vector.broadcast %add3A_1236 : f32 to vector<16xf32>
        %add3A_1238 = arith.addf %add3A_1237, %exp3A : vector<16xf32>
        %div3A = arith.constant 1.000000e+00 : f32
        %div3A_1239 = vector.broadcast %div3A : f32 to vector<16xf32>
        %div3A_1240 = arith.divf %div3A_1239, %add3A_1238 : vector<16xf32>
        %mul3A_1241 = arith.constant 80 : i32
        %mul3A_1242 = arith.muli %add3A_106, %mul3A_1241 : i32
        %add3A_1243 = arith.addi %mul3A_1242, %mul3A_115 : i32
        %swap3A_1244 = arith.index_cast %add3A_1243 : i32 to index
        %swap3A_1245 = tpu.vector_load %arg13[%swap3A_1244] {strides = array<i32>} : memref<10000xf32, #tpu.memory_space<vmem>>, vector<16xf32>,
        tpu.vector_store %arg13[%swap3A_1244], %div3A_1240 {strides = array<i32>} : memref<10000xf32, #tpu.memory_space<vmem>>, vector<16xf32>,
      }
      %scan3A_112 = arith.constant 5 : i32
    }
    %scan3A_20 = arith.constant 62 : i32
    %dma_wait3A = arith.constant 124 : i32
    %dma_wait3A_21 = arith.constant 0 : i32
    %dma_wait3A_22 = tpu.memref_slice %arg7[%dma_wait3A, %dma_wait3A_21] : memref<125x80xi32, #tpu.memory_space<vmem>> -> memref<1x80xi32, #tpu.memory_space<vmem>>
    %dma_wait3A_23 = tpu.memref_squeeze %dma_wait3A_22 : memref<1x80xi32, #tpu.memory_space<vmem>> -> memref<80xi32, #tpu.memory_space<vmem>>
    %dma_wait3A_24 = arith.constant 0 : i32
    %dma_wait3A_25 = arith.constant 0 : i32
    %dma_wait3A_26 = tpu.memref_slice %arg2[%dma_wait3A_24, %dma_wait3A_25] : memref<10000x128xf32, #tpu.memory_space<hbm>> -> memref<10000x128xf32, #tpu.memory_space<hbm>>
    tpu.wait_indirect_dma semaphore(%arg15 : memref<!tpu.dma_semaphore, #tpu.memory_space<semaphore_mem>>) src(%dma_wait3A_26 : memref<10000x128xf32, #tpu.memory_space<hbm>>) dst(%arg9 : memref<80x128xf32, #tpu.memory_space<vmem>>)
    %dma_wait3A_27 = arith.constant 124 : i32
    %dma_wait3A_28 = arith.constant 0 : i32
    %dma_wait3A_29 = tpu.memref_slice %arg8[%dma_wait3A_27, %dma_wait3A_28] : memref<125x80xi32, #tpu.memory_space<vmem>> -> memref<1x80xi32, #tpu.memory_space<vmem>>
    %dma_wait3A_30 = tpu.memref_squeeze %dma_wait3A_29 : memref<1x80xi32, #tpu.memory_space<vmem>> -> memref<80xi32, #tpu.memory_space<vmem>>
    %dma_wait3A_31 = arith.constant 0 : i32
    %dma_wait3A_32 = arith.constant 0 : i32
    %dma_wait3A_33 = tpu.memref_slice %arg3[%dma_wait3A_31, %dma_wait3A_32] : memref<10000x128xf32, #tpu.memory_space<hbm>> -> memref<10000x128xf32, #tpu.memory_space<hbm>>
    tpu.wait_indirect_dma semaphore(%arg15 : memref<!tpu.dma_semaphore, #tpu.memory_space<semaphore_mem>>) src(%dma_wait3A_33 : memref<10000x128xf32, #tpu.memory_space<hbm>>) dst(%arg10 : memref<80x128xf32, #tpu.memory_space<vmem>>)
    %scan3A_34 = arith.constant 0 : i32
    %scan3A_35 = arith.constant 0 : i32
    %scan3A_36 = arith.constant 5 : i32
    %scan3A_37 = arith.addi %scan3A_35, %scan3A_36 : i32
    %scan3A_38 = arith.constant 1 : i32
    scf.for %scan3A_42 = %scan3A_35 to %scan3A_37 step %scan3A_38  : i32 {
      %mul3A_43 = arith.constant 16 : i32
      %mul3A_44 = arith.muli %scan3A_42, %mul3A_43 : i32
      %add3A_45 = arith.constant 0 : i32
      %add3A_46 = arith.addi %mul3A_44, %add3A_45 : i32
      %get3A = arith.index_cast %add3A_46 : i32 to index
      %get3A_47 = arith.constant 0 : index
      %get3A_48 = tpu.vector_load %arg9[%get3A, %get3A_47] {strides = array<i32>} : memref<80x128xf32, #tpu.memory_space<vmem>>, vector<16xf32>,
      %get3A_49 = arith.index_cast %add3A_46 : i32 to index
      %get3A_50 = arith.constant 0 : index
      %get3A_51 = tpu.vector_load %arg10[%get3A_49, %get3A_50] {strides = array<i32>} : memref<80x128xf32, #tpu.memory_space<vmem>>, vector<16xf32>,
      %mul3A_52 = arith.mulf %get3A_48, %get3A_51 : vector<16xf32>
      %get3A_53 = arith.index_cast %add3A_46 : i32 to index
      %get3A_54 = arith.constant 16 : index
      %get3A_55 = tpu.vector_load %arg9[%get3A_53, %get3A_54] {strides = array<i32>} : memref<80x128xf32, #tpu.memory_space<vmem>>, vector<16xf32>,
      %get3A_56 = arith.index_cast %add3A_46 : i32 to index
      %get3A_57 = arith.constant 16 : index
      %get3A_58 = tpu.vector_load %arg10[%get3A_56, %get3A_57] {strides = array<i32>} : memref<80x128xf32, #tpu.memory_space<vmem>>, vector<16xf32>,
      %mul3A_59 = arith.mulf %get3A_55, %get3A_58 : vector<16xf32>
      %add3A_60 = arith.addf %mul3A_52, %mul3A_59 : vector<16xf32>
      %get3A_61 = arith.index_cast %add3A_46 : i32 to index
      %get3A_62 = arith.constant 32 : index
      %get3A_63 = tpu.vector_load %arg9[%get3A_61, %get3A_62] {strides = array<i32>} : memref<80x128xf32, #tpu.memory_space<vmem>>, vector<16xf32>,
      %get3A_64 = arith.index_cast %add3A_46 : i32 to index
      %get3A_65 = arith.constant 32 : index
      %get3A_66 = tpu.vector_load %arg10[%get3A_64, %get3A_65] {strides = array<i32>} : memref<80x128xf32, #tpu.memory_space<vmem>>, vector<16xf32>,
      %mul3A_67 = arith.mulf %get3A_63, %get3A_66 : vector<16xf32>
      %add3A_68 = arith.addf %add3A_60, %mul3A_67 : vector<16xf32>
      %get3A_69 = arith.index_cast %add3A_46 : i32 to index
      %get3A_70 = arith.constant 48 : index
      %get3A_71 = tpu.vector_load %arg9[%get3A_69, %get3A_70] {strides = array<i32>} : memref<80x128xf32, #tpu.memory_space<vmem>>, vector<16xf32>,
      %get3A_72 = arith.index_cast %add3A_46 : i32 to index
      %get3A_73 = arith.constant 48 : index
      %get3A_74 = tpu.vector_load %arg10[%get3A_72, %get3A_73] {strides = array<i32>} : memref<80x128xf32, #tpu.memory_space<vmem>>, vector<16xf32>,
      %mul3A_75 = arith.mulf %get3A_71, %get3A_74 : vector<16xf32>
      %add3A_76 = arith.addf %add3A_68, %mul3A_75 : vector<16xf32>
      %get3A_77 = arith.index_cast %add3A_46 : i32 to index
      %get3A_78 = arith.constant 64 : index
      %get3A_79 = tpu.vector_load %arg9[%get3A_77, %get3A_78] {strides = array<i32>} : memref<80x128xf32, #tpu.memory_space<vmem>>, vector<16xf32>,
      %get3A_80 = arith.index_cast %add3A_46 : i32 to index
      %get3A_81 = arith.constant 64 : index
      %get3A_82 = tpu.vector_load %arg10[%get3A_80, %get3A_81] {strides = array<i32>} : memref<80x128xf32, #tpu.memory_space<vmem>>, vector<16xf32>,
      %mul3A_83 = arith.mulf %get3A_79, %get3A_82 : vector<16xf32>
      %add3A_84 = arith.addf %add3A_76, %mul3A_83 : vector<16xf32>
      %get3A_85 = arith.index_cast %add3A_46 : i32 to index
      %get3A_86 = arith.constant 80 : index
      %get3A_87 = tpu.vector_load %arg9[%get3A_85, %get3A_86] {strides = array<i32>} : memref<80x128xf32, #tpu.memory_space<vmem>>, vector<16xf32>,
      %get3A_88 = arith.index_cast %add3A_46 : i32 to index
      %get3A_89 = arith.constant 80 : index
      %get3A_90 = tpu.vector_load %arg10[%get3A_88, %get3A_89] {strides = array<i32>} : memref<80x128xf32, #tpu.memory_space<vmem>>, vector<16xf32>,
      %mul3A_91 = arith.mulf %get3A_87, %get3A_90 : vector<16xf32>
      %add3A_92 = arith.addf %add3A_84, %mul3A_91 : vector<16xf32>
      %get3A_93 = arith.index_cast %add3A_46 : i32 to index
      %get3A_94 = arith.constant 96 : index
      %get3A_95 = tpu.vector_load %arg9[%get3A_93, %get3A_94] {strides = array<i32>} : memref<80x128xf32, #tpu.memory_space<vmem>>, vector<16xf32>,
      %get3A_96 = arith.index_cast %add3A_46 : i32 to index
      %get3A_97 = arith.constant 96 : index
      %get3A_98 = tpu.vector_load %arg10[%get3A_96, %get3A_97] {strides = array<i32>} : memref<80x128xf32, #tpu.memory_space<vmem>>, vector<16xf32>,
      %mul3A_99 = arith.mulf %get3A_95, %get3A_98 : vector<16xf32>
      %add3A_100 = arith.addf %add3A_92, %mul3A_99 : vector<16xf32>
      %get3A_101 = arith.index_cast %add3A_46 : i32 to index
      %get3A_102 = arith.constant 112 : index
      %get3A_103 = tpu.vector_load %arg9[%get3A_101, %get3A_102] {strides = array<i32>} : memref<80x128xf32, #tpu.memory_space<vmem>>, vector<16xf32>,
      %get3A_104 = arith.index_cast %add3A_46 : i32 to index
      %get3A_105 = arith.constant 112 : index
      %get3A_106 = tpu.vector_load %arg10[%get3A_104, %get3A_105] {strides = array<i32>} : memref<80x128xf32, #tpu.memory_space<vmem>>, vector<16xf32>,
      %mul3A_107 = arith.mulf %get3A_103, %get3A_106 : vector<16xf32>
      %add3A_108 = arith.addf %add3A_100, %mul3A_107 : vector<16xf32>
      %broadcast_in_dim3A = arith.constant true
      %broadcast_in_dim3A_109 = vector.broadcast %broadcast_in_dim3A : i1 to vector<16xi1>
      %masked_cumsum3A = tpu.scan <sum>, %add3A_108 masked %broadcast_in_dim3A_109 : vector<16xf32>, vector<16xi1> -> vector<16xf32>
      %swap3A = arith.constant 0 : index
      %swap3A_110 = tpu.vector_load %arg14[%swap3A] masked %eq3A_2 {strides = array<i32>} : memref<32xf32, #tpu.memory_space<vmem>>, vector<16xf32>, vector<16xi1>
      tpu.vector_store %arg14[%swap3A], %masked_cumsum3A masked %eq3A_2 {strides = array<i32>} : memref<32xf32, #tpu.memory_space<vmem>>, vector<16xf32>, vector<16xi1>
      %add3A_111 = arith.constant 1 : i32
      %add3A_112 = arith.addi %mul3A_44, %add3A_111 : i32
      %get3A_113 = arith.index_cast %add3A_112 : i32 to index
      %get3A_114 = arith.constant 0 : index
      %get3A_115 = tpu.vector_load %arg9[%get3A_113, %get3A_114] {strides = array<i32>} : memref<80x128xf32, #tpu.memory_space<vmem>>, vector<16xf32>,
      %get3A_116 = arith.index_cast %add3A_112 : i32 to index
      %get3A_117 = arith.constant 0 : index
      %get3A_118 = tpu.vector_load %arg10[%get3A_116, %get3A_117] {strides = array<i32>} : memref<80x128xf32, #tpu.memory_space<vmem>>, vector<16xf32>,
      %mul3A_119 = arith.mulf %get3A_115, %get3A_118 : vector<16xf32>
      %get3A_120 = arith.index_cast %add3A_112 : i32 to index
      %get3A_121 = arith.constant 16 : index
      %get3A_122 = tpu.vector_load %arg9[%get3A_120, %get3A_121] {strides = array<i32>} : memref<80x128xf32, #tpu.memory_space<vmem>>, vector<16xf32>,
      %get3A_123 = arith.index_cast %add3A_112 : i32 to index
      %get3A_124 = arith.constant 16 : index
      %get3A_125 = tpu.vector_load %arg10[%get3A_123, %get3A_124] {strides = array<i32>} : memref<80x128xf32, #tpu.memory_space<vmem>>, vector<16xf32>,
      %mul3A_126 = arith.mulf %get3A_122, %get3A_125 : vector<16xf32>
      %add3A_127 = arith.addf %mul3A_119, %mul3A_126 : vector<16xf32>
      %get3A_128 = arith.index_cast %add3A_112 : i32 to index
      %get3A_129 = arith.constant 32 : index
      %get3A_130 = tpu.vector_load %arg9[%get3A_128, %get3A_129] {strides = array<i32>} : memref<80x128xf32, #tpu.memory_space<vmem>>, vector<16xf32>,
      %get3A_131 = arith.index_cast %add3A_112 : i32 to index
      %get3A_132 = arith.constant 32 : index
      %get3A_133 = tpu.vector_load %arg10[%get3A_131, %get3A_132] {strides = array<i32>} : memref<80x128xf32, #tpu.memory_space<vmem>>, vector<16xf32>,
      %mul3A_134 = arith.mulf %get3A_130, %get3A_133 : vector<16xf32>
      %add3A_135 = arith.addf %add3A_127, %mul3A_134 : vector<16xf32>
      %get3A_136 = arith.index_cast %add3A_112 : i32 to index
      %get3A_137 = arith.constant 48 : index
      %get3A_138 = tpu.vector_load %arg9[%get3A_136, %get3A_137] {strides = array<i32>} : memref<80x128xf32, #tpu.memory_space<vmem>>, vector<16xf32>,
      %get3A_139 = arith.index_cast %add3A_112 : i32 to index
      %get3A_140 = arith.constant 48 : index
      %get3A_141 = tpu.vector_load %arg10[%get3A_139, %get3A_140] {strides = array<i32>} : memref<80x128xf32, #tpu.memory_space<vmem>>, vector<16xf32>,
      %mul3A_142 = arith.mulf %get3A_138, %get3A_141 : vector<16xf32>
      %add3A_143 = arith.addf %add3A_135, %mul3A_142 : vector<16xf32>
      %get3A_144 = arith.index_cast %add3A_112 : i32 to index
      %get3A_145 = arith.constant 64 : index
      %get3A_146 = tpu.vector_load %arg9[%get3A_144, %get3A_145] {strides = array<i32>} : memref<80x128xf32, #tpu.memory_space<vmem>>, vector<16xf32>,
      %get3A_147 = arith.index_cast %add3A_112 : i32 to index
      %get3A_148 = arith.constant 64 : index
      %get3A_149 = tpu.vector_load %arg10[%get3A_147, %get3A_148] {strides = array<i32>} : memref<80x128xf32, #tpu.memory_space<vmem>>, vector<16xf32>,
      %mul3A_150 = arith.mulf %get3A_146, %get3A_149 : vector<16xf32>
      %add3A_151 = arith.addf %add3A_143, %mul3A_150 : vector<16xf32>
      %get3A_152 = arith.index_cast %add3A_112 : i32 to index
      %get3A_153 = arith.constant 80 : index
      %get3A_154 = tpu.vector_load %arg9[%get3A_152, %get3A_153] {strides = array<i32>} : memref<80x128xf32, #tpu.memory_space<vmem>>, vector<16xf32>,
      %get3A_155 = arith.index_cast %add3A_112 : i32 to index
      %get3A_156 = arith.constant 80 : index
      %get3A_157 = tpu.vector_load %arg10[%get3A_155, %get3A_156] {strides = array<i32>} : memref<80x128xf32, #tpu.memory_space<vmem>>, vector<16xf32>,
      %mul3A_158 = arith.mulf %get3A_154, %get3A_157 : vector<16xf32>
      %add3A_159 = arith.addf %add3A_151, %mul3A_158 : vector<16xf32>
      %get3A_160 = arith.index_cast %add3A_112 : i32 to index
      %get3A_161 = arith.constant 96 : index
      %get3A_162 = tpu.vector_load %arg9[%get3A_160, %get3A_161] {strides = array<i32>} : memref<80x128xf32, #tpu.memory_space<vmem>>, vector<16xf32>,
      %get3A_163 = arith.index_cast %add3A_112 : i32 to index
      %get3A_164 = arith.constant 96 : index
      %get3A_165 = tpu.vector_load %arg10[%get3A_163, %get3A_164] {strides = array<i32>} : memref<80x128xf32, #tpu.memory_space<vmem>>, vector<16xf32>,
      %mul3A_166 = arith.mulf %get3A_162, %get3A_165 : vector<16xf32>
      %add3A_167 = arith.addf %add3A_159, %mul3A_166 : vector<16xf32>
      %get3A_168 = arith.index_cast %add3A_112 : i32 to index
      %get3A_169 = arith.constant 112 : index
      %get3A_170 = tpu.vector_load %arg9[%get3A_168, %get3A_169] {strides = array<i32>} : memref<80x128xf32, #tpu.memory_space<vmem>>, vector<16xf32>,
      %get3A_171 = arith.index_cast %add3A_112 : i32 to index
      %get3A_172 = arith.constant 112 : index
      %get3A_173 = tpu.vector_load %arg10[%get3A_171, %get3A_172] {strides = array<i32>} : memref<80x128xf32, #tpu.memory_space<vmem>>, vector<16xf32>,
      %mul3A_174 = arith.mulf %get3A_170, %get3A_173 : vector<16xf32>
      %add3A_175 = arith.addf %add3A_167, %mul3A_174 : vector<16xf32>
      %broadcast_in_dim3A_176 = arith.constant true
      %broadcast_in_dim3A_177 = vector.broadcast %broadcast_in_dim3A_176 : i1 to vector<16xi1>
      %masked_cumsum3A_178 = tpu.scan <sum>, %add3A_175 masked %broadcast_in_dim3A_177 : vector<16xf32>, vector<16xi1> -> vector<16xf32>
      %swap3A_179 = arith.constant 1 : index
      %swap3A_180 = tpu.vector_load %arg14[%swap3A_179] masked %eq3A_2 {strides = array<i32>} : memref<32xf32, #tpu.memory_space<vmem>>, vector<16xf32>, vector<16xi1>
      tpu.vector_store %arg14[%swap3A_179], %masked_cumsum3A_178 masked %eq3A_2 {strides = array<i32>} : memref<32xf32, #tpu.memory_space<vmem>>, vector<16xf32>, vector<16xi1>
      %add3A_181 = arith.constant 2 : i32
      %add3A_182 = arith.addi %mul3A_44, %add3A_181 : i32
      %get3A_183 = arith.index_cast %add3A_182 : i32 to index
      %get3A_184 = arith.constant 0 : index
      %get3A_185 = tpu.vector_load %arg9[%get3A_183, %get3A_184] {strides = array<i32>} : memref<80x128xf32, #tpu.memory_space<vmem>>, vector<16xf32>,
      %get3A_186 = arith.index_cast %add3A_182 : i32 to index
      %get3A_187 = arith.constant 0 : index
      %get3A_188 = tpu.vector_load %arg10[%get3A_186, %get3A_187] {strides = array<i32>} : memref<80x128xf32, #tpu.memory_space<vmem>>, vector<16xf32>,
      %mul3A_189 = arith.mulf %get3A_185, %get3A_188 : vector<16xf32>
      %get3A_190 = arith.index_cast %add3A_182 : i32 to index
      %get3A_191 = arith.constant 16 : index
      %get3A_192 = tpu.vector_load %arg9[%get3A_190, %get3A_191] {strides = array<i32>} : memref<80x128xf32, #tpu.memory_space<vmem>>, vector<16xf32>,
      %get3A_193 = arith.index_cast %add3A_182 : i32 to index
      %get3A_194 = arith.constant 16 : index
      %get3A_195 = tpu.vector_load %arg10[%get3A_193, %get3A_194] {strides = array<i32>} : memref<80x128xf32, #tpu.memory_space<vmem>>, vector<16xf32>,
      %mul3A_196 = arith.mulf %get3A_192, %get3A_195 : vector<16xf32>
      %add3A_197 = arith.addf %mul3A_189, %mul3A_196 : vector<16xf32>
      %get3A_198 = arith.index_cast %add3A_182 : i32 to index
      %get3A_199 = arith.constant 32 : index
      %get3A_200 = tpu.vector_load %arg9[%get3A_198, %get3A_199] {strides = array<i32>} : memref<80x128xf32, #tpu.memory_space<vmem>>, vector<16xf32>,
      %get3A_201 = arith.index_cast %add3A_182 : i32 to index
      %get3A_202 = arith.constant 32 : index
      %get3A_203 = tpu.vector_load %arg10[%get3A_201, %get3A_202] {strides = array<i32>} : memref<80x128xf32, #tpu.memory_space<vmem>>, vector<16xf32>,
      %mul3A_204 = arith.mulf %get3A_200, %get3A_203 : vector<16xf32>
      %add3A_205 = arith.addf %add3A_197, %mul3A_204 : vector<16xf32>
      %get3A_206 = arith.index_cast %add3A_182 : i32 to index
      %get3A_207 = arith.constant 48 : index
      %get3A_208 = tpu.vector_load %arg9[%get3A_206, %get3A_207] {strides = array<i32>} : memref<80x128xf32, #tpu.memory_space<vmem>>, vector<16xf32>,
      %get3A_209 = arith.index_cast %add3A_182 : i32 to index
      %get3A_210 = arith.constant 48 : index
      %get3A_211 = tpu.vector_load %arg10[%get3A_209, %get3A_210] {strides = array<i32>} : memref<80x128xf32, #tpu.memory_space<vmem>>, vector<16xf32>,
      %mul3A_212 = arith.mulf %get3A_208, %get3A_211 : vector<16xf32>
      %add3A_213 = arith.addf %add3A_205, %mul3A_212 : vector<16xf32>
      %get3A_214 = arith.index_cast %add3A_182 : i32 to index
      %get3A_215 = arith.constant 64 : index
      %get3A_216 = tpu.vector_load %arg9[%get3A_214, %get3A_215] {strides = array<i32>} : memref<80x128xf32, #tpu.memory_space<vmem>>, vector<16xf32>,
      %get3A_217 = arith.index_cast %add3A_182 : i32 to index
      %get3A_218 = arith.constant 64 : index
      %get3A_219 = tpu.vector_load %arg10[%get3A_217, %get3A_218] {strides = array<i32>} : memref<80x128xf32, #tpu.memory_space<vmem>>, vector<16xf32>,
      %mul3A_220 = arith.mulf %get3A_216, %get3A_219 : vector<16xf32>
      %add3A_221 = arith.addf %add3A_213, %mul3A_220 : vector<16xf32>
      %get3A_222 = arith.index_cast %add3A_182 : i32 to index
      %get3A_223 = arith.constant 80 : index
      %get3A_224 = tpu.vector_load %arg9[%get3A_222, %get3A_223] {strides = array<i32>} : memref<80x128xf32, #tpu.memory_space<vmem>>, vector<16xf32>,
      %get3A_225 = arith.index_cast %add3A_182 : i32 to index
      %get3A_226 = arith.constant 80 : index
      %get3A_227 = tpu.vector_load %arg10[%get3A_225, %get3A_226] {strides = array<i32>} : memref<80x128xf32, #tpu.memory_space<vmem>>, vector<16xf32>,
      %mul3A_228 = arith.mulf %get3A_224, %get3A_227 : vector<16xf32>
      %add3A_229 = arith.addf %add3A_221, %mul3A_228 : vector<16xf32>
      %get3A_230 = arith.index_cast %add3A_182 : i32 to index
      %get3A_231 = arith.constant 96 : index
      %get3A_232 = tpu.vector_load %arg9[%get3A_230, %get3A_231] {strides = array<i32>} : memref<80x128xf32, #tpu.memory_space<vmem>>, vector<16xf32>,
      %get3A_233 = arith.index_cast %add3A_182 : i32 to index
      %get3A_234 = arith.constant 96 : index
      %get3A_235 = tpu.vector_load %arg10[%get3A_233, %get3A_234] {strides = array<i32>} : memref<80x128xf32, #tpu.memory_space<vmem>>, vector<16xf32>,
      %mul3A_236 = arith.mulf %get3A_232, %get3A_235 : vector<16xf32>
      %add3A_237 = arith.addf %add3A_229, %mul3A_236 : vector<16xf32>
      %get3A_238 = arith.index_cast %add3A_182 : i32 to index
      %get3A_239 = arith.constant 112 : index
      %get3A_240 = tpu.vector_load %arg9[%get3A_238, %get3A_239] {strides = array<i32>} : memref<80x128xf32, #tpu.memory_space<vmem>>, vector<16xf32>,
      %get3A_241 = arith.index_cast %add3A_182 : i32 to index
      %get3A_242 = arith.constant 112 : index
      %get3A_243 = tpu.vector_load %arg10[%get3A_241, %get3A_242] {strides = array<i32>} : memref<80x128xf32, #tpu.memory_space<vmem>>, vector<16xf32>,
      %mul3A_244 = arith.mulf %get3A_240, %get3A_243 : vector<16xf32>
      %add3A_245 = arith.addf %add3A_237, %mul3A_244 : vector<16xf32>
      %broadcast_in_dim3A_246 = arith.constant true
      %broadcast_in_dim3A_247 = vector.broadcast %broadcast_in_dim3A_246 : i1 to vector<16xi1>
      %masked_cumsum3A_248 = tpu.scan <sum>, %add3A_245 masked %broadcast_in_dim3A_247 : vector<16xf32>, vector<16xi1> -> vector<16xf32>
      %swap3A_249 = arith.constant 2 : index
      %swap3A_250 = tpu.vector_load %arg14[%swap3A_249] masked %eq3A_2 {strides = array<i32>} : memref<32xf32, #tpu.memory_space<vmem>>, vector<16xf32>, vector<16xi1>
      tpu.vector_store %arg14[%swap3A_249], %masked_cumsum3A_248 masked %eq3A_2 {strides = array<i32>} : memref<32xf32, #tpu.memory_space<vmem>>, vector<16xf32>, vector<16xi1>
      %add3A_251 = arith.constant 3 : i32
      %add3A_252 = arith.addi %mul3A_44, %add3A_251 : i32
      %get3A_253 = arith.index_cast %add3A_252 : i32 to index
      %get3A_254 = arith.constant 0 : index
      %get3A_255 = tpu.vector_load %arg9[%get3A_253, %get3A_254] {strides = array<i32>} : memref<80x128xf32, #tpu.memory_space<vmem>>, vector<16xf32>,
      %get3A_256 = arith.index_cast %add3A_252 : i32 to index
      %get3A_257 = arith.constant 0 : index
      %get3A_258 = tpu.vector_load %arg10[%get3A_256, %get3A_257] {strides = array<i32>} : memref<80x128xf32, #tpu.memory_space<vmem>>, vector<16xf32>,
      %mul3A_259 = arith.mulf %get3A_255, %get3A_258 : vector<16xf32>
      %get3A_260 = arith.index_cast %add3A_252 : i32 to index
      %get3A_261 = arith.constant 16 : index
      %get3A_262 = tpu.vector_load %arg9[%get3A_260, %get3A_261] {strides = array<i32>} : memref<80x128xf32, #tpu.memory_space<vmem>>, vector<16xf32>,
      %get3A_263 = arith.index_cast %add3A_252 : i32 to index
      %get3A_264 = arith.constant 16 : index
      %get3A_265 = tpu.vector_load %arg10[%get3A_263, %get3A_264] {strides = array<i32>} : memref<80x128xf32, #tpu.memory_space<vmem>>, vector<16xf32>,
      %mul3A_266 = arith.mulf %get3A_262, %get3A_265 : vector<16xf32>
      %add3A_267 = arith.addf %mul3A_259, %mul3A_266 : vector<16xf32>
      %get3A_268 = arith.index_cast %add3A_252 : i32 to index
      %get3A_269 = arith.constant 32 : index
      %get3A_270 = tpu.vector_load %arg9[%get3A_268, %get3A_269] {strides = array<i32>} : memref<80x128xf32, #tpu.memory_space<vmem>>, vector<16xf32>,
      %get3A_271 = arith.index_cast %add3A_252 : i32 to index
      %get3A_272 = arith.constant 32 : index
      %get3A_273 = tpu.vector_load %arg10[%get3A_271, %get3A_272] {strides = array<i32>} : memref<80x128xf32, #tpu.memory_space<vmem>>, vector<16xf32>,
      %mul3A_274 = arith.mulf %get3A_270, %get3A_273 : vector<16xf32>
      %add3A_275 = arith.addf %add3A_267, %mul3A_274 : vector<16xf32>
      %get3A_276 = arith.index_cast %add3A_252 : i32 to index
      %get3A_277 = arith.constant 48 : index
      %get3A_278 = tpu.vector_load %arg9[%get3A_276, %get3A_277] {strides = array<i32>} : memref<80x128xf32, #tpu.memory_space<vmem>>, vector<16xf32>,
      %get3A_279 = arith.index_cast %add3A_252 : i32 to index
      %get3A_280 = arith.constant 48 : index
      %get3A_281 = tpu.vector_load %arg10[%get3A_279, %get3A_280] {strides = array<i32>} : memref<80x128xf32, #tpu.memory_space<vmem>>, vector<16xf32>,
      %mul3A_282 = arith.mulf %get3A_278, %get3A_281 : vector<16xf32>
      %add3A_283 = arith.addf %add3A_275, %mul3A_282 : vector<16xf32>
      %get3A_284 = arith.index_cast %add3A_252 : i32 to index
      %get3A_285 = arith.constant 64 : index
      %get3A_286 = tpu.vector_load %arg9[%get3A_284, %get3A_285] {strides = array<i32>} : memref<80x128xf32, #tpu.memory_space<vmem>>, vector<16xf32>,
      %get3A_287 = arith.index_cast %add3A_252 : i32 to index
      %get3A_288 = arith.constant 64 : index
      %get3A_289 = tpu.vector_load %arg10[%get3A_287, %get3A_288] {strides = array<i32>} : memref<80x128xf32, #tpu.memory_space<vmem>>, vector<16xf32>,
      %mul3A_290 = arith.mulf %get3A_286, %get3A_289 : vector<16xf32>
      %add3A_291 = arith.addf %add3A_283, %mul3A_290 : vector<16xf32>
      %get3A_292 = arith.index_cast %add3A_252 : i32 to index
      %get3A_293 = arith.constant 80 : index
      %get3A_294 = tpu.vector_load %arg9[%get3A_292, %get3A_293] {strides = array<i32>} : memref<80x128xf32, #tpu.memory_space<vmem>>, vector<16xf32>,
      %get3A_295 = arith.index_cast %add3A_252 : i32 to index
      %get3A_296 = arith.constant 80 : index
      %get3A_297 = tpu.vector_load %arg10[%get3A_295, %get3A_296] {strides = array<i32>} : memref<80x128xf32, #tpu.memory_space<vmem>>, vector<16xf32>,
      %mul3A_298 = arith.mulf %get3A_294, %get3A_297 : vector<16xf32>
      %add3A_299 = arith.addf %add3A_291, %mul3A_298 : vector<16xf32>
      %get3A_300 = arith.index_cast %add3A_252 : i32 to index
      %get3A_301 = arith.constant 96 : index
      %get3A_302 = tpu.vector_load %arg9[%get3A_300, %get3A_301] {strides = array<i32>} : memref<80x128xf32, #tpu.memory_space<vmem>>, vector<16xf32>,
      %get3A_303 = arith.index_cast %add3A_252 : i32 to index
      %get3A_304 = arith.constant 96 : index
      %get3A_305 = tpu.vector_load %arg10[%get3A_303, %get3A_304] {strides = array<i32>} : memref<80x128xf32, #tpu.memory_space<vmem>>, vector<16xf32>,
      %mul3A_306 = arith.mulf %get3A_302, %get3A_305 : vector<16xf32>
      %add3A_307 = arith.addf %add3A_299, %mul3A_306 : vector<16xf32>
      %get3A_308 = arith.index_cast %add3A_252 : i32 to index
      %get3A_309 = arith.constant 112 : index
      %get3A_310 = tpu.vector_load %arg9[%get3A_308, %get3A_309] {strides = array<i32>} : memref<80x128xf32, #tpu.memory_space<vmem>>, vector<16xf32>,
      %get3A_311 = arith.index_cast %add3A_252 : i32 to index
      %get3A_312 = arith.constant 112 : index
      %get3A_313 = tpu.vector_load %arg10[%get3A_311, %get3A_312] {strides = array<i32>} : memref<80x128xf32, #tpu.memory_space<vmem>>, vector<16xf32>,
      %mul3A_314 = arith.mulf %get3A_310, %get3A_313 : vector<16xf32>
      %add3A_315 = arith.addf %add3A_307, %mul3A_314 : vector<16xf32>
      %broadcast_in_dim3A_316 = arith.constant true
      %broadcast_in_dim3A_317 = vector.broadcast %broadcast_in_dim3A_316 : i1 to vector<16xi1>
      %masked_cumsum3A_318 = tpu.scan <sum>, %add3A_315 masked %broadcast_in_dim3A_317 : vector<16xf32>, vector<16xi1> -> vector<16xf32>
      %swap3A_319 = arith.constant 3 : index
      %swap3A_320 = tpu.vector_load %arg14[%swap3A_319] masked %eq3A_2 {strides = array<i32>} : memref<32xf32, #tpu.memory_space<vmem>>, vector<16xf32>, vector<16xi1>
      tpu.vector_store %arg14[%swap3A_319], %masked_cumsum3A_318 masked %eq3A_2 {strides = array<i32>} : memref<32xf32, #tpu.memory_space<vmem>>, vector<16xf32>, vector<16xi1>
      %add3A_321 = arith.constant 4 : i32
      %add3A_322 = arith.addi %mul3A_44, %add3A_321 : i32
      %get3A_323 = arith.index_cast %add3A_322 : i32 to index
      %get3A_324 = arith.constant 0 : index
      %get3A_325 = tpu.vector_load %arg9[%get3A_323, %get3A_324] {strides = array<i32>} : memref<80x128xf32, #tpu.memory_space<vmem>>, vector<16xf32>,
      %get3A_326 = arith.index_cast %add3A_322 : i32 to index
      %get3A_327 = arith.constant 0 : index
      %get3A_328 = tpu.vector_load %arg10[%get3A_326, %get3A_327] {strides = array<i32>} : memref<80x128xf32, #tpu.memory_space<vmem>>, vector<16xf32>,
      %mul3A_329 = arith.mulf %get3A_325, %get3A_328 : vector<16xf32>
      %get3A_330 = arith.index_cast %add3A_322 : i32 to index
      %get3A_331 = arith.constant 16 : index
      %get3A_332 = tpu.vector_load %arg9[%get3A_330, %get3A_331] {strides = array<i32>} : memref<80x128xf32, #tpu.memory_space<vmem>>, vector<16xf32>,
      %get3A_333 = arith.index_cast %add3A_322 : i32 to index
      %get3A_334 = arith.constant 16 : index
      %get3A_335 = tpu.vector_load %arg10[%get3A_333, %get3A_334] {strides = array<i32>} : memref<80x128xf32, #tpu.memory_space<vmem>>, vector<16xf32>,
      %mul3A_336 = arith.mulf %get3A_332, %get3A_335 : vector<16xf32>
      %add3A_337 = arith.addf %mul3A_329, %mul3A_336 : vector<16xf32>
      %get3A_338 = arith.index_cast %add3A_322 : i32 to index
      %get3A_339 = arith.constant 32 : index
      %get3A_340 = tpu.vector_load %arg9[%get3A_338, %get3A_339] {strides = array<i32>} : memref<80x128xf32, #tpu.memory_space<vmem>>, vector<16xf32>,
      %get3A_341 = arith.index_cast %add3A_322 : i32 to index
      %get3A_342 = arith.constant 32 : index
      %get3A_343 = tpu.vector_load %arg10[%get3A_341, %get3A_342] {strides = array<i32>} : memref<80x128xf32, #tpu.memory_space<vmem>>, vector<16xf32>,
      %mul3A_344 = arith.mulf %get3A_340, %get3A_343 : vector<16xf32>
      %add3A_345 = arith.addf %add3A_337, %mul3A_344 : vector<16xf32>
      %get3A_346 = arith.index_cast %add3A_322 : i32 to index
      %get3A_347 = arith.constant 48 : index
      %get3A_348 = tpu.vector_load %arg9[%get3A_346, %get3A_347] {strides = array<i32>} : memref<80x128xf32, #tpu.memory_space<vmem>>, vector<16xf32>,
      %get3A_349 = arith.index_cast %add3A_322 : i32 to index
      %get3A_350 = arith.constant 48 : index
      %get3A_351 = tpu.vector_load %arg10[%get3A_349, %get3A_350] {strides = array<i32>} : memref<80x128xf32, #tpu.memory_space<vmem>>, vector<16xf32>,
      %mul3A_352 = arith.mulf %get3A_348, %get3A_351 : vector<16xf32>
      %add3A_353 = arith.addf %add3A_345, %mul3A_352 : vector<16xf32>
      %get3A_354 = arith.index_cast %add3A_322 : i32 to index
      %get3A_355 = arith.constant 64 : index
      %get3A_356 = tpu.vector_load %arg9[%get3A_354, %get3A_355] {strides = array<i32>} : memref<80x128xf32, #tpu.memory_space<vmem>>, vector<16xf32>,
      %get3A_357 = arith.index_cast %add3A_322 : i32 to index
      %get3A_358 = arith.constant 64 : index
      %get3A_359 = tpu.vector_load %arg10[%get3A_357, %get3A_358] {strides = array<i32>} : memref<80x128xf32, #tpu.memory_space<vmem>>, vector<16xf32>,
      %mul3A_360 = arith.mulf %get3A_356, %get3A_359 : vector<16xf32>
      %add3A_361 = arith.addf %add3A_353, %mul3A_360 : vector<16xf32>
      %get3A_362 = arith.index_cast %add3A_322 : i32 to index
      %get3A_363 = arith.constant 80 : index
      %get3A_364 = tpu.vector_load %arg9[%get3A_362, %get3A_363] {strides = array<i32>} : memref<80x128xf32, #tpu.memory_space<vmem>>, vector<16xf32>,
      %get3A_365 = arith.index_cast %add3A_322 : i32 to index
      %get3A_366 = arith.constant 80 : index
      %get3A_367 = tpu.vector_load %arg10[%get3A_365, %get3A_366] {strides = array<i32>} : memref<80x128xf32, #tpu.memory_space<vmem>>, vector<16xf32>,
      %mul3A_368 = arith.mulf %get3A_364, %get3A_367 : vector<16xf32>
      %add3A_369 = arith.addf %add3A_361, %mul3A_368 : vector<16xf32>
      %get3A_370 = arith.index_cast %add3A_322 : i32 to index
      %get3A_371 = arith.constant 96 : index
      %get3A_372 = tpu.vector_load %arg9[%get3A_370, %get3A_371] {strides = array<i32>} : memref<80x128xf32, #tpu.memory_space<vmem>>, vector<16xf32>,
      %get3A_373 = arith.index_cast %add3A_322 : i32 to index
      %get3A_374 = arith.constant 96 : index
      %get3A_375 = tpu.vector_load %arg10[%get3A_373, %get3A_374] {strides = array<i32>} : memref<80x128xf32, #tpu.memory_space<vmem>>, vector<16xf32>,
      %mul3A_376 = arith.mulf %get3A_372, %get3A_375 : vector<16xf32>
      %add3A_377 = arith.addf %add3A_369, %mul3A_376 : vector<16xf32>
      %get3A_378 = arith.index_cast %add3A_322 : i32 to index
      %get3A_379 = arith.constant 112 : index
      %get3A_380 = tpu.vector_load %arg9[%get3A_378, %get3A_379] {strides = array<i32>} : memref<80x128xf32, #tpu.memory_space<vmem>>, vector<16xf32>,
      %get3A_381 = arith.index_cast %add3A_322 : i32 to index
      %get3A_382 = arith.constant 112 : index
      %get3A_383 = tpu.vector_load %arg10[%get3A_381, %get3A_382] {strides = array<i32>} : memref<80x128xf32, #tpu.memory_space<vmem>>, vector<16xf32>,
      %mul3A_384 = arith.mulf %get3A_380, %get3A_383 : vector<16xf32>
      %add3A_385 = arith.addf %add3A_377, %mul3A_384 : vector<16xf32>
      %broadcast_in_dim3A_386 = arith.constant true
      %broadcast_in_dim3A_387 = vector.broadcast %broadcast_in_dim3A_386 : i1 to vector<16xi1>
      %masked_cumsum3A_388 = tpu.scan <sum>, %add3A_385 masked %broadcast_in_dim3A_387 : vector<16xf32>, vector<16xi1> -> vector<16xf32>
      %swap3A_389 = arith.constant 4 : index
      %swap3A_390 = tpu.vector_load %arg14[%swap3A_389] masked %eq3A_2 {strides = array<i32>} : memref<32xf32, #tpu.memory_space<vmem>>, vector<16xf32>, vector<16xi1>
      tpu.vector_store %arg14[%swap3A_389], %masked_cumsum3A_388 masked %eq3A_2 {strides = array<i32>} : memref<32xf32, #tpu.memory_space<vmem>>, vector<16xf32>, vector<16xi1>
      %add3A_391 = arith.constant 5 : i32
      %add3A_392 = arith.addi %mul3A_44, %add3A_391 : i32
      %get3A_393 = arith.index_cast %add3A_392 : i32 to index
      %get3A_394 = arith.constant 0 : index
      %get3A_395 = tpu.vector_load %arg9[%get3A_393, %get3A_394] {strides = array<i32>} : memref<80x128xf32, #tpu.memory_space<vmem>>, vector<16xf32>,
      %get3A_396 = arith.index_cast %add3A_392 : i32 to index
      %get3A_397 = arith.constant 0 : index
      %get3A_398 = tpu.vector_load %arg10[%get3A_396, %get3A_397] {strides = array<i32>} : memref<80x128xf32, #tpu.memory_space<vmem>>, vector<16xf32>,
      %mul3A_399 = arith.mulf %get3A_395, %get3A_398 : vector<16xf32>
      %get3A_400 = arith.index_cast %add3A_392 : i32 to index
      %get3A_401 = arith.constant 16 : index
      %get3A_402 = tpu.vector_load %arg9[%get3A_400, %get3A_401] {strides = array<i32>} : memref<80x128xf32, #tpu.memory_space<vmem>>, vector<16xf32>,
      %get3A_403 = arith.index_cast %add3A_392 : i32 to index
      %get3A_404 = arith.constant 16 : index
      %get3A_405 = tpu.vector_load %arg10[%get3A_403, %get3A_404] {strides = array<i32>} : memref<80x128xf32, #tpu.memory_space<vmem>>, vector<16xf32>,
      %mul3A_406 = arith.mulf %get3A_402, %get3A_405 : vector<16xf32>
      %add3A_407 = arith.addf %mul3A_399, %mul3A_406 : vector<16xf32>
      %get3A_408 = arith.index_cast %add3A_392 : i32 to index
      %get3A_409 = arith.constant 32 : index
      %get3A_410 = tpu.vector_load %arg9[%get3A_408, %get3A_409] {strides = array<i32>} : memref<80x128xf32, #tpu.memory_space<vmem>>, vector<16xf32>,
      %get3A_411 = arith.index_cast %add3A_392 : i32 to index
      %get3A_412 = arith.constant 32 : index
      %get3A_413 = tpu.vector_load %arg10[%get3A_411, %get3A_412] {strides = array<i32>} : memref<80x128xf32, #tpu.memory_space<vmem>>, vector<16xf32>,
      %mul3A_414 = arith.mulf %get3A_410, %get3A_413 : vector<16xf32>
      %add3A_415 = arith.addf %add3A_407, %mul3A_414 : vector<16xf32>
      %get3A_416 = arith.index_cast %add3A_392 : i32 to index
      %get3A_417 = arith.constant 48 : index
      %get3A_418 = tpu.vector_load %arg9[%get3A_416, %get3A_417] {strides = array<i32>} : memref<80x128xf32, #tpu.memory_space<vmem>>, vector<16xf32>,
      %get3A_419 = arith.index_cast %add3A_392 : i32 to index
      %get3A_420 = arith.constant 48 : index
      %get3A_421 = tpu.vector_load %arg10[%get3A_419, %get3A_420] {strides = array<i32>} : memref<80x128xf32, #tpu.memory_space<vmem>>, vector<16xf32>,
      %mul3A_422 = arith.mulf %get3A_418, %get3A_421 : vector<16xf32>
      %add3A_423 = arith.addf %add3A_415, %mul3A_422 : vector<16xf32>
      %get3A_424 = arith.index_cast %add3A_392 : i32 to index
      %get3A_425 = arith.constant 64 : index
      %get3A_426 = tpu.vector_load %arg9[%get3A_424, %get3A_425] {strides = array<i32>} : memref<80x128xf32, #tpu.memory_space<vmem>>, vector<16xf32>,
      %get3A_427 = arith.index_cast %add3A_392 : i32 to index
      %get3A_428 = arith.constant 64 : index
      %get3A_429 = tpu.vector_load %arg10[%get3A_427, %get3A_428] {strides = array<i32>} : memref<80x128xf32, #tpu.memory_space<vmem>>, vector<16xf32>,
      %mul3A_430 = arith.mulf %get3A_426, %get3A_429 : vector<16xf32>
      %add3A_431 = arith.addf %add3A_423, %mul3A_430 : vector<16xf32>
      %get3A_432 = arith.index_cast %add3A_392 : i32 to index
      %get3A_433 = arith.constant 80 : index
      %get3A_434 = tpu.vector_load %arg9[%get3A_432, %get3A_433] {strides = array<i32>} : memref<80x128xf32, #tpu.memory_space<vmem>>, vector<16xf32>,
      %get3A_435 = arith.index_cast %add3A_392 : i32 to index
      %get3A_436 = arith.constant 80 : index
      %get3A_437 = tpu.vector_load %arg10[%get3A_435, %get3A_436] {strides = array<i32>} : memref<80x128xf32, #tpu.memory_space<vmem>>, vector<16xf32>,
      %mul3A_438 = arith.mulf %get3A_434, %get3A_437 : vector<16xf32>
      %add3A_439 = arith.addf %add3A_431, %mul3A_438 : vector<16xf32>
      %get3A_440 = arith.index_cast %add3A_392 : i32 to index
      %get3A_441 = arith.constant 96 : index
      %get3A_442 = tpu.vector_load %arg9[%get3A_440, %get3A_441] {strides = array<i32>} : memref<80x128xf32, #tpu.memory_space<vmem>>, vector<16xf32>,
      %get3A_443 = arith.index_cast %add3A_392 : i32 to index
      %get3A_444 = arith.constant 96 : index
      %get3A_445 = tpu.vector_load %arg10[%get3A_443, %get3A_444] {strides = array<i32>} : memref<80x128xf32, #tpu.memory_space<vmem>>, vector<16xf32>,
      %mul3A_446 = arith.mulf %get3A_442, %get3A_445 : vector<16xf32>
      %add3A_447 = arith.addf %add3A_439, %mul3A_446 : vector<16xf32>
      %get3A_448 = arith.index_cast %add3A_392 : i32 to index
      %get3A_449 = arith.constant 112 : index
      %get3A_450 = tpu.vector_load %arg9[%get3A_448, %get3A_449] {strides = array<i32>} : memref<80x128xf32, #tpu.memory_space<vmem>>, vector<16xf32>,
      %get3A_451 = arith.index_cast %add3A_392 : i32 to index
      %get3A_452 = arith.constant 112 : index
      %get3A_453 = tpu.vector_load %arg10[%get3A_451, %get3A_452] {strides = array<i32>} : memref<80x128xf32, #tpu.memory_space<vmem>>, vector<16xf32>,
      %mul3A_454 = arith.mulf %get3A_450, %get3A_453 : vector<16xf32>
      %add3A_455 = arith.addf %add3A_447, %mul3A_454 : vector<16xf32>
      %broadcast_in_dim3A_456 = arith.constant true
      %broadcast_in_dim3A_457 = vector.broadcast %broadcast_in_dim3A_456 : i1 to vector<16xi1>
      %masked_cumsum3A_458 = tpu.scan <sum>, %add3A_455 masked %broadcast_in_dim3A_457 : vector<16xf32>, vector<16xi1> -> vector<16xf32>
      %swap3A_459 = arith.constant 5 : index
      %swap3A_460 = tpu.vector_load %arg14[%swap3A_459] masked %eq3A_2 {strides = array<i32>} : memref<32xf32, #tpu.memory_space<vmem>>, vector<16xf32>, vector<16xi1>
      tpu.vector_store %arg14[%swap3A_459], %masked_cumsum3A_458 masked %eq3A_2 {strides = array<i32>} : memref<32xf32, #tpu.memory_space<vmem>>, vector<16xf32>, vector<16xi1>
      %add3A_461 = arith.constant 6 : i32
      %add3A_462 = arith.addi %mul3A_44, %add3A_461 : i32
      %get3A_463 = arith.index_cast %add3A_462 : i32 to index
      %get3A_464 = arith.constant 0 : index
      %get3A_465 = tpu.vector_load %arg9[%get3A_463, %get3A_464] {strides = array<i32>} : memref<80x128xf32, #tpu.memory_space<vmem>>, vector<16xf32>,
      %get3A_466 = arith.index_cast %add3A_462 : i32 to index
      %get3A_467 = arith.constant 0 : index
      %get3A_468 = tpu.vector_load %arg10[%get3A_466, %get3A_467] {strides = array<i32>} : memref<80x128xf32, #tpu.memory_space<vmem>>, vector<16xf32>,
      %mul3A_469 = arith.mulf %get3A_465, %get3A_468 : vector<16xf32>
      %get3A_470 = arith.index_cast %add3A_462 : i32 to index
      %get3A_471 = arith.constant 16 : index
      %get3A_472 = tpu.vector_load %arg9[%get3A_470, %get3A_471] {strides = array<i32>} : memref<80x128xf32, #tpu.memory_space<vmem>>, vector<16xf32>,
      %get3A_473 = arith.index_cast %add3A_462 : i32 to index
      %get3A_474 = arith.constant 16 : index
      %get3A_475 = tpu.vector_load %arg10[%get3A_473, %get3A_474] {strides = array<i32>} : memref<80x128xf32, #tpu.memory_space<vmem>>, vector<16xf32>,
      %mul3A_476 = arith.mulf %get3A_472, %get3A_475 : vector<16xf32>
      %add3A_477 = arith.addf %mul3A_469, %mul3A_476 : vector<16xf32>
      %get3A_478 = arith.index_cast %add3A_462 : i32 to index
      %get3A_479 = arith.constant 32 : index
      %get3A_480 = tpu.vector_load %arg9[%get3A_478, %get3A_479] {strides = array<i32>} : memref<80x128xf32, #tpu.memory_space<vmem>>, vector<16xf32>,
      %get3A_481 = arith.index_cast %add3A_462 : i32 to index
      %get3A_482 = arith.constant 32 : index
      %get3A_483 = tpu.vector_load %arg10[%get3A_481, %get3A_482] {strides = array<i32>} : memref<80x128xf32, #tpu.memory_space<vmem>>, vector<16xf32>,
      %mul3A_484 = arith.mulf %get3A_480, %get3A_483 : vector<16xf32>
      %add3A_485 = arith.addf %add3A_477, %mul3A_484 : vector<16xf32>
      %get3A_486 = arith.index_cast %add3A_462 : i32 to index
      %get3A_487 = arith.constant 48 : index
      %get3A_488 = tpu.vector_load %arg9[%get3A_486, %get3A_487] {strides = array<i32>} : memref<80x128xf32, #tpu.memory_space<vmem>>, vector<16xf32>,
      %get3A_489 = arith.index_cast %add3A_462 : i32 to index
      %get3A_490 = arith.constant 48 : index
      %get3A_491 = tpu.vector_load %arg10[%get3A_489, %get3A_490] {strides = array<i32>} : memref<80x128xf32, #tpu.memory_space<vmem>>, vector<16xf32>,
      %mul3A_492 = arith.mulf %get3A_488, %get3A_491 : vector<16xf32>
      %add3A_493 = arith.addf %add3A_485, %mul3A_492 : vector<16xf32>
      %get3A_494 = arith.index_cast %add3A_462 : i32 to index
      %get3A_495 = arith.constant 64 : index
      %get3A_496 = tpu.vector_load %arg9[%get3A_494, %get3A_495] {strides = array<i32>} : memref<80x128xf32, #tpu.memory_space<vmem>>, vector<16xf32>,
      %get3A_497 = arith.index_cast %add3A_462 : i32 to index
      %get3A_498 = arith.constant 64 : index
      %get3A_499 = tpu.vector_load %arg10[%get3A_497, %get3A_498] {strides = array<i32>} : memref<80x128xf32, #tpu.memory_space<vmem>>, vector<16xf32>,
      %mul3A_500 = arith.mulf %get3A_496, %get3A_499 : vector<16xf32>
      %add3A_501 = arith.addf %add3A_493, %mul3A_500 : vector<16xf32>
      %get3A_502 = arith.index_cast %add3A_462 : i32 to index
      %get3A_503 = arith.constant 80 : index
      %get3A_504 = tpu.vector_load %arg9[%get3A_502, %get3A_503] {strides = array<i32>} : memref<80x128xf32, #tpu.memory_space<vmem>>, vector<16xf32>,
      %get3A_505 = arith.index_cast %add3A_462 : i32 to index
      %get3A_506 = arith.constant 80 : index
      %get3A_507 = tpu.vector_load %arg10[%get3A_505, %get3A_506] {strides = array<i32>} : memref<80x128xf32, #tpu.memory_space<vmem>>, vector<16xf32>,
      %mul3A_508 = arith.mulf %get3A_504, %get3A_507 : vector<16xf32>
      %add3A_509 = arith.addf %add3A_501, %mul3A_508 : vector<16xf32>
      %get3A_510 = arith.index_cast %add3A_462 : i32 to index
      %get3A_511 = arith.constant 96 : index
      %get3A_512 = tpu.vector_load %arg9[%get3A_510, %get3A_511] {strides = array<i32>} : memref<80x128xf32, #tpu.memory_space<vmem>>, vector<16xf32>,
      %get3A_513 = arith.index_cast %add3A_462 : i32 to index
      %get3A_514 = arith.constant 96 : index
      %get3A_515 = tpu.vector_load %arg10[%get3A_513, %get3A_514] {strides = array<i32>} : memref<80x128xf32, #tpu.memory_space<vmem>>, vector<16xf32>,
      %mul3A_516 = arith.mulf %get3A_512, %get3A_515 : vector<16xf32>
      %add3A_517 = arith.addf %add3A_509, %mul3A_516 : vector<16xf32>
      %get3A_518 = arith.index_cast %add3A_462 : i32 to index
      %get3A_519 = arith.constant 112 : index
      %get3A_520 = tpu.vector_load %arg9[%get3A_518, %get3A_519] {strides = array<i32>} : memref<80x128xf32, #tpu.memory_space<vmem>>, vector<16xf32>,
      %get3A_521 = arith.index_cast %add3A_462 : i32 to index
      %get3A_522 = arith.constant 112 : index
      %get3A_523 = tpu.vector_load %arg10[%get3A_521, %get3A_522] {strides = array<i32>} : memref<80x128xf32, #tpu.memory_space<vmem>>, vector<16xf32>,
      %mul3A_524 = arith.mulf %get3A_520, %get3A_523 : vector<16xf32>
      %add3A_525 = arith.addf %add3A_517, %mul3A_524 : vector<16xf32>
      %broadcast_in_dim3A_526 = arith.constant true
      %broadcast_in_dim3A_527 = vector.broadcast %broadcast_in_dim3A_526 : i1 to vector<16xi1>
      %masked_cumsum3A_528 = tpu.scan <sum>, %add3A_525 masked %broadcast_in_dim3A_527 : vector<16xf32>, vector<16xi1> -> vector<16xf32>
      %swap3A_529 = arith.constant 6 : index
      %swap3A_530 = tpu.vector_load %arg14[%swap3A_529] masked %eq3A_2 {strides = array<i32>} : memref<32xf32, #tpu.memory_space<vmem>>, vector<16xf32>, vector<16xi1>
      tpu.vector_store %arg14[%swap3A_529], %masked_cumsum3A_528 masked %eq3A_2 {strides = array<i32>} : memref<32xf32, #tpu.memory_space<vmem>>, vector<16xf32>, vector<16xi1>
      %add3A_531 = arith.constant 7 : i32
      %add3A_532 = arith.addi %mul3A_44, %add3A_531 : i32
      %get3A_533 = arith.index_cast %add3A_532 : i32 to index
      %get3A_534 = arith.constant 0 : index
      %get3A_535 = tpu.vector_load %arg9[%get3A_533, %get3A_534] {strides = array<i32>} : memref<80x128xf32, #tpu.memory_space<vmem>>, vector<16xf32>,
      %get3A_536 = arith.index_cast %add3A_532 : i32 to index
      %get3A_537 = arith.constant 0 : index
      %get3A_538 = tpu.vector_load %arg10[%get3A_536, %get3A_537] {strides = array<i32>} : memref<80x128xf32, #tpu.memory_space<vmem>>, vector<16xf32>,
      %mul3A_539 = arith.mulf %get3A_535, %get3A_538 : vector<16xf32>
      %get3A_540 = arith.index_cast %add3A_532 : i32 to index
      %get3A_541 = arith.constant 16 : index
      %get3A_542 = tpu.vector_load %arg9[%get3A_540, %get3A_541] {strides = array<i32>} : memref<80x128xf32, #tpu.memory_space<vmem>>, vector<16xf32>,
      %get3A_543 = arith.index_cast %add3A_532 : i32 to index
      %get3A_544 = arith.constant 16 : index
      %get3A_545 = tpu.vector_load %arg10[%get3A_543, %get3A_544] {strides = array<i32>} : memref<80x128xf32, #tpu.memory_space<vmem>>, vector<16xf32>,
      %mul3A_546 = arith.mulf %get3A_542, %get3A_545 : vector<16xf32>
      %add3A_547 = arith.addf %mul3A_539, %mul3A_546 : vector<16xf32>
      %get3A_548 = arith.index_cast %add3A_532 : i32 to index
      %get3A_549 = arith.constant 32 : index
      %get3A_550 = tpu.vector_load %arg9[%get3A_548, %get3A_549] {strides = array<i32>} : memref<80x128xf32, #tpu.memory_space<vmem>>, vector<16xf32>,
      %get3A_551 = arith.index_cast %add3A_532 : i32 to index
      %get3A_552 = arith.constant 32 : index
      %get3A_553 = tpu.vector_load %arg10[%get3A_551, %get3A_552] {strides = array<i32>} : memref<80x128xf32, #tpu.memory_space<vmem>>, vector<16xf32>,
      %mul3A_554 = arith.mulf %get3A_550, %get3A_553 : vector<16xf32>
      %add3A_555 = arith.addf %add3A_547, %mul3A_554 : vector<16xf32>
      %get3A_556 = arith.index_cast %add3A_532 : i32 to index
      %get3A_557 = arith.constant 48 : index
      %get3A_558 = tpu.vector_load %arg9[%get3A_556, %get3A_557] {strides = array<i32>} : memref<80x128xf32, #tpu.memory_space<vmem>>, vector<16xf32>,
      %get3A_559 = arith.index_cast %add3A_532 : i32 to index
      %get3A_560 = arith.constant 48 : index
      %get3A_561 = tpu.vector_load %arg10[%get3A_559, %get3A_560] {strides = array<i32>} : memref<80x128xf32, #tpu.memory_space<vmem>>, vector<16xf32>,
      %mul3A_562 = arith.mulf %get3A_558, %get3A_561 : vector<16xf32>
      %add3A_563 = arith.addf %add3A_555, %mul3A_562 : vector<16xf32>
      %get3A_564 = arith.index_cast %add3A_532 : i32 to index
      %get3A_565 = arith.constant 64 : index
      %get3A_566 = tpu.vector_load %arg9[%get3A_564, %get3A_565] {strides = array<i32>} : memref<80x128xf32, #tpu.memory_space<vmem>>, vector<16xf32>,
      %get3A_567 = arith.index_cast %add3A_532 : i32 to index
      %get3A_568 = arith.constant 64 : index
      %get3A_569 = tpu.vector_load %arg10[%get3A_567, %get3A_568] {strides = array<i32>} : memref<80x128xf32, #tpu.memory_space<vmem>>, vector<16xf32>,
      %mul3A_570 = arith.mulf %get3A_566, %get3A_569 : vector<16xf32>
      %add3A_571 = arith.addf %add3A_563, %mul3A_570 : vector<16xf32>
      %get3A_572 = arith.index_cast %add3A_532 : i32 to index
      %get3A_573 = arith.constant 80 : index
      %get3A_574 = tpu.vector_load %arg9[%get3A_572, %get3A_573] {strides = array<i32>} : memref<80x128xf32, #tpu.memory_space<vmem>>, vector<16xf32>,
      %get3A_575 = arith.index_cast %add3A_532 : i32 to index
      %get3A_576 = arith.constant 80 : index
      %get3A_577 = tpu.vector_load %arg10[%get3A_575, %get3A_576] {strides = array<i32>} : memref<80x128xf32, #tpu.memory_space<vmem>>, vector<16xf32>,
      %mul3A_578 = arith.mulf %get3A_574, %get3A_577 : vector<16xf32>
      %add3A_579 = arith.addf %add3A_571, %mul3A_578 : vector<16xf32>
      %get3A_580 = arith.index_cast %add3A_532 : i32 to index
      %get3A_581 = arith.constant 96 : index
      %get3A_582 = tpu.vector_load %arg9[%get3A_580, %get3A_581] {strides = array<i32>} : memref<80x128xf32, #tpu.memory_space<vmem>>, vector<16xf32>,
      %get3A_583 = arith.index_cast %add3A_532 : i32 to index
      %get3A_584 = arith.constant 96 : index
      %get3A_585 = tpu.vector_load %arg10[%get3A_583, %get3A_584] {strides = array<i32>} : memref<80x128xf32, #tpu.memory_space<vmem>>, vector<16xf32>,
      %mul3A_586 = arith.mulf %get3A_582, %get3A_585 : vector<16xf32>
      %add3A_587 = arith.addf %add3A_579, %mul3A_586 : vector<16xf32>
      %get3A_588 = arith.index_cast %add3A_532 : i32 to index
      %get3A_589 = arith.constant 112 : index
      %get3A_590 = tpu.vector_load %arg9[%get3A_588, %get3A_589] {strides = array<i32>} : memref<80x128xf32, #tpu.memory_space<vmem>>, vector<16xf32>,
      %get3A_591 = arith.index_cast %add3A_532 : i32 to index
      %get3A_592 = arith.constant 112 : index
      %get3A_593 = tpu.vector_load %arg10[%get3A_591, %get3A_592] {strides = array<i32>} : memref<80x128xf32, #tpu.memory_space<vmem>>, vector<16xf32>,
      %mul3A_594 = arith.mulf %get3A_590, %get3A_593 : vector<16xf32>
      %add3A_595 = arith.addf %add3A_587, %mul3A_594 : vector<16xf32>
      %broadcast_in_dim3A_596 = arith.constant true
      %broadcast_in_dim3A_597 = vector.broadcast %broadcast_in_dim3A_596 : i1 to vector<16xi1>
      %masked_cumsum3A_598 = tpu.scan <sum>, %add3A_595 masked %broadcast_in_dim3A_597 : vector<16xf32>, vector<16xi1> -> vector<16xf32>
      %swap3A_599 = arith.constant 7 : index
      %swap3A_600 = tpu.vector_load %arg14[%swap3A_599] masked %eq3A_2 {strides = array<i32>} : memref<32xf32, #tpu.memory_space<vmem>>, vector<16xf32>, vector<16xi1>
      tpu.vector_store %arg14[%swap3A_599], %masked_cumsum3A_598 masked %eq3A_2 {strides = array<i32>} : memref<32xf32, #tpu.memory_space<vmem>>, vector<16xf32>, vector<16xi1>
      %add3A_601 = arith.constant 8 : i32
      %add3A_602 = arith.addi %mul3A_44, %add3A_601 : i32
      %get3A_603 = arith.index_cast %add3A_602 : i32 to index
      %get3A_604 = arith.constant 0 : index
      %get3A_605 = tpu.vector_load %arg9[%get3A_603, %get3A_604] {strides = array<i32>} : memref<80x128xf32, #tpu.memory_space<vmem>>, vector<16xf32>,
      %get3A_606 = arith.index_cast %add3A_602 : i32 to index
      %get3A_607 = arith.constant 0 : index
      %get3A_608 = tpu.vector_load %arg10[%get3A_606, %get3A_607] {strides = array<i32>} : memref<80x128xf32, #tpu.memory_space<vmem>>, vector<16xf32>,
      %mul3A_609 = arith.mulf %get3A_605, %get3A_608 : vector<16xf32>
      %get3A_610 = arith.index_cast %add3A_602 : i32 to index
      %get3A_611 = arith.constant 16 : index
      %get3A_612 = tpu.vector_load %arg9[%get3A_610, %get3A_611] {strides = array<i32>} : memref<80x128xf32, #tpu.memory_space<vmem>>, vector<16xf32>,
      %get3A_613 = arith.index_cast %add3A_602 : i32 to index
      %get3A_614 = arith.constant 16 : index
      %get3A_615 = tpu.vector_load %arg10[%get3A_613, %get3A_614] {strides = array<i32>} : memref<80x128xf32, #tpu.memory_space<vmem>>, vector<16xf32>,
      %mul3A_616 = arith.mulf %get3A_612, %get3A_615 : vector<16xf32>
      %add3A_617 = arith.addf %mul3A_609, %mul3A_616 : vector<16xf32>
      %get3A_618 = arith.index_cast %add3A_602 : i32 to index
      %get3A_619 = arith.constant 32 : index
      %get3A_620 = tpu.vector_load %arg9[%get3A_618, %get3A_619] {strides = array<i32>} : memref<80x128xf32, #tpu.memory_space<vmem>>, vector<16xf32>,
      %get3A_621 = arith.index_cast %add3A_602 : i32 to index
      %get3A_622 = arith.constant 32 : index
      %get3A_623 = tpu.vector_load %arg10[%get3A_621, %get3A_622] {strides = array<i32>} : memref<80x128xf32, #tpu.memory_space<vmem>>, vector<16xf32>,
      %mul3A_624 = arith.mulf %get3A_620, %get3A_623 : vector<16xf32>
      %add3A_625 = arith.addf %add3A_617, %mul3A_624 : vector<16xf32>
      %get3A_626 = arith.index_cast %add3A_602 : i32 to index
      %get3A_627 = arith.constant 48 : index
      %get3A_628 = tpu.vector_load %arg9[%get3A_626, %get3A_627] {strides = array<i32>} : memref<80x128xf32, #tpu.memory_space<vmem>>, vector<16xf32>,
      %get3A_629 = arith.index_cast %add3A_602 : i32 to index
      %get3A_630 = arith.constant 48 : index
      %get3A_631 = tpu.vector_load %arg10[%get3A_629, %get3A_630] {strides = array<i32>} : memref<80x128xf32, #tpu.memory_space<vmem>>, vector<16xf32>,
      %mul3A_632 = arith.mulf %get3A_628, %get3A_631 : vector<16xf32>
      %add3A_633 = arith.addf %add3A_625, %mul3A_632 : vector<16xf32>
      %get3A_634 = arith.index_cast %add3A_602 : i32 to index
      %get3A_635 = arith.constant 64 : index
      %get3A_636 = tpu.vector_load %arg9[%get3A_634, %get3A_635] {strides = array<i32>} : memref<80x128xf32, #tpu.memory_space<vmem>>, vector<16xf32>,
      %get3A_637 = arith.index_cast %add3A_602 : i32 to index
      %get3A_638 = arith.constant 64 : index
      %get3A_639 = tpu.vector_load %arg10[%get3A_637, %get3A_638] {strides = array<i32>} : memref<80x128xf32, #tpu.memory_space<vmem>>, vector<16xf32>,
      %mul3A_640 = arith.mulf %get3A_636, %get3A_639 : vector<16xf32>
      %add3A_641 = arith.addf %add3A_633, %mul3A_640 : vector<16xf32>
      %get3A_642 = arith.index_cast %add3A_602 : i32 to index
      %get3A_643 = arith.constant 80 : index
      %get3A_644 = tpu.vector_load %arg9[%get3A_642, %get3A_643] {strides = array<i32>} : memref<80x128xf32, #tpu.memory_space<vmem>>, vector<16xf32>,
      %get3A_645 = arith.index_cast %add3A_602 : i32 to index
      %get3A_646 = arith.constant 80 : index
      %get3A_647 = tpu.vector_load %arg10[%get3A_645, %get3A_646] {strides = array<i32>} : memref<80x128xf32, #tpu.memory_space<vmem>>, vector<16xf32>,
      %mul3A_648 = arith.mulf %get3A_644, %get3A_647 : vector<16xf32>
      %add3A_649 = arith.addf %add3A_641, %mul3A_648 : vector<16xf32>
      %get3A_650 = arith.index_cast %add3A_602 : i32 to index
      %get3A_651 = arith.constant 96 : index
      %get3A_652 = tpu.vector_load %arg9[%get3A_650, %get3A_651] {strides = array<i32>} : memref<80x128xf32, #tpu.memory_space<vmem>>, vector<16xf32>,
      %get3A_653 = arith.index_cast %add3A_602 : i32 to index
      %get3A_654 = arith.constant 96 : index
      %get3A_655 = tpu.vector_load %arg10[%get3A_653, %get3A_654] {strides = array<i32>} : memref<80x128xf32, #tpu.memory_space<vmem>>, vector<16xf32>,
      %mul3A_656 = arith.mulf %get3A_652, %get3A_655 : vector<16xf32>
      %add3A_657 = arith.addf %add3A_649, %mul3A_656 : vector<16xf32>
      %get3A_658 = arith.index_cast %add3A_602 : i32 to index
      %get3A_659 = arith.constant 112 : index
      %get3A_660 = tpu.vector_load %arg9[%get3A_658, %get3A_659] {strides = array<i32>} : memref<80x128xf32, #tpu.memory_space<vmem>>, vector<16xf32>,
      %get3A_661 = arith.index_cast %add3A_602 : i32 to index
      %get3A_662 = arith.constant 112 : index
      %get3A_663 = tpu.vector_load %arg10[%get3A_661, %get3A_662] {strides = array<i32>} : memref<80x128xf32, #tpu.memory_space<vmem>>, vector<16xf32>,
      %mul3A_664 = arith.mulf %get3A_660, %get3A_663 : vector<16xf32>
      %add3A_665 = arith.addf %add3A_657, %mul3A_664 : vector<16xf32>
      %broadcast_in_dim3A_666 = arith.constant true
      %broadcast_in_dim3A_667 = vector.broadcast %broadcast_in_dim3A_666 : i1 to vector<16xi1>
      %masked_cumsum3A_668 = tpu.scan <sum>, %add3A_665 masked %broadcast_in_dim3A_667 : vector<16xf32>, vector<16xi1> -> vector<16xf32>
      %swap3A_669 = arith.constant 8 : index
      %swap3A_670 = tpu.vector_load %arg14[%swap3A_669] masked %eq3A_2 {strides = array<i32>} : memref<32xf32, #tpu.memory_space<vmem>>, vector<16xf32>, vector<16xi1>
      tpu.vector_store %arg14[%swap3A_669], %masked_cumsum3A_668 masked %eq3A_2 {strides = array<i32>} : memref<32xf32, #tpu.memory_space<vmem>>, vector<16xf32>, vector<16xi1>
      %add3A_671 = arith.constant 9 : i32
      %add3A_672 = arith.addi %mul3A_44, %add3A_671 : i32
      %get3A_673 = arith.index_cast %add3A_672 : i32 to index
      %get3A_674 = arith.constant 0 : index
      %get3A_675 = tpu.vector_load %arg9[%get3A_673, %get3A_674] {strides = array<i32>} : memref<80x128xf32, #tpu.memory_space<vmem>>, vector<16xf32>,
      %get3A_676 = arith.index_cast %add3A_672 : i32 to index
      %get3A_677 = arith.constant 0 : index
      %get3A_678 = tpu.vector_load %arg10[%get3A_676, %get3A_677] {strides = array<i32>} : memref<80x128xf32, #tpu.memory_space<vmem>>, vector<16xf32>,
      %mul3A_679 = arith.mulf %get3A_675, %get3A_678 : vector<16xf32>
      %get3A_680 = arith.index_cast %add3A_672 : i32 to index
      %get3A_681 = arith.constant 16 : index
      %get3A_682 = tpu.vector_load %arg9[%get3A_680, %get3A_681] {strides = array<i32>} : memref<80x128xf32, #tpu.memory_space<vmem>>, vector<16xf32>,
      %get3A_683 = arith.index_cast %add3A_672 : i32 to index
      %get3A_684 = arith.constant 16 : index
      %get3A_685 = tpu.vector_load %arg10[%get3A_683, %get3A_684] {strides = array<i32>} : memref<80x128xf32, #tpu.memory_space<vmem>>, vector<16xf32>,
      %mul3A_686 = arith.mulf %get3A_682, %get3A_685 : vector<16xf32>
      %add3A_687 = arith.addf %mul3A_679, %mul3A_686 : vector<16xf32>
      %get3A_688 = arith.index_cast %add3A_672 : i32 to index
      %get3A_689 = arith.constant 32 : index
      %get3A_690 = tpu.vector_load %arg9[%get3A_688, %get3A_689] {strides = array<i32>} : memref<80x128xf32, #tpu.memory_space<vmem>>, vector<16xf32>,
      %get3A_691 = arith.index_cast %add3A_672 : i32 to index
      %get3A_692 = arith.constant 32 : index
      %get3A_693 = tpu.vector_load %arg10[%get3A_691, %get3A_692] {strides = array<i32>} : memref<80x128xf32, #tpu.memory_space<vmem>>, vector<16xf32>,
      %mul3A_694 = arith.mulf %get3A_690, %get3A_693 : vector<16xf32>
      %add3A_695 = arith.addf %add3A_687, %mul3A_694 : vector<16xf32>
      %get3A_696 = arith.index_cast %add3A_672 : i32 to index
      %get3A_697 = arith.constant 48 : index
      %get3A_698 = tpu.vector_load %arg9[%get3A_696, %get3A_697] {strides = array<i32>} : memref<80x128xf32, #tpu.memory_space<vmem>>, vector<16xf32>,
      %get3A_699 = arith.index_cast %add3A_672 : i32 to index
      %get3A_700 = arith.constant 48 : index
      %get3A_701 = tpu.vector_load %arg10[%get3A_699, %get3A_700] {strides = array<i32>} : memref<80x128xf32, #tpu.memory_space<vmem>>, vector<16xf32>,
      %mul3A_702 = arith.mulf %get3A_698, %get3A_701 : vector<16xf32>
      %add3A_703 = arith.addf %add3A_695, %mul3A_702 : vector<16xf32>
      %get3A_704 = arith.index_cast %add3A_672 : i32 to index
      %get3A_705 = arith.constant 64 : index
      %get3A_706 = tpu.vector_load %arg9[%get3A_704, %get3A_705] {strides = array<i32>} : memref<80x128xf32, #tpu.memory_space<vmem>>, vector<16xf32>,
      %get3A_707 = arith.index_cast %add3A_672 : i32 to index
      %get3A_708 = arith.constant 64 : index
      %get3A_709 = tpu.vector_load %arg10[%get3A_707, %get3A_708] {strides = array<i32>} : memref<80x128xf32, #tpu.memory_space<vmem>>, vector<16xf32>,
      %mul3A_710 = arith.mulf %get3A_706, %get3A_709 : vector<16xf32>
      %add3A_711 = arith.addf %add3A_703, %mul3A_710 : vector<16xf32>
      %get3A_712 = arith.index_cast %add3A_672 : i32 to index
      %get3A_713 = arith.constant 80 : index
      %get3A_714 = tpu.vector_load %arg9[%get3A_712, %get3A_713] {strides = array<i32>} : memref<80x128xf32, #tpu.memory_space<vmem>>, vector<16xf32>,
      %get3A_715 = arith.index_cast %add3A_672 : i32 to index
      %get3A_716 = arith.constant 80 : index
      %get3A_717 = tpu.vector_load %arg10[%get3A_715, %get3A_716] {strides = array<i32>} : memref<80x128xf32, #tpu.memory_space<vmem>>, vector<16xf32>,
      %mul3A_718 = arith.mulf %get3A_714, %get3A_717 : vector<16xf32>
      %add3A_719 = arith.addf %add3A_711, %mul3A_718 : vector<16xf32>
      %get3A_720 = arith.index_cast %add3A_672 : i32 to index
      %get3A_721 = arith.constant 96 : index
      %get3A_722 = tpu.vector_load %arg9[%get3A_720, %get3A_721] {strides = array<i32>} : memref<80x128xf32, #tpu.memory_space<vmem>>, vector<16xf32>,
      %get3A_723 = arith.index_cast %add3A_672 : i32 to index
      %get3A_724 = arith.constant 96 : index
      %get3A_725 = tpu.vector_load %arg10[%get3A_723, %get3A_724] {strides = array<i32>} : memref<80x128xf32, #tpu.memory_space<vmem>>, vector<16xf32>,
      %mul3A_726 = arith.mulf %get3A_722, %get3A_725 : vector<16xf32>
      %add3A_727 = arith.addf %add3A_719, %mul3A_726 : vector<16xf32>
      %get3A_728 = arith.index_cast %add3A_672 : i32 to index
      %get3A_729 = arith.constant 112 : index
      %get3A_730 = tpu.vector_load %arg9[%get3A_728, %get3A_729] {strides = array<i32>} : memref<80x128xf32, #tpu.memory_space<vmem>>, vector<16xf32>,
      %get3A_731 = arith.index_cast %add3A_672 : i32 to index
      %get3A_732 = arith.constant 112 : index
      %get3A_733 = tpu.vector_load %arg10[%get3A_731, %get3A_732] {strides = array<i32>} : memref<80x128xf32, #tpu.memory_space<vmem>>, vector<16xf32>,
      %mul3A_734 = arith.mulf %get3A_730, %get3A_733 : vector<16xf32>
      %add3A_735 = arith.addf %add3A_727, %mul3A_734 : vector<16xf32>
      %broadcast_in_dim3A_736 = arith.constant true
      %broadcast_in_dim3A_737 = vector.broadcast %broadcast_in_dim3A_736 : i1 to vector<16xi1>
      %masked_cumsum3A_738 = tpu.scan <sum>, %add3A_735 masked %broadcast_in_dim3A_737 : vector<16xf32>, vector<16xi1> -> vector<16xf32>
      %swap3A_739 = arith.constant 9 : index
      %swap3A_740 = tpu.vector_load %arg14[%swap3A_739] masked %eq3A_2 {strides = array<i32>} : memref<32xf32, #tpu.memory_space<vmem>>, vector<16xf32>, vector<16xi1>
      tpu.vector_store %arg14[%swap3A_739], %masked_cumsum3A_738 masked %eq3A_2 {strides = array<i32>} : memref<32xf32, #tpu.memory_space<vmem>>, vector<16xf32>, vector<16xi1>
      %add3A_741 = arith.constant 10 : i32
      %add3A_742 = arith.addi %mul3A_44, %add3A_741 : i32
      %get3A_743 = arith.index_cast %add3A_742 : i32 to index
      %get3A_744 = arith.constant 0 : index
      %get3A_745 = tpu.vector_load %arg9[%get3A_743, %get3A_744] {strides = array<i32>} : memref<80x128xf32, #tpu.memory_space<vmem>>, vector<16xf32>,
      %get3A_746 = arith.index_cast %add3A_742 : i32 to index
      %get3A_747 = arith.constant 0 : index
      %get3A_748 = tpu.vector_load %arg10[%get3A_746, %get3A_747] {strides = array<i32>} : memref<80x128xf32, #tpu.memory_space<vmem>>, vector<16xf32>,
      %mul3A_749 = arith.mulf %get3A_745, %get3A_748 : vector<16xf32>
      %get3A_750 = arith.index_cast %add3A_742 : i32 to index
      %get3A_751 = arith.constant 16 : index
      %get3A_752 = tpu.vector_load %arg9[%get3A_750, %get3A_751] {strides = array<i32>} : memref<80x128xf32, #tpu.memory_space<vmem>>, vector<16xf32>,
      %get3A_753 = arith.index_cast %add3A_742 : i32 to index
      %get3A_754 = arith.constant 16 : index
      %get3A_755 = tpu.vector_load %arg10[%get3A_753, %get3A_754] {strides = array<i32>} : memref<80x128xf32, #tpu.memory_space<vmem>>, vector<16xf32>,
      %mul3A_756 = arith.mulf %get3A_752, %get3A_755 : vector<16xf32>
      %add3A_757 = arith.addf %mul3A_749, %mul3A_756 : vector<16xf32>
      %get3A_758 = arith.index_cast %add3A_742 : i32 to index
      %get3A_759 = arith.constant 32 : index
      %get3A_760 = tpu.vector_load %arg9[%get3A_758, %get3A_759] {strides = array<i32>} : memref<80x128xf32, #tpu.memory_space<vmem>>, vector<16xf32>,
      %get3A_761 = arith.index_cast %add3A_742 : i32 to index
      %get3A_762 = arith.constant 32 : index
      %get3A_763 = tpu.vector_load %arg10[%get3A_761, %get3A_762] {strides = array<i32>} : memref<80x128xf32, #tpu.memory_space<vmem>>, vector<16xf32>,
      %mul3A_764 = arith.mulf %get3A_760, %get3A_763 : vector<16xf32>
      %add3A_765 = arith.addf %add3A_757, %mul3A_764 : vector<16xf32>
      %get3A_766 = arith.index_cast %add3A_742 : i32 to index
      %get3A_767 = arith.constant 48 : index
      %get3A_768 = tpu.vector_load %arg9[%get3A_766, %get3A_767] {strides = array<i32>} : memref<80x128xf32, #tpu.memory_space<vmem>>, vector<16xf32>,
      %get3A_769 = arith.index_cast %add3A_742 : i32 to index
      %get3A_770 = arith.constant 48 : index
      %get3A_771 = tpu.vector_load %arg10[%get3A_769, %get3A_770] {strides = array<i32>} : memref<80x128xf32, #tpu.memory_space<vmem>>, vector<16xf32>,
      %mul3A_772 = arith.mulf %get3A_768, %get3A_771 : vector<16xf32>
      %add3A_773 = arith.addf %add3A_765, %mul3A_772 : vector<16xf32>
      %get3A_774 = arith.index_cast %add3A_742 : i32 to index
      %get3A_775 = arith.constant 64 : index
      %get3A_776 = tpu.vector_load %arg9[%get3A_774, %get3A_775] {strides = array<i32>} : memref<80x128xf32, #tpu.memory_space<vmem>>, vector<16xf32>,
      %get3A_777 = arith.index_cast %add3A_742 : i32 to index
      %get3A_778 = arith.constant 64 : index
      %get3A_779 = tpu.vector_load %arg10[%get3A_777, %get3A_778] {strides = array<i32>} : memref<80x128xf32, #tpu.memory_space<vmem>>, vector<16xf32>,
      %mul3A_780 = arith.mulf %get3A_776, %get3A_779 : vector<16xf32>
      %add3A_781 = arith.addf %add3A_773, %mul3A_780 : vector<16xf32>
      %get3A_782 = arith.index_cast %add3A_742 : i32 to index
      %get3A_783 = arith.constant 80 : index
      %get3A_784 = tpu.vector_load %arg9[%get3A_782, %get3A_783] {strides = array<i32>} : memref<80x128xf32, #tpu.memory_space<vmem>>, vector<16xf32>,
      %get3A_785 = arith.index_cast %add3A_742 : i32 to index
      %get3A_786 = arith.constant 80 : index
      %get3A_787 = tpu.vector_load %arg10[%get3A_785, %get3A_786] {strides = array<i32>} : memref<80x128xf32, #tpu.memory_space<vmem>>, vector<16xf32>,
      %mul3A_788 = arith.mulf %get3A_784, %get3A_787 : vector<16xf32>
      %add3A_789 = arith.addf %add3A_781, %mul3A_788 : vector<16xf32>
      %get3A_790 = arith.index_cast %add3A_742 : i32 to index
      %get3A_791 = arith.constant 96 : index
      %get3A_792 = tpu.vector_load %arg9[%get3A_790, %get3A_791] {strides = array<i32>} : memref<80x128xf32, #tpu.memory_space<vmem>>, vector<16xf32>,
      %get3A_793 = arith.index_cast %add3A_742 : i32 to index
      %get3A_794 = arith.constant 96 : index
      %get3A_795 = tpu.vector_load %arg10[%get3A_793, %get3A_794] {strides = array<i32>} : memref<80x128xf32, #tpu.memory_space<vmem>>, vector<16xf32>,
      %mul3A_796 = arith.mulf %get3A_792, %get3A_795 : vector<16xf32>
      %add3A_797 = arith.addf %add3A_789, %mul3A_796 : vector<16xf32>
      %get3A_798 = arith.index_cast %add3A_742 : i32 to index
      %get3A_799 = arith.constant 112 : index
      %get3A_800 = tpu.vector_load %arg9[%get3A_798, %get3A_799] {strides = array<i32>} : memref<80x128xf32, #tpu.memory_space<vmem>>, vector<16xf32>,
      %get3A_801 = arith.index_cast %add3A_742 : i32 to index
      %get3A_802 = arith.constant 112 : index
      %get3A_803 = tpu.vector_load %arg10[%get3A_801, %get3A_802] {strides = array<i32>} : memref<80x128xf32, #tpu.memory_space<vmem>>, vector<16xf32>,
      %mul3A_804 = arith.mulf %get3A_800, %get3A_803 : vector<16xf32>
      %add3A_805 = arith.addf %add3A_797, %mul3A_804 : vector<16xf32>
      %broadcast_in_dim3A_806 = arith.constant true
      %broadcast_in_dim3A_807 = vector.broadcast %broadcast_in_dim3A_806 : i1 to vector<16xi1>
      %masked_cumsum3A_808 = tpu.scan <sum>, %add3A_805 masked %broadcast_in_dim3A_807 : vector<16xf32>, vector<16xi1> -> vector<16xf32>
      %swap3A_809 = arith.constant 10 : index
      %swap3A_810 = tpu.vector_load %arg14[%swap3A_809] masked %eq3A_2 {strides = array<i32>} : memref<32xf32, #tpu.memory_space<vmem>>, vector<16xf32>, vector<16xi1>
      tpu.vector_store %arg14[%swap3A_809], %masked_cumsum3A_808 masked %eq3A_2 {strides = array<i32>} : memref<32xf32, #tpu.memory_space<vmem>>, vector<16xf32>, vector<16xi1>
      %add3A_811 = arith.constant 11 : i32
      %add3A_812 = arith.addi %mul3A_44, %add3A_811 : i32
      %get3A_813 = arith.index_cast %add3A_812 : i32 to index
      %get3A_814 = arith.constant 0 : index
      %get3A_815 = tpu.vector_load %arg9[%get3A_813, %get3A_814] {strides = array<i32>} : memref<80x128xf32, #tpu.memory_space<vmem>>, vector<16xf32>,
      %get3A_816 = arith.index_cast %add3A_812 : i32 to index
      %get3A_817 = arith.constant 0 : index
      %get3A_818 = tpu.vector_load %arg10[%get3A_816, %get3A_817] {strides = array<i32>} : memref<80x128xf32, #tpu.memory_space<vmem>>, vector<16xf32>,
      %mul3A_819 = arith.mulf %get3A_815, %get3A_818 : vector<16xf32>
      %get3A_820 = arith.index_cast %add3A_812 : i32 to index
      %get3A_821 = arith.constant 16 : index
      %get3A_822 = tpu.vector_load %arg9[%get3A_820, %get3A_821] {strides = array<i32>} : memref<80x128xf32, #tpu.memory_space<vmem>>, vector<16xf32>,
      %get3A_823 = arith.index_cast %add3A_812 : i32 to index
      %get3A_824 = arith.constant 16 : index
      %get3A_825 = tpu.vector_load %arg10[%get3A_823, %get3A_824] {strides = array<i32>} : memref<80x128xf32, #tpu.memory_space<vmem>>, vector<16xf32>,
      %mul3A_826 = arith.mulf %get3A_822, %get3A_825 : vector<16xf32>
      %add3A_827 = arith.addf %mul3A_819, %mul3A_826 : vector<16xf32>
      %get3A_828 = arith.index_cast %add3A_812 : i32 to index
      %get3A_829 = arith.constant 32 : index
      %get3A_830 = tpu.vector_load %arg9[%get3A_828, %get3A_829] {strides = array<i32>} : memref<80x128xf32, #tpu.memory_space<vmem>>, vector<16xf32>,
      %get3A_831 = arith.index_cast %add3A_812 : i32 to index
      %get3A_832 = arith.constant 32 : index
      %get3A_833 = tpu.vector_load %arg10[%get3A_831, %get3A_832] {strides = array<i32>} : memref<80x128xf32, #tpu.memory_space<vmem>>, vector<16xf32>,
      %mul3A_834 = arith.mulf %get3A_830, %get3A_833 : vector<16xf32>
      %add3A_835 = arith.addf %add3A_827, %mul3A_834 : vector<16xf32>
      %get3A_836 = arith.index_cast %add3A_812 : i32 to index
      %get3A_837 = arith.constant 48 : index
      %get3A_838 = tpu.vector_load %arg9[%get3A_836, %get3A_837] {strides = array<i32>} : memref<80x128xf32, #tpu.memory_space<vmem>>, vector<16xf32>,
      %get3A_839 = arith.index_cast %add3A_812 : i32 to index
      %get3A_840 = arith.constant 48 : index
      %get3A_841 = tpu.vector_load %arg10[%get3A_839, %get3A_840] {strides = array<i32>} : memref<80x128xf32, #tpu.memory_space<vmem>>, vector<16xf32>,
      %mul3A_842 = arith.mulf %get3A_838, %get3A_841 : vector<16xf32>
      %add3A_843 = arith.addf %add3A_835, %mul3A_842 : vector<16xf32>
      %get3A_844 = arith.index_cast %add3A_812 : i32 to index
      %get3A_845 = arith.constant 64 : index
      %get3A_846 = tpu.vector_load %arg9[%get3A_844, %get3A_845] {strides = array<i32>} : memref<80x128xf32, #tpu.memory_space<vmem>>, vector<16xf32>,
      %get3A_847 = arith.index_cast %add3A_812 : i32 to index
      %get3A_848 = arith.constant 64 : index
      %get3A_849 = tpu.vector_load %arg10[%get3A_847, %get3A_848] {strides = array<i32>} : memref<80x128xf32, #tpu.memory_space<vmem>>, vector<16xf32>,
      %mul3A_850 = arith.mulf %get3A_846, %get3A_849 : vector<16xf32>
      %add3A_851 = arith.addf %add3A_843, %mul3A_850 : vector<16xf32>
      %get3A_852 = arith.index_cast %add3A_812 : i32 to index
      %get3A_853 = arith.constant 80 : index
      %get3A_854 = tpu.vector_load %arg9[%get3A_852, %get3A_853] {strides = array<i32>} : memref<80x128xf32, #tpu.memory_space<vmem>>, vector<16xf32>,
      %get3A_855 = arith.index_cast %add3A_812 : i32 to index
      %get3A_856 = arith.constant 80 : index
      %get3A_857 = tpu.vector_load %arg10[%get3A_855, %get3A_856] {strides = array<i32>} : memref<80x128xf32, #tpu.memory_space<vmem>>, vector<16xf32>,
      %mul3A_858 = arith.mulf %get3A_854, %get3A_857 : vector<16xf32>
      %add3A_859 = arith.addf %add3A_851, %mul3A_858 : vector<16xf32>
      %get3A_860 = arith.index_cast %add3A_812 : i32 to index
      %get3A_861 = arith.constant 96 : index
      %get3A_862 = tpu.vector_load %arg9[%get3A_860, %get3A_861] {strides = array<i32>} : memref<80x128xf32, #tpu.memory_space<vmem>>, vector<16xf32>,
      %get3A_863 = arith.index_cast %add3A_812 : i32 to index
      %get3A_864 = arith.constant 96 : index
      %get3A_865 = tpu.vector_load %arg10[%get3A_863, %get3A_864] {strides = array<i32>} : memref<80x128xf32, #tpu.memory_space<vmem>>, vector<16xf32>,
      %mul3A_866 = arith.mulf %get3A_862, %get3A_865 : vector<16xf32>
      %add3A_867 = arith.addf %add3A_859, %mul3A_866 : vector<16xf32>
      %get3A_868 = arith.index_cast %add3A_812 : i32 to index
      %get3A_869 = arith.constant 112 : index
      %get3A_870 = tpu.vector_load %arg9[%get3A_868, %get3A_869] {strides = array<i32>} : memref<80x128xf32, #tpu.memory_space<vmem>>, vector<16xf32>,
      %get3A_871 = arith.index_cast %add3A_812 : i32 to index
      %get3A_872 = arith.constant 112 : index
      %get3A_873 = tpu.vector_load %arg10[%get3A_871, %get3A_872] {strides = array<i32>} : memref<80x128xf32, #tpu.memory_space<vmem>>, vector<16xf32>,
      %mul3A_874 = arith.mulf %get3A_870, %get3A_873 : vector<16xf32>
      %add3A_875 = arith.addf %add3A_867, %mul3A_874 : vector<16xf32>
      %broadcast_in_dim3A_876 = arith.constant true
      %broadcast_in_dim3A_877 = vector.broadcast %broadcast_in_dim3A_876 : i1 to vector<16xi1>
      %masked_cumsum3A_878 = tpu.scan <sum>, %add3A_875 masked %broadcast_in_dim3A_877 : vector<16xf32>, vector<16xi1> -> vector<16xf32>
      %swap3A_879 = arith.constant 11 : index
      %swap3A_880 = tpu.vector_load %arg14[%swap3A_879] masked %eq3A_2 {strides = array<i32>} : memref<32xf32, #tpu.memory_space<vmem>>, vector<16xf32>, vector<16xi1>
      tpu.vector_store %arg14[%swap3A_879], %masked_cumsum3A_878 masked %eq3A_2 {strides = array<i32>} : memref<32xf32, #tpu.memory_space<vmem>>, vector<16xf32>, vector<16xi1>
      %add3A_881 = arith.constant 12 : i32
      %add3A_882 = arith.addi %mul3A_44, %add3A_881 : i32
      %get3A_883 = arith.index_cast %add3A_882 : i32 to index
      %get3A_884 = arith.constant 0 : index
      %get3A_885 = tpu.vector_load %arg9[%get3A_883, %get3A_884] {strides = array<i32>} : memref<80x128xf32, #tpu.memory_space<vmem>>, vector<16xf32>,
      %get3A_886 = arith.index_cast %add3A_882 : i32 to index
      %get3A_887 = arith.constant 0 : index
      %get3A_888 = tpu.vector_load %arg10[%get3A_886, %get3A_887] {strides = array<i32>} : memref<80x128xf32, #tpu.memory_space<vmem>>, vector<16xf32>,
      %mul3A_889 = arith.mulf %get3A_885, %get3A_888 : vector<16xf32>
      %get3A_890 = arith.index_cast %add3A_882 : i32 to index
      %get3A_891 = arith.constant 16 : index
      %get3A_892 = tpu.vector_load %arg9[%get3A_890, %get3A_891] {strides = array<i32>} : memref<80x128xf32, #tpu.memory_space<vmem>>, vector<16xf32>,
      %get3A_893 = arith.index_cast %add3A_882 : i32 to index
      %get3A_894 = arith.constant 16 : index
      %get3A_895 = tpu.vector_load %arg10[%get3A_893, %get3A_894] {strides = array<i32>} : memref<80x128xf32, #tpu.memory_space<vmem>>, vector<16xf32>,
      %mul3A_896 = arith.mulf %get3A_892, %get3A_895 : vector<16xf32>
      %add3A_897 = arith.addf %mul3A_889, %mul3A_896 : vector<16xf32>
      %get3A_898 = arith.index_cast %add3A_882 : i32 to index
      %get3A_899 = arith.constant 32 : index
      %get3A_900 = tpu.vector_load %arg9[%get3A_898, %get3A_899] {strides = array<i32>} : memref<80x128xf32, #tpu.memory_space<vmem>>, vector<16xf32>,
      %get3A_901 = arith.index_cast %add3A_882 : i32 to index
      %get3A_902 = arith.constant 32 : index
      %get3A_903 = tpu.vector_load %arg10[%get3A_901, %get3A_902] {strides = array<i32>} : memref<80x128xf32, #tpu.memory_space<vmem>>, vector<16xf32>,
      %mul3A_904 = arith.mulf %get3A_900, %get3A_903 : vector<16xf32>
      %add3A_905 = arith.addf %add3A_897, %mul3A_904 : vector<16xf32>
      %get3A_906 = arith.index_cast %add3A_882 : i32 to index
      %get3A_907 = arith.constant 48 : index
      %get3A_908 = tpu.vector_load %arg9[%get3A_906, %get3A_907] {strides = array<i32>} : memref<80x128xf32, #tpu.memory_space<vmem>>, vector<16xf32>,
      %get3A_909 = arith.index_cast %add3A_882 : i32 to index
      %get3A_910 = arith.constant 48 : index
      %get3A_911 = tpu.vector_load %arg10[%get3A_909, %get3A_910] {strides = array<i32>} : memref<80x128xf32, #tpu.memory_space<vmem>>, vector<16xf32>,
      %mul3A_912 = arith.mulf %get3A_908, %get3A_911 : vector<16xf32>
      %add3A_913 = arith.addf %add3A_905, %mul3A_912 : vector<16xf32>
      %get3A_914 = arith.index_cast %add3A_882 : i32 to index
      %get3A_915 = arith.constant 64 : index
      %get3A_916 = tpu.vector_load %arg9[%get3A_914, %get3A_915] {strides = array<i32>} : memref<80x128xf32, #tpu.memory_space<vmem>>, vector<16xf32>,
      %get3A_917 = arith.index_cast %add3A_882 : i32 to index
      %get3A_918 = arith.constant 64 : index
      %get3A_919 = tpu.vector_load %arg10[%get3A_917, %get3A_918] {strides = array<i32>} : memref<80x128xf32, #tpu.memory_space<vmem>>, vector<16xf32>,
      %mul3A_920 = arith.mulf %get3A_916, %get3A_919 : vector<16xf32>
      %add3A_921 = arith.addf %add3A_913, %mul3A_920 : vector<16xf32>
      %get3A_922 = arith.index_cast %add3A_882 : i32 to index
      %get3A_923 = arith.constant 80 : index
      %get3A_924 = tpu.vector_load %arg9[%get3A_922, %get3A_923] {strides = array<i32>} : memref<80x128xf32, #tpu.memory_space<vmem>>, vector<16xf32>,
      %get3A_925 = arith.index_cast %add3A_882 : i32 to index
      %get3A_926 = arith.constant 80 : index
      %get3A_927 = tpu.vector_load %arg10[%get3A_925, %get3A_926] {strides = array<i32>} : memref<80x128xf32, #tpu.memory_space<vmem>>, vector<16xf32>,
      %mul3A_928 = arith.mulf %get3A_924, %get3A_927 : vector<16xf32>
      %add3A_929 = arith.addf %add3A_921, %mul3A_928 : vector<16xf32>
      %get3A_930 = arith.index_cast %add3A_882 : i32 to index
      %get3A_931 = arith.constant 96 : index
      %get3A_932 = tpu.vector_load %arg9[%get3A_930, %get3A_931] {strides = array<i32>} : memref<80x128xf32, #tpu.memory_space<vmem>>, vector<16xf32>,
      %get3A_933 = arith.index_cast %add3A_882 : i32 to index
      %get3A_934 = arith.constant 96 : index
      %get3A_935 = tpu.vector_load %arg10[%get3A_933, %get3A_934] {strides = array<i32>} : memref<80x128xf32, #tpu.memory_space<vmem>>, vector<16xf32>,
      %mul3A_936 = arith.mulf %get3A_932, %get3A_935 : vector<16xf32>
      %add3A_937 = arith.addf %add3A_929, %mul3A_936 : vector<16xf32>
      %get3A_938 = arith.index_cast %add3A_882 : i32 to index
      %get3A_939 = arith.constant 112 : index
      %get3A_940 = tpu.vector_load %arg9[%get3A_938, %get3A_939] {strides = array<i32>} : memref<80x128xf32, #tpu.memory_space<vmem>>, vector<16xf32>,
      %get3A_941 = arith.index_cast %add3A_882 : i32 to index
      %get3A_942 = arith.constant 112 : index
      %get3A_943 = tpu.vector_load %arg10[%get3A_941, %get3A_942] {strides = array<i32>} : memref<80x128xf32, #tpu.memory_space<vmem>>, vector<16xf32>,
      %mul3A_944 = arith.mulf %get3A_940, %get3A_943 : vector<16xf32>
      %add3A_945 = arith.addf %add3A_937, %mul3A_944 : vector<16xf32>
      %broadcast_in_dim3A_946 = arith.constant true
      %broadcast_in_dim3A_947 = vector.broadcast %broadcast_in_dim3A_946 : i1 to vector<16xi1>
      %masked_cumsum3A_948 = tpu.scan <sum>, %add3A_945 masked %broadcast_in_dim3A_947 : vector<16xf32>, vector<16xi1> -> vector<16xf32>
      %swap3A_949 = arith.constant 12 : index
      %swap3A_950 = tpu.vector_load %arg14[%swap3A_949] masked %eq3A_2 {strides = array<i32>} : memref<32xf32, #tpu.memory_space<vmem>>, vector<16xf32>, vector<16xi1>
      tpu.vector_store %arg14[%swap3A_949], %masked_cumsum3A_948 masked %eq3A_2 {strides = array<i32>} : memref<32xf32, #tpu.memory_space<vmem>>, vector<16xf32>, vector<16xi1>
      %add3A_951 = arith.constant 13 : i32
      %add3A_952 = arith.addi %mul3A_44, %add3A_951 : i32
      %get3A_953 = arith.index_cast %add3A_952 : i32 to index
      %get3A_954 = arith.constant 0 : index
      %get3A_955 = tpu.vector_load %arg9[%get3A_953, %get3A_954] {strides = array<i32>} : memref<80x128xf32, #tpu.memory_space<vmem>>, vector<16xf32>,
      %get3A_956 = arith.index_cast %add3A_952 : i32 to index
      %get3A_957 = arith.constant 0 : index
      %get3A_958 = tpu.vector_load %arg10[%get3A_956, %get3A_957] {strides = array<i32>} : memref<80x128xf32, #tpu.memory_space<vmem>>, vector<16xf32>,
      %mul3A_959 = arith.mulf %get3A_955, %get3A_958 : vector<16xf32>
      %get3A_960 = arith.index_cast %add3A_952 : i32 to index
      %get3A_961 = arith.constant 16 : index
      %get3A_962 = tpu.vector_load %arg9[%get3A_960, %get3A_961] {strides = array<i32>} : memref<80x128xf32, #tpu.memory_space<vmem>>, vector<16xf32>,
      %get3A_963 = arith.index_cast %add3A_952 : i32 to index
      %get3A_964 = arith.constant 16 : index
      %get3A_965 = tpu.vector_load %arg10[%get3A_963, %get3A_964] {strides = array<i32>} : memref<80x128xf32, #tpu.memory_space<vmem>>, vector<16xf32>,
      %mul3A_966 = arith.mulf %get3A_962, %get3A_965 : vector<16xf32>
      %add3A_967 = arith.addf %mul3A_959, %mul3A_966 : vector<16xf32>
      %get3A_968 = arith.index_cast %add3A_952 : i32 to index
      %get3A_969 = arith.constant 32 : index
      %get3A_970 = tpu.vector_load %arg9[%get3A_968, %get3A_969] {strides = array<i32>} : memref<80x128xf32, #tpu.memory_space<vmem>>, vector<16xf32>,
      %get3A_971 = arith.index_cast %add3A_952 : i32 to index
      %get3A_972 = arith.constant 32 : index
      %get3A_973 = tpu.vector_load %arg10[%get3A_971, %get3A_972] {strides = array<i32>} : memref<80x128xf32, #tpu.memory_space<vmem>>, vector<16xf32>,
      %mul3A_974 = arith.mulf %get3A_970, %get3A_973 : vector<16xf32>
      %add3A_975 = arith.addf %add3A_967, %mul3A_974 : vector<16xf32>
      %get3A_976 = arith.index_cast %add3A_952 : i32 to index
      %get3A_977 = arith.constant 48 : index
      %get3A_978 = tpu.vector_load %arg9[%get3A_976, %get3A_977] {strides = array<i32>} : memref<80x128xf32, #tpu.memory_space<vmem>>, vector<16xf32>,
      %get3A_979 = arith.index_cast %add3A_952 : i32 to index
      %get3A_980 = arith.constant 48 : index
      %get3A_981 = tpu.vector_load %arg10[%get3A_979, %get3A_980] {strides = array<i32>} : memref<80x128xf32, #tpu.memory_space<vmem>>, vector<16xf32>,
      %mul3A_982 = arith.mulf %get3A_978, %get3A_981 : vector<16xf32>
      %add3A_983 = arith.addf %add3A_975, %mul3A_982 : vector<16xf32>
      %get3A_984 = arith.index_cast %add3A_952 : i32 to index
      %get3A_985 = arith.constant 64 : index
      %get3A_986 = tpu.vector_load %arg9[%get3A_984, %get3A_985] {strides = array<i32>} : memref<80x128xf32, #tpu.memory_space<vmem>>, vector<16xf32>,
      %get3A_987 = arith.index_cast %add3A_952 : i32 to index
      %get3A_988 = arith.constant 64 : index
      %get3A_989 = tpu.vector_load %arg10[%get3A_987, %get3A_988] {strides = array<i32>} : memref<80x128xf32, #tpu.memory_space<vmem>>, vector<16xf32>,
      %mul3A_990 = arith.mulf %get3A_986, %get3A_989 : vector<16xf32>
      %add3A_991 = arith.addf %add3A_983, %mul3A_990 : vector<16xf32>
      %get3A_992 = arith.index_cast %add3A_952 : i32 to index
      %get3A_993 = arith.constant 80 : index
      %get3A_994 = tpu.vector_load %arg9[%get3A_992, %get3A_993] {strides = array<i32>} : memref<80x128xf32, #tpu.memory_space<vmem>>, vector<16xf32>,
      %get3A_995 = arith.index_cast %add3A_952 : i32 to index
      %get3A_996 = arith.constant 80 : index
      %get3A_997 = tpu.vector_load %arg10[%get3A_995, %get3A_996] {strides = array<i32>} : memref<80x128xf32, #tpu.memory_space<vmem>>, vector<16xf32>,
      %mul3A_998 = arith.mulf %get3A_994, %get3A_997 : vector<16xf32>
      %add3A_999 = arith.addf %add3A_991, %mul3A_998 : vector<16xf32>
      %get3A_1000 = arith.index_cast %add3A_952 : i32 to index
      %get3A_1001 = arith.constant 96 : index
      %get3A_1002 = tpu.vector_load %arg9[%get3A_1000, %get3A_1001] {strides = array<i32>} : memref<80x128xf32, #tpu.memory_space<vmem>>, vector<16xf32>,
      %get3A_1003 = arith.index_cast %add3A_952 : i32 to index
      %get3A_1004 = arith.constant 96 : index
      %get3A_1005 = tpu.vector_load %arg10[%get3A_1003, %get3A_1004] {strides = array<i32>} : memref<80x128xf32, #tpu.memory_space<vmem>>, vector<16xf32>,
      %mul3A_1006 = arith.mulf %get3A_1002, %get3A_1005 : vector<16xf32>
      %add3A_1007 = arith.addf %add3A_999, %mul3A_1006 : vector<16xf32>
      %get3A_1008 = arith.index_cast %add3A_952 : i32 to index
      %get3A_1009 = arith.constant 112 : index
      %get3A_1010 = tpu.vector_load %arg9[%get3A_1008, %get3A_1009] {strides = array<i32>} : memref<80x128xf32, #tpu.memory_space<vmem>>, vector<16xf32>,
      %get3A_1011 = arith.index_cast %add3A_952 : i32 to index
      %get3A_1012 = arith.constant 112 : index
      %get3A_1013 = tpu.vector_load %arg10[%get3A_1011, %get3A_1012] {strides = array<i32>} : memref<80x128xf32, #tpu.memory_space<vmem>>, vector<16xf32>,
      %mul3A_1014 = arith.mulf %get3A_1010, %get3A_1013 : vector<16xf32>
      %add3A_1015 = arith.addf %add3A_1007, %mul3A_1014 : vector<16xf32>
      %broadcast_in_dim3A_1016 = arith.constant true
      %broadcast_in_dim3A_1017 = vector.broadcast %broadcast_in_dim3A_1016 : i1 to vector<16xi1>
      %masked_cumsum3A_1018 = tpu.scan <sum>, %add3A_1015 masked %broadcast_in_dim3A_1017 : vector<16xf32>, vector<16xi1> -> vector<16xf32>
      %swap3A_1019 = arith.constant 13 : index
      %swap3A_1020 = tpu.vector_load %arg14[%swap3A_1019] masked %eq3A_2 {strides = array<i32>} : memref<32xf32, #tpu.memory_space<vmem>>, vector<16xf32>, vector<16xi1>
      tpu.vector_store %arg14[%swap3A_1019], %masked_cumsum3A_1018 masked %eq3A_2 {strides = array<i32>} : memref<32xf32, #tpu.memory_space<vmem>>, vector<16xf32>, vector<16xi1>
      %add3A_1021 = arith.constant 14 : i32
      %add3A_1022 = arith.addi %mul3A_44, %add3A_1021 : i32
      %get3A_1023 = arith.index_cast %add3A_1022 : i32 to index
      %get3A_1024 = arith.constant 0 : index
      %get3A_1025 = tpu.vector_load %arg9[%get3A_1023, %get3A_1024] {strides = array<i32>} : memref<80x128xf32, #tpu.memory_space<vmem>>, vector<16xf32>,
      %get3A_1026 = arith.index_cast %add3A_1022 : i32 to index
      %get3A_1027 = arith.constant 0 : index
      %get3A_1028 = tpu.vector_load %arg10[%get3A_1026, %get3A_1027] {strides = array<i32>} : memref<80x128xf32, #tpu.memory_space<vmem>>, vector<16xf32>,
      %mul3A_1029 = arith.mulf %get3A_1025, %get3A_1028 : vector<16xf32>
      %get3A_1030 = arith.index_cast %add3A_1022 : i32 to index
      %get3A_1031 = arith.constant 16 : index
      %get3A_1032 = tpu.vector_load %arg9[%get3A_1030, %get3A_1031] {strides = array<i32>} : memref<80x128xf32, #tpu.memory_space<vmem>>, vector<16xf32>,
      %get3A_1033 = arith.index_cast %add3A_1022 : i32 to index
      %get3A_1034 = arith.constant 16 : index
      %get3A_1035 = tpu.vector_load %arg10[%get3A_1033, %get3A_1034] {strides = array<i32>} : memref<80x128xf32, #tpu.memory_space<vmem>>, vector<16xf32>,
      %mul3A_1036 = arith.mulf %get3A_1032, %get3A_1035 : vector<16xf32>
      %add3A_1037 = arith.addf %mul3A_1029, %mul3A_1036 : vector<16xf32>
      %get3A_1038 = arith.index_cast %add3A_1022 : i32 to index
      %get3A_1039 = arith.constant 32 : index
      %get3A_1040 = tpu.vector_load %arg9[%get3A_1038, %get3A_1039] {strides = array<i32>} : memref<80x128xf32, #tpu.memory_space<vmem>>, vector<16xf32>,
      %get3A_1041 = arith.index_cast %add3A_1022 : i32 to index
      %get3A_1042 = arith.constant 32 : index
      %get3A_1043 = tpu.vector_load %arg10[%get3A_1041, %get3A_1042] {strides = array<i32>} : memref<80x128xf32, #tpu.memory_space<vmem>>, vector<16xf32>,
      %mul3A_1044 = arith.mulf %get3A_1040, %get3A_1043 : vector<16xf32>
      %add3A_1045 = arith.addf %add3A_1037, %mul3A_1044 : vector<16xf32>
      %get3A_1046 = arith.index_cast %add3A_1022 : i32 to index
      %get3A_1047 = arith.constant 48 : index
      %get3A_1048 = tpu.vector_load %arg9[%get3A_1046, %get3A_1047] {strides = array<i32>} : memref<80x128xf32, #tpu.memory_space<vmem>>, vector<16xf32>,
      %get3A_1049 = arith.index_cast %add3A_1022 : i32 to index
      %get3A_1050 = arith.constant 48 : index
      %get3A_1051 = tpu.vector_load %arg10[%get3A_1049, %get3A_1050] {strides = array<i32>} : memref<80x128xf32, #tpu.memory_space<vmem>>, vector<16xf32>,
      %mul3A_1052 = arith.mulf %get3A_1048, %get3A_1051 : vector<16xf32>
      %add3A_1053 = arith.addf %add3A_1045, %mul3A_1052 : vector<16xf32>
      %get3A_1054 = arith.index_cast %add3A_1022 : i32 to index
      %get3A_1055 = arith.constant 64 : index
      %get3A_1056 = tpu.vector_load %arg9[%get3A_1054, %get3A_1055] {strides = array<i32>} : memref<80x128xf32, #tpu.memory_space<vmem>>, vector<16xf32>,
      %get3A_1057 = arith.index_cast %add3A_1022 : i32 to index
      %get3A_1058 = arith.constant 64 : index
      %get3A_1059 = tpu.vector_load %arg10[%get3A_1057, %get3A_1058] {strides = array<i32>} : memref<80x128xf32, #tpu.memory_space<vmem>>, vector<16xf32>,
      %mul3A_1060 = arith.mulf %get3A_1056, %get3A_1059 : vector<16xf32>
      %add3A_1061 = arith.addf %add3A_1053, %mul3A_1060 : vector<16xf32>
      %get3A_1062 = arith.index_cast %add3A_1022 : i32 to index
      %get3A_1063 = arith.constant 80 : index
      %get3A_1064 = tpu.vector_load %arg9[%get3A_1062, %get3A_1063] {strides = array<i32>} : memref<80x128xf32, #tpu.memory_space<vmem>>, vector<16xf32>,
      %get3A_1065 = arith.index_cast %add3A_1022 : i32 to index
      %get3A_1066 = arith.constant 80 : index
      %get3A_1067 = tpu.vector_load %arg10[%get3A_1065, %get3A_1066] {strides = array<i32>} : memref<80x128xf32, #tpu.memory_space<vmem>>, vector<16xf32>,
      %mul3A_1068 = arith.mulf %get3A_1064, %get3A_1067 : vector<16xf32>
      %add3A_1069 = arith.addf %add3A_1061, %mul3A_1068 : vector<16xf32>
      %get3A_1070 = arith.index_cast %add3A_1022 : i32 to index
      %get3A_1071 = arith.constant 96 : index
      %get3A_1072 = tpu.vector_load %arg9[%get3A_1070, %get3A_1071] {strides = array<i32>} : memref<80x128xf32, #tpu.memory_space<vmem>>, vector<16xf32>,
      %get3A_1073 = arith.index_cast %add3A_1022 : i32 to index
      %get3A_1074 = arith.constant 96 : index
      %get3A_1075 = tpu.vector_load %arg10[%get3A_1073, %get3A_1074] {strides = array<i32>} : memref<80x128xf32, #tpu.memory_space<vmem>>, vector<16xf32>,
      %mul3A_1076 = arith.mulf %get3A_1072, %get3A_1075 : vector<16xf32>
      %add3A_1077 = arith.addf %add3A_1069, %mul3A_1076 : vector<16xf32>
      %get3A_1078 = arith.index_cast %add3A_1022 : i32 to index
      %get3A_1079 = arith.constant 112 : index
      %get3A_1080 = tpu.vector_load %arg9[%get3A_1078, %get3A_1079] {strides = array<i32>} : memref<80x128xf32, #tpu.memory_space<vmem>>, vector<16xf32>,
      %get3A_1081 = arith.index_cast %add3A_1022 : i32 to index
      %get3A_1082 = arith.constant 112 : index
      %get3A_1083 = tpu.vector_load %arg10[%get3A_1081, %get3A_1082] {strides = array<i32>} : memref<80x128xf32, #tpu.memory_space<vmem>>, vector<16xf32>,
      %mul3A_1084 = arith.mulf %get3A_1080, %get3A_1083 : vector<16xf32>
      %add3A_1085 = arith.addf %add3A_1077, %mul3A_1084 : vector<16xf32>
      %broadcast_in_dim3A_1086 = arith.constant true
      %broadcast_in_dim3A_1087 = vector.broadcast %broadcast_in_dim3A_1086 : i1 to vector<16xi1>
      %masked_cumsum3A_1088 = tpu.scan <sum>, %add3A_1085 masked %broadcast_in_dim3A_1087 : vector<16xf32>, vector<16xi1> -> vector<16xf32>
      %swap3A_1089 = arith.constant 14 : index
      %swap3A_1090 = tpu.vector_load %arg14[%swap3A_1089] masked %eq3A_2 {strides = array<i32>} : memref<32xf32, #tpu.memory_space<vmem>>, vector<16xf32>, vector<16xi1>
      tpu.vector_store %arg14[%swap3A_1089], %masked_cumsum3A_1088 masked %eq3A_2 {strides = array<i32>} : memref<32xf32, #tpu.memory_space<vmem>>, vector<16xf32>, vector<16xi1>
      %add3A_1091 = arith.constant 15 : i32
      %add3A_1092 = arith.addi %mul3A_44, %add3A_1091 : i32
      %get3A_1093 = arith.index_cast %add3A_1092 : i32 to index
      %get3A_1094 = arith.constant 0 : index
      %get3A_1095 = tpu.vector_load %arg9[%get3A_1093, %get3A_1094] {strides = array<i32>} : memref<80x128xf32, #tpu.memory_space<vmem>>, vector<16xf32>,
      %get3A_1096 = arith.index_cast %add3A_1092 : i32 to index
      %get3A_1097 = arith.constant 0 : index
      %get3A_1098 = tpu.vector_load %arg10[%get3A_1096, %get3A_1097] {strides = array<i32>} : memref<80x128xf32, #tpu.memory_space<vmem>>, vector<16xf32>,
      %mul3A_1099 = arith.mulf %get3A_1095, %get3A_1098 : vector<16xf32>
      %get3A_1100 = arith.index_cast %add3A_1092 : i32 to index
      %get3A_1101 = arith.constant 16 : index
      %get3A_1102 = tpu.vector_load %arg9[%get3A_1100, %get3A_1101] {strides = array<i32>} : memref<80x128xf32, #tpu.memory_space<vmem>>, vector<16xf32>,
      %get3A_1103 = arith.index_cast %add3A_1092 : i32 to index
      %get3A_1104 = arith.constant 16 : index
      %get3A_1105 = tpu.vector_load %arg10[%get3A_1103, %get3A_1104] {strides = array<i32>} : memref<80x128xf32, #tpu.memory_space<vmem>>, vector<16xf32>,
      %mul3A_1106 = arith.mulf %get3A_1102, %get3A_1105 : vector<16xf32>
      %add3A_1107 = arith.addf %mul3A_1099, %mul3A_1106 : vector<16xf32>
      %get3A_1108 = arith.index_cast %add3A_1092 : i32 to index
      %get3A_1109 = arith.constant 32 : index
      %get3A_1110 = tpu.vector_load %arg9[%get3A_1108, %get3A_1109] {strides = array<i32>} : memref<80x128xf32, #tpu.memory_space<vmem>>, vector<16xf32>,
      %get3A_1111 = arith.index_cast %add3A_1092 : i32 to index
      %get3A_1112 = arith.constant 32 : index
      %get3A_1113 = tpu.vector_load %arg10[%get3A_1111, %get3A_1112] {strides = array<i32>} : memref<80x128xf32, #tpu.memory_space<vmem>>, vector<16xf32>,
      %mul3A_1114 = arith.mulf %get3A_1110, %get3A_1113 : vector<16xf32>
      %add3A_1115 = arith.addf %add3A_1107, %mul3A_1114 : vector<16xf32>
      %get3A_1116 = arith.index_cast %add3A_1092 : i32 to index
      %get3A_1117 = arith.constant 48 : index
      %get3A_1118 = tpu.vector_load %arg9[%get3A_1116, %get3A_1117] {strides = array<i32>} : memref<80x128xf32, #tpu.memory_space<vmem>>, vector<16xf32>,
      %get3A_1119 = arith.index_cast %add3A_1092 : i32 to index
      %get3A_1120 = arith.constant 48 : index
      %get3A_1121 = tpu.vector_load %arg10[%get3A_1119, %get3A_1120] {strides = array<i32>} : memref<80x128xf32, #tpu.memory_space<vmem>>, vector<16xf32>,
      %mul3A_1122 = arith.mulf %get3A_1118, %get3A_1121 : vector<16xf32>
      %add3A_1123 = arith.addf %add3A_1115, %mul3A_1122 : vector<16xf32>
      %get3A_1124 = arith.index_cast %add3A_1092 : i32 to index
      %get3A_1125 = arith.constant 64 : index
      %get3A_1126 = tpu.vector_load %arg9[%get3A_1124, %get3A_1125] {strides = array<i32>} : memref<80x128xf32, #tpu.memory_space<vmem>>, vector<16xf32>,
      %get3A_1127 = arith.index_cast %add3A_1092 : i32 to index
      %get3A_1128 = arith.constant 64 : index
      %get3A_1129 = tpu.vector_load %arg10[%get3A_1127, %get3A_1128] {strides = array<i32>} : memref<80x128xf32, #tpu.memory_space<vmem>>, vector<16xf32>,
      %mul3A_1130 = arith.mulf %get3A_1126, %get3A_1129 : vector<16xf32>
      %add3A_1131 = arith.addf %add3A_1123, %mul3A_1130 : vector<16xf32>
      %get3A_1132 = arith.index_cast %add3A_1092 : i32 to index
      %get3A_1133 = arith.constant 80 : index
      %get3A_1134 = tpu.vector_load %arg9[%get3A_1132, %get3A_1133] {strides = array<i32>} : memref<80x128xf32, #tpu.memory_space<vmem>>, vector<16xf32>,
      %get3A_1135 = arith.index_cast %add3A_1092 : i32 to index
      %get3A_1136 = arith.constant 80 : index
      %get3A_1137 = tpu.vector_load %arg10[%get3A_1135, %get3A_1136] {strides = array<i32>} : memref<80x128xf32, #tpu.memory_space<vmem>>, vector<16xf32>,
      %mul3A_1138 = arith.mulf %get3A_1134, %get3A_1137 : vector<16xf32>
      %add3A_1139 = arith.addf %add3A_1131, %mul3A_1138 : vector<16xf32>
      %get3A_1140 = arith.index_cast %add3A_1092 : i32 to index
      %get3A_1141 = arith.constant 96 : index
      %get3A_1142 = tpu.vector_load %arg9[%get3A_1140, %get3A_1141] {strides = array<i32>} : memref<80x128xf32, #tpu.memory_space<vmem>>, vector<16xf32>,
      %get3A_1143 = arith.index_cast %add3A_1092 : i32 to index
      %get3A_1144 = arith.constant 96 : index
      %get3A_1145 = tpu.vector_load %arg10[%get3A_1143, %get3A_1144] {strides = array<i32>} : memref<80x128xf32, #tpu.memory_space<vmem>>, vector<16xf32>,
      %mul3A_1146 = arith.mulf %get3A_1142, %get3A_1145 : vector<16xf32>
      %add3A_1147 = arith.addf %add3A_1139, %mul3A_1146 : vector<16xf32>
      %get3A_1148 = arith.index_cast %add3A_1092 : i32 to index
      %get3A_1149 = arith.constant 112 : index
      %get3A_1150 = tpu.vector_load %arg9[%get3A_1148, %get3A_1149] {strides = array<i32>} : memref<80x128xf32, #tpu.memory_space<vmem>>, vector<16xf32>,
      %get3A_1151 = arith.index_cast %add3A_1092 : i32 to index
      %get3A_1152 = arith.constant 112 : index
      %get3A_1153 = tpu.vector_load %arg10[%get3A_1151, %get3A_1152] {strides = array<i32>} : memref<80x128xf32, #tpu.memory_space<vmem>>, vector<16xf32>,
      %mul3A_1154 = arith.mulf %get3A_1150, %get3A_1153 : vector<16xf32>
      %add3A_1155 = arith.addf %add3A_1147, %mul3A_1154 : vector<16xf32>
      %broadcast_in_dim3A_1156 = arith.constant true
      %broadcast_in_dim3A_1157 = vector.broadcast %broadcast_in_dim3A_1156 : i1 to vector<16xi1>
      %masked_cumsum3A_1158 = tpu.scan <sum>, %add3A_1155 masked %broadcast_in_dim3A_1157 : vector<16xf32>, vector<16xi1> -> vector<16xf32>
      %swap3A_1159 = arith.constant 15 : index
      %swap3A_1160 = tpu.vector_load %arg14[%swap3A_1159] masked %eq3A_2 {strides = array<i32>} : memref<32xf32, #tpu.memory_space<vmem>>, vector<16xf32>, vector<16xi1>
      tpu.vector_store %arg14[%swap3A_1159], %masked_cumsum3A_1158 masked %eq3A_2 {strides = array<i32>} : memref<32xf32, #tpu.memory_space<vmem>>, vector<16xf32>, vector<16xi1>
      %get3A_1161 = arith.constant 0 : index
      %get3A_1162 = tpu.vector_load %arg14[%get3A_1161] {strides = array<i32>} : memref<32xf32, #tpu.memory_space<vmem>>, vector<16xf32>,
      %neg3A = arith.constant 0.000000e+00 : f32
      %neg3A_1163 = vector.broadcast %neg3A : f32 to vector<16xf32>
      %neg3A_1164 = arith.subf %neg3A_1163, %get3A_1162 : vector<16xf32>
      %exp3A = math.exp %neg3A_1164 : vector<16xf32>
      %add3A_1165 = arith.constant 1.000000e+00 : f32
      %add3A_1166 = vector.broadcast %add3A_1165 : f32 to vector<16xf32>
      %add3A_1167 = arith.addf %add3A_1166, %exp3A : vector<16xf32>
      %div3A = arith.constant 1.000000e+00 : f32
      %div3A_1168 = vector.broadcast %div3A : f32 to vector<16xf32>
      %div3A_1169 = arith.divf %div3A_1168, %add3A_1167 : vector<16xf32>
      %add3A_1170 = arith.constant 9920 : i32
      %add3A_1171 = arith.addi %add3A_1170, %mul3A_44 : i32
      %swap3A_1172 = arith.index_cast %add3A_1171 : i32 to index
      %swap3A_1173 = tpu.vector_load %arg13[%swap3A_1172] {strides = array<i32>} : memref<10000xf32, #tpu.memory_space<vmem>>, vector<16xf32>,
      tpu.vector_store %arg13[%swap3A_1172], %div3A_1169 {strides = array<i32>} : memref<10000xf32, #tpu.memory_space<vmem>>, vector<16xf32>,
    }
    %scan3A_39 = arith.constant 5 : i32
    %mul3A_40 = arith.constant 10000 : i32
    %mul3A_41 = arith.muli %add3A, %mul3A_40 : i32
    "tpu.region"() ({
      %run_scoped3A = tpu.sem_alloc : memref<!tpu.dma_semaphore, #tpu.memory_space<semaphore_mem>>
      %dma_start3A_42 = tpu.memref_slice %arg6[%mul3A_41] : memref<320000xf32, #tpu.memory_space<hbm>> -> memref<10000xf32, #tpu.memory_space<hbm>>
      %dma_start3A_43 = tpu.memref_slice %arg6[%mul3A_41] : memref<320000xf32, #tpu.memory_space<hbm>> -> memref<10000xf32, #tpu.memory_space<hbm>>
      tpu.enqueue_dma source(%arg13 : memref<10000xf32, #tpu.memory_space<vmem>>) target(%dma_start3A_43 : memref<10000xf32, #tpu.memory_space<hbm>>) target_semaphore(%run_scoped3A : memref<!tpu.dma_semaphore, #tpu.memory_space<semaphore_mem>>)
      %dma_wait3A_44 = tpu.memref_slice %arg6[%mul3A_41] : memref<320000xf32, #tpu.memory_space<hbm>> -> memref<10000xf32, #tpu.memory_space<hbm>>
      %dma_wait3A_45 = tpu.memref_slice %arg6[%mul3A_41] : memref<320000xf32, #tpu.memory_space<hbm>> -> memref<10000xf32, #tpu.memory_space<hbm>>
      tpu.wait_dma2 semaphore(%run_scoped3A : memref<!tpu.dma_semaphore, #tpu.memory_space<semaphore_mem>>) src(%arg13 : memref<10000xf32, #tpu.memory_space<vmem>>) dst(%dma_wait3A_45 : memref<10000xf32, #tpu.memory_space<hbm>>)
      tpu.yield
    }) : () -> ()
    return
  }
}

</mosaic_0001>

<sc_bundles>
// kernel: _decode.3.cloned.1.call-start
scs
__scs_entry_jumppad:
0x0: {  	(pc) =	sbr.rel $0x88, $3  }
0x1: {  	(tag) =	ssettag $0x0;
	lr =	simm.s32 $0x1  }
0x2: {  	[smem:$0x3F9D] =	sst lr;
	_ =	strace $0xD0000000  }
0x3: {  	_ = 	snop  }
0x4: {  	_ = 	snop  }
0x5: {  	_ = 	snop  }
0x6: {  	_ = 	snop  }
0x7: {  	_ = 	snop  }
__scs_overlays_trampoline_lowered:
0x8: {  	[smem:$0x3FAC] =	sst s0  }
0x9: {  	[smem:$0x3FAD] =	sst s1  }
0xa: {  	[smem:$0x3FAE] =	sst s2  }
0xb: {  	[smem:$0x3FAF] =	sst s3  }
0xc: {  	[smem:$0x3FB0] =	sst s4  }
0xd: {  	[smem:$0x3FB1] =	sst s5  }
0xe: {  	[smem:$0x3FB2] =	sst s6  }
0xf: {  	[smem:$0x3FB3] =	sst s7  }
0x10: {  	[smem:$0x3FB4] =	sst s8  }
0x11: {  	[smem:$0x3FB5] =	sst s9;
	s0 =	simm.s32 @!p0 $0x0  }
0x12: {  	s1 =	sld [smem:$0x3F9B];
	s0 =	simm.s32 @p0 $0x1  }
0x13: {  	[smem:$0x3FB6] =	sst s0;
	s0 =	simm.s32 @!p1 $0x0  }
0x14: {  	s2 =	sld [smem:$0x3F9A];
	s0 =	simm.s32 @p1 $0x1  }
0x15: {  	[smem:$0x3FB7] =	sst s0;
	s0 =	simm.s32 @!p2 $0x0  }
0x16: {  	s3 =	sld [smem:$0x3FDB];
	s0 =	simm.s32 @p2 $0x1  }
0x17: {  	s4 =	simm.s32 $0x1BF5;
	[smem:$0x3FB9] =	sst s0  }
0x18: {  	s0 =	sld [smem:$0x3F9C];
	_ =	swait.ge [sflag:s4], $0x0  }
0x19: {  	s7 =	sld [smem:$0x3F9D]  }
0x1a: {  	s8 =	sadd.s32 $0xFFFFE003, lr  }
0x1b: {  	s9 =	sadd.s32 $0xFFFFFEF7, lr;
	s5 =	simm.s32 $0xFFFFFFFF;
	p2 =	slt.u32 s8, $0xFFFFF086  }
0x1c: {  	p1 =	slt.u32 s9, $0xF7A;
	s5 =	simm.s32 @!p2 $0x0  }
0x1d: {  	s5 =	simm.s32 @p1 $0x1;
	p0 =	seq.s32 s7, s2  }
0x1e: {  	s7 =	smul.u32 @!p0 $0xF7A, s2;
	p2 =	seq.s32 @!p0 s5, $0x0  }
0x1f: {  	s9 =	smul.u32 $0xF7A, s1;
	s8 =	simm.s32 @!p0 $0x1BF5;
	p2 =	por !p2, p0  }
0x20: {  	[sflag:s8] =	ssyncset.s32 @!p0 $0xFFFFF086;
	s6 =	sadd.s32 @!p0 s3, s7;
	s7 =	simm.s32 @!p0 $0x108  }
0x21: {  	s3 =	sadd.s32 s3, s9;
	s6 =	sadd.s32 @!p0 $0x88, s6;
	s7 =	simm.s32 @p2 $0x1082  }
0x22: {  	[simem:s7], [sflag:s8] =	dma.local @!p0 [hbm:s6], $0xF7A  }
0x23: {  	s9 =	sor.u32 $0xD0000000, s2;
	s6 =	simm.s32 $0x108;
	_ =	swait.ge @!p0 [sflag:s8], $0x0  }
0x24: {  	s3 =	sadd.s32 $0x88, s3;
	s6 =	simm.s32 @!p1 $0x1082;
	[sflag:s4] =	ssyncset.s32 $0xFFFFF086  }
0x25: {  	[simem:s6], [sflag:s4] =	dma.local [hbm:s3], $0xF7A  }
0x26: {  	[smem:$0x3F9D] =	sst s1;
	(tag) =	ssettag s2;
	_ =	strace s9  }
0x27: {  	s1 =	sld [smem:$0x3FAD]  }
0x28: {  	s2 =	sld [smem:$0x3FAE]  }
0x29: {  	s4 =	sld [smem:$0x3FB0]  }
0x2a: {  	p0 =	seq.s32 s5, $0x0;
	s5 =	sld [smem:$0x3FB1]  }
0x2b: {  	s6 =	sld [smem:$0x3FB2]  }
0x2c: {  	s7 =	sld [smem:$0x3FB3]  }
0x2d: {  	s3 =	simm.s32 $0x108;
	s8 =	sld [smem:$0x3FB4]  }
0x2e: {  	s3 =	simm.s32 @!p0 $0x1082;
	s9 =	sld [smem:$0x3FB5]  }
0x2f: {  	lr =	sadd.s32 s0, s3;
	s0 =	sld [smem:$0x3FAC]  }
0x30: {  	s3 =	sld [smem:$0x3FAF]  }
0x31: {  	[smem:$0x3FB8] =	sst s10  }
0x32: {  	s10 =	sld [smem:$0x3FB6];
	_ =	sdelay $0x3  }
0x33: {  	p0 =	seq.s32 s10, $0x1;
	s10 =	sld [smem:$0x3FB8];
	_ =	sdelay $0x3  }
0x34: {  	[smem:$0x3FB8] =	sst s10  }
0x35: {  	s10 =	sld [smem:$0x3FB7];
	_ =	sdelay $0x3  }
0x36: {  	p1 =	seq.s32 s10, $0x1;
	s10 =	sld [smem:$0x3FB8];
	_ =	sdelay $0x3  }
0x37: {  	[smem:$0x3FB8] =	sst s10  }
0x38: {  	s10 =	sld [smem:$0x3FB9]  }
0x39: {  	_ = 	snop;
	(pc) =	sbr.ind lr, $3  }
0x3a: {  	_ = 	snop  }
0x3b: {  	_ = 	snop  }
0x3c: {  	p2 =	seq.s32 s10, $0x1;
	s10 =	sld [smem:$0x3FB8]  }
0x3d: {  	_ =	shalt  }
0x3e: {  	_ =	shalt  }
0x3f: {  	_ =	shalt  }
0x40: {  	_ =	shalt  }
0x41: {  	_ =	shalt  }
0x42: {  	_ =	shalt  }
0x43: {  	_ =	shalt  }
0x44: {  	_ =	shalt  }
0x45: {  	_ =	shalt  }
0x46: {  	_ =	shalt  }
0x47: {  	_ =	shalt  }
0x48: {  	_ =	shalt  }
0x49: {  	_ =	shalt  }
0x4a: {  	_ =	shalt  }
0x4b: {  	_ =	shalt  }
0x4c: {  	_ =	shalt  }
0x4d: {  	_ =	shalt  }
0x4e: {  	_ =	shalt  }
0x4f: {  	_ =	shalt  }
0x50: {  	_ =	shalt  }
0x51: {  	_ =	shalt  }
0x52: {  	_ =	shalt  }
0x53: {  	_ =	shalt  }
0x54: {  	_ =	shalt  }
0x55: {  	_ =	shalt  }
0x56: {  	_ =	shalt  }
0x57: {  	_ =	shalt  }
0x58: {  	_ =	shalt  }
0x59: {  	_ =	shalt  }
0x5a: {  	_ =	shalt  }
0x5b: {  	_ =	shalt  }
0x5c: {  	_ =	shalt  }
0x5d: {  	_ =	shalt  }
0x5e: {  	_ =	shalt  }
0x5f: {  	_ =	shalt  }
0x60: {  	_ =	shalt  }
0x61: {  	_ =	shalt  }
0x62: {  	_ =	shalt  }
0x63: {  	_ =	shalt  }
0x64: {  	_ =	shalt  }
0x65: {  	_ =	shalt  }
0x66: {  	_ =	shalt  }
0x67: {  	_ =	shalt  }
0x68: {  	_ =	shalt  }
0x69: {  	_ =	shalt  }
0x6a: {  	_ =	shalt  }
0x6b: {  	_ =	shalt  }
0x6c: {  	_ =	shalt  }
0x6d: {  	_ =	shalt  }
0x6e: {  	_ =	shalt  }
0x6f: {  	_ =	shalt  }
0x70: {  	_ =	shalt  }
0x71: {  	_ =	shalt  }
0x72: {  	_ =	shalt  }
0x73: {  	_ =	shalt  }
0x74: {  	_ =	shalt  }
0x75: {  	_ =	shalt  }
0x76: {  	_ =	shalt  }
0x77: {  	_ =	shalt  }
0x78: {  	_ =	shalt  }
0x79: {  	_ =	shalt  }
0x7a: {  	_ =	shalt  }
0x7b: {  	_ =	shalt  }
0x7c: {  	_ =	shalt  }
0x7d: {  	_ =	shalt  }
0x7e: {  	_ =	shalt  }
0x7f: {  	_ =	shalt  }
0x80: {  	_ =	shalt  }
0x81: {  	_ =	shalt  }
0x82: {  	_ =	shalt  }
0x83: {  	_ =	shalt  }
0x84: {  	_ =	shalt  }
0x85: {  	_ =	shalt  }
0x86: {  	_ =	shalt  }
0x87: {  	_ =	shalt  }
.Lfunc_end0:
.L_simem_size_0:
called_computation_lowered:
.L_overlay_start_0:
0x88: {  	s2 =	sld [smem:$0x3FD9]  }
0x89: {  	s3 =	sld [smem:$0x3FFE];
	_ =	sdelay $0x1  }
0x8a: {  	s1 =	srdreg.scid  }
0x8b: {  	s0 =	sand.u32 $0x1, s1  }
0x8c: {  	s17 =	sshll.u32 s0, $0xA;
	s2 =	sadd.s32 s3, s2  }
0x8d: {  	s2 =	sadd.s32 s2, s17  }
0x8e: {  	[smem:$0x3FC4] =	sst s2  }
0x8f: {  	_ = 	snop  }
0x90: {  	s2 =	sld [smem:$0x3FC9]  }
0x91: {  	s18 =	sld [smem:$0x3FC8]  }
0x92: {  	s4 =	sld [smem:$0x3FD0];
	(tm) =	ssettm $0x1  }
0x93: {  	s5 =	sld [smem:$0x3FFB];
	_ =	sdelay $0x3  }
0x94: {  	_ =	strace s5  }
0x95: {  	s5 =	sld [smem:$0x3FFC];
	_ =	sdelay $0x3  }
0x96: {  	_ =	strace s5  }
0x97: {  	s5 =	sld [smem:$0x3FFD];
	_ =	sdelay $0x3  }
0x98: {  	_ =	strace s5  }
0x99: {  	_ =	strace $0x8FFFFFFF  }
0x9a: {  	s19 =	sld [smem:$0x3FDB];
	_ =	sdelay $0x1  }
0x9b: {  	s6 =	simm.s32 $_scs_section_size  }
0x9c: {  	s7 =	simm.s32 $_size__tile_overlayer_lowered;
	s8 =	simm.s32 $_tile_overlayer_lowered  }
0x9d: {  	s22 =	simm.s32 $0x1BFF;
	s21 =	sshll.u32 s8, $0x1;
	s5 =	sadd.s32 s6, s19  }
0x9e: {  	s9 =	simm.s32 $0x0;
	s20 =	sshll.u32 s7, $0x1;
	s7 =	sadd.s32 s21, s5  }
0x9f: {  	[timem:s9], [sflag:s22] =	dma.local [hbm:s7], s20  }
0xa0: {  	_ =	swait.ge [sflag:s22], s20  }
0xa1: {  	s6 =	ssub.s32 $0x0, s20;
	[sflag:s22] =	ssyncset.done $0x0  }
0xa2: {  	[sflag:s22] =	ssyncadd.s32 s6;
	_ =	sdelay $0x1  }
0xa3: {  	s23 =	simm.s32 $0x1B8B  }
0xa4: {  	_ =	swait.ge [sflag:s23], $0x1  }
0xa5: {  	[sflag:s23] =	ssyncset.done $0x0  }
0xa6: {  	s25 =	simm.s32 $0x1B8E;
	s24 =	sld [smem:$0x3FFE];
	[sflag:s23] =	ssyncadd.s32 $0xFFFFFFFF  }
0xa7: {  	s26 =	simm.s32 $execute0_lowered;
	[smem:$0x3FD2] =	sst s25  }
0xa8: {  	s7 =	sshll.u32 s26, $0x1;
	_ =	strace $0x80000046;
	[dreg:$0x1] =	wrdreg $0xFFFFFFFF  }
0xa9: {  	s28 =	simm.s32 $_size_execute0_lowered;
	s5 =	sadd.s32 s5, s7;
	[dreg:$0x0] =	wrdreg $0x0  }
0xaa: {  	s7 =	sshll.u32 s28, $0x1;
	[dreg:$0x2] =	wrdreg s5  }
0xab: {  	[dreg:$0x3] =	wrdreg s7  }
0xac: {  	[dreg:$0x4] =	wrdreg $0xC0  }
0xad: {  	_ =	task [dreg:s9], $0x5FFFF  }
0xae: {  	[dreg:$0x1] =	wrdreg $0xFFFFFFFF  }
0xaf: {  	[dreg:$0x0] =	wrdreg $0x60  }
0xb0: {  	[dreg:$0x2] =	wrdreg s2  }
0xb1: {  	[dreg:$0x3] =	wrdreg s18  }
0xb2: {  	[dreg:$0x4] =	wrdreg s24  }
0xb3: {  	[dreg:$0x5] =	wrdreg s4  }
0xb4: {  	[dreg:$0x6] =	wrdreg $0x9  }
0xb5: {  	_ =	task.clear_ibuf [dreg:s9], $0x7FFFF;
	_ =	strace $0x90000046  }
0xb6: {  	s29 =	simm.s32 $0x9;
	_ =	strace $0x80000048  }
0xb7: {  	_ =	swait.ge [sflag:s29], $0x1  }
0xb8: {  	[sflag:s29] =	ssyncadd.s32 $0xFFFFFFFF  }
0xb9: {  	_ =	strace $0x90000048  }
0xba: {  	_ =	sfence  }
0xbb: {  	s30 =	sld [smem:$0x0];
	_ =	sdelay $0x2  }
0xbc: {  	s31 =	sshll.u32 s1, $0xD;
	s1 =	sshrl.u32 s1, $0x2  }
0xbd: {  	s3 =	sand.u32 $0x4000, s31;
	s1 =	sadd.s32 s1, s30  }
0xbe: {  	s0 =	sor.u32 s3, s0;
	s1 =	sshll.u32 s1, $0x11  }
0xbf: {  	s0 =	sor.u32 s1, s0  }
0xc0: {  	s0 =	sadd.s32 $0x8F2B, s0  }
0xc1: {  	[sflag:s0] =	ssyncadd.remote.s32 $0x1  }
0xc2: {  	_ =	sfence.sel $0xFFFF  }
0xc3: {  	[dreg:$0x0] =	wrdreg $0xFFFFFFFF;
	(pc) =	sbr.abs _section_cstart, $3  }
0xc4: {  	[dreg:$0x1] =	wrdreg $0xFFFFFFFF  }
0xc5: {  	_ =	task.clear_ibuf [dreg:s9], $0x2FFFF;
	_ =	strace $0x9FFFFFFF  }
0xc6: {  	(tm) =	ssettm $0x7FFFFFFF  }
0xc7: {  	_ =	shalt  }
tec
execute0_lowered:
.L_overlay_start_1:
0x0: {  	(tag) =	ssettag $0x1  }
0x1: {  	s1 =	rddreg [dreg:$0x0]  }
0x2: {  	s2 =	rddreg [dreg:$0x1]  }
0x3: {  	s0 =	rddreg [dreg:$0x2];
	s3 =	srdreg.scid  }
0x4: {  	s5 =	stileid.u32;
	s4 =	rddreg [dreg:$0x3]  }
0x5: {  	s7 =	simm.s32 $0x0;
	s9 =	simm.s32 $0x3;
	s11 =	simm.s32 $0x50  }
0x6: {  	s12 =	simm.s32 $0x8000;
	s13 =	simm.s32 $0xA800;
	s14 =	simm.s32 $0xD000  }
0x7: {  	s15 =	simm.s32 $0xF800;
	s16 =	simm.s32 $0x1;
	s17 =	simm.s32 $0x14780  }
0x8: {  	s18 =	simm.s32 $0x14781;
	s19 =	simm.s32 $0x14782;
	s20 =	simm.s32 $0x14783  }
0x9: {  	s21 =	simm.s32 $0x14784;
	s22 =	simm.s32 $0x14785;
	s28 =	simm.s32 $0x1478A  }
0xa: {  	s29 =	simm.s32 $0x1478B;
	s3 =	sand.u32 $0x1, s3;
	s5 =	sshll.u32 s5, $0x1  }
0xb: {  	s30 =	simm.s32 $0x1478C;
	s31 =	simm.s32 $0x1478D;
	s5 =	sor.u32 s3, s5  }
0xc: {  	s10 =	simm.s32 $0x2;
	[smem:$0x7FF] =	sst s7;
	s6 =	sshll.u32 s5, $0xB  }
0xd: {  	s3 =	ssub.s32 $0x2, s3;
	_ =	strace $0x80000047;
	s0 =	sadd.s32 s6, s0  }
0xe: {  	s23 =	sshrl.u32 s3, $0x1;
	s5 =	smul.u32 $0x4E2, s5;
	s24 =	sadd.s32 $0x600, s0  }
0xf: {  	s3 =	ssub.s32 s3, s23;
	s0 =	sadd.s32 $0x10600, s0;
	[dreg:$0x5] =	wrdreg s24  }
0x10: {  	s23 =	simm.s32 $0x14786;
	s25 =	sadd.s32 s4, s5;
	[dreg:$0x6] =	wrdreg s0  }
0x11: {  	s26 =	smax.u32 s3, $0x1;
	s3 =	simm.s32 $0x1478E;
	[dreg:$0x7] =	wrdreg s25  }
0x12: {  	s5 =	simm.s32 $0x0;
	[dreg:$0x8] =	wrdreg s26;
	s24 =	simm.s32 $0x14787  }
0x13: {  	vm0 =	vcmask $0x3F3C;
	s25 =	simm.s32 $0x14788;
	s26 =	simm.s32 $0x14789;
	s0 =	simm.s32 $0x1478F  }
.LBB2_1:
0x14: {  	s4 =	rddreg [dreg:$0x5]  }
0x15: {  	[tilespmem:s7], [sflag:$0x3] =	stream.linear.gather [hbm4b:s4+s7], $0x3E80, $0x38;
	[tilespmem:$0x14800] =	vst v63  }
0x16: {  	_ =	swait.ge [sflag:s9], $0x3E80  }
0x17: {  	[sflag:s9] =	ssyncset.done $0x0  }
0x18: {  	s6 =	simm.s32 $0x4000;
	s8 =	rddreg [dreg:$0x6];
	[sflag:s9] =	ssyncadd.s32 $0xFFFFC180  }
0x19: {  	[tilespmem:s6], [sflag:$0x3] =	stream.linear.gather [hbm4b:s8+s7], $0x3E80, $0x38;
	[tilespmem:$0x14800] =	vst v63  }
0x1a: {  	_ =	swait.ge [sflag:s9], $0x3E80  }
0x1b: {  	[sflag:s9] =	ssyncset.done $0x0  }
0x1c: {  	[sflag:s9] =	ssyncadd.s32 $0xFFFFC180  }
0x1d: {  	[tilespmem:s12], [sflag:$0x1] =	stream.indirect.gather [hbm4b:s1+s11], $0x80, s7, s11, $0xb8;
	[tilespmem:$0x14800] =	vst v63  }
0x1e: {  	_ = 	snop  }
0x1f: {  	[tilespmem:s13], [sflag:$0x1] =	stream.indirect.gather [hbm4b:s2+s11], $0x80, s6, s11, $0xb8;
	[tilespmem:$0x14800] =	vst v63  }
0x20: {  	s6 =	simm.s32 $0x0  }
.LBB2_2:
0x21: {  	s7 =	sshllo.u32 s6, $0x1  }
0x22: {  	s4 =	sshll.u32 s7, $0x7  }
0x23: {  	[tilespmem:s14], [sflag:$0x2] =	stream.indirect.gather [hbm4b:s1+s11], $0x80, s4, s11, $0xb8;
	[tilespmem:$0x14800] =	vst v63  }
0x24: {  	s4 =	sadd.s32 $0x4000, s4  }
0x25: {  	[tilespmem:s15], [sflag:$0x2] =	stream.indirect.gather [hbm4b:s2+s11], $0x80, s4, s11, $0xb8;
	[tilespmem:$0x14800] =	vst v63  }
0x26: {  	_ =	swait.ge [sflag:s16], $0x2800  }
0x27: {  	s8 =	smul.u32 $0x280, s6;
	[sflag:s16] =	ssyncset.done $0x0  }
0x28: {  	[sflag:s16] =	ssyncadd.s32 $0xFFFFD800  }
0x29: {  	s4 =	sshra.s32 s8, $0x2;
	_ =	swait.ge [sflag:s16], $0x2800  }
0x2a: {  	s4 =	sadd.s32 $0x12000, s4;
	[sflag:s16] =	ssyncset.done $0x0  }
0x2b: {  	s8 =	simm.s32 $0x0;
	v0 =	vmov s4;
	[sflag:s16] =	ssyncadd.s32 $0xFFFFD800  }
.LBB2_3:
0x2c: {  	s4 =	sshll.u32 s8, $0xB  }
0x2d: {  	v1 =	vld [tilespmem:s4+$0x8000]  }
0x2e: {  	v2 =	vld [tilespmem:s4+$0xA800]  }
0x2f: {  	v3 =	vld [tilespmem:s4+$0x8010]  }
0x30: {  	v4 =	vld [tilespmem:s4+$0xA810]  }
0x31: {  	v5 =	vld [tilespmem:s4+$0x8020]  }
0x32: {  	v6 =	vld [tilespmem:s4+$0xA820]  }
0x33: {  	v7 =	vld [tilespmem:s4+$0x8030]  }
0x34: {  	v8 =	vld [tilespmem:s4+$0xA830]  }
0x35: {  	v49 =	vld [tilespmem:s4+$0xA840];
	v1 =	vmul.f32 v2, v1;
	v2 =	vmul.f32 v4, v3  }
0x36: {  	v3 =	vld [tilespmem:s4+$0x8040]  }
0x37: {  	v50 =	vld [tilespmem:s4+$0x8050];
	v1 =	vadd.f32 v2, v1;
	v2 =	vmul.f32 v6, v5  }
0x38: {  	v51 =	vld [tilespmem:s4+$0xA850]  }
0x39: {  	v52 =	vld [tilespmem:s4+$0x8060];
	v1 =	vadd.f32 v2, v1;
	v2 =	vmul.f32 v8, v7  }
0x3a: {  	v53 =	vld [tilespmem:s4+$0xA860]  }
0x3b: {  	v54 =	vld [tilespmem:s4+$0xA870];
	v1 =	vadd.f32 v2, v1;
	v2 =	vmul.f32 v49, v3  }
0x3c: {  	v3 =	vld [tilespmem:s4+$0x8070]  }
0x3d: {  	v1 =	vadd.f32 v2, v1;
	v2 =	vmul.f32 v51, v50;
	_ =	sdelay $0x1  }
0x3e: {  	v1 =	vadd.f32 v2, v1;
	v2 =	vmul.f32 v53, v52;
	_ =	sdelay $0x1  }
0x3f: {  	v1 =	vadd.f32 v2, v1;
	v2 =	vmul.f32 v54, v3;
	_ =	sdelay $0x1  }
0x40: {  	v1 =	vadd.f32 v2, v1;
	_ =	sdelay $0x1  }
0x41: {  	(xrf2) =	vadd.scan.msk.f32 $0xffff, v1;
	_ =	sdelay $0x9  }
0x42: {  	v1, _, _ =	vpop (xrf2)  }
0x43: {  	[tilespmem:s17+$0x0] =	vst.msk vm0, v1  }
0x44: {  	v1 =	vld [tilespmem:s4+$0x8080]  }
0x45: {  	v2 =	vld [tilespmem:s4+$0xA880]  }
0x46: {  	v3 =	vld [tilespmem:s4+$0x8090]  }
0x47: {  	v55 =	vld [tilespmem:s4+$0xA890]  }
0x48: {  	v56 =	vld [tilespmem:s4+$0x80A0]  }
0x49: {  	v57 =	vld [tilespmem:s4+$0xA8A0]  }
0x4a: {  	v58 =	vld [tilespmem:s4+$0x80B0]  }
0x4b: {  	v59 =	vld [tilespmem:s4+$0xA8B0]  }
0x4c: {  	v60 =	vld [tilespmem:s4+$0xA8C0];
	v1 =	vmul.f32 v2, v1;
	v2 =	vmul.f32 v55, v3  }
0x4d: {  	v3 =	vld [tilespmem:s4+$0x80C0]  }
0x4e: {  	v61 =	vld [tilespmem:s4+$0x80D0];
	v1 =	vadd.f32 v2, v1;
	v2 =	vmul.f32 v57, v56  }
0x4f: {  	v62 =	vld [tilespmem:s4+$0xA8D0]  }
0x50: {  	v63 =	vld [tilespmem:s4+$0x80E0];
	v1 =	vadd.f32 v2, v1;
	v2 =	vmul.f32 v59, v58  }
0x51: {  	v12 =	vld [tilespmem:s4+$0xA8E0]  }
0x52: {  	v13 =	vld [tilespmem:s4+$0xA8F0];
	v1 =	vadd.f32 v2, v1;
	v2 =	vmul.f32 v60, v3  }
0x53: {  	v3 =	vld [tilespmem:s4+$0x80F0]  }
0x54: {  	v1 =	vadd.f32 v2, v1;
	v2 =	vmul.f32 v62, v61;
	_ =	sdelay $0x1  }
0x55: {  	v1 =	vadd.f32 v2, v1;
	v2 =	vmul.f32 v12, v63;
	_ =	sdelay $0x1  }
0x56: {  	v1 =	vadd.f32 v2, v1;
	v2 =	vmul.f32 v13, v3;
	_ =	sdelay $0x1  }
0x57: {  	v1 =	vadd.f32 v2, v1;
	_ =	sdelay $0x1  }
0x58: {  	(xrf2) =	vadd.scan.msk.f32 $0xffff, v1;
	_ =	sdelay $0x9  }
0x59: {  	v1, _, _ =	vpop (xrf2)  }
0x5a: {  	[tilespmem:s18+$0x0] =	vst.msk vm0, v1  }
0x5b: {  	v1 =	vld [tilespmem:s4+$0x8100]  }
0x5c: {  	v2 =	vld [tilespmem:s4+$0xA900]  }
0x5d: {  	v3 =	vld [tilespmem:s4+$0x8110]  }
0x5e: {  	v14 =	vld [tilespmem:s4+$0xA910]  }
0x5f: {  	v15 =	vld [tilespmem:s4+$0x8120]  }
0x60: {  	v16 =	vld [tilespmem:s4+$0xA920]  }
0x61: {  	v17 =	vld [tilespmem:s4+$0x8130]  }
0x62: {  	v18 =	vld [tilespmem:s4+$0xA930]  }
0x63: {  	v19 =	vld [tilespmem:s4+$0xA940];
	v1 =	vmul.f32 v2, v1;
	v2 =	vmul.f32 v14, v3  }
0x64: {  	v3 =	vld [tilespmem:s4+$0x8140]  }
0x65: {  	v20 =	vld [tilespmem:s4+$0x8150];
	v1 =	vadd.f32 v2, v1;
	v2 =	vmul.f32 v16, v15  }
0x66: {  	v21 =	vld [tilespmem:s4+$0xA950]  }
0x67: {  	v22 =	vld [tilespmem:s4+$0x8160];
	v1 =	vadd.f32 v2, v1;
	v2 =	vmul.f32 v18, v17  }
0x68: {  	v23 =	vld [tilespmem:s4+$0xA960]  }
0x69: {  	v24 =	vld [tilespmem:s4+$0xA970];
	v1 =	vadd.f32 v2, v1;
	v2 =	vmul.f32 v19, v3  }
0x6a: {  	v3 =	vld [tilespmem:s4+$0x8170]  }
0x6b: {  	v1 =	vadd.f32 v2, v1;
	v2 =	vmul.f32 v21, v20;
	_ =	sdelay $0x1  }
0x6c: {  	v1 =	vadd.f32 v2, v1;
	v2 =	vmul.f32 v23, v22;
	_ =	sdelay $0x1  }
0x6d: {  	v1 =	vadd.f32 v2, v1;
	v2 =	vmul.f32 v24, v3;
	_ =	sdelay $0x1  }
0x6e: {  	v1 =	vadd.f32 v2, v1;
	_ =	sdelay $0x1  }
0x6f: {  	(xrf2) =	vadd.scan.msk.f32 $0xffff, v1;
	_ =	sdelay $0x9  }
0x70: {  	v1, _, _ =	vpop (xrf2)  }
0x71: {  	[tilespmem:s19+$0x0] =	vst.msk vm0, v1  }
0x72: {  	v1 =	vld [tilespmem:s4+$0x8180]  }
0x73: {  	v2 =	vld [tilespmem:s4+$0xA980]  }
0x74: {  	v3 =	vld [tilespmem:s4+$0x8190]  }
0x75: {  	v25 =	vld [tilespmem:s4+$0xA990]  }
0x76: {  	v26 =	vld [tilespmem:s4+$0x81A0]  }
0x77: {  	v27 =	vld [tilespmem:s4+$0xA9A0]  }
0x78: {  	v28 =	vld [tilespmem:s4+$0x81B0]  }
0x79: {  	v29 =	vld [tilespmem:s4+$0xA9B0]  }
0x7a: {  	v30 =	vld [tilespmem:s4+$0xA9C0];
	v1 =	vmul.f32 v2, v1;
	v2 =	vmul.f32 v25, v3  }
0x7b: {  	v3 =	vld [tilespmem:s4+$0x81C0]  }
0x7c: {  	v31 =	vld [tilespmem:s4+$0x81D0];
	v1 =	vadd.f32 v2, v1;
	v2 =	vmul.f32 v27, v26  }
0x7d: {  	v32 =	vld [tilespmem:s4+$0xA9D0]  }
0x7e: {  	v33 =	vld [tilespmem:s4+$0x81E0];
	v1 =	vadd.f32 v2, v1;
	v2 =	vmul.f32 v29, v28  }
0x7f: {  	v34 =	vld [tilespmem:s4+$0xA9E0]  }
0x80: {  	v35 =	vld [tilespmem:s4+$0xA9F0];
	v1 =	vadd.f32 v2, v1;
	v2 =	vmul.f32 v30, v3  }
0x81: {  	v3 =	vld [tilespmem:s4+$0x81F0]  }
0x82: {  	v1 =	vadd.f32 v2, v1;
	v2 =	vmul.f32 v32, v31;
	_ =	sdelay $0x1  }
0x83: {  	v1 =	vadd.f32 v2, v1;
	v2 =	vmul.f32 v34, v33;
	_ =	sdelay $0x1  }
0x84: {  	v1 =	vadd.f32 v2, v1;
	v2 =	vmul.f32 v35, v3;
	_ =	sdelay $0x1  }
0x85: {  	v1 =	vadd.f32 v2, v1;
	_ =	sdelay $0x1  }
0x86: {  	(xrf2) =	vadd.scan.msk.f32 $0xffff, v1;
	_ =	sdelay $0x9  }
0x87: {  	v1, _, _ =	vpop (xrf2)  }
0x88: {  	[tilespmem:s20+$0x0] =	vst.msk vm0, v1  }
0x89: {  	v1 =	vld [tilespmem:s4+$0x8200]  }
0x8a: {  	v2 =	vld [tilespmem:s4+$0xAA00]  }
0x8b: {  	v3 =	vld [tilespmem:s4+$0x8210]  }
0x8c: {  	v36 =	vld [tilespmem:s4+$0xAA10]  }
0x8d: {  	v37 =	vld [tilespmem:s4+$0x8220]  }
0x8e: {  	v38 =	vld [tilespmem:s4+$0xAA20]  }
0x8f: {  	v39 =	vld [tilespmem:s4+$0x8230]  }
0x90: {  	v40 =	vld [tilespmem:s4+$0xAA30]  }
0x91: {  	v41 =	vld [tilespmem:s4+$0xAA40];
	v1 =	vmul.f32 v2, v1;
	v2 =	vmul.f32 v36, v3  }
0x92: {  	v3 =	vld [tilespmem:s4+$0x8240]  }
0x93: {  	v42 =	vld [tilespmem:s4+$0x8250];
	v1 =	vadd.f32 v2, v1;
	v2 =	vmul.f32 v38, v37  }
0x94: {  	v43 =	vld [tilespmem:s4+$0xAA50]  }
0x95: {  	v44 =	vld [tilespmem:s4+$0x8260];
	v1 =	vadd.f32 v2, v1;
	v2 =	vmul.f32 v40, v39  }
0x96: {  	v45 =	vld [tilespmem:s4+$0xAA60]  }
0x97: {  	v46 =	vld [tilespmem:s4+$0xAA70];
	v1 =	vadd.f32 v2, v1;
	v2 =	vmul.f32 v41, v3  }
0x98: {  	v3 =	vld [tilespmem:s4+$0x8270]  }
0x99: {  	v1 =	vadd.f32 v2, v1;
	v2 =	vmul.f32 v43, v42;
	_ =	sdelay $0x1  }
0x9a: {  	v1 =	vadd.f32 v2, v1;
	v2 =	vmul.f32 v45, v44;
	_ =	sdelay $0x1  }
0x9b: {  	v1 =	vadd.f32 v2, v1;
	v2 =	vmul.f32 v46, v3;
	_ =	sdelay $0x1  }
0x9c: {  	v1 =	vadd.f32 v2, v1;
	_ =	sdelay $0x1  }
0x9d: {  	(xrf2) =	vadd.scan.msk.f32 $0xffff, v1;
	_ =	sdelay $0x9  }
0x9e: {  	v1, _, _ =	vpop (xrf2)  }
0x9f: {  	[tilespmem:s21+$0x0] =	vst.msk vm0, v1  }
0xa0: {  	v1 =	vld [tilespmem:s4+$0x8280]  }
0xa1: {  	v2 =	vld [tilespmem:s4+$0xAA80]  }
0xa2: {  	v3 =	vld [tilespmem:s4+$0x8290]  }
0xa3: {  	v47 =	vld [tilespmem:s4+$0xAA90]  }
0xa4: {  	v48 =	vld [tilespmem:s4+$0x82A0]  }
0xa5: {  	v49 =	vld [tilespmem:s4+$0xAAA0]  }
0xa6: {  	v50 =	vld [tilespmem:s4+$0x82B0]  }
0xa7: {  	v51 =	vld [tilespmem:s4+$0xAAB0]  }
0xa8: {  	v52 =	vld [tilespmem:s4+$0xAAC0];
	v1 =	vmul.f32 v2, v1;
	v2 =	vmul.f32 v47, v3  }
0xa9: {  	v3 =	vld [tilespmem:s4+$0x82C0]  }
0xaa: {  	v53 =	vld [tilespmem:s4+$0x82D0];
	v1 =	vadd.f32 v2, v1;
	v2 =	vmul.f32 v49, v48  }
0xab: {  	v54 =	vld [tilespmem:s4+$0xAAD0]  }
0xac: {  	v55 =	vld [tilespmem:s4+$0x82E0];
	v1 =	vadd.f32 v2, v1;
	v2 =	vmul.f32 v51, v50  }
0xad: {  	v56 =	vld [tilespmem:s4+$0xAAE0]  }
0xae: {  	v57 =	vld [tilespmem:s4+$0xAAF0];
	v1 =	vadd.f32 v2, v1;
	v2 =	vmul.f32 v52, v3  }
0xaf: {  	v3 =	vld [tilespmem:s4+$0x82F0]  }
0xb0: {  	v1 =	vadd.f32 v2, v1;
	v2 =	vmul.f32 v54, v53;
	_ =	sdelay $0x1  }
0xb1: {  	v1 =	vadd.f32 v2, v1;
	v2 =	vmul.f32 v56, v55;
	_ =	sdelay $0x1  }
0xb2: {  	v1 =	vadd.f32 v2, v1;
	v2 =	vmul.f32 v57, v3;
	_ =	sdelay $0x1  }
0xb3: {  	v1 =	vadd.f32 v2, v1;
	_ =	sdelay $0x1  }
0xb4: {  	(xrf2) =	vadd.scan.msk.f32 $0xffff, v1;
	_ =	sdelay $0x9  }
0xb5: {  	v1, _, _ =	vpop (xrf2)  }
0xb6: {  	[tilespmem:s22+$0x0] =	vst.msk vm0, v1  }
0xb7: {  	v1 =	vld [tilespmem:s4+$0x8300]  }
0xb8: {  	v2 =	vld [tilespmem:s4+$0xAB00]  }
0xb9: {  	v3 =	vld [tilespmem:s4+$0x8310]  }
0xba: {  	v58 =	vld [tilespmem:s4+$0xAB10]  }
0xbb: {  	v59 =	vld [tilespmem:s4+$0x8320]  }
0xbc: {  	v60 =	vld [tilespmem:s4+$0xAB20]  }
0xbd: {  	v61 =	vld [tilespmem:s4+$0x8330]  }
0xbe: {  	v62 =	vld [tilespmem:s4+$0xAB30]  }
0xbf: {  	v63 =	vld [tilespmem:s4+$0xAB40];
	v1 =	vmul.f32 v2, v1;
	v2 =	vmul.f32 v58, v3  }
0xc0: {  	v3 =	vld [tilespmem:s4+$0x8340]  }
0xc1: {  	v12 =	vld [tilespmem:s4+$0x8350];
	v1 =	vadd.f32 v2, v1;
	v2 =	vmul.f32 v60, v59  }
0xc2: {  	v13 =	vld [tilespmem:s4+$0xAB50]  }
0xc3: {  	v14 =	vld [tilespmem:s4+$0x8360];
	v1 =	vadd.f32 v2, v1;
	v2 =	vmul.f32 v62, v61  }
0xc4: {  	v15 =	vld [tilespmem:s4+$0xAB60]  }
0xc5: {  	v16 =	vld [tilespmem:s4+$0xAB70];
	v1 =	vadd.f32 v2, v1;
	v2 =	vmul.f32 v63, v3  }
0xc6: {  	v3 =	vld [tilespmem:s4+$0x8370]  }
0xc7: {  	v1 =	vadd.f32 v2, v1;
	v2 =	vmul.f32 v13, v12;
	_ =	sdelay $0x1  }
0xc8: {  	v1 =	vadd.f32 v2, v1;
	v2 =	vmul.f32 v15, v14;
	_ =	sdelay $0x1  }
0xc9: {  	v1 =	vadd.f32 v2, v1;
	v2 =	vmul.f32 v16, v3;
	_ =	sdelay $0x1  }
0xca: {  	v1 =	vadd.f32 v2, v1;
	_ =	sdelay $0x1  }
0xcb: {  	(xrf2) =	vadd.scan.msk.f32 $0xffff, v1;
	_ =	sdelay $0x9  }
0xcc: {  	v1, _, _ =	vpop (xrf2)  }
0xcd: {  	[tilespmem:s23+$0x0] =	vst.msk vm0, v1  }
0xce: {  	v1 =	vld [tilespmem:s4+$0x8380]  }
0xcf: {  	v2 =	vld [tilespmem:s4+$0xAB80]  }
0xd0: {  	v3 =	vld [tilespmem:s4+$0x8390]  }
0xd1: {  	v17 =	vld [tilespmem:s4+$0xAB90]  }
0xd2: {  	v18 =	vld [tilespmem:s4+$0x83A0]  }
0xd3: {  	v19 =	vld [tilespmem:s4+$0xABA0]  }
0xd4: {  	v20 =	vld [tilespmem:s4+$0x83B0]  }
0xd5: {  	v21 =	vld [tilespmem:s4+$0xABB0]  }
0xd6: {  	v22 =	vld [tilespmem:s4+$0xABC0];
	v1 =	vmul.f32 v2, v1;
	v2 =	vmul.f32 v17, v3  }
0xd7: {  	v3 =	vld [tilespmem:s4+$0x83C0]  }
0xd8: {  	v23 =	vld [tilespmem:s4+$0x83D0];
	v1 =	vadd.f32 v2, v1;
	v2 =	vmul.f32 v19, v18  }
0xd9: {  	v24 =	vld [tilespmem:s4+$0xABD0]  }
0xda: {  	v25 =	vld [tilespmem:s4+$0x83E0];
	v1 =	vadd.f32 v2, v1;
	v2 =	vmul.f32 v21, v20  }
0xdb: {  	v26 =	vld [tilespmem:s4+$0xABE0]  }
0xdc: {  	v27 =	vld [tilespmem:s4+$0xABF0];
	v1 =	vadd.f32 v2, v1;
	v2 =	vmul.f32 v22, v3  }
0xdd: {  	v3 =	vld [tilespmem:s4+$0x83F0]  }
0xde: {  	v1 =	vadd.f32 v2, v1;
	v2 =	vmul.f32 v24, v23;
	_ =	sdelay $0x1  }
0xdf: {  	v1 =	vadd.f32 v2, v1;
	v2 =	vmul.f32 v26, v25;
	_ =	sdelay $0x1  }
0xe0: {  	v1 =	vadd.f32 v2, v1;
	v2 =	vmul.f32 v27, v3;
	_ =	sdelay $0x1  }
0xe1: {  	v1 =	vadd.f32 v2, v1;
	_ =	sdelay $0x1  }
0xe2: {  	(xrf2) =	vadd.scan.msk.f32 $0xffff, v1;
	_ =	sdelay $0x9  }
0xe3: {  	v1, _, _ =	vpop (xrf2)  }
0xe4: {  	[tilespmem:s24+$0x0] =	vst.msk vm0, v1  }
0xe5: {  	v1 =	vld [tilespmem:s4+$0x8400]  }
0xe6: {  	v2 =	vld [tilespmem:s4+$0xAC00]  }
0xe7: {  	v3 =	vld [tilespmem:s4+$0x8410]  }
0xe8: {  	v28 =	vld [tilespmem:s4+$0xAC10]  }
0xe9: {  	v29 =	vld [tilespmem:s4+$0x8420]  }
0xea: {  	v30 =	vld [tilespmem:s4+$0xAC20]  }
0xeb: {  	v31 =	vld [tilespmem:s4+$0x8430]  }
0xec: {  	v32 =	vld [tilespmem:s4+$0xAC30]  }
0xed: {  	v33 =	vld [tilespmem:s4+$0xAC40];
	v1 =	vmul.f32 v2, v1;
	v2 =	vmul.f32 v28, v3  }
0xee: {  	v3 =	vld [tilespmem:s4+$0x8440]  }
0xef: {  	v34 =	vld [tilespmem:s4+$0x8450];
	v1 =	vadd.f32 v2, v1;
	v2 =	vmul.f32 v30, v29  }
0xf0: {  	v35 =	vld [tilespmem:s4+$0xAC50]  }
0xf1: {  	v36 =	vld [tilespmem:s4+$0x8460];
	v1 =	vadd.f32 v2, v1;
	v2 =	vmul.f32 v32, v31  }
0xf2: {  	v37 =	vld [tilespmem:s4+$0xAC60]  }
0xf3: {  	v38 =	vld [tilespmem:s4+$0xAC70];
	v1 =	vadd.f32 v2, v1;
	v2 =	vmul.f32 v33, v3  }
0xf4: {  	v3 =	vld [tilespmem:s4+$0x8470]  }
0xf5: {  	v1 =	vadd.f32 v2, v1;
	v2 =	vmul.f32 v35, v34;
	_ =	sdelay $0x1  }
0xf6: {  	v1 =	vadd.f32 v2, v1;
	v2 =	vmul.f32 v37, v36;
	_ =	sdelay $0x1  }
0xf7: {  	v1 =	vadd.f32 v2, v1;
	v2 =	vmul.f32 v38, v3;
	_ =	sdelay $0x1  }
0xf8: {  	v1 =	vadd.f32 v2, v1;
	_ =	sdelay $0x1  }
0xf9: {  	(xrf2) =	vadd.scan.msk.f32 $0xffff, v1;
	_ =	sdelay $0x9  }
0xfa: {  	v1, _, _ =	vpop (xrf2)  }
0xfb: {  	[tilespmem:s25+$0x0] =	vst.msk vm0, v1  }
0xfc: {  	v1 =	vld [tilespmem:s4+$0x8480]  }
0xfd: {  	v2 =	vld [tilespmem:s4+$0xAC80]  }
0xfe: {  	v3 =	vld [tilespmem:s4+$0x8490]  }
0xff: {  	v39 =	vld [tilespmem:s4+$0xAC90]  }
0x100: {  	v40 =	vld [tilespmem:s4+$0x84A0]  }
0x101: {  	v41 =	vld [tilespmem:s4+$0xACA0]  }
0x102: {  	v42 =	vld [tilespmem:s4+$0x84B0]  }
0x103: {  	v43 =	vld [tilespmem:s4+$0xACB0]  }
0x104: {  	v44 =	vld [tilespmem:s4+$0xACC0];
	v1 =	vmul.f32 v2, v1;
	v2 =	vmul.f32 v39, v3  }
0x105: {  	v3 =	vld [tilespmem:s4+$0x84C0]  }
0x106: {  	v45 =	vld [tilespmem:s4+$0x84D0];
	v1 =	vadd.f32 v2, v1;
	v2 =	vmul.f32 v41, v40  }
0x107: {  	v46 =	vld [tilespmem:s4+$0xACD0]  }
0x108: {  	v47 =	vld [tilespmem:s4+$0x84E0];
	v1 =	vadd.f32 v2, v1;
	v2 =	vmul.f32 v43, v42  }
0x109: {  	v48 =	vld [tilespmem:s4+$0xACE0]  }
0x10a: {  	v49 =	vld [tilespmem:s4+$0xACF0];
	v1 =	vadd.f32 v2, v1;
	v2 =	vmul.f32 v44, v3  }
0x10b: {  	v3 =	vld [tilespmem:s4+$0x84F0]  }
0x10c: {  	v1 =	vadd.f32 v2, v1;
	v2 =	vmul.f32 v46, v45;
	_ =	sdelay $0x1  }
0x10d: {  	v1 =	vadd.f32 v2, v1;
	v2 =	vmul.f32 v48, v47;
	_ =	sdelay $0x1  }
0x10e: {  	v1 =	vadd.f32 v2, v1;
	v2 =	vmul.f32 v49, v3;
	_ =	sdelay $0x1  }
0x10f: {  	v1 =	vadd.f32 v2, v1;
	_ =	sdelay $0x1  }
0x110: {  	(xrf2) =	vadd.scan.msk.f32 $0xffff, v1;
	_ =	sdelay $0x9  }
0x111: {  	v1, _, _ =	vpop (xrf2)  }
0x112: {  	[tilespmem:s26+$0x0] =	vst.msk vm0, v1  }
0x113: {  	v1 =	vld [tilespmem:s4+$0x8500]  }
0x114: {  	v2 =	vld [tilespmem:s4+$0xAD00]  }
0x115: {  	v3 =	vld [tilespmem:s4+$0x8510]  }
0x116: {  	v50 =	vld [tilespmem:s4+$0xAD10]  }
0x117: {  	v51 =	vld [tilespmem:s4+$0x8520]  }
0x118: {  	v52 =	vld [tilespmem:s4+$0xAD20]  }
0x119: {  	v53 =	vld [tilespmem:s4+$0x8530]  }
0x11a: {  	v54 =	vld [tilespmem:s4+$0xAD30]  }
0x11b: {  	v55 =	vld [tilespmem:s4+$0xAD40];
	v1 =	vmul.f32 v2, v1;
	v2 =	vmul.f32 v50, v3  }
0x11c: {  	v3 =	vld [tilespmem:s4+$0x8540]  }
0x11d: {  	v56 =	vld [tilespmem:s4+$0x8550];
	v1 =	vadd.f32 v2, v1;
	v2 =	vmul.f32 v52, v51  }
0x11e: {  	v57 =	vld [tilespmem:s4+$0xAD50]  }
0x11f: {  	v58 =	vld [tilespmem:s4+$0x8560];
	v1 =	vadd.f32 v2, v1;
	v2 =	vmul.f32 v54, v53  }
0x120: {  	v59 =	vld [tilespmem:s4+$0xAD60]  }
0x121: {  	v60 =	vld [tilespmem:s4+$0xAD70];
	v1 =	vadd.f32 v2, v1;
	v2 =	vmul.f32 v55, v3  }
0x122: {  	v3 =	vld [tilespmem:s4+$0x8570]  }
0x123: {  	v1 =	vadd.f32 v2, v1;
	v2 =	vmul.f32 v57, v56;
	_ =	sdelay $0x1  }
0x124: {  	v1 =	vadd.f32 v2, v1;
	v2 =	vmul.f32 v59, v58;
	_ =	sdelay $0x1  }
0x125: {  	v1 =	vadd.f32 v2, v1;
	v2 =	vmul.f32 v60, v3;
	_ =	sdelay $0x1  }
0x126: {  	v1 =	vadd.f32 v2, v1;
	_ =	sdelay $0x1  }
0x127: {  	(xrf2) =	vadd.scan.msk.f32 $0xffff, v1;
	_ =	sdelay $0x9  }
0x128: {  	v1, _, _ =	vpop (xrf2)  }
0x129: {  	[tilespmem:s28+$0x0] =	vst.msk vm0, v1  }
0x12a: {  	v1 =	vld [tilespmem:s4+$0x8580]  }
0x12b: {  	v2 =	vld [tilespmem:s4+$0xAD80]  }
0x12c: {  	v3 =	vld [tilespmem:s4+$0x8590]  }
0x12d: {  	v61 =	vld [tilespmem:s4+$0xAD90]  }
0x12e: {  	v62 =	vld [tilespmem:s4+$0x85A0]  }
0x12f: {  	v63 =	vld [tilespmem:s4+$0xADA0]  }
0x130: {  	v12 =	vld [tilespmem:s4+$0x85B0]  }
0x131: {  	v13 =	vld [tilespmem:s4+$0xADB0]  }
0x132: {  	v14 =	vld [tilespmem:s4+$0xADC0];
	v1 =	vmul.f32 v2, v1;
	v2 =	vmul.f32 v61, v3  }
0x133: {  	v3 =	vld [tilespmem:s4+$0x85C0]  }
0x134: {  	v15 =	vld [tilespmem:s4+$0x85D0];
	v1 =	vadd.f32 v2, v1;
	v2 =	vmul.f32 v63, v62  }
0x135: {  	v16 =	vld [tilespmem:s4+$0xADD0]  }
0x136: {  	v17 =	vld [tilespmem:s4+$0x85E0];
	v1 =	vadd.f32 v2, v1;
	v2 =	vmul.f32 v13, v12  }
0x137: {  	v18 =	vld [tilespmem:s4+$0xADE0]  }
0x138: {  	v19 =	vld [tilespmem:s4+$0xADF0];
	v1 =	vadd.f32 v2, v1;
	v2 =	vmul.f32 v14, v3  }
0x139: {  	v3 =	vld [tilespmem:s4+$0x85F0]  }
0x13a: {  	v1 =	vadd.f32 v2, v1;
	v2 =	vmul.f32 v16, v15;
	_ =	sdelay $0x1  }
0x13b: {  	v1 =	vadd.f32 v2, v1;
	v2 =	vmul.f32 v18, v17;
	_ =	sdelay $0x1  }
0x13c: {  	v1 =	vadd.f32 v2, v1;
	v2 =	vmul.f32 v19, v3;
	_ =	sdelay $0x1  }
0x13d: {  	v1 =	vadd.f32 v2, v1;
	_ =	sdelay $0x1  }
0x13e: {  	(xrf2) =	vadd.scan.msk.f32 $0xffff, v1;
	_ =	sdelay $0x9  }
0x13f: {  	v1, _, _ =	vpop (xrf2)  }
0x140: {  	[tilespmem:s29+$0x0] =	vst.msk vm0, v1  }
0x141: {  	v1 =	vld [tilespmem:s4+$0x8600]  }
0x142: {  	v2 =	vld [tilespmem:s4+$0xAE00]  }
0x143: {  	v3 =	vld [tilespmem:s4+$0x8610]  }
0x144: {  	v20 =	vld [tilespmem:s4+$0xAE10]  }
0x145: {  	v21 =	vld [tilespmem:s4+$0x8620]  }
0x146: {  	v22 =	vld [tilespmem:s4+$0xAE20]  }
0x147: {  	v23 =	vld [tilespmem:s4+$0x8630]  }
0x148: {  	v24 =	vld [tilespmem:s4+$0xAE30]  }
0x149: {  	v25 =	vld [tilespmem:s4+$0xAE40];
	v1 =	vmul.f32 v2, v1;
	v2 =	vmul.f32 v20, v3  }
0x14a: {  	v3 =	vld [tilespmem:s4+$0x8640]  }
0x14b: {  	v26 =	vld [tilespmem:s4+$0x8650];
	v1 =	vadd.f32 v2, v1;
	v2 =	vmul.f32 v22, v21  }
0x14c: {  	v27 =	vld [tilespmem:s4+$0xAE50]  }
0x14d: {  	v28 =	vld [tilespmem:s4+$0x8660];
	v1 =	vadd.f32 v2, v1;
	v2 =	vmul.f32 v24, v23  }
0x14e: {  	v29 =	vld [tilespmem:s4+$0xAE60]  }
0x14f: {  	v30 =	vld [tilespmem:s4+$0xAE70];
	v1 =	vadd.f32 v2, v1;
	v2 =	vmul.f32 v25, v3  }
0x150: {  	v3 =	vld [tilespmem:s4+$0x8670]  }
0x151: {  	v1 =	vadd.f32 v2, v1;
	v2 =	vmul.f32 v27, v26;
	_ =	sdelay $0x1  }
0x152: {  	v1 =	vadd.f32 v2, v1;
	v2 =	vmul.f32 v29, v28;
	_ =	sdelay $0x1  }
0x153: {  	v1 =	vadd.f32 v2, v1;
	v2 =	vmul.f32 v30, v3;
	_ =	sdelay $0x1  }
0x154: {  	v1 =	vadd.f32 v2, v1;
	_ =	sdelay $0x1  }
0x155: {  	(xrf2) =	vadd.scan.msk.f32 $0xffff, v1;
	_ =	sdelay $0x9  }
0x156: {  	v1, _, _ =	vpop (xrf2)  }
0x157: {  	[tilespmem:s30+$0x0] =	vst.msk vm0, v1  }
0x158: {  	v1 =	vld [tilespmem:s4+$0x8680]  }
0x159: {  	v2 =	vld [tilespmem:s4+$0xAE80]  }
0x15a: {  	v3 =	vld [tilespmem:s4+$0x8690]  }
0x15b: {  	v31 =	vld [tilespmem:s4+$0xAE90]  }
0x15c: {  	v32 =	vld [tilespmem:s4+$0x86A0]  }
0x15d: {  	v33 =	vld [tilespmem:s4+$0xAEA0]  }
0x15e: {  	v34 =	vld [tilespmem:s4+$0x86B0]  }
0x15f: {  	v35 =	vld [tilespmem:s4+$0xAEB0]  }
0x160: {  	v36 =	vld [tilespmem:s4+$0xAEC0];
	v1 =	vmul.f32 v2, v1;
	v2 =	vmul.f32 v31, v3  }
0x161: {  	v3 =	vld [tilespmem:s4+$0x86C0]  }
0x162: {  	v37 =	vld [tilespmem:s4+$0x86D0];
	v1 =	vadd.f32 v2, v1;
	v2 =	vmul.f32 v33, v32  }
0x163: {  	v38 =	vld [tilespmem:s4+$0xAED0]  }
0x164: {  	v39 =	vld [tilespmem:s4+$0x86E0];
	v1 =	vadd.f32 v2, v1;
	v2 =	vmul.f32 v35, v34  }
0x165: {  	v40 =	vld [tilespmem:s4+$0xAEE0]  }
0x166: {  	v41 =	vld [tilespmem:s4+$0xAEF0];
	v1 =	vadd.f32 v2, v1;
	v2 =	vmul.f32 v36, v3  }
0x167: {  	v3 =	vld [tilespmem:s4+$0x86F0]  }
0x168: {  	v1 =	vadd.f32 v2, v1;
	v2 =	vmul.f32 v38, v37;
	_ =	sdelay $0x1  }
0x169: {  	v1 =	vadd.f32 v2, v1;
	v2 =	vmul.f32 v40, v39;
	_ =	sdelay $0x1  }
0x16a: {  	v1 =	vadd.f32 v2, v1;
	v2 =	vmul.f32 v41, v3;
	_ =	sdelay $0x1  }
0x16b: {  	v1 =	vadd.f32 v2, v1;
	_ =	sdelay $0x1  }
0x16c: {  	(xrf2) =	vadd.scan.msk.f32 $0xffff, v1;
	_ =	sdelay $0x9  }
0x16d: {  	v1, _, _ =	vpop (xrf2)  }
0x16e: {  	[tilespmem:s31+$0x0] =	vst.msk vm0, v1  }
0x16f: {  	v1 =	vld [tilespmem:s4+$0x8700]  }
0x170: {  	v2 =	vld [tilespmem:s4+$0xAF00]  }
0x171: {  	v3 =	vld [tilespmem:s4+$0x8710]  }
0x172: {  	v42 =	vld [tilespmem:s4+$0xAF10]  }
0x173: {  	v43 =	vld [tilespmem:s4+$0x8720]  }
0x174: {  	v44 =	vld [tilespmem:s4+$0xAF20]  }
0x175: {  	v45 =	vld [tilespmem:s4+$0x8730]  }
0x176: {  	v46 =	vld [tilespmem:s4+$0xAF30]  }
0x177: {  	v47 =	vld [tilespmem:s4+$0xAF40];
	v1 =	vmul.f32 v2, v1;
	v2 =	vmul.f32 v42, v3  }
0x178: {  	v3 =	vld [tilespmem:s4+$0x8740]  }
0x179: {  	v48 =	vld [tilespmem:s4+$0x8750];
	v1 =	vadd.f32 v2, v1;
	v2 =	vmul.f32 v44, v43  }
0x17a: {  	v49 =	vld [tilespmem:s4+$0xAF50]  }
0x17b: {  	v50 =	vld [tilespmem:s4+$0x8760];
	v1 =	vadd.f32 v2, v1;
	v2 =	vmul.f32 v46, v45  }
0x17c: {  	v51 =	vld [tilespmem:s4+$0xAF60]  }
0x17d: {  	v52 =	vld [tilespmem:s4+$0xAF70];
	v1 =	vadd.f32 v2, v1;
	v2 =	vmul.f32 v47, v3  }
0x17e: {  	v3 =	vld [tilespmem:s4+$0x8770]  }
0x17f: {  	v1 =	vadd.f32 v2, v1;
	v2 =	vmul.f32 v49, v48;
	_ =	sdelay $0x1  }
0x180: {  	v1 =	vadd.f32 v2, v1;
	v2 =	vmul.f32 v51, v50;
	_ =	sdelay $0x1  }
0x181: {  	v1 =	vadd.f32 v2, v1;
	v2 =	vmul.f32 v52, v3;
	_ =	sdelay $0x1  }
0x182: {  	v1 =	vadd.f32 v2, v1;
	_ =	sdelay $0x1  }
0x183: {  	(xrf2) =	vadd.scan.msk.f32 $0xffff, v1;
	_ =	sdelay $0x9  }
0x184: {  	v1, _, _ =	vpop (xrf2)  }
0x185: {  	[tilespmem:s3+$0x0] =	vst.msk vm0, v1  }
0x186: {  	v1 =	vld [tilespmem:s4+$0x8780]  }
0x187: {  	v2 =	vld [tilespmem:s4+$0xAF80]  }
0x188: {  	v3 =	vld [tilespmem:s4+$0x8790]  }
0x189: {  	v53 =	vld [tilespmem:s4+$0xAF90]  }
0x18a: {  	v54 =	vld [tilespmem:s4+$0x87A0]  }
0x18b: {  	v55 =	vld [tilespmem:s4+$0xAFA0]  }
0x18c: {  	v56 =	vld [tilespmem:s4+$0x87B0]  }
0x18d: {  	v57 =	vld [tilespmem:s4+$0xAFB0]  }
0x18e: {  	v58 =	vld [tilespmem:s4+$0xAFC0];
	v1 =	vmul.f32 v2, v1;
	v2 =	vmul.f32 v53, v3  }
0x18f: {  	v3 =	vld [tilespmem:s4+$0x87C0]  }
0x190: {  	v59 =	vld [tilespmem:s4+$0x87D0];
	v1 =	vadd.f32 v2, v1;
	v2 =	vmul.f32 v55, v54  }
0x191: {  	v60 =	vld [tilespmem:s4+$0xAFD0]  }
0x192: {  	v61 =	vld [tilespmem:s4+$0x87E0];
	v1 =	vadd.f32 v2, v1;
	v2 =	vmul.f32 v57, v56  }
0x193: {  	v62 =	vld [tilespmem:s4+$0xAFE0]  }
0x194: {  	v63 =	vld [tilespmem:s4+$0xAFF0];
	v1 =	vadd.f32 v2, v1;
	v2 =	vmul.f32 v58, v3  }
0x195: {  	v3 =	vld [tilespmem:s4+$0x87F0]  }
0x196: {  	v1 =	vadd.f32 v2, v1;
	v2 =	vmul.f32 v60, v59;
	_ =	sdelay $0x1  }
0x197: {  	v1 =	vadd.f32 v2, v1;
	v2 =	vmul.f32 v62, v61;
	_ =	sdelay $0x1  }
0x198: {  	v1 =	vadd.f32 v2, v1;
	v2 =	vmul.f32 v63, v3;
	_ =	sdelay $0x1  }
0x199: {  	v1 =	vadd.f32 v2, v1;
	_ =	sdelay $0x1  }
0x19a: {  	(xrf2) =	vadd.scan.msk.f32 $0xffff, v1;
	_ =	sdelay $0x9  }
0x19b: {  	v1, _, _ =	vpop (xrf2)  }
0x19c: {  	[tilespmem:s0+$0x0] =	vst.msk vm0, v1  }
0x19d: {  	v1 =	vld [tilespmem:$0x14780];
	_ =	sdelay $0x4  }
0x19e: {  	v1 =	vsub.f32 $0.0e+00, v1;
	_ =	sdelay $0x1  }
0x19f: {  	v1 =	vmul.f32 $1.442695020e+00, v1;
	_ =	sdelay $0x1  }
0x1a0: {  	(erf) = vpow2.f32 v1;
	_ =	sdelay $0x8  }
0x1a1: {  	v1 =	vpop (erf)  }
0x1a2: {  	v1 =	vadd.f32 $1.000000000e+00, v1;
	_ =	sdelay $0x1  }
0x1a3: {  	(erf) = vrcp.f32 v1;
	_ =	sdelay $0x4  }
0x1a4: {  	p0 =	sne.s32 s8, $0x4  }
.Ltmp0:
0x1a5: {  	_ = 	snop;
	(pc) =	sbr.rel @p0 .LBB2_3-.Ltmp0, $4  }
0x1a6: {  	_ = 	snop  }
0x1a7: {  	s4 =	sshll.u32 s8, $0x4  }
0x1a8: {  	s4 =	sand.u32 $0x3FFFFFF0, s4;
	v1 =	vpop (erf)  }
0x1a9: {  	s8 =	sadd.s32 $0x1, s8;
	[tilespmem:v0+s4+$0x0 ss:$0x1] =	vst.idx.msk $0xffff, v1  }
0x1aa: {  	s4 =	sshll.u32 s6, $0x8  }
0x1ab: {  	s8 =	sadd.s32 $0x100, s4  }
0x1ac: {  	[tilespmem:s12], [sflag:$0x1] =	stream.indirect.gather [hbm4b:s1+s11], $0x80, s8, s11, $0xb8;
	[tilespmem:$0x14800] =	vst v63  }
0x1ad: {  	s4 =	sadd.s32 $0x4100, s4  }
0x1ae: {  	[tilespmem:s13], [sflag:$0x1] =	stream.indirect.gather [hbm4b:s2+s11], $0x80, s4, s11, $0xb8;
	[tilespmem:$0x14800] =	vst v63  }
0x1af: {  	_ =	swait.ge [sflag:s10], $0x2800  }
0x1b0: {  	s8 =	smul.u32 $0x140, s7;
	[sflag:s10] =	ssyncset.done $0x0  }
0x1b1: {  	[sflag:s10] =	ssyncadd.s32 $0xFFFFD800  }
0x1b2: {  	s4 =	sshra.s32 s8, $0x2;
	_ =	swait.ge [sflag:s10], $0x2800  }
0x1b3: {  	s4 =	sadd.s32 $0x12000, s4;
	[sflag:s10] =	ssyncset.done $0x0  }
0x1b4: {  	s7 =	simm.s32 $0x0;
	v0 =	vmov s4;
	[sflag:s10] =	ssyncadd.s32 $0xFFFFD800  }
.LBB2_5:
0x1b5: {  	s4 =	sshll.u32 s7, $0xB  }
0x1b6: {  	v1 =	vld [tilespmem:s4+$0xD000]  }
0x1b7: {  	v2 =	vld [tilespmem:s4+$0xF800]  }
0x1b8: {  	v3 =	vld [tilespmem:s4+$0xD010]  }
0x1b9: {  	v4 =	vld [tilespmem:s4+$0xF810]  }
0x1ba: {  	v5 =	vld [tilespmem:s4+$0xD020]  }
0x1bb: {  	v6 =	vld [tilespmem:s4+$0xF820]  }
0x1bc: {  	v7 =	vld [tilespmem:s4+$0xD030]  }
0x1bd: {  	v8 =	vld [tilespmem:s4+$0xF830]  }
0x1be: {  	v49 =	vld [tilespmem:s4+$0xF840];
	v1 =	vmul.f32 v2, v1;
	v2 =	vmul.f32 v4, v3  }
0x1bf: {  	v3 =	vld [tilespmem:s4+$0xD040]  }
0x1c0: {  	v50 =	vld [tilespmem:s4+$0xD050];
	v1 =	vadd.f32 v2, v1;
	v2 =	vmul.f32 v6, v5  }
0x1c1: {  	v51 =	vld [tilespmem:s4+$0xF850]  }
0x1c2: {  	v52 =	vld [tilespmem:s4+$0xD060];
	v1 =	vadd.f32 v2, v1;
	v2 =	vmul.f32 v8, v7  }
0x1c3: {  	v53 =	vld [tilespmem:s4+$0xF860]  }
0x1c4: {  	v54 =	vld [tilespmem:s4+$0xF870];
	v1 =	vadd.f32 v2, v1;
	v2 =	vmul.f32 v49, v3  }
0x1c5: {  	v3 =	vld [tilespmem:s4+$0xD070]  }
0x1c6: {  	v1 =	vadd.f32 v2, v1;
	v2 =	vmul.f32 v51, v50;
	_ =	sdelay $0x1  }
0x1c7: {  	v1 =	vadd.f32 v2, v1;
	v2 =	vmul.f32 v53, v52;
	_ =	sdelay $0x1  }
0x1c8: {  	v1 =	vadd.f32 v2, v1;
	v2 =	vmul.f32 v54, v3;
	_ =	sdelay $0x1  }
0x1c9: {  	v1 =	vadd.f32 v2, v1;
	_ =	sdelay $0x1  }
0x1ca: {  	(xrf2) =	vadd.scan.msk.f32 $0xffff, v1;
	_ =	sdelay $0x9  }
0x1cb: {  	v1, _, _ =	vpop (xrf2)  }
0x1cc: {  	[tilespmem:s17+$0x0] =	vst.msk vm0, v1  }
0x1cd: {  	v1 =	vld [tilespmem:s4+$0xD080]  }
0x1ce: {  	v2 =	vld [tilespmem:s4+$0xF880]  }
0x1cf: {  	v3 =	vld [tilespmem:s4+$0xD090]  }
0x1d0: {  	v55 =	vld [tilespmem:s4+$0xF890]  }
0x1d1: {  	v56 =	vld [tilespmem:s4+$0xD0A0]  }
0x1d2: {  	v57 =	vld [tilespmem:s4+$0xF8A0]  }
0x1d3: {  	v58 =	vld [tilespmem:s4+$0xD0B0]  }
0x1d4: {  	v59 =	vld [tilespmem:s4+$0xF8B0]  }
0x1d5: {  	v60 =	vld [tilespmem:s4+$0xF8C0];
	v1 =	vmul.f32 v2, v1;
	v2 =	vmul.f32 v55, v3  }
0x1d6: {  	v3 =	vld [tilespmem:s4+$0xD0C0]  }
0x1d7: {  	v61 =	vld [tilespmem:s4+$0xD0D0];
	v1 =	vadd.f32 v2, v1;
	v2 =	vmul.f32 v57, v56  }
0x1d8: {  	v62 =	vld [tilespmem:s4+$0xF8D0]  }
0x1d9: {  	v63 =	vld [tilespmem:s4+$0xD0E0];
	v1 =	vadd.f32 v2, v1;
	v2 =	vmul.f32 v59, v58  }
0x1da: {  	v12 =	vld [tilespmem:s4+$0xF8E0]  }
0x1db: {  	v13 =	vld [tilespmem:s4+$0xF8F0];
	v1 =	vadd.f32 v2, v1;
	v2 =	vmul.f32 v60, v3  }
0x1dc: {  	v3 =	vld [tilespmem:s4+$0xD0F0]  }
0x1dd: {  	v1 =	vadd.f32 v2, v1;
	v2 =	vmul.f32 v62, v61;
	_ =	sdelay $0x1  }
0x1de: {  	v1 =	vadd.f32 v2, v1;
	v2 =	vmul.f32 v12, v63;
	_ =	sdelay $0x1  }
0x1df: {  	v1 =	vadd.f32 v2, v1;
	v2 =	vmul.f32 v13, v3;
	_ =	sdelay $0x1  }
0x1e0: {  	v1 =	vadd.f32 v2, v1;
	_ =	sdelay $0x1  }
0x1e1: {  	(xrf2) =	vadd.scan.msk.f32 $0xffff, v1;
	_ =	sdelay $0x9  }
0x1e2: {  	v1, _, _ =	vpop (xrf2)  }
0x1e3: {  	[tilespmem:s18+$0x0] =	vst.msk vm0, v1  }
0x1e4: {  	v1 =	vld [tilespmem:s4+$0xD100]  }
0x1e5: {  	v2 =	vld [tilespmem:s4+$0xF900]  }
0x1e6: {  	v3 =	vld [tilespmem:s4+$0xD110]  }
0x1e7: {  	v14 =	vld [tilespmem:s4+$0xF910]  }
0x1e8: {  	v15 =	vld [tilespmem:s4+$0xD120]  }
0x1e9: {  	v16 =	vld [tilespmem:s4+$0xF920]  }
0x1ea: {  	v17 =	vld [tilespmem:s4+$0xD130]  }
0x1eb: {  	v18 =	vld [tilespmem:s4+$0xF930]  }
0x1ec: {  	v19 =	vld [tilespmem:s4+$0xF940];
	v1 =	vmul.f32 v2, v1;
	v2 =	vmul.f32 v14, v3  }
0x1ed: {  	v3 =	vld [tilespmem:s4+$0xD140]  }
0x1ee: {  	v20 =	vld [tilespmem:s4+$0xD150];
	v1 =	vadd.f32 v2, v1;
	v2 =	vmul.f32 v16, v15  }
0x1ef: {  	v21 =	vld [tilespmem:s4+$0xF950]  }
0x1f0: {  	v22 =	vld [tilespmem:s4+$0xD160];
	v1 =	vadd.f32 v2, v1;
	v2 =	vmul.f32 v18, v17  }
0x1f1: {  	v23 =	vld [tilespmem:s4+$0xF960]  }
0x1f2: {  	v24 =	vld [tilespmem:s4+$0xF970];
	v1 =	vadd.f32 v2, v1;
	v2 =	vmul.f32 v19, v3  }
0x1f3: {  	v3 =	vld [tilespmem:s4+$0xD170]  }
0x1f4: {  	v1 =	vadd.f32 v2, v1;
	v2 =	vmul.f32 v21, v20;
	_ =	sdelay $0x1  }
0x1f5: {  	v1 =	vadd.f32 v2, v1;
	v2 =	vmul.f32 v23, v22;
	_ =	sdelay $0x1  }
0x1f6: {  	v1 =	vadd.f32 v2, v1;
	v2 =	vmul.f32 v24, v3;
	_ =	sdelay $0x1  }
0x1f7: {  	v1 =	vadd.f32 v2, v1;
	_ =	sdelay $0x1  }
0x1f8: {  	(xrf2) =	vadd.scan.msk.f32 $0xffff, v1;
	_ =	sdelay $0x9  }
0x1f9: {  	v1, _, _ =	vpop (xrf2)  }
0x1fa: {  	[tilespmem:s19+$0x0] =	vst.msk vm0, v1  }
0x1fb: {  	v1 =	vld [tilespmem:s4+$0xD180]  }
0x1fc: {  	v2 =	vld [tilespmem:s4+$0xF980]  }
0x1fd: {  	v3 =	vld [tilespmem:s4+$0xD190]  }
0x1fe: {  	v25 =	vld [tilespmem:s4+$0xF990]  }
0x1ff: {  	v26 =	vld [tilespmem:s4+$0xD1A0]  }
0x200: {  	v27 =	vld [tilespmem:s4+$0xF9A0]  }
0x201: {  	v28 =	vld [tilespmem:s4+$0xD1B0]  }
0x202: {  	v29 =	vld [tilespmem:s4+$0xF9B0]  }
0x203: {  	v30 =	vld [tilespmem:s4+$0xF9C0];
	v1 =	vmul.f32 v2, v1;
	v2 =	vmul.f32 v25, v3  }
0x204: {  	v3 =	vld [tilespmem:s4+$0xD1C0]  }
0x205: {  	v31 =	vld [tilespmem:s4+$0xD1D0];
	v1 =	vadd.f32 v2, v1;
	v2 =	vmul.f32 v27, v26  }
0x206: {  	v32 =	vld [tilespmem:s4+$0xF9D0]  }
0x207: {  	v33 =	vld [tilespmem:s4+$0xD1E0];
	v1 =	vadd.f32 v2, v1;
	v2 =	vmul.f32 v29, v28  }
0x208: {  	v34 =	vld [tilespmem:s4+$0xF9E0]  }
0x209: {  	v35 =	vld [tilespmem:s4+$0xF9F0];
	v1 =	vadd.f32 v2, v1;
	v2 =	vmul.f32 v30, v3  }
0x20a: {  	v3 =	vld [tilespmem:s4+$0xD1F0]  }
0x20b: {  	v1 =	vadd.f32 v2, v1;
	v2 =	vmul.f32 v32, v31;
	_ =	sdelay $0x1  }
0x20c: {  	v1 =	vadd.f32 v2, v1;
	v2 =	vmul.f32 v34, v33;
	_ =	sdelay $0x1  }
0x20d: {  	v1 =	vadd.f32 v2, v1;
	v2 =	vmul.f32 v35, v3;
	_ =	sdelay $0x1  }
0x20e: {  	v1 =	vadd.f32 v2, v1;
	_ =	sdelay $0x1  }
0x20f: {  	(xrf2) =	vadd.scan.msk.f32 $0xffff, v1;
	_ =	sdelay $0x9  }
0x210: {  	v1, _, _ =	vpop (xrf2)  }
0x211: {  	[tilespmem:s20+$0x0] =	vst.msk vm0, v1  }
0x212: {  	v1 =	vld [tilespmem:s4+$0xD200]  }
0x213: {  	v2 =	vld [tilespmem:s4+$0xFA00]  }
0x214: {  	v3 =	vld [tilespmem:s4+$0xD210]  }
0x215: {  	v36 =	vld [tilespmem:s4+$0xFA10]  }
0x216: {  	v37 =	vld [tilespmem:s4+$0xD220]  }
0x217: {  	v38 =	vld [tilespmem:s4+$0xFA20]  }
0x218: {  	v39 =	vld [tilespmem:s4+$0xD230]  }
0x219: {  	v40 =	vld [tilespmem:s4+$0xFA30]  }
0x21a: {  	v41 =	vld [tilespmem:s4+$0xFA40];
	v1 =	vmul.f32 v2, v1;
	v2 =	vmul.f32 v36, v3  }
0x21b: {  	v3 =	vld [tilespmem:s4+$0xD240]  }
0x21c: {  	v42 =	vld [tilespmem:s4+$0xD250];
	v1 =	vadd.f32 v2, v1;
	v2 =	vmul.f32 v38, v37  }
0x21d: {  	v43 =	vld [tilespmem:s4+$0xFA50]  }
0x21e: {  	v44 =	vld [tilespmem:s4+$0xD260];
	v1 =	vadd.f32 v2, v1;
	v2 =	vmul.f32 v40, v39  }
0x21f: {  	v45 =	vld [tilespmem:s4+$0xFA60]  }
0x220: {  	v46 =	vld [tilespmem:s4+$0xFA70];
	v1 =	vadd.f32 v2, v1;
	v2 =	vmul.f32 v41, v3  }
0x221: {  	v3 =	vld [tilespmem:s4+$0xD270]  }
0x222: {  	v1 =	vadd.f32 v2, v1;
	v2 =	vmul.f32 v43, v42;
	_ =	sdelay $0x1  }
0x223: {  	v1 =	vadd.f32 v2, v1;
	v2 =	vmul.f32 v45, v44;
	_ =	sdelay $0x1  }
0x224: {  	v1 =	vadd.f32 v2, v1;
	v2 =	vmul.f32 v46, v3;
	_ =	sdelay $0x1  }
0x225: {  	v1 =	vadd.f32 v2, v1;
	_ =	sdelay $0x1  }
0x226: {  	(xrf2) =	vadd.scan.msk.f32 $0xffff, v1;
	_ =	sdelay $0x9  }
0x227: {  	v1, _, _ =	vpop (xrf2)  }
0x228: {  	[tilespmem:s21+$0x0] =	vst.msk vm0, v1  }
0x229: {  	v1 =	vld [tilespmem:s4+$0xD280]  }
0x22a: {  	v2 =	vld [tilespmem:s4+$0xFA80]  }
0x22b: {  	v3 =	vld [tilespmem:s4+$0xD290]  }
0x22c: {  	v47 =	vld [tilespmem:s4+$0xFA90]  }
0x22d: {  	v48 =	vld [tilespmem:s4+$0xD2A0]  }
0x22e: {  	v49 =	vld [tilespmem:s4+$0xFAA0]  }
0x22f: {  	v50 =	vld [tilespmem:s4+$0xD2B0]  }
0x230: {  	v51 =	vld [tilespmem:s4+$0xFAB0]  }
0x231: {  	v52 =	vld [tilespmem:s4+$0xFAC0];
	v1 =	vmul.f32 v2, v1;
	v2 =	vmul.f32 v47, v3  }
0x232: {  	v3 =	vld [tilespmem:s4+$0xD2C0]  }
0x233: {  	v53 =	vld [tilespmem:s4+$0xD2D0];
	v1 =	vadd.f32 v2, v1;
	v2 =	vmul.f32 v49, v48  }
0x234: {  	v54 =	vld [tilespmem:s4+$0xFAD0]  }
0x235: {  	v55 =	vld [tilespmem:s4+$0xD2E0];
	v1 =	vadd.f32 v2, v1;
	v2 =	vmul.f32 v51, v50  }
0x236: {  	v56 =	vld [tilespmem:s4+$0xFAE0]  }
0x237: {  	v57 =	vld [tilespmem:s4+$0xFAF0];
	v1 =	vadd.f32 v2, v1;
	v2 =	vmul.f32 v52, v3  }
0x238: {  	v3 =	vld [tilespmem:s4+$0xD2F0]  }
0x239: {  	v1 =	vadd.f32 v2, v1;
	v2 =	vmul.f32 v54, v53;
	_ =	sdelay $0x1  }
0x23a: {  	v1 =	vadd.f32 v2, v1;
	v2 =	vmul.f32 v56, v55;
	_ =	sdelay $0x1  }
0x23b: {  	v1 =	vadd.f32 v2, v1;
	v2 =	vmul.f32 v57, v3;
	_ =	sdelay $0x1  }
0x23c: {  	v1 =	vadd.f32 v2, v1;
	_ =	sdelay $0x1  }
0x23d: {  	(xrf2) =	vadd.scan.msk.f32 $0xffff, v1;
	_ =	sdelay $0x9  }
0x23e: {  	v1, _, _ =	vpop (xrf2)  }
0x23f: {  	[tilespmem:s22+$0x0] =	vst.msk vm0, v1  }
0x240: {  	v1 =	vld [tilespmem:s4+$0xD300]  }
0x241: {  	v2 =	vld [tilespmem:s4+$0xFB00]  }
0x242: {  	v3 =	vld [tilespmem:s4+$0xD310]  }
0x243: {  	v58 =	vld [tilespmem:s4+$0xFB10]  }
0x244: {  	v59 =	vld [tilespmem:s4+$0xD320]  }
0x245: {  	v60 =	vld [tilespmem:s4+$0xFB20]  }
0x246: {  	v61 =	vld [tilespmem:s4+$0xD330]  }
0x247: {  	v62 =	vld [tilespmem:s4+$0xFB30]  }
0x248: {  	v63 =	vld [tilespmem:s4+$0xFB40];
	v1 =	vmul.f32 v2, v1;
	v2 =	vmul.f32 v58, v3  }
0x249: {  	v3 =	vld [tilespmem:s4+$0xD340]  }
0x24a: {  	v12 =	vld [tilespmem:s4+$0xD350];
	v1 =	vadd.f32 v2, v1;
	v2 =	vmul.f32 v60, v59  }
0x24b: {  	v13 =	vld [tilespmem:s4+$0xFB50]  }
0x24c: {  	v14 =	vld [tilespmem:s4+$0xD360];
	v1 =	vadd.f32 v2, v1;
	v2 =	vmul.f32 v62, v61  }
0x24d: {  	v15 =	vld [tilespmem:s4+$0xFB60]  }
0x24e: {  	v16 =	vld [tilespmem:s4+$0xFB70];
	v1 =	vadd.f32 v2, v1;
	v2 =	vmul.f32 v63, v3  }
0x24f: {  	v3 =	vld [tilespmem:s4+$0xD370]  }
0x250: {  	v1 =	vadd.f32 v2, v1;
	v2 =	vmul.f32 v13, v12;
	_ =	sdelay $0x1  }
0x251: {  	v1 =	vadd.f32 v2, v1;
	v2 =	vmul.f32 v15, v14;
	_ =	sdelay $0x1  }
0x252: {  	v1 =	vadd.f32 v2, v1;
	v2 =	vmul.f32 v16, v3;
	_ =	sdelay $0x1  }
0x253: {  	v1 =	vadd.f32 v2, v1;
	_ =	sdelay $0x1  }
0x254: {  	(xrf2) =	vadd.scan.msk.f32 $0xffff, v1;
	_ =	sdelay $0x9  }
0x255: {  	v1, _, _ =	vpop (xrf2)  }
0x256: {  	[tilespmem:s23+$0x0] =	vst.msk vm0, v1  }
0x257: {  	v1 =	vld [tilespmem:s4+$0xD380]  }
0x258: {  	v2 =	vld [tilespmem:s4+$0xFB80]  }
0x259: {  	v3 =	vld [tilespmem:s4+$0xD390]  }
0x25a: {  	v17 =	vld [tilespmem:s4+$0xFB90]  }
0x25b: {  	v18 =	vld [tilespmem:s4+$0xD3A0]  }
0x25c: {  	v19 =	vld [tilespmem:s4+$0xFBA0]  }
0x25d: {  	v20 =	vld [tilespmem:s4+$0xD3B0]  }
0x25e: {  	v21 =	vld [tilespmem:s4+$0xFBB0]  }
0x25f: {  	v22 =	vld [tilespmem:s4+$0xFBC0];
	v1 =	vmul.f32 v2, v1;
	v2 =	vmul.f32 v17, v3  }
0x260: {  	v3 =	vld [tilespmem:s4+$0xD3C0]  }
0x261: {  	v23 =	vld [tilespmem:s4+$0xD3D0];
	v1 =	vadd.f32 v2, v1;
	v2 =	vmul.f32 v19, v18  }
0x262: {  	v24 =	vld [tilespmem:s4+$0xFBD0]  }
0x263: {  	v25 =	vld [tilespmem:s4+$0xD3E0];
	v1 =	vadd.f32 v2, v1;
	v2 =	vmul.f32 v21, v20  }
0x264: {  	v26 =	vld [tilespmem:s4+$0xFBE0]  }
0x265: {  	v27 =	vld [tilespmem:s4+$0xFBF0];
	v1 =	vadd.f32 v2, v1;
	v2 =	vmul.f32 v22, v3  }
0x266: {  	v3 =	vld [tilespmem:s4+$0xD3F0]  }
0x267: {  	v1 =	vadd.f32 v2, v1;
	v2 =	vmul.f32 v24, v23;
	_ =	sdelay $0x1  }
0x268: {  	v1 =	vadd.f32 v2, v1;
	v2 =	vmul.f32 v26, v25;
	_ =	sdelay $0x1  }
0x269: {  	v1 =	vadd.f32 v2, v1;
	v2 =	vmul.f32 v27, v3;
	_ =	sdelay $0x1  }
0x26a: {  	v1 =	vadd.f32 v2, v1;
	_ =	sdelay $0x1  }
0x26b: {  	(xrf2) =	vadd.scan.msk.f32 $0xffff, v1;
	_ =	sdelay $0x9  }
0x26c: {  	v1, _, _ =	vpop (xrf2)  }
0x26d: {  	[tilespmem:s24+$0x0] =	vst.msk vm0, v1  }
0x26e: {  	v1 =	vld [tilespmem:s4+$0xD400]  }
0x26f: {  	v2 =	vld [tilespmem:s4+$0xFC00]  }
0x270: {  	v3 =	vld [tilespmem:s4+$0xD410]  }
0x271: {  	v28 =	vld [tilespmem:s4+$0xFC10]  }
0x272: {  	v29 =	vld [tilespmem:s4+$0xD420]  }
0x273: {  	v30 =	vld [tilespmem:s4+$0xFC20]  }
0x274: {  	v31 =	vld [tilespmem:s4+$0xD430]  }
0x275: {  	v32 =	vld [tilespmem:s4+$0xFC30]  }
0x276: {  	v33 =	vld [tilespmem:s4+$0xFC40];
	v1 =	vmul.f32 v2, v1;
	v2 =	vmul.f32 v28, v3  }
0x277: {  	v3 =	vld [tilespmem:s4+$0xD440]  }
0x278: {  	v34 =	vld [tilespmem:s4+$0xD450];
	v1 =	vadd.f32 v2, v1;
	v2 =	vmul.f32 v30, v29  }
0x279: {  	v35 =	vld [tilespmem:s4+$0xFC50]  }
0x27a: {  	v36 =	vld [tilespmem:s4+$0xD460];
	v1 =	vadd.f32 v2, v1;
	v2 =	vmul.f32 v32, v31  }
0x27b: {  	v37 =	vld [tilespmem:s4+$0xFC60]  }
0x27c: {  	v38 =	vld [tilespmem:s4+$0xFC70];
	v1 =	vadd.f32 v2, v1;
	v2 =	vmul.f32 v33, v3  }
0x27d: {  	v3 =	vld [tilespmem:s4+$0xD470]  }
0x27e: {  	v1 =	vadd.f32 v2, v1;
	v2 =	vmul.f32 v35, v34;
	_ =	sdelay $0x1  }
0x27f: {  	v1 =	vadd.f32 v2, v1;
	v2 =	vmul.f32 v37, v36;
	_ =	sdelay $0x1  }
0x280: {  	v1 =	vadd.f32 v2, v1;
	v2 =	vmul.f32 v38, v3;
	_ =	sdelay $0x1  }
0x281: {  	v1 =	vadd.f32 v2, v1;
	_ =	sdelay $0x1  }
0x282: {  	(xrf2) =	vadd.scan.msk.f32 $0xffff, v1;
	_ =	sdelay $0x9  }
0x283: {  	v1, _, _ =	vpop (xrf2)  }
0x284: {  	[tilespmem:s25+$0x0] =	vst.msk vm0, v1  }
0x285: {  	v1 =	vld [tilespmem:s4+$0xD480]  }
0x286: {  	v2 =	vld [tilespmem:s4+$0xFC80]  }
0x287: {  	v3 =	vld [tilespmem:s4+$0xD490]  }
0x288: {  	v39 =	vld [tilespmem:s4+$0xFC90]  }
0x289: {  	v40 =	vld [tilespmem:s4+$0xD4A0]  }
0x28a: {  	v41 =	vld [tilespmem:s4+$0xFCA0]  }
0x28b: {  	v42 =	vld [tilespmem:s4+$0xD4B0]  }
0x28c: {  	v43 =	vld [tilespmem:s4+$0xFCB0]  }
0x28d: {  	v44 =	vld [tilespmem:s4+$0xFCC0];
	v1 =	vmul.f32 v2, v1;
	v2 =	vmul.f32 v39, v3  }
0x28e: {  	v3 =	vld [tilespmem:s4+$0xD4C0]  }
0x28f: {  	v45 =	vld [tilespmem:s4+$0xD4D0];
	v1 =	vadd.f32 v2, v1;
	v2 =	vmul.f32 v41, v40  }
0x290: {  	v46 =	vld [tilespmem:s4+$0xFCD0]  }
0x291: {  	v47 =	vld [tilespmem:s4+$0xD4E0];
	v1 =	vadd.f32 v2, v1;
	v2 =	vmul.f32 v43, v42  }
0x292: {  	v48 =	vld [tilespmem:s4+$0xFCE0]  }
0x293: {  	v49 =	vld [tilespmem:s4+$0xFCF0];
	v1 =	vadd.f32 v2, v1;
	v2 =	vmul.f32 v44, v3  }
0x294: {  	v3 =	vld [tilespmem:s4+$0xD4F0]  }
0x295: {  	v1 =	vadd.f32 v2, v1;
	v2 =	vmul.f32 v46, v45;
	_ =	sdelay $0x1  }
0x296: {  	v1 =	vadd.f32 v2, v1;
	v2 =	vmul.f32 v48, v47;
	_ =	sdelay $0x1  }
0x297: {  	v1 =	vadd.f32 v2, v1;
	v2 =	vmul.f32 v49, v3;
	_ =	sdelay $0x1  }
0x298: {  	v1 =	vadd.f32 v2, v1;
	_ =	sdelay $0x1  }
0x299: {  	(xrf2) =	vadd.scan.msk.f32 $0xffff, v1;
	_ =	sdelay $0x9  }
0x29a: {  	v1, _, _ =	vpop (xrf2)  }
0x29b: {  	[tilespmem:s26+$0x0] =	vst.msk vm0, v1  }
0x29c: {  	v1 =	vld [tilespmem:s4+$0xD500]  }
0x29d: {  	v2 =	vld [tilespmem:s4+$0xFD00]  }
0x29e: {  	v3 =	vld [tilespmem:s4+$0xD510]  }
0x29f: {  	v50 =	vld [tilespmem:s4+$0xFD10]  }
0x2a0: {  	v51 =	vld [tilespmem:s4+$0xD520]  }
0x2a1: {  	v52 =	vld [tilespmem:s4+$0xFD20]  }
0x2a2: {  	v53 =	vld [tilespmem:s4+$0xD530]  }
0x2a3: {  	v54 =	vld [tilespmem:s4+$0xFD30]  }
0x2a4: {  	v55 =	vld [tilespmem:s4+$0xFD40];
	v1 =	vmul.f32 v2, v1;
	v2 =	vmul.f32 v50, v3  }
0x2a5: {  	v3 =	vld [tilespmem:s4+$0xD540]  }
0x2a6: {  	v56 =	vld [tilespmem:s4+$0xD550];
	v1 =	vadd.f32 v2, v1;
	v2 =	vmul.f32 v52, v51  }
0x2a7: {  	v57 =	vld [tilespmem:s4+$0xFD50]  }
0x2a8: {  	v58 =	vld [tilespmem:s4+$0xD560];
	v1 =	vadd.f32 v2, v1;
	v2 =	vmul.f32 v54, v53  }
0x2a9: {  	v59 =	vld [tilespmem:s4+$0xFD60]  }
0x2aa: {  	v60 =	vld [tilespmem:s4+$0xFD70];
	v1 =	vadd.f32 v2, v1;
	v2 =	vmul.f32 v55, v3  }
0x2ab: {  	v3 =	vld [tilespmem:s4+$0xD570]  }
0x2ac: {  	v1 =	vadd.f32 v2, v1;
	v2 =	vmul.f32 v57, v56;
	_ =	sdelay $0x1  }
0x2ad: {  	v1 =	vadd.f32 v2, v1;
	v2 =	vmul.f32 v59, v58;
	_ =	sdelay $0x1  }
0x2ae: {  	v1 =	vadd.f32 v2, v1;
	v2 =	vmul.f32 v60, v3;
	_ =	sdelay $0x1  }
0x2af: {  	v1 =	vadd.f32 v2, v1;
	_ =	sdelay $0x1  }
0x2b0: {  	(xrf2) =	vadd.scan.msk.f32 $0xffff, v1;
	_ =	sdelay $0x9  }
0x2b1: {  	v1, _, _ =	vpop (xrf2)  }
0x2b2: {  	[tilespmem:s28+$0x0] =	vst.msk vm0, v1  }
0x2b3: {  	v1 =	vld [tilespmem:s4+$0xD580]  }
0x2b4: {  	v2 =	vld [tilespmem:s4+$0xFD80]  }
0x2b5: {  	v3 =	vld [tilespmem:s4+$0xD590]  }
0x2b6: {  	v61 =	vld [tilespmem:s4+$0xFD90]  }
0x2b7: {  	v62 =	vld [tilespmem:s4+$0xD5A0]  }
0x2b8: {  	v63 =	vld [tilespmem:s4+$0xFDA0]  }
0x2b9: {  	v12 =	vld [tilespmem:s4+$0xD5B0]  }
0x2ba: {  	v13 =	vld [tilespmem:s4+$0xFDB0]  }
0x2bb: {  	v14 =	vld [tilespmem:s4+$0xFDC0];
	v1 =	vmul.f32 v2, v1;
	v2 =	vmul.f32 v61, v3  }
0x2bc: {  	v3 =	vld [tilespmem:s4+$0xD5C0]  }
0x2bd: {  	v15 =	vld [tilespmem:s4+$0xD5D0];
	v1 =	vadd.f32 v2, v1;
	v2 =	vmul.f32 v63, v62  }
0x2be: {  	v16 =	vld [tilespmem:s4+$0xFDD0]  }
0x2bf: {  	v17 =	vld [tilespmem:s4+$0xD5E0];
	v1 =	vadd.f32 v2, v1;
	v2 =	vmul.f32 v13, v12  }
0x2c0: {  	v18 =	vld [tilespmem:s4+$0xFDE0]  }
0x2c1: {  	v19 =	vld [tilespmem:s4+$0xFDF0];
	v1 =	vadd.f32 v2, v1;
	v2 =	vmul.f32 v14, v3  }
0x2c2: {  	v3 =	vld [tilespmem:s4+$0xD5F0]  }
0x2c3: {  	v1 =	vadd.f32 v2, v1;
	v2 =	vmul.f32 v16, v15;
	_ =	sdelay $0x1  }
0x2c4: {  	v1 =	vadd.f32 v2, v1;
	v2 =	vmul.f32 v18, v17;
	_ =	sdelay $0x1  }
0x2c5: {  	v1 =	vadd.f32 v2, v1;
	v2 =	vmul.f32 v19, v3;
	_ =	sdelay $0x1  }
0x2c6: {  	v1 =	vadd.f32 v2, v1;
	_ =	sdelay $0x1  }
0x2c7: {  	(xrf2) =	vadd.scan.msk.f32 $0xffff, v1;
	_ =	sdelay $0x9  }
0x2c8: {  	v1, _, _ =	vpop (xrf2)  }
0x2c9: {  	[tilespmem:s29+$0x0] =	vst.msk vm0, v1  }
0x2ca: {  	v1 =	vld [tilespmem:s4+$0xD600]  }
0x2cb: {  	v2 =	vld [tilespmem:s4+$0xFE00]  }
0x2cc: {  	v3 =	vld [tilespmem:s4+$0xD610]  }
0x2cd: {  	v20 =	vld [tilespmem:s4+$0xFE10]  }
0x2ce: {  	v21 =	vld [tilespmem:s4+$0xD620]  }
0x2cf: {  	v22 =	vld [tilespmem:s4+$0xFE20]  }
0x2d0: {  	v23 =	vld [tilespmem:s4+$0xD630]  }
0x2d1: {  	v24 =	vld [tilespmem:s4+$0xFE30]  }
0x2d2: {  	v25 =	vld [tilespmem:s4+$0xFE40];
	v1 =	vmul.f32 v2, v1;
	v2 =	vmul.f32 v20, v3  }
0x2d3: {  	v3 =	vld [tilespmem:s4+$0xD640]  }
0x2d4: {  	v26 =	vld [tilespmem:s4+$0xD650];
	v1 =	vadd.f32 v2, v1;
	v2 =	vmul.f32 v22, v21  }
0x2d5: {  	v27 =	vld [tilespmem:s4+$0xFE50]  }
0x2d6: {  	v28 =	vld [tilespmem:s4+$0xD660];
	v1 =	vadd.f32 v2, v1;
	v2 =	vmul.f32 v24, v23  }
0x2d7: {  	v29 =	vld [tilespmem:s4+$0xFE60]  }
0x2d8: {  	v30 =	vld [tilespmem:s4+$0xFE70];
	v1 =	vadd.f32 v2, v1;
	v2 =	vmul.f32 v25, v3  }
0x2d9: {  	v3 =	vld [tilespmem:s4+$0xD670]  }
0x2da: {  	v1 =	vadd.f32 v2, v1;
	v2 =	vmul.f32 v27, v26;
	_ =	sdelay $0x1  }
0x2db: {  	v1 =	vadd.f32 v2, v1;
	v2 =	vmul.f32 v29, v28;
	_ =	sdelay $0x1  }
0x2dc: {  	v1 =	vadd.f32 v2, v1;
	v2 =	vmul.f32 v30, v3;
	_ =	sdelay $0x1  }
0x2dd: {  	v1 =	vadd.f32 v2, v1;
	_ =	sdelay $0x1  }
0x2de: {  	(xrf2) =	vadd.scan.msk.f32 $0xffff, v1;
	_ =	sdelay $0x9  }
0x2df: {  	v1, _, _ =	vpop (xrf2)  }
0x2e0: {  	[tilespmem:s30+$0x0] =	vst.msk vm0, v1  }
0x2e1: {  	v1 =	vld [tilespmem:s4+$0xD680]  }
0x2e2: {  	v2 =	vld [tilespmem:s4+$0xFE80]  }
0x2e3: {  	v3 =	vld [tilespmem:s4+$0xD690]  }
0x2e4: {  	v31 =	vld [tilespmem:s4+$0xFE90]  }
0x2e5: {  	v32 =	vld [tilespmem:s4+$0xD6A0]  }
0x2e6: {  	v33 =	vld [tilespmem:s4+$0xFEA0]  }
0x2e7: {  	v34 =	vld [tilespmem:s4+$0xD6B0]  }
0x2e8: {  	v35 =	vld [tilespmem:s4+$0xFEB0]  }
0x2e9: {  	v36 =	vld [tilespmem:s4+$0xFEC0];
	v1 =	vmul.f32 v2, v1;
	v2 =	vmul.f32 v31, v3  }
0x2ea: {  	v3 =	vld [tilespmem:s4+$0xD6C0]  }
0x2eb: {  	v37 =	vld [tilespmem:s4+$0xD6D0];
	v1 =	vadd.f32 v2, v1;
	v2 =	vmul.f32 v33, v32  }
0x2ec: {  	v38 =	vld [tilespmem:s4+$0xFED0]  }
0x2ed: {  	v39 =	vld [tilespmem:s4+$0xD6E0];
	v1 =	vadd.f32 v2, v1;
	v2 =	vmul.f32 v35, v34  }
0x2ee: {  	v40 =	vld [tilespmem:s4+$0xFEE0]  }
0x2ef: {  	v41 =	vld [tilespmem:s4+$0xFEF0];
	v1 =	vadd.f32 v2, v1;
	v2 =	vmul.f32 v36, v3  }
0x2f0: {  	v3 =	vld [tilespmem:s4+$0xD6F0]  }
0x2f1: {  	v1 =	vadd.f32 v2, v1;
	v2 =	vmul.f32 v38, v37;
	_ =	sdelay $0x1  }
0x2f2: {  	v1 =	vadd.f32 v2, v1;
	v2 =	vmul.f32 v40, v39;
	_ =	sdelay $0x1  }
0x2f3: {  	v1 =	vadd.f32 v2, v1;
	v2 =	vmul.f32 v41, v3;
	_ =	sdelay $0x1  }
0x2f4: {  	v1 =	vadd.f32 v2, v1;
	_ =	sdelay $0x1  }
0x2f5: {  	(xrf2) =	vadd.scan.msk.f32 $0xffff, v1;
	_ =	sdelay $0x9  }
0x2f6: {  	v1, _, _ =	vpop (xrf2)  }
0x2f7: {  	[tilespmem:s31+$0x0] =	vst.msk vm0, v1  }
0x2f8: {  	v1 =	vld [tilespmem:s4+$0xD700]  }
0x2f9: {  	v2 =	vld [tilespmem:s4+$0xFF00]  }
0x2fa: {  	v3 =	vld [tilespmem:s4+$0xD710]  }
0x2fb: {  	v42 =	vld [tilespmem:s4+$0xFF10]  }
0x2fc: {  	v43 =	vld [tilespmem:s4+$0xD720]  }
0x2fd: {  	v44 =	vld [tilespmem:s4+$0xFF20]  }
0x2fe: {  	v45 =	vld [tilespmem:s4+$0xD730]  }
0x2ff: {  	v46 =	vld [tilespmem:s4+$0xFF30]  }
0x300: {  	v47 =	vld [tilespmem:s4+$0xFF40];
	v1 =	vmul.f32 v2, v1;
	v2 =	vmul.f32 v42, v3  }
0x301: {  	v3 =	vld [tilespmem:s4+$0xD740]  }
0x302: {  	v48 =	vld [tilespmem:s4+$0xD750];
	v1 =	vadd.f32 v2, v1;
	v2 =	vmul.f32 v44, v43  }
0x303: {  	v49 =	vld [tilespmem:s4+$0xFF50]  }
0x304: {  	v50 =	vld [tilespmem:s4+$0xD760];
	v1 =	vadd.f32 v2, v1;
	v2 =	vmul.f32 v46, v45  }
0x305: {  	v51 =	vld [tilespmem:s4+$0xFF60]  }
0x306: {  	v52 =	vld [tilespmem:s4+$0xFF70];
	v1 =	vadd.f32 v2, v1;
	v2 =	vmul.f32 v47, v3  }
0x307: {  	v3 =	vld [tilespmem:s4+$0xD770]  }
0x308: {  	v1 =	vadd.f32 v2, v1;
	v2 =	vmul.f32 v49, v48;
	_ =	sdelay $0x1  }
0x309: {  	v1 =	vadd.f32 v2, v1;
	v2 =	vmul.f32 v51, v50;
	_ =	sdelay $0x1  }
0x30a: {  	v1 =	vadd.f32 v2, v1;
	v2 =	vmul.f32 v52, v3;
	_ =	sdelay $0x1  }
0x30b: {  	v1 =	vadd.f32 v2, v1;
	_ =	sdelay $0x1  }
0x30c: {  	(xrf2) =	vadd.scan.msk.f32 $0xffff, v1;
	_ =	sdelay $0x9  }
0x30d: {  	v1, _, _ =	vpop (xrf2)  }
0x30e: {  	[tilespmem:s3+$0x0] =	vst.msk vm0, v1  }
0x30f: {  	v1 =	vld [tilespmem:s4+$0xD780]  }
0x310: {  	v2 =	vld [tilespmem:s4+$0xFF80]  }
0x311: {  	v3 =	vld [tilespmem:s4+$0xD790]  }
0x312: {  	v53 =	vld [tilespmem:s4+$0xFF90]  }
0x313: {  	v54 =	vld [tilespmem:s4+$0xD7A0]  }
0x314: {  	v55 =	vld [tilespmem:s4+$0xFFA0]  }
0x315: {  	v56 =	vld [tilespmem:s4+$0xD7B0]  }
0x316: {  	v57 =	vld [tilespmem:s4+$0xFFB0]  }
0x317: {  	v58 =	vld [tilespmem:s4+$0xFFC0];
	v1 =	vmul.f32 v2, v1;
	v2 =	vmul.f32 v53, v3  }
0x318: {  	v3 =	vld [tilespmem:s4+$0xD7C0]  }
0x319: {  	v59 =	vld [tilespmem:s4+$0xD7D0];
	v1 =	vadd.f32 v2, v1;
	v2 =	vmul.f32 v55, v54  }
0x31a: {  	v60 =	vld [tilespmem:s4+$0xFFD0]  }
0x31b: {  	v61 =	vld [tilespmem:s4+$0xD7E0];
	v1 =	vadd.f32 v2, v1;
	v2 =	vmul.f32 v57, v56  }
0x31c: {  	v62 =	vld [tilespmem:s4+$0xFFE0]  }
0x31d: {  	v63 =	vld [tilespmem:s4+$0xFFF0];
	v1 =	vadd.f32 v2, v1;
	v2 =	vmul.f32 v58, v3  }
0x31e: {  	v3 =	vld [tilespmem:s4+$0xD7F0]  }
0x31f: {  	v1 =	vadd.f32 v2, v1;
	v2 =	vmul.f32 v60, v59;
	_ =	sdelay $0x1  }
0x320: {  	v1 =	vadd.f32 v2, v1;
	v2 =	vmul.f32 v62, v61;
	_ =	sdelay $0x1  }
0x321: {  	v1 =	vadd.f32 v2, v1;
	v2 =	vmul.f32 v63, v3;
	_ =	sdelay $0x1  }
0x322: {  	v1 =	vadd.f32 v2, v1;
	_ =	sdelay $0x1  }
0x323: {  	(xrf2) =	vadd.scan.msk.f32 $0xffff, v1;
	_ =	sdelay $0x9  }
0x324: {  	v1, _, _ =	vpop (xrf2)  }
0x325: {  	[tilespmem:s0+$0x0] =	vst.msk vm0, v1  }
0x326: {  	v1 =	vld [tilespmem:$0x14780];
	_ =	sdelay $0x4  }
0x327: {  	v1 =	vsub.f32 $0.0e+00, v1;
	_ =	sdelay $0x1  }
0x328: {  	v1 =	vmul.f32 $1.442695020e+00, v1;
	_ =	sdelay $0x1  }
0x329: {  	(erf) = vpow2.f32 v1;
	_ =	sdelay $0x8  }
0x32a: {  	v1 =	vpop (erf)  }
0x32b: {  	v1 =	vadd.f32 $1.000000000e+00, v1;
	_ =	sdelay $0x1  }
0x32c: {  	(erf) = vrcp.f32 v1;
	_ =	sdelay $0x4  }
0x32d: {  	p0 =	sne.s32 s7, $0x4  }
.Ltmp1:
0x32e: {  	_ = 	snop;
	(pc) =	sbr.rel @p0 .LBB2_5-.Ltmp1, $4  }
0x32f: {  	_ = 	snop  }
0x330: {  	s8 =	sshll.u32 s7, $0x4  }
0x331: {  	s4 =	sand.u32 $0x3FFFFFF0, s8;
	v1 =	vpop (erf)  }
0x332: {  	s7 =	sadd.s32 $0x1, s7;
	[tilespmem:v0+s4+$0x0 ss:$0x1] =	vst.idx.msk $0xffff, v1  }
0x333: {  	s6 =	sadd.s32 $0x1, s6  }
0x334: {  	p0 =	sne.s32 s6, $0x3E  }
.Ltmp2:
0x335: {  	_ = 	snop;
	(pc) =	sbr.rel @p0 .LBB2_2-.Ltmp2, $1  }
0x336: {  	_ =	sdelay $0x3  }
0x337: {  	_ =	swait.ge [sflag:s16], $0x2800  }
0x338: {  	[sflag:s16] =	ssyncset.done $0x0  }
0x339: {  	[sflag:s16] =	ssyncadd.s32 $0xFFFFD800  }
0x33a: {  	_ =	swait.ge [sflag:s16], $0x2800  }
0x33b: {  	[sflag:s16] =	ssyncset.done $0x0  }
0x33c: {  	s6 =	simm.s32 $0x0;
	[sflag:s16] =	ssyncadd.s32 $0xFFFFD800  }
.LBB2_8:
0x33d: {  	s4 =	sshll.u32 s6, $0xB  }
0x33e: {  	v0 =	vld [tilespmem:s4+$0x8000]  }
0x33f: {  	v1 =	vld [tilespmem:s4+$0xA800]  }
0x340: {  	v2 =	vld [tilespmem:s4+$0x8010]  }
0x341: {  	v3 =	vld [tilespmem:s4+$0xA810]  }
0x342: {  	v4 =	vld [tilespmem:s4+$0x8020]  }
0x343: {  	v5 =	vld [tilespmem:s4+$0xA820]  }
0x344: {  	v6 =	vld [tilespmem:s4+$0x8030]  }
0x345: {  	v7 =	vld [tilespmem:s4+$0xA830]  }
0x346: {  	v56 =	vld [tilespmem:s4+$0x8040];
	v0 =	vmul.f32 v1, v0;
	v55 =	vmul.f32 v3, v2  }
0x347: {  	v57 =	vld [tilespmem:s4+$0xA840]  }
0x348: {  	v59 =	vld [tilespmem:s4+$0x8050];
	v58 =	vmul.f32 v5, v4;
	v0 =	vadd.f32 v55, v0  }
0x349: {  	v60 =	vld [tilespmem:s4+$0xA850]  }
0x34a: {  	v62 =	vld [tilespmem:s4+$0x8060];
	v61 =	vmul.f32 v7, v6;
	v0 =	vadd.f32 v58, v0  }
0x34b: {  	v63 =	vld [tilespmem:s4+$0xA860]  }
0x34c: {  	v9 =	vld [tilespmem:s4+$0x8070];
	v8 =	vmul.f32 v57, v56;
	v0 =	vadd.f32 v61, v0  }
0x34d: {  	v10 =	vld [tilespmem:s4+$0xA870]  }
0x34e: {  	v11 =	vmul.f32 v60, v59;
	v0 =	vadd.f32 v8, v0;
	_ =	sdelay $0x1  }
0x34f: {  	v12 =	vmul.f32 v63, v62;
	v0 =	vadd.f32 v11, v0;
	_ =	sdelay $0x1  }
0x350: {  	v13 =	vmul.f32 v10, v9;
	v0 =	vadd.f32 v12, v0;
	_ =	sdelay $0x1  }
0x351: {  	v0 =	vadd.f32 v13, v0;
	_ =	sdelay $0x1  }
0x352: {  	(xrf2) =	vadd.scan.msk.f32 $0xffff, v0;
	_ =	sdelay $0x9  }
0x353: {  	v0, _, _ =	vpop (xrf2)  }
0x354: {  	[tilespmem:s17+$0x0] =	vst.msk vm0, v0  }
0x355: {  	v0 =	vld [tilespmem:s4+$0x8080]  }
0x356: {  	v14 =	vld [tilespmem:s4+$0xA880]  }
0x357: {  	v15 =	vld [tilespmem:s4+$0x8090]  }
0x358: {  	v16 =	vld [tilespmem:s4+$0xA890]  }
0x359: {  	v17 =	vld [tilespmem:s4+$0x80A0]  }
0x35a: {  	v18 =	vld [tilespmem:s4+$0xA8A0]  }
0x35b: {  	v19 =	vld [tilespmem:s4+$0x80B0]  }
0x35c: {  	v20 =	vld [tilespmem:s4+$0xA8B0]  }
0x35d: {  	v22 =	vld [tilespmem:s4+$0x80C0];
	v0 =	vmul.f32 v14, v0;
	v21 =	vmul.f32 v16, v15  }
0x35e: {  	v23 =	vld [tilespmem:s4+$0xA8C0]  }
0x35f: {  	v25 =	vld [tilespmem:s4+$0x80D0];
	v24 =	vmul.f32 v18, v17;
	v0 =	vadd.f32 v21, v0  }
0x360: {  	v26 =	vld [tilespmem:s4+$0xA8D0]  }
0x361: {  	v28 =	vld [tilespmem:s4+$0x80E0];
	v27 =	vmul.f32 v20, v19;
	v0 =	vadd.f32 v24, v0  }
0x362: {  	v29 =	vld [tilespmem:s4+$0xA8E0]  }
0x363: {  	v31 =	vld [tilespmem:s4+$0x80F0];
	v30 =	vmul.f32 v23, v22;
	v0 =	vadd.f32 v27, v0  }
0x364: {  	v32 =	vld [tilespmem:s4+$0xA8F0]  }
0x365: {  	v33 =	vmul.f32 v26, v25;
	v0 =	vadd.f32 v30, v0;
	_ =	sdelay $0x1  }
0x366: {  	v34 =	vmul.f32 v29, v28;
	v0 =	vadd.f32 v33, v0;
	_ =	sdelay $0x1  }
0x367: {  	v35 =	vmul.f32 v32, v31;
	v0 =	vadd.f32 v34, v0;
	_ =	sdelay $0x1  }
0x368: {  	v0 =	vadd.f32 v35, v0;
	_ =	sdelay $0x1  }
0x369: {  	(xrf2) =	vadd.scan.msk.f32 $0xffff, v0;
	_ =	sdelay $0x9  }
0x36a: {  	v0, _, _ =	vpop (xrf2)  }
0x36b: {  	[tilespmem:s18+$0x0] =	vst.msk vm0, v0  }
0x36c: {  	v0 =	vld [tilespmem:s4+$0x8100]  }
0x36d: {  	v36 =	vld [tilespmem:s4+$0xA900]  }
0x36e: {  	v37 =	vld [tilespmem:s4+$0x8110]  }
0x36f: {  	v38 =	vld [tilespmem:s4+$0xA910]  }
0x370: {  	v39 =	vld [tilespmem:s4+$0x8120]  }
0x371: {  	v40 =	vld [tilespmem:s4+$0xA920]  }
0x372: {  	v41 =	vld [tilespmem:s4+$0x8130]  }
0x373: {  	v42 =	vld [tilespmem:s4+$0xA930]  }
0x374: {  	v44 =	vld [tilespmem:s4+$0x8140];
	v0 =	vmul.f32 v36, v0;
	v43 =	vmul.f32 v38, v37  }
0x375: {  	v45 =	vld [tilespmem:s4+$0xA940]  }
0x376: {  	v47 =	vld [tilespmem:s4+$0x8150];
	v46 =	vmul.f32 v40, v39;
	v0 =	vadd.f32 v43, v0  }
0x377: {  	v48 =	vld [tilespmem:s4+$0xA950]  }
0x378: {  	v50 =	vld [tilespmem:s4+$0x8160];
	v49 =	vmul.f32 v42, v41;
	v0 =	vadd.f32 v46, v0  }
0x379: {  	v51 =	vld [tilespmem:s4+$0xA960]  }
0x37a: {  	v53 =	vld [tilespmem:s4+$0x8170];
	v52 =	vmul.f32 v45, v44;
	v0 =	vadd.f32 v49, v0  }
0x37b: {  	v54 =	vld [tilespmem:s4+$0xA970]  }
0x37c: {  	v55 =	vmul.f32 v48, v47;
	v0 =	vadd.f32 v52, v0;
	_ =	sdelay $0x1  }
0x37d: {  	v56 =	vmul.f32 v51, v50;
	v0 =	vadd.f32 v55, v0;
	_ =	sdelay $0x1  }
0x37e: {  	v57 =	vmul.f32 v54, v53;
	v0 =	vadd.f32 v56, v0;
	_ =	sdelay $0x1  }
0x37f: {  	v0 =	vadd.f32 v57, v0;
	_ =	sdelay $0x1  }
0x380: {  	(xrf2) =	vadd.scan.msk.f32 $0xffff, v0;
	_ =	sdelay $0x9  }
0x381: {  	v0, _, _ =	vpop (xrf2)  }
0x382: {  	[tilespmem:s19+$0x0] =	vst.msk vm0, v0  }
0x383: {  	v0 =	vld [tilespmem:s4+$0x8180]  }
0x384: {  	v58 =	vld [tilespmem:s4+$0xA980]  }
0x385: {  	v59 =	vld [tilespmem:s4+$0x8190]  }
0x386: {  	v60 =	vld [tilespmem:s4+$0xA990]  }
0x387: {  	v61 =	vld [tilespmem:s4+$0x81A0]  }
0x388: {  	v62 =	vld [tilespmem:s4+$0xA9A0]  }
0x389: {  	v63 =	vld [tilespmem:s4+$0x81B0]  }
0x38a: {  	v9 =	vld [tilespmem:s4+$0xA9B0]  }
0x38b: {  	v11 =	vld [tilespmem:s4+$0x81C0];
	v0 =	vmul.f32 v58, v0;
	v10 =	vmul.f32 v60, v59  }
0x38c: {  	v12 =	vld [tilespmem:s4+$0xA9C0]  }
0x38d: {  	v14 =	vld [tilespmem:s4+$0x81D0];
	v13 =	vmul.f32 v62, v61;
	v0 =	vadd.f32 v10, v0  }
0x38e: {  	v15 =	vld [tilespmem:s4+$0xA9D0]  }
0x38f: {  	v17 =	vld [tilespmem:s4+$0x81E0];
	v16 =	vmul.f32 v9, v63;
	v0 =	vadd.f32 v13, v0  }
0x390: {  	v18 =	vld [tilespmem:s4+$0xA9E0]  }
0x391: {  	v20 =	vld [tilespmem:s4+$0x81F0];
	v19 =	vmul.f32 v12, v11;
	v0 =	vadd.f32 v16, v0  }
0x392: {  	v21 =	vld [tilespmem:s4+$0xA9F0]  }
0x393: {  	v22 =	vmul.f32 v15, v14;
	v0 =	vadd.f32 v19, v0;
	_ =	sdelay $0x1  }
0x394: {  	v23 =	vmul.f32 v18, v17;
	v0 =	vadd.f32 v22, v0;
	_ =	sdelay $0x1  }
0x395: {  	v24 =	vmul.f32 v21, v20;
	v0 =	vadd.f32 v23, v0;
	_ =	sdelay $0x1  }
0x396: {  	v0 =	vadd.f32 v24, v0;
	_ =	sdelay $0x1  }
0x397: {  	(xrf2) =	vadd.scan.msk.f32 $0xffff, v0;
	_ =	sdelay $0x9  }
0x398: {  	v0, _, _ =	vpop (xrf2)  }
0x399: {  	[tilespmem:s20+$0x0] =	vst.msk vm0, v0  }
0x39a: {  	v0 =	vld [tilespmem:s4+$0x8200]  }
0x39b: {  	v25 =	vld [tilespmem:s4+$0xAA00]  }
0x39c: {  	v26 =	vld [tilespmem:s4+$0x8210]  }
0x39d: {  	v27 =	vld [tilespmem:s4+$0xAA10]  }
0x39e: {  	v28 =	vld [tilespmem:s4+$0x8220]  }
0x39f: {  	v29 =	vld [tilespmem:s4+$0xAA20]  }
0x3a0: {  	v30 =	vld [tilespmem:s4+$0x8230]  }
0x3a1: {  	v31 =	vld [tilespmem:s4+$0xAA30]  }
0x3a2: {  	v33 =	vld [tilespmem:s4+$0x8240];
	v0 =	vmul.f32 v25, v0;
	v32 =	vmul.f32 v27, v26  }
0x3a3: {  	v34 =	vld [tilespmem:s4+$0xAA40]  }
0x3a4: {  	v36 =	vld [tilespmem:s4+$0x8250];
	v35 =	vmul.f32 v29, v28;
	v0 =	vadd.f32 v32, v0  }
0x3a5: {  	v37 =	vld [tilespmem:s4+$0xAA50]  }
0x3a6: {  	v39 =	vld [tilespmem:s4+$0x8260];
	v38 =	vmul.f32 v31, v30;
	v0 =	vadd.f32 v35, v0  }
0x3a7: {  	v40 =	vld [tilespmem:s4+$0xAA60]  }
0x3a8: {  	v42 =	vld [tilespmem:s4+$0x8270];
	v41 =	vmul.f32 v34, v33;
	v0 =	vadd.f32 v38, v0  }
0x3a9: {  	v43 =	vld [tilespmem:s4+$0xAA70]  }
0x3aa: {  	v44 =	vmul.f32 v37, v36;
	v0 =	vadd.f32 v41, v0;
	_ =	sdelay $0x1  }
0x3ab: {  	v45 =	vmul.f32 v40, v39;
	v0 =	vadd.f32 v44, v0;
	_ =	sdelay $0x1  }
0x3ac: {  	v46 =	vmul.f32 v43, v42;
	v0 =	vadd.f32 v45, v0;
	_ =	sdelay $0x1  }
0x3ad: {  	v0 =	vadd.f32 v46, v0;
	_ =	sdelay $0x1  }
0x3ae: {  	(xrf2) =	vadd.scan.msk.f32 $0xffff, v0;
	_ =	sdelay $0x9  }
0x3af: {  	v0, _, _ =	vpop (xrf2)  }
0x3b0: {  	[tilespmem:s21+$0x0] =	vst.msk vm0, v0  }
0x3b1: {  	v0 =	vld [tilespmem:s4+$0x8280]  }
0x3b2: {  	v47 =	vld [tilespmem:s4+$0xAA80]  }
0x3b3: {  	v48 =	vld [tilespmem:s4+$0x8290]  }
0x3b4: {  	v49 =	vld [tilespmem:s4+$0xAA90]  }
0x3b5: {  	v50 =	vld [tilespmem:s4+$0x82A0]  }
0x3b6: {  	v51 =	vld [tilespmem:s4+$0xAAA0]  }
0x3b7: {  	v52 =	vld [tilespmem:s4+$0x82B0]  }
0x3b8: {  	v53 =	vld [tilespmem:s4+$0xAAB0]  }
0x3b9: {  	v55 =	vld [tilespmem:s4+$0x82C0];
	v0 =	vmul.f32 v47, v0;
	v54 =	vmul.f32 v49, v48  }
0x3ba: {  	v56 =	vld [tilespmem:s4+$0xAAC0]  }
0x3bb: {  	v58 =	vld [tilespmem:s4+$0x82D0];
	v57 =	vmul.f32 v51, v50;
	v0 =	vadd.f32 v54, v0  }
0x3bc: {  	v59 =	vld [tilespmem:s4+$0xAAD0]  }
0x3bd: {  	v61 =	vld [tilespmem:s4+$0x82E0];
	v60 =	vmul.f32 v53, v52;
	v0 =	vadd.f32 v57, v0  }
0x3be: {  	v62 =	vld [tilespmem:s4+$0xAAE0]  }
0x3bf: {  	v8 =	vld [tilespmem:s4+$0x82F0];
	v63 =	vmul.f32 v56, v55;
	v0 =	vadd.f32 v60, v0  }
0x3c0: {  	v9 =	vld [tilespmem:s4+$0xAAF0]  }
0x3c1: {  	v10 =	vmul.f32 v59, v58;
	v0 =	vadd.f32 v63, v0;
	_ =	sdelay $0x1  }
0x3c2: {  	v11 =	vmul.f32 v62, v61;
	v0 =	vadd.f32 v10, v0;
	_ =	sdelay $0x1  }
0x3c3: {  	v12 =	vmul.f32 v9, v8;
	v0 =	vadd.f32 v11, v0;
	_ =	sdelay $0x1  }
0x3c4: {  	v0 =	vadd.f32 v12, v0;
	_ =	sdelay $0x1  }
0x3c5: {  	(xrf2) =	vadd.scan.msk.f32 $0xffff, v0;
	_ =	sdelay $0x9  }
0x3c6: {  	v0, _, _ =	vpop (xrf2)  }
0x3c7: {  	[tilespmem:s22+$0x0] =	vst.msk vm0, v0  }
0x3c8: {  	v0 =	vld [tilespmem:s4+$0x8300]  }
0x3c9: {  	v13 =	vld [tilespmem:s4+$0xAB00]  }
0x3ca: {  	v14 =	vld [tilespmem:s4+$0x8310]  }
0x3cb: {  	v15 =	vld [tilespmem:s4+$0xAB10]  }
0x3cc: {  	v16 =	vld [tilespmem:s4+$0x8320]  }
0x3cd: {  	v17 =	vld [tilespmem:s4+$0xAB20]  }
0x3ce: {  	v18 =	vld [tilespmem:s4+$0x8330]  }
0x3cf: {  	v19 =	vld [tilespmem:s4+$0xAB30]  }
0x3d0: {  	v21 =	vld [tilespmem:s4+$0x8340];
	v0 =	vmul.f32 v13, v0;
	v20 =	vmul.f32 v15, v14  }
0x3d1: {  	v22 =	vld [tilespmem:s4+$0xAB40]  }
0x3d2: {  	v24 =	vld [tilespmem:s4+$0x8350];
	v23 =	vmul.f32 v17, v16;
	v0 =	vadd.f32 v20, v0  }
0x3d3: {  	v25 =	vld [tilespmem:s4+$0xAB50]  }
0x3d4: {  	v27 =	vld [tilespmem:s4+$0x8360];
	v26 =	vmul.f32 v19, v18;
	v0 =	vadd.f32 v23, v0  }
0x3d5: {  	v28 =	vld [tilespmem:s4+$0xAB60]  }
0x3d6: {  	v30 =	vld [tilespmem:s4+$0x8370];
	v29 =	vmul.f32 v22, v21;
	v0 =	vadd.f32 v26, v0  }
0x3d7: {  	v31 =	vld [tilespmem:s4+$0xAB70]  }
0x3d8: {  	v32 =	vmul.f32 v25, v24;
	v0 =	vadd.f32 v29, v0;
	_ =	sdelay $0x1  }
0x3d9: {  	v33 =	vmul.f32 v28, v27;
	v0 =	vadd.f32 v32, v0;
	_ =	sdelay $0x1  }
0x3da: {  	v34 =	vmul.f32 v31, v30;
	v0 =	vadd.f32 v33, v0;
	_ =	sdelay $0x1  }
0x3db: {  	v0 =	vadd.f32 v34, v0;
	_ =	sdelay $0x1  }
0x3dc: {  	(xrf2) =	vadd.scan.msk.f32 $0xffff, v0;
	_ =	sdelay $0x9  }
0x3dd: {  	v0, _, _ =	vpop (xrf2)  }
0x3de: {  	[tilespmem:s23+$0x0] =	vst.msk vm0, v0  }
0x3df: {  	v0 =	vld [tilespmem:s4+$0x8380]  }
0x3e0: {  	v35 =	vld [tilespmem:s4+$0xAB80]  }
0x3e1: {  	v36 =	vld [tilespmem:s4+$0x8390]  }
0x3e2: {  	v37 =	vld [tilespmem:s4+$0xAB90]  }
0x3e3: {  	v38 =	vld [tilespmem:s4+$0x83A0]  }
0x3e4: {  	v39 =	vld [tilespmem:s4+$0xABA0]  }
0x3e5: {  	v40 =	vld [tilespmem:s4+$0x83B0]  }
0x3e6: {  	v41 =	vld [tilespmem:s4+$0xABB0]  }
0x3e7: {  	v43 =	vld [tilespmem:s4+$0x83C0];
	v0 =	vmul.f32 v35, v0;
	v42 =	vmul.f32 v37, v36  }
0x3e8: {  	v44 =	vld [tilespmem:s4+$0xABC0]  }
0x3e9: {  	v46 =	vld [tilespmem:s4+$0x83D0];
	v45 =	vmul.f32 v39, v38;
	v0 =	vadd.f32 v42, v0  }
0x3ea: {  	v47 =	vld [tilespmem:s4+$0xABD0]  }
0x3eb: {  	v49 =	vld [tilespmem:s4+$0x83E0];
	v48 =	vmul.f32 v41, v40;
	v0 =	vadd.f32 v45, v0  }
0x3ec: {  	v50 =	vld [tilespmem:s4+$0xABE0]  }
0x3ed: {  	v52 =	vld [tilespmem:s4+$0x83F0];
	v51 =	vmul.f32 v44, v43;
	v0 =	vadd.f32 v48, v0  }
0x3ee: {  	v53 =	vld [tilespmem:s4+$0xABF0]  }
0x3ef: {  	v54 =	vmul.f32 v47, v46;
	v0 =	vadd.f32 v51, v0;
	_ =	sdelay $0x1  }
0x3f0: {  	v55 =	vmul.f32 v50, v49;
	v0 =	vadd.f32 v54, v0;
	_ =	sdelay $0x1  }
0x3f1: {  	v56 =	vmul.f32 v53, v52;
	v0 =	vadd.f32 v55, v0;
	_ =	sdelay $0x1  }
0x3f2: {  	v0 =	vadd.f32 v56, v0;
	_ =	sdelay $0x1  }
0x3f3: {  	(xrf2) =	vadd.scan.msk.f32 $0xffff, v0;
	_ =	sdelay $0x9  }
0x3f4: {  	v0, _, _ =	vpop (xrf2)  }
0x3f5: {  	[tilespmem:s24+$0x0] =	vst.msk vm0, v0  }
0x3f6: {  	v0 =	vld [tilespmem:s4+$0x8400]  }
0x3f7: {  	v57 =	vld [tilespmem:s4+$0xAC00]  }
0x3f8: {  	v58 =	vld [tilespmem:s4+$0x8410]  }
0x3f9: {  	v59 =	vld [tilespmem:s4+$0xAC10]  }
0x3fa: {  	v60 =	vld [tilespmem:s4+$0x8420]  }
0x3fb: {  	v61 =	vld [tilespmem:s4+$0xAC20]  }
0x3fc: {  	v62 =	vld [tilespmem:s4+$0x8430]  }
0x3fd: {  	v63 =	vld [tilespmem:s4+$0xAC30]  }
0x3fe: {  	v9 =	vld [tilespmem:s4+$0x8440];
	v0 =	vmul.f32 v57, v0;
	v8 =	vmul.f32 v59, v58  }
0x3ff: {  	v10 =	vld [tilespmem:s4+$0xAC40]  }
0x400: {  	v12 =	vld [tilespmem:s4+$0x8450];
	v11 =	vmul.f32 v61, v60;
	v0 =	vadd.f32 v8, v0  }
0x401: {  	v13 =	vld [tilespmem:s4+$0xAC50]  }
0x402: {  	v15 =	vld [tilespmem:s4+$0x8460];
	v14 =	vmul.f32 v63, v62;
	v0 =	vadd.f32 v11, v0  }
0x403: {  	v16 =	vld [tilespmem:s4+$0xAC60]  }
0x404: {  	v18 =	vld [tilespmem:s4+$0x8470];
	v17 =	vmul.f32 v10, v9;
	v0 =	vadd.f32 v14, v0  }
0x405: {  	v19 =	vld [tilespmem:s4+$0xAC70]  }
0x406: {  	v20 =	vmul.f32 v13, v12;
	v0 =	vadd.f32 v17, v0;
	_ =	sdelay $0x1  }
0x407: {  	v21 =	vmul.f32 v16, v15;
	v0 =	vadd.f32 v20, v0;
	_ =	sdelay $0x1  }
0x408: {  	v22 =	vmul.f32 v19, v18;
	v0 =	vadd.f32 v21, v0;
	_ =	sdelay $0x1  }
0x409: {  	v0 =	vadd.f32 v22, v0;
	_ =	sdelay $0x1  }
0x40a: {  	(xrf2) =	vadd.scan.msk.f32 $0xffff, v0;
	_ =	sdelay $0x9  }
0x40b: {  	v0, _, _ =	vpop (xrf2)  }
0x40c: {  	[tilespmem:s25+$0x0] =	vst.msk vm0, v0  }
0x40d: {  	v0 =	vld [tilespmem:s4+$0x8480]  }
0x40e: {  	v23 =	vld [tilespmem:s4+$0xAC80]  }
0x40f: {  	v24 =	vld [tilespmem:s4+$0x8490]  }
0x410: {  	v25 =	vld [tilespmem:s4+$0xAC90]  }
0x411: {  	v26 =	vld [tilespmem:s4+$0x84A0]  }
0x412: {  	v27 =	vld [tilespmem:s4+$0xACA0]  }
0x413: {  	v28 =	vld [tilespmem:s4+$0x84B0]  }
0x414: {  	v29 =	vld [tilespmem:s4+$0xACB0]  }
0x415: {  	v31 =	vld [tilespmem:s4+$0x84C0];
	v0 =	vmul.f32 v23, v0;
	v30 =	vmul.f32 v25, v24  }
0x416: {  	v32 =	vld [tilespmem:s4+$0xACC0]  }
0x417: {  	v34 =	vld [tilespmem:s4+$0x84D0];
	v33 =	vmul.f32 v27, v26;
	v0 =	vadd.f32 v30, v0  }
0x418: {  	v35 =	vld [tilespmem:s4+$0xACD0]  }
0x419: {  	v37 =	vld [tilespmem:s4+$0x84E0];
	v36 =	vmul.f32 v29, v28;
	v0 =	vadd.f32 v33, v0  }
0x41a: {  	v38 =	vld [tilespmem:s4+$0xACE0]  }
0x41b: {  	v40 =	vld [tilespmem:s4+$0x84F0];
	v39 =	vmul.f32 v32, v31;
	v0 =	vadd.f32 v36, v0  }
0x41c: {  	v41 =	vld [tilespmem:s4+$0xACF0]  }
0x41d: {  	v42 =	vmul.f32 v35, v34;
	v0 =	vadd.f32 v39, v0;
	_ =	sdelay $0x1  }
0x41e: {  	v43 =	vmul.f32 v38, v37;
	v0 =	vadd.f32 v42, v0;
	_ =	sdelay $0x1  }
0x41f: {  	v44 =	vmul.f32 v41, v40;
	v0 =	vadd.f32 v43, v0;
	_ =	sdelay $0x1  }
0x420: {  	v0 =	vadd.f32 v44, v0;
	_ =	sdelay $0x1  }
0x421: {  	(xrf2) =	vadd.scan.msk.f32 $0xffff, v0;
	_ =	sdelay $0x9  }
0x422: {  	v0, _, _ =	vpop (xrf2)  }
0x423: {  	[tilespmem:s26+$0x0] =	vst.msk vm0, v0  }
0x424: {  	v0 =	vld [tilespmem:s4+$0x8500]  }
0x425: {  	v45 =	vld [tilespmem:s4+$0xAD00]  }
0x426: {  	v46 =	vld [tilespmem:s4+$0x8510]  }
0x427: {  	v47 =	vld [tilespmem:s4+$0xAD10]  }
0x428: {  	v48 =	vld [tilespmem:s4+$0x8520]  }
0x429: {  	v49 =	vld [tilespmem:s4+$0xAD20]  }
0x42a: {  	v50 =	vld [tilespmem:s4+$0x8530]  }
0x42b: {  	v51 =	vld [tilespmem:s4+$0xAD30]  }
0x42c: {  	v53 =	vld [tilespmem:s4+$0x8540];
	v0 =	vmul.f32 v45, v0;
	v52 =	vmul.f32 v47, v46  }
0x42d: {  	v54 =	vld [tilespmem:s4+$0xAD40]  }
0x42e: {  	v56 =	vld [tilespmem:s4+$0x8550];
	v55 =	vmul.f32 v49, v48;
	v0 =	vadd.f32 v52, v0  }
0x42f: {  	v57 =	vld [tilespmem:s4+$0xAD50]  }
0x430: {  	v59 =	vld [tilespmem:s4+$0x8560];
	v58 =	vmul.f32 v51, v50;
	v0 =	vadd.f32 v55, v0  }
0x431: {  	v60 =	vld [tilespmem:s4+$0xAD60]  }
0x432: {  	v62 =	vld [tilespmem:s4+$0x8570];
	v61 =	vmul.f32 v54, v53;
	v0 =	vadd.f32 v58, v0  }
0x433: {  	v63 =	vld [tilespmem:s4+$0xAD70]  }
0x434: {  	v5 =	vmul.f32 v57, v56;
	v0 =	vadd.f32 v61, v0;
	_ =	sdelay $0x1  }
0x435: {  	v8 =	vmul.f32 v60, v59;
	v0 =	vadd.f32 v5, v0;
	_ =	sdelay $0x1  }
0x436: {  	v9 =	vmul.f32 v63, v62;
	v0 =	vadd.f32 v8, v0;
	_ =	sdelay $0x1  }
0x437: {  	v0 =	vadd.f32 v9, v0;
	_ =	sdelay $0x1  }
0x438: {  	(xrf2) =	vadd.scan.msk.f32 $0xffff, v0;
	_ =	sdelay $0x9  }
0x439: {  	v0, _, _ =	vpop (xrf2)  }
0x43a: {  	[tilespmem:s28+$0x0] =	vst.msk vm0, v0  }
0x43b: {  	v0 =	vld [tilespmem:s4+$0x8580]  }
0x43c: {  	v10 =	vld [tilespmem:s4+$0xAD80]  }
0x43d: {  	v11 =	vld [tilespmem:s4+$0x8590]  }
0x43e: {  	v12 =	vld [tilespmem:s4+$0xAD90]  }
0x43f: {  	v13 =	vld [tilespmem:s4+$0x85A0]  }
0x440: {  	v14 =	vld [tilespmem:s4+$0xADA0]  }
0x441: {  	v15 =	vld [tilespmem:s4+$0x85B0]  }
0x442: {  	v16 =	vld [tilespmem:s4+$0xADB0]  }
0x443: {  	v18 =	vld [tilespmem:s4+$0x85C0];
	v0 =	vmul.f32 v10, v0;
	v17 =	vmul.f32 v12, v11  }
0x444: {  	v19 =	vld [tilespmem:s4+$0xADC0]  }
0x445: {  	v21 =	vld [tilespmem:s4+$0x85D0];
	v20 =	vmul.f32 v14, v13;
	v0 =	vadd.f32 v17, v0  }
0x446: {  	v22 =	vld [tilespmem:s4+$0xADD0]  }
0x447: {  	v24 =	vld [tilespmem:s4+$0x85E0];
	v23 =	vmul.f32 v16, v15;
	v0 =	vadd.f32 v20, v0  }
0x448: {  	v25 =	vld [tilespmem:s4+$0xADE0]  }
0x449: {  	v27 =	vld [tilespmem:s4+$0x85F0];
	v26 =	vmul.f32 v19, v18;
	v0 =	vadd.f32 v23, v0  }
0x44a: {  	v28 =	vld [tilespmem:s4+$0xADF0]  }
0x44b: {  	v29 =	vmul.f32 v22, v21;
	v0 =	vadd.f32 v26, v0;
	_ =	sdelay $0x1  }
0x44c: {  	v30 =	vmul.f32 v25, v24;
	v0 =	vadd.f32 v29, v0;
	_ =	sdelay $0x1  }
0x44d: {  	v31 =	vmul.f32 v28, v27;
	v0 =	vadd.f32 v30, v0;
	_ =	sdelay $0x1  }
0x44e: {  	v0 =	vadd.f32 v31, v0;
	_ =	sdelay $0x1  }
0x44f: {  	(xrf2) =	vadd.scan.msk.f32 $0xffff, v0;
	_ =	sdelay $0x9  }
0x450: {  	v0, _, _ =	vpop (xrf2)  }
0x451: {  	[tilespmem:s29+$0x0] =	vst.msk vm0, v0  }
0x452: {  	v0 =	vld [tilespmem:s4+$0x8600]  }
0x453: {  	v32 =	vld [tilespmem:s4+$0xAE00]  }
0x454: {  	v33 =	vld [tilespmem:s4+$0x8610]  }
0x455: {  	v34 =	vld [tilespmem:s4+$0xAE10]  }
0x456: {  	v35 =	vld [tilespmem:s4+$0x8620]  }
0x457: {  	v36 =	vld [tilespmem:s4+$0xAE20]  }
0x458: {  	v37 =	vld [tilespmem:s4+$0x8630]  }
0x459: {  	v38 =	vld [tilespmem:s4+$0xAE30]  }
0x45a: {  	v40 =	vld [tilespmem:s4+$0x8640];
	v0 =	vmul.f32 v32, v0;
	v39 =	vmul.f32 v34, v33  }
0x45b: {  	v41 =	vld [tilespmem:s4+$0xAE40]  }
0x45c: {  	v43 =	vld [tilespmem:s4+$0x8650];
	v42 =	vmul.f32 v36, v35;
	v0 =	vadd.f32 v39, v0  }
0x45d: {  	v44 =	vld [tilespmem:s4+$0xAE50]  }
0x45e: {  	v46 =	vld [tilespmem:s4+$0x8660];
	v45 =	vmul.f32 v38, v37;
	v0 =	vadd.f32 v42, v0  }
0x45f: {  	v47 =	vld [tilespmem:s4+$0xAE60]  }
0x460: {  	v49 =	vld [tilespmem:s4+$0x8670];
	v48 =	vmul.f32 v41, v40;
	v0 =	vadd.f32 v45, v0  }
0x461: {  	v50 =	vld [tilespmem:s4+$0xAE70]  }
0x462: {  	v51 =	vmul.f32 v44, v43;
	v0 =	vadd.f32 v48, v0;
	_ =	sdelay $0x1  }
0x463: {  	v52 =	vmul.f32 v47, v46;
	v0 =	vadd.f32 v51, v0;
	_ =	sdelay $0x1  }
0x464: {  	v53 =	vmul.f32 v50, v49;
	v0 =	vadd.f32 v52, v0;
	_ =	sdelay $0x1  }
0x465: {  	v0 =	vadd.f32 v53, v0;
	_ =	sdelay $0x1  }
0x466: {  	(xrf2) =	vadd.scan.msk.f32 $0xffff, v0;
	_ =	sdelay $0x9  }
0x467: {  	v0, _, _ =	vpop (xrf2)  }
0x468: {  	[tilespmem:s30+$0x0] =	vst.msk vm0, v0  }
0x469: {  	v0 =	vld [tilespmem:s4+$0x8680]  }
0x46a: {  	v54 =	vld [tilespmem:s4+$0xAE80]  }
0x46b: {  	v55 =	vld [tilespmem:s4+$0x8690]  }
0x46c: {  	v56 =	vld [tilespmem:s4+$0xAE90]  }
0x46d: {  	v57 =	vld [tilespmem:s4+$0x86A0]  }
0x46e: {  	v58 =	vld [tilespmem:s4+$0xAEA0]  }
0x46f: {  	v59 =	vld [tilespmem:s4+$0x86B0]  }
0x470: {  	v60 =	vld [tilespmem:s4+$0xAEB0]  }
0x471: {  	v62 =	vld [tilespmem:s4+$0x86C0];
	v0 =	vmul.f32 v54, v0;
	v61 =	vmul.f32 v56, v55  }
0x472: {  	v63 =	vld [tilespmem:s4+$0xAEC0]  }
0x473: {  	v9 =	vld [tilespmem:s4+$0x86D0];
	v8 =	vmul.f32 v58, v57;
	v0 =	vadd.f32 v61, v0  }
0x474: {  	v10 =	vld [tilespmem:s4+$0xAED0]  }
0x475: {  	v12 =	vld [tilespmem:s4+$0x86E0];
	v11 =	vmul.f32 v60, v59;
	v0 =	vadd.f32 v8, v0  }
0x476: {  	v13 =	vld [tilespmem:s4+$0xAEE0]  }
0x477: {  	v15 =	vld [tilespmem:s4+$0x86F0];
	v14 =	vmul.f32 v63, v62;
	v0 =	vadd.f32 v11, v0  }
0x478: {  	v16 =	vld [tilespmem:s4+$0xAEF0]  }
0x479: {  	v17 =	vmul.f32 v10, v9;
	v0 =	vadd.f32 v14, v0;
	_ =	sdelay $0x1  }
0x47a: {  	v18 =	vmul.f32 v13, v12;
	v0 =	vadd.f32 v17, v0;
	_ =	sdelay $0x1  }
0x47b: {  	v19 =	vmul.f32 v16, v15;
	v0 =	vadd.f32 v18, v0;
	_ =	sdelay $0x1  }
0x47c: {  	v0 =	vadd.f32 v19, v0;
	_ =	sdelay $0x1  }
0x47d: {  	(xrf2) =	vadd.scan.msk.f32 $0xffff, v0;
	_ =	sdelay $0x9  }
0x47e: {  	v0, _, _ =	vpop (xrf2)  }
0x47f: {  	[tilespmem:s31+$0x0] =	vst.msk vm0, v0  }
0x480: {  	v0 =	vld [tilespmem:s4+$0x8700]  }
0x481: {  	v20 =	vld [tilespmem:s4+$0xAF00]  }
0x482: {  	v21 =	vld [tilespmem:s4+$0x8710]  }
0x483: {  	v22 =	vld [tilespmem:s4+$0xAF10]  }
0x484: {  	v23 =	vld [tilespmem:s4+$0x8720]  }
0x485: {  	v24 =	vld [tilespmem:s4+$0xAF20]  }
0x486: {  	v25 =	vld [tilespmem:s4+$0x8730]  }
0x487: {  	v26 =	vld [tilespmem:s4+$0xAF30]  }
0x488: {  	v28 =	vld [tilespmem:s4+$0x8740];
	v0 =	vmul.f32 v20, v0;
	v27 =	vmul.f32 v22, v21  }
0x489: {  	v29 =	vld [tilespmem:s4+$0xAF40]  }
0x48a: {  	v31 =	vld [tilespmem:s4+$0x8750];
	v30 =	vmul.f32 v24, v23;
	v0 =	vadd.f32 v27, v0  }
0x48b: {  	v32 =	vld [tilespmem:s4+$0xAF50]  }
0x48c: {  	v34 =	vld [tilespmem:s4+$0x8760];
	v33 =	vmul.f32 v26, v25;
	v0 =	vadd.f32 v30, v0  }
0x48d: {  	v35 =	vld [tilespmem:s4+$0xAF60]  }
0x48e: {  	v37 =	vld [tilespmem:s4+$0x8770];
	v36 =	vmul.f32 v29, v28;
	v0 =	vadd.f32 v33, v0  }
0x48f: {  	v38 =	vld [tilespmem:s4+$0xAF70]  }
0x490: {  	v39 =	vmul.f32 v32, v31;
	v0 =	vadd.f32 v36, v0;
	_ =	sdelay $0x1  }
0x491: {  	v40 =	vmul.f32 v35, v34;
	v0 =	vadd.f32 v39, v0;
	_ =	sdelay $0x1  }
0x492: {  	v41 =	vmul.f32 v38, v37;
	v0 =	vadd.f32 v40, v0;
	_ =	sdelay $0x1  }
0x493: {  	v0 =	vadd.f32 v41, v0;
	_ =	sdelay $0x1  }
0x494: {  	(xrf2) =	vadd.scan.msk.f32 $0xffff, v0;
	_ =	sdelay $0x9  }
0x495: {  	v0, _, _ =	vpop (xrf2)  }
0x496: {  	[tilespmem:s3+$0x0] =	vst.msk vm0, v0  }
0x497: {  	v0 =	vld [tilespmem:s4+$0x8780]  }
0x498: {  	v42 =	vld [tilespmem:s4+$0xAF80]  }
0x499: {  	v43 =	vld [tilespmem:s4+$0x8790]  }
0x49a: {  	v44 =	vld [tilespmem:s4+$0xAF90]  }
0x49b: {  	v45 =	vld [tilespmem:s4+$0x87A0]  }
0x49c: {  	v46 =	vld [tilespmem:s4+$0xAFA0]  }
0x49d: {  	v47 =	vld [tilespmem:s4+$0x87B0]  }
0x49e: {  	v48 =	vld [tilespmem:s4+$0xAFB0]  }
0x49f: {  	v50 =	vld [tilespmem:s4+$0x87C0];
	v0 =	vmul.f32 v42, v0;
	v49 =	vmul.f32 v44, v43  }
0x4a0: {  	v51 =	vld [tilespmem:s4+$0xAFC0]  }
0x4a1: {  	v53 =	vld [tilespmem:s4+$0x87D0];
	v52 =	vmul.f32 v46, v45;
	v0 =	vadd.f32 v49, v0  }
0x4a2: {  	v54 =	vld [tilespmem:s4+$0xAFD0]  }
0x4a3: {  	v56 =	vld [tilespmem:s4+$0x87E0];
	v55 =	vmul.f32 v48, v47;
	v0 =	vadd.f32 v52, v0  }
0x4a4: {  	v57 =	vld [tilespmem:s4+$0xAFE0]  }
0x4a5: {  	v59 =	vld [tilespmem:s4+$0x87F0];
	v58 =	vmul.f32 v51, v50;
	v0 =	vadd.f32 v55, v0  }
0x4a6: {  	v60 =	vld [tilespmem:s4+$0xAFF0]  }
0x4a7: {  	v61 =	vmul.f32 v54, v53;
	v0 =	vadd.f32 v58, v0;
	_ =	sdelay $0x1  }
0x4a8: {  	v62 =	vmul.f32 v57, v56;
	v0 =	vadd.f32 v61, v0;
	_ =	sdelay $0x1  }
0x4a9: {  	v63 =	vmul.f32 v60, v59;
	v0 =	vadd.f32 v62, v0;
	_ =	sdelay $0x1  }
0x4aa: {  	v0 =	vadd.f32 v63, v0;
	_ =	sdelay $0x1  }
0x4ab: {  	(xrf2) =	vadd.scan.msk.f32 $0xffff, v0;
	_ =	sdelay $0x9  }
0x4ac: {  	v0, _, _ =	vpop (xrf2)  }
0x4ad: {  	[tilespmem:s0+$0x0] =	vst.msk vm0, v0  }
0x4ae: {  	v0 =	vld [tilespmem:$0x14780];
	_ =	sdelay $0x4  }
0x4af: {  	v0 =	vsub.f32 $0.0e+00, v0;
	_ =	sdelay $0x1  }
0x4b0: {  	v0 =	vmul.f32 $1.442695020e+00, v0;
	_ =	sdelay $0x1  }
0x4b1: {  	(erf) = vpow2.f32 v0;
	_ =	sdelay $0x8  }
0x4b2: {  	v0 =	vpop (erf)  }
0x4b3: {  	v0 =	vadd.f32 $1.000000000e+00, v0;
	_ =	sdelay $0x1  }
0x4b4: {  	(erf) = vrcp.f32 v0;
	_ =	sdelay $0x4  }
0x4b5: {  	p0 =	sne.s32 s6, $0x4  }
.Ltmp3:
0x4b6: {  	_ = 	snop;
	(pc) =	sbr.rel @p0 .LBB2_8-.Ltmp3, $4  }
0x4b7: {  	_ = 	snop  }
0x4b8: {  	s8 =	sshll.u32 s6, $0x4  }
0x4b9: {  	s4 =	sand.u32 $0x3FFFFFF0, s8;
	v0 =	vpop (erf)  }
0x4ba: {  	s6 =	sadd.s32 $0x1, s6;
	[tilespmem:s4+$0x146C0] =	vst v0  }
0x4bb: {  	s7 =	simm.s32 $0x0;
	s4 =	rddreg [dreg:$0x7];
	s6 =	simm.s32 $0x12000  }
0x4bc: {  	[hbm4b:s4+s7] =	stream.linear.scatter [tilespmem:s6], [sflag:$0x3], $0x2710, $0x38;
	[tilespmem:$0x14800] =	vst v63  }
0x4bd: {  	_ =	swait.ge [sflag:s9], $0x2710  }
0x4be: {  	s5 =	sadd.s32 $0x1, s5;
	s8 =	rddreg [dreg:$0x8]  }
0x4bf: {  	p0 =	sne.s32 s5, s8  }
.Ltmp4:
0x4c0: {  	_ = 	snop;
	(pc) =	sbr.rel @p0 .LBB2_1-.Ltmp4, $3  }
0x4c1: {  	_ =	sdelay $0x1  }
0x4c2: {  	[sflag:s9] =	ssyncset.done $0x0  }
0x4c3: {  	[sflag:s9] =	ssyncadd.s32 $0xFFFFD8F0  }
0x4c4: {  	_ =	sfence.sel $0x180000  }
0x4c5: {  	[bflag:$0x0] =	sbarrier.arrive $0xFFFF  }
0x4c6: {  	_ =	strace $0x90000047  }
0x4c7: {  	s0 =	stileid.u32;
	[bflag:$0x2] =	sbarrier.arrive $0xFFFF  }
0x4c8: {  	p0 =	sne.s32 s0, $0x0;
	s0 =	rddreg [dreg:$0x4]  }
0x4c9: {  	s0 =	sadd.s32 @!p0 $0x100000, s0  }
0x4ca: {  	[sflag:s0] =	ssyncadd.tile.s32 @!p0 $0x1;
	_ =	shalt  }
.Lfunc_end2:
_tile_overlayer_lowered:
.L_overlay_start_2:
0x4cb: {  	(tag) =	ssettag $0x2  }
0x4cc: {  	s0 =	rddreg [dreg:$0x0];
	s2 =	stileid.u32  }
0x4cd: {  	s1 =	rddreg [dreg:$0x1];
	p0 =	sne.s32 s2, $0x0  }
0x4ce: {  	s3 =	rddreg [dreg:$0x2];
	[bflag:$0x3] =	sbarrier.arrive $0xFFFF;
	s2 =	simm.s32 @!p0 $0x1C03  }
0x4cf: {  	[timem:s3], [sflag:s2] =	dma.local @!p0 [hbm:s0], s1  }
0x4d0: {  	s0 =	simm.s32 @!p0 $0x3  }
0x4d1: {  	_ =	swait.ge @!p0 [sflag:s0], s1  }
0x4d2: {  	s1 =	ssub.s32 @!p0 $0x0, s1;
	[sflag:s0] =	ssyncset.done @!p0 $0x0  }
0x4d3: {  	[sflag:s0] =	ssyncadd.s32 @!p0 s1  }
0x4d4: {  	[bflag:$0x3] =	sbarrier.arrive $0xFFFF  }
0x4d5: {  	_ =	shalt  }

</sc_bundles>
